<compile_context>
chip_gen: v7x
topology: tpu7x:2x2x1
jax: 0.10.2.dev20260603
libtpu: 0.0.44.dev20260713+nightly
codegen_flags: <defaults>
</compile_context>

<pallas_src>
import functools

import jax
import jax.numpy as jnp
from jax import lax
from jax.experimental import pallas as pl
from jax.experimental.pallas import tpu as pltpu
from jax.experimental.pallas import tpu_sc as plsc

N = 50000
F = 128
R = 3
E = 200000
NP = 51200
EPAD = 204800
NS = 16
DCH = 128
DCPT = 100
PCH = 80
PQ = 20
CAP_B = 51200
BPAD = 80
NSB = CAP_B // (PQ * PCH)
RPT = NP // NS
ZR = 400
NB8 = 8
NQ = NP // NB8
RPQ = NQ // NS
SINK = NQ
ACC_R = NQ + 128
APT = ACC_R // NS
ZB = 104
BN = 512
NB = NP // BN
CG = 4
CW = F // CG

_mesh = plsc.VectorSubcoreMesh(core_axis_name="c", subcore_axis_name="s")


@functools.partial(
    pl.kernel,
    out_type=jax.ShapeDtypeStruct((6, NS, RPT), jnp.float32),
    mesh=_mesh,
    scratch_types=[
        pltpu.VMEM_SHARED((3 * NP,), jnp.float32),
        pltpu.VMEM((DCPT, DCH), jnp.int32),
        pltpu.VMEM((DCH,), jnp.float32),
        pltpu.VMEM((RPT,), jnp.float32),
        pltpu.SemaphoreType.DMA,
    ],
)
def _sc_degrees(didx_h, deg_h, acc, idx2, ones_v, zer_v, sem):
    c = lax.axis_index("c")
    s = lax.axis_index("s")

    def fill_z(i, carry):
        zer_v[pl.ds(i * 16, 16)] = jnp.zeros((16,), jnp.float32)
        return carry

    lax.fori_loop(0, RPT // 16, fill_z, 0)

    def fill_o(i, carry):
        ones_v[pl.ds(i * 16, 16)] = jnp.ones((16,), jnp.float32)
        return carry

    lax.fori_loop(0, DCH // 16, fill_o, 0)

    for slot in range(3):
        pltpu.sync_copy(zer_v, acc.at[pl.ds(slot * NP + s * RPT, RPT)])
    plsc.subcore_barrier()

    def arr_body(i, carry):
        a = 3 * c + i
        pltpu.sync_copy(didx_h.at[a, s], idx2)

        def fire(k, cc):
            pltpu.async_copy(ones_v, acc.at[idx2.at[k]], sem, add=True)
            return cc

        lax.fori_loop(0, DCPT, fire, 0)

        def drain(k, cc):
            pltpu.make_async_copy(ones_v, acc.at[idx2.at[k]], sem).wait()
            return cc

        lax.fori_loop(0, DCPT, drain, 0)
        return carry

    lax.fori_loop(0, 3, arr_body, 0)
    plsc.subcore_barrier()

    def wb(i, carry):
        a = 3 * c + i
        pltpu.sync_copy(acc.at[pl.ds(i * NP + s * RPT, RPT)],
                        deg_h.at[a, s])
        return carry

    lax.fori_loop(0, 3, wb, 0)


@functools.partial(
    pl.kernel,
    out_type=(jax.ShapeDtypeStruct((R, NS, NB8 * CAP_B // NS), jnp.int32),
              jax.ShapeDtypeStruct((R, NS, NB8 * CAP_B // NS), jnp.int32)),
    mesh=_mesh,
    scratch_types=[
        pltpu.VMEM_SHARED((NB8 * CAP_B + 128,), jnp.int32),
        pltpu.VMEM_SHARED((NB8 * CAP_B + 128,), jnp.int32),
        pltpu.VMEM((DCPT, DCH), jnp.int32),
        pltpu.VMEM((DCPT, DCH), jnp.int32),
        pltpu.VMEM((DCPT, DCH), jnp.int32),
        pltpu.SemaphoreType.DMA,
    ],
)
def _sc_permute(pos_h, vs_h, vd_h, tmpl_h, ps_h, pd_h,
                pa, da, pos2, vs2, vd2, sem):
    c = lax.axis_index("c")
    s = lax.axis_index("s")
    seg = NB8 * CAP_B // NS

    def rel_body(i, carry):
        r = 2 * c + i
        pltpu.sync_copy(tmpl_h.at[pl.ds(s * seg, seg)],
                        pa.at[pl.ds(s * seg, seg)])
        pltpu.sync_copy(tmpl_h.at[pl.ds(s * seg, seg)],
                        da.at[pl.ds(s * seg, seg)])

        @pl.when(s == 0)
        def _():
            pltpu.sync_copy(tmpl_h.at[pl.ds(0, 128)],
                            pa.at[pl.ds(NB8 * CAP_B, 128)])
            pltpu.sync_copy(tmpl_h.at[pl.ds(0, 128)],
                            da.at[pl.ds(NB8 * CAP_B, 128)])

        plsc.subcore_barrier()
        pltpu.sync_copy(pos_h.at[r, s], pos2)
        pltpu.sync_copy(vs_h.at[r, s], vs2)
        pltpu.sync_copy(vd_h.at[r, s], vd2)

        def fire(k, cc):
            pltpu.async_copy(vs2.at[k], pa.at[pos2.at[k]], sem)
            pltpu.async_copy(vd2.at[k], da.at[pos2.at[k]], sem)
            return cc

        lax.fori_loop(0, DCPT, fire, 0)

        def drain(k, cc):
            pltpu.make_async_copy(vs2.at[k], pa.at[pos2.at[k]], sem).wait()
            pltpu.make_async_copy(vd2.at[k], da.at[pos2.at[k]], sem).wait()
            return cc

        lax.fori_loop(0, DCPT, drain, 0)
        plsc.subcore_barrier()
        pltpu.sync_copy(pa.at[pl.ds(s * seg, seg)], ps_h.at[r, s])
        pltpu.sync_copy(da.at[pl.ds(s * seg, seg)], pd_h.at[r, s])
        return carry

    lax.fori_loop(0, 2 - c, rel_body, 0)


@functools.partial(
    pl.kernel,
    out_type=jax.ShapeDtypeStruct((R * NP, F), jnp.float32),
    mesh=_mesh,
    scratch_types=[
        pltpu.VMEM_SHARED((ACC_R, F), jnp.float32),
        pltpu.VMEM((PQ, PCH), jnp.int32),
        pltpu.VMEM((PQ, PCH), jnp.int32),
        pltpu.VMEM((4, PCH, F), jnp.float32),
        pltpu.VMEM((40,), jnp.int32),
        pltpu.SemaphoreType.DMA((4,)),
        pltpu.SemaphoreType.DMA((2,)),
    ],
)
def _sc_propagate(gidx_h, didx_h, t_h, z_h, cnt_h, out_h,
                  acc, gx, dx, rows, cnt, gsem, ssem):
    c = lax.axis_index("c")
    s = lax.axis_index("s")
    pltpu.sync_copy(cnt_h, cnt)

    def pass_body(pp, carry):
        r = pp // 4
        qt = 4 * c + (pp % 4)
        q_base = qt * NQ
        tch = cnt[pl.ds(8 * r + qt, 16)][0]
        tst = (tch + PQ - 1) // PQ
        nst = jnp.maximum(0, (tst - 1 - s) // NS + 1)

        for i in range(APT // ZB):
            pltpu.sync_copy(z_h, acc.at[pl.ds(s * APT + i * ZB, ZB)])
        pltpu.sync_copy(z_h.at[pl.ds(0, APT - (APT // ZB) * ZB)],
                        acc.at[pl.ds(s * APT + (APT // ZB) * ZB,
                                     APT - (APT // ZB) * ZB)])
        plsc.subcore_barrier()

        def stage_body(qi, qcarry):
            t = s + NS * qi
            si = qt * NSB + t
            rem = jnp.minimum(PQ, tch - PQ * t)
            pltpu.sync_copy(gidx_h.at[r, si], gx)
            pltpu.sync_copy(didx_h.at[r, si], dx)

            def fix(i, cc):
                v = dx[i // 5, pl.ds((i % 5) * 16, 16)]
                v2 = v - q_base
                inb = (v2 >= 0) & (v2 < NQ)
                dx[i // 5, pl.ds((i % 5) * 16, 16)] = jnp.where(
                    inb, v2, SINK + (v & 127))
                return cc

            lax.fori_loop(0, PQ * 5, fix, 0)

            pltpu.async_copy(t_h.at[gx.at[0]], rows.at[0], gsem.at[0])
            for pf in range(1, 3):
                @pl.when(pf < rem)
                def _():
                    pltpu.async_copy(t_h.at[gx.at[pf]], rows.at[pf],
                                     gsem.at[pf])

            def grp(g, cc):
                p4 = g % 4
                p2 = g % 2
                pltpu.make_async_copy(
                    t_h.at[gx.at[g]], rows.at[p4], gsem.at[p4]).wait()
                pltpu.async_copy(
                    rows.at[p4], acc.at[dx.at[g]], ssem.at[p2], add=True)

                @pl.when(g >= 1)
                def _():
                    pltpu.make_async_copy(
                        rows.at[(g - 1) % 4], acc.at[dx.at[g - 1]],
                        ssem.at[1 - p2]).wait()

                @pl.when(g + 3 < rem)
                def _():
                    pltpu.async_copy(
                        t_h.at[gx.at[g + 3]], rows.at[(g + 3) % 4],
                        gsem.at[(g + 3) % 4])

                return cc

            lax.fori_loop(0, rem, grp, 0)
            pltpu.make_async_copy(
                rows.at[(rem - 1) % 4], acc.at[dx.at[rem - 1]],
                ssem.at[(rem - 1) % 2]).wait()
            return qcarry

        lax.fori_loop(0, nst, stage_body, 0)
        plsc.subcore_barrier()
        pltpu.sync_copy(acc.at[pl.ds(s * RPQ, RPQ)],
                        out_h.at[pl.ds(r * NP + qt * NQ + s * RPQ, RPQ)])
        return carry

    lax.fori_loop(0, 4 * R, pass_body, 0)


def _norm(d):
    return jnp.where(d > 0, lax.rsqrt(jnp.maximum(d, 1e-12)), 0.0)


def _prep_body(x_ref, deg_ref, w_ref, out_ref):
    for r in range(R):
        nrm = _norm(deg_ref[2 * r])
        y = jnp.dot(x_ref[...] * nrm[:, None], w_ref[r],
                    preferred_element_type=jnp.float32)
        out_ref[r] = y


def _prep(xpad, deg, Ws):
    return pl.pallas_call(
        _prep_body,
        grid=(NB,),
        in_specs=[
            pl.BlockSpec((BN, F), lambda i: (i, 0)),
            pl.BlockSpec((6, BN), lambda i: (0, i)),
            pl.BlockSpec((R, F, F), lambda i: (0, 0, 0)),
        ],
        out_specs=pl.BlockSpec((R, BN, F), lambda i: (0, i, 0)),
        out_shape=jax.ShapeDtypeStruct((R, NP, F), jnp.float32),
    )(xpad, deg, Ws)


def _combine_body(relu, agg_ref, deg_ref, bsum_ref, out_ref):
    t = bsum_ref[0][None, :] * jnp.ones((BN, 1), jnp.float32)
    for r in range(R):
        nrm = _norm(deg_ref[2 * r + 1])
        t = t + agg_ref[r] * nrm[:, None]
    if relu:
        t = jnp.maximum(t, 0.0)
    out_ref[...] = t


def _combine(agg, deg, bsum, relu):
    return pl.pallas_call(
        functools.partial(_combine_body, relu),
        grid=(NB,),
        in_specs=[
            pl.BlockSpec((R, BN, F), lambda i: (0, i, 0)),
            pl.BlockSpec((6, BN), lambda i: (0, i)),
            pl.BlockSpec((1, F), lambda i: (0, 0)),
        ],
        out_specs=pl.BlockSpec((BN, F), lambda i: (i, 0)),
        out_shape=jax.ShapeDtypeStruct((NP, F), jnp.float32),
    )(agg, deg, bsum)


def _combprep_body(agg_ref, deg_ref, bsum_ref, w2_ref, out_ref):
    h = bsum_ref[0][None, :] * jnp.ones((BN, 1), jnp.float32)
    for r in range(R):
        nrm = _norm(deg_ref[2 * r + 1])
        h = h + agg_ref[r] * nrm[:, None]
    h = jnp.maximum(h, 0.0)
    for r in range(R):
        nrm = _norm(deg_ref[2 * r])
        out_ref[r] = jnp.dot(h * nrm[:, None], w2_ref[r],
                             preferred_element_type=jnp.float32)


def _combprep(agg, deg, bsum, W2s):
    return pl.pallas_call(
        _combprep_body,
        grid=(NB,),
        in_specs=[
            pl.BlockSpec((R, BN, F), lambda i: (0, i, 0)),
            pl.BlockSpec((6, BN), lambda i: (0, i)),
            pl.BlockSpec((1, F), lambda i: (0, 0)),
            pl.BlockSpec((R, F, F), lambda i: (0, 0, 0)),
        ],
        out_specs=pl.BlockSpec((R, BN, F), lambda i: (0, i, 0)),
        out_shape=jax.ShapeDtypeStruct((R, NP, F), jnp.float32),
    )(agg, deg, bsum, W2s)


def kernel(x, edge_index_0, edge_index_1, edge_index_2,
           W1_0, b1_0, W2_0, b2_0,
           W1_1, b1_1, W2_1, b2_1,
           W1_2, b1_2, W2_2, b2_2):
    edges = [edge_index_0, edge_index_1, edge_index_2]
    pad = jnp.int32(N) + (jnp.arange(EPAD - E, dtype=jnp.int32) % 128)
    srcs = jnp.stack([jnp.concatenate([e[0], pad]) for e in edges])
    dsts = jnp.stack([jnp.concatenate([e[1], pad]) for e in edges])

    didx = jnp.stack([
        (dsts if a % 2 else srcs)[a // 2] + jnp.int32((a % 3) * NP)
        for a in range(6)
    ]).reshape(6, NS, DCPT, DCH)
    deg = _sc_degrees(didx).reshape(6, NP)

    offs = (jnp.arange(R, dtype=jnp.int32) * NP)[:, None]
    gvals = srcs + offs

    bid = sum((dsts >= k * NQ).astype(jnp.int32) for k in range(1, NB8))
    bid3 = bid.reshape(R, EPAD // 128, 128)
    pos_local = jnp.zeros_like(bid3)
    counts = []
    for b in range(NB8):
        m = (bid3 == b).astype(jnp.int32)
        inner = jnp.cumsum(m, axis=2)
        tot = inner[:, :, -1]
        blk = jnp.cumsum(tot, axis=1)
        cs = inner + (blk - tot)[:, :, None]
        pos_local = jnp.where(m > 0, cs - 1, pos_local)
        counts.append(blk[:, -1])
    pos_local = pos_local.reshape(R, EPAD)
    cnts = jnp.stack(counts, axis=1)
    padded = jnp.minimum(((cnts + BPAD - 1) // BPAD) * BPAD, CAP_B)
    cnt_h = (padded // PCH).reshape(-1).astype(jnp.int32)
    cnt_h = jnp.concatenate([cnt_h, jnp.zeros(16, jnp.int32)])
    pos = jnp.where(pos_local < CAP_B, bid * CAP_B + pos_local,
                    NB8 * CAP_B + (dsts & 127))
    tmpl = jnp.int32(N) + (jnp.arange(NB8 * CAP_B, dtype=jnp.int32) % 128)
    psrc, pdst = _sc_permute(pos.reshape(R, NS, DCPT, DCH),
                             gvals.reshape(R, NS, DCPT, DCH),
                             dsts.reshape(R, NS, DCPT, DCH), tmpl)
    gidx = psrc.reshape(R, NB8 * NSB, PQ, PCH)
    dstc = pdst.reshape(R, NB8 * NSB, PQ, PCH)

    xpad = jnp.pad(x, ((0, NP - N), (0, 0)))
    W1s = jnp.stack([W1_0, W1_1, W1_2])
    b1sum = (b1_0 + b1_1 + b1_2)[None, :]
    W2s = jnp.stack([W2_0, W2_1, W2_2])
    b2sum = (b2_0 + b2_1 + b2_2)[None, :]

    t1 = _prep(xpad, deg, W1s)
    zrows = jnp.zeros((ZB, F), jnp.float32)
    agg1 = _sc_propagate(gidx, dstc, t1.reshape(R * NP, F), zrows, cnt_h)
    t2 = _combprep(agg1.reshape(R, NP, F), deg, b1sum, W2s)
    agg2 = _sc_propagate(gidx, dstc, t2.reshape(R * NP, F), zrows, cnt_h)
    out = _combine(agg2.reshape(R, NP, F), deg, b2sum, relu=False)
    return out[:N]

# --- scband reference (transcript-rebuilt; emitter-appended) ---
"""Pipeline reference for scband-rgcn-558345749136 (READ-ONLY COPY).

The authoritative reference and input builder live on the scoring server;
editing this copy changes nothing except your own understanding.
"""

import jax, jax.numpy as jnp
import numpy as np

N = 50000
E = 200000
IN_FEATS = 128
HID_FEATS = 128
OUT_FEATS = 128
R = 3


def _graph_conv(x, src, dst, W, b, n_nodes):
    # Faithful DGL GraphConv with norm='both', weight=True, bias=True
    ones = jnp.ones(src.shape[0], dtype=jnp.float32)
    deg_out = jax.ops.segment_sum(ones, src, num_segments=n_nodes)
    deg_in = jax.ops.segment_sum(ones, dst, num_segments=n_nodes)
    norm_out = jnp.where(deg_out > 0, jax.lax.rsqrt(jnp.maximum(deg_out, 1e-12)), 0.0)
    norm_in = jnp.where(deg_in > 0, jax.lax.rsqrt(jnp.maximum(deg_in, 1e-12)), 0.0)
    msg = x[src] * norm_out[src][:, None]
    agg = jax.ops.segment_sum(msg, dst, num_segments=n_nodes)
    agg = agg * norm_in[:, None]
    return agg @ W + b


def setup_inputs(seed: int = 0):
    key = jax.random.key(seed)
    inp = {}
    inp["x"] = jax.random.normal(jax.random.fold_in(key, 0), (N, IN_FEATS), dtype=jnp.float32)
    for r in range(R):
        inp["edge_index_%d" % r] = jax.random.randint(jax.random.fold_in(key, 1 + r), (2, E), 0, N, dtype=jnp.int32)
    for r in range(R):
        inp["W1_%d" % r] = jax.random.normal(jax.random.fold_in(key, 10 + r), (IN_FEATS, HID_FEATS), dtype=jnp.float32) * 0.05
        inp["b1_%d" % r] = jnp.zeros((HID_FEATS,), dtype=jnp.float32)
        inp["W2_%d" % r] = jax.random.normal(jax.random.fold_in(key, 20 + r), (HID_FEATS, OUT_FEATS), dtype=jnp.float32) * 0.05
        inp["b2_%d" % r] = jnp.zeros((OUT_FEATS,), dtype=jnp.float32)
    return inp


def reference(x, edge_index_0, edge_index_1, edge_index_2,
              W1_0, b1_0, W2_0, b2_0,
              W1_1, b1_1, W2_1, b2_1,
              W1_2, b1_2, W2_2, b2_2):
    edges = [edge_index_0, edge_index_1, edge_index_2]
    W1 = [W1_0, W1_1, W1_2]
    b1 = [b1_0, b1_1, b1_2]
    W2 = [W2_0, W2_1, W2_2]
    b2 = [b2_0, b2_1, b2_2]
    # HeteroGraphConv layer 1, aggregate='sum' across relations
    h = jnp.zeros((N, HID_FEATS), dtype=jnp.float32)
    for r in range(R):
        h = h + _graph_conv(x, edges[r][0], edges[r][1], W1[r], b1[r], N)
    h = jax.nn.relu(h)
    # HeteroGraphConv layer 2, aggregate='sum' across relations
    out = jnp.zeros((N, OUT_FEATS), dtype=jnp.float32)
    for r in range(R):
        out = out + _graph_conv(h, edges[r][0], edges[r][1], W2[r], b2[r], N)
    return out

if __name__ == "__main__":
    import jax
    _d = setup_inputs()
    print(jax.jit(kernel)(*tuple(_d.values())))

</pallas_src>

<mosaic_0001>
#map = affine_map<(d0, d1) -> (0, 0, 0, 0)>
#map1 = affine_map<(d0, d1) -> (0, 0, 0)>
module attributes {stable_mosaic.version = 14 : i64} {
  func.func @_sc_degrees(%arg0: i32, %arg1: i32, %arg2: memref<6x16x100x128xi32, #tpu.memory_space<hbm>>, %arg3: memref<6x16x3200xf32, #tpu.memory_space<hbm>>, %arg4: memref<153600xf32, #tpu.memory_space<vmem_shared>>, %arg5: memref<100x128xi32, #tpu.memory_space<vmem>>, %arg6: memref<128xf32, #tpu.memory_space<vmem>>, %arg7: memref<3200xf32, #tpu.memory_space<vmem>>, %arg8: memref<!tpu.dma_semaphore, #tpu.memory_space<semaphore_mem>>) attributes {dimension_semantics = [#tpu.dimension_semantics<core_parallel>, #tpu.dimension_semantics<subcore_parallel>], iteration_bounds = array<i64: 2, 16>, scalar_prefetch = 0 : i64, scratch_operands = 5 : i64, tpu.core_type = #tpu.core_type<sc_vector_subcore>, window_params = [{transform_indices = #map}, {transform_indices = #map1}]} {
    %scan3A = arith.constant 0 : i32
    %scan3A_0 = arith.constant 0 : i32
    %scan3A_1 = arith.constant 200 : i32
    %scan3A_2 = arith.addi %scan3A_0, %scan3A_1 : i32
    %scan3A_3 = arith.constant 1 : i32
    scf.for %scan3A_34 = %scan3A_0 to %scan3A_2 step %scan3A_3  : i32 {
      %broadcast_in_dim3A = arith.constant 0.000000e+00 : f32
      %broadcast_in_dim3A_35 = vector.broadcast %broadcast_in_dim3A : f32 to vector<16xf32>
      %mul3A_36 = arith.constant 16 : i32
      %mul3A_37 = arith.muli %scan3A_34, %mul3A_36 : i32
      %swap3A = arith.index_cast %mul3A_37 : i32 to index
      %swap3A_38 = tpu.vector_load %arg7[%swap3A] {strides = array<i32>} : memref<3200xf32, #tpu.memory_space<vmem>>, vector<16xf32>,
      %swap3A_39 = vector.shape_cast %swap3A_38 : vector<16xf32> to vector<16xf32>
      %swap3A_40 = vector.shape_cast %broadcast_in_dim3A_35 : vector<16xf32> to vector<16xf32>
      tpu.vector_store %arg7[%swap3A], %swap3A_40 {strides = array<i32>} : memref<3200xf32, #tpu.memory_space<vmem>>, vector<16xf32>,
    }
    %scan3A_4 = arith.constant 200 : i32
    %scan3A_5 = arith.constant 0 : i32
    %scan3A_6 = arith.constant 0 : i32
    %scan3A_7 = arith.constant 8 : i32
    %scan3A_8 = arith.addi %scan3A_6, %scan3A_7 : i32
    %scan3A_9 = arith.constant 1 : i32
    scf.for %scan3A_34 = %scan3A_6 to %scan3A_8 step %scan3A_9  : i32 {
      %broadcast_in_dim3A = arith.constant 1.000000e+00 : f32
      %broadcast_in_dim3A_35 = vector.broadcast %broadcast_in_dim3A : f32 to vector<16xf32>
      %mul3A_36 = arith.constant 16 : i32
      %mul3A_37 = arith.muli %scan3A_34, %mul3A_36 : i32
      %swap3A = arith.index_cast %mul3A_37 : i32 to index
      %swap3A_38 = tpu.vector_load %arg6[%swap3A] {strides = array<i32>} : memref<128xf32, #tpu.memory_space<vmem>>, vector<16xf32>,
      %swap3A_39 = vector.shape_cast %swap3A_38 : vector<16xf32> to vector<16xf32>
      %swap3A_40 = vector.shape_cast %broadcast_in_dim3A_35 : vector<16xf32> to vector<16xf32>
      tpu.vector_store %arg6[%swap3A], %swap3A_40 {strides = array<i32>} : memref<128xf32, #tpu.memory_space<vmem>>, vector<16xf32>,
    }
    %scan3A_10 = arith.constant 8 : i32
    %mul3A = arith.constant 3200 : i32
    %mul3A_11 = arith.muli %arg1, %mul3A : i32
    %add3A = arith.constant 0 : i32
    %add3A_12 = arith.addi %add3A, %mul3A_11 : i32
    "tpu.region"() ({
      %run_scoped3A = tpu.sem_alloc : memref<!tpu.dma_semaphore, #tpu.memory_space<semaphore_mem>>
      %dma_start3A = tpu.memref_slice %arg4[%add3A_12] : memref<153600xf32, #tpu.memory_space<vmem_shared>> -> memref<3200xf32, #tpu.memory_space<vmem_shared>>
      %dma_start3A_34 = tpu.memref_slice %arg4[%add3A_12] : memref<153600xf32, #tpu.memory_space<vmem_shared>> -> memref<3200xf32, #tpu.memory_space<vmem_shared>>
      tpu.enqueue_dma source(%arg7 : memref<3200xf32, #tpu.memory_space<vmem>>) target(%dma_start3A_34 : memref<3200xf32, #tpu.memory_space<vmem_shared>>) target_semaphore(%run_scoped3A : memref<!tpu.dma_semaphore, #tpu.memory_space<semaphore_mem>>)
      %dma_wait3A = tpu.memref_slice %arg4[%add3A_12] : memref<153600xf32, #tpu.memory_space<vmem_shared>> -> memref<3200xf32, #tpu.memory_space<vmem_shared>>
      %dma_wait3A_35 = tpu.memref_slice %arg4[%add3A_12] : memref<153600xf32, #tpu.memory_space<vmem_shared>> -> memref<3200xf32, #tpu.memory_space<vmem_shared>>
      tpu.wait_dma2 semaphore(%run_scoped3A : memref<!tpu.dma_semaphore, #tpu.memory_space<semaphore_mem>>) src(%arg7 : memref<3200xf32, #tpu.memory_space<vmem>>) dst(%dma_wait3A_35 : memref<3200xf32, #tpu.memory_space<vmem_shared>>)
      tpu.yield
    }) : () -> ()
    %mul3A_13 = arith.constant 3200 : i32
    %mul3A_14 = arith.muli %arg1, %mul3A_13 : i32
    %add3A_15 = arith.constant 51200 : i32
    %add3A_16 = arith.addi %add3A_15, %mul3A_14 : i32
    "tpu.region"() ({
      %run_scoped3A = tpu.sem_alloc : memref<!tpu.dma_semaphore, #tpu.memory_space<semaphore_mem>>
      %dma_start3A = tpu.memref_slice %arg4[%add3A_16] : memref<153600xf32, #tpu.memory_space<vmem_shared>> -> memref<3200xf32, #tpu.memory_space<vmem_shared>>
      %dma_start3A_34 = tpu.memref_slice %arg4[%add3A_16] : memref<153600xf32, #tpu.memory_space<vmem_shared>> -> memref<3200xf32, #tpu.memory_space<vmem_shared>>
      tpu.enqueue_dma source(%arg7 : memref<3200xf32, #tpu.memory_space<vmem>>) target(%dma_start3A_34 : memref<3200xf32, #tpu.memory_space<vmem_shared>>) target_semaphore(%run_scoped3A : memref<!tpu.dma_semaphore, #tpu.memory_space<semaphore_mem>>)
      %dma_wait3A = tpu.memref_slice %arg4[%add3A_16] : memref<153600xf32, #tpu.memory_space<vmem_shared>> -> memref<3200xf32, #tpu.memory_space<vmem_shared>>
      %dma_wait3A_35 = tpu.memref_slice %arg4[%add3A_16] : memref<153600xf32, #tpu.memory_space<vmem_shared>> -> memref<3200xf32, #tpu.memory_space<vmem_shared>>
      tpu.wait_dma2 semaphore(%run_scoped3A : memref<!tpu.dma_semaphore, #tpu.memory_space<semaphore_mem>>) src(%arg7 : memref<3200xf32, #tpu.memory_space<vmem>>) dst(%dma_wait3A_35 : memref<3200xf32, #tpu.memory_space<vmem_shared>>)
      tpu.yield
    }) : () -> ()
    %mul3A_17 = arith.constant 3200 : i32
    %mul3A_18 = arith.muli %arg1, %mul3A_17 : i32
    %add3A_19 = arith.constant 102400 : i32
    %add3A_20 = arith.addi %add3A_19, %mul3A_18 : i32
    "tpu.region"() ({
      %run_scoped3A = tpu.sem_alloc : memref<!tpu.dma_semaphore, #tpu.memory_space<semaphore_mem>>
      %dma_start3A = tpu.memref_slice %arg4[%add3A_20] : memref<153600xf32, #tpu.memory_space<vmem_shared>> -> memref<3200xf32, #tpu.memory_space<vmem_shared>>
      %dma_start3A_34 = tpu.memref_slice %arg4[%add3A_20] : memref<153600xf32, #tpu.memory_space<vmem_shared>> -> memref<3200xf32, #tpu.memory_space<vmem_shared>>
      tpu.enqueue_dma source(%arg7 : memref<3200xf32, #tpu.memory_space<vmem>>) target(%dma_start3A_34 : memref<3200xf32, #tpu.memory_space<vmem_shared>>) target_semaphore(%run_scoped3A : memref<!tpu.dma_semaphore, #tpu.memory_space<semaphore_mem>>)
      %dma_wait3A = tpu.memref_slice %arg4[%add3A_20] : memref<153600xf32, #tpu.memory_space<vmem_shared>> -> memref<3200xf32, #tpu.memory_space<vmem_shared>>
      %dma_wait3A_35 = tpu.memref_slice %arg4[%add3A_20] : memref<153600xf32, #tpu.memory_space<vmem_shared>> -> memref<3200xf32, #tpu.memory_space<vmem_shared>>
      tpu.wait_dma2 semaphore(%run_scoped3A : memref<!tpu.dma_semaphore, #tpu.memory_space<semaphore_mem>>) src(%arg7 : memref<3200xf32, #tpu.memory_space<vmem>>) dst(%dma_wait3A_35 : memref<3200xf32, #tpu.memory_space<vmem_shared>>)
      tpu.yield
    }) : () -> ()
    %barrier3A = arith.constant 0 : index
    tpu.barrier barrier_id(%barrier3A)
    %scan3A_21 = arith.constant 0 : i32
    %scan3A_22 = arith.constant 0 : i32
    %scan3A_23 = arith.constant 3 : i32
    %scan3A_24 = arith.addi %scan3A_22, %scan3A_23 : i32
    %scan3A_25 = arith.constant 1 : i32
    scf.for %scan3A_34 = %scan3A_22 to %scan3A_24 step %scan3A_25  : i32 {
      %mul3A_35 = arith.constant 3 : i32
      %mul3A_36 = arith.muli %mul3A_35, %arg0 : i32
      %add3A_37 = arith.addi %mul3A_36, %scan3A_34 : i32
      "tpu.region"() ({
        %run_scoped3A = tpu.sem_alloc : memref<!tpu.dma_semaphore, #tpu.memory_space<semaphore_mem>>
        %dma_start3A = arith.constant 0 : i32
        %dma_start3A_50 = arith.constant 0 : i32
        %dma_start3A_51 = tpu.memref_slice %arg2[%add3A_37, %arg1, %dma_start3A, %dma_start3A_50] : memref<6x16x100x128xi32, #tpu.memory_space<hbm>> -> memref<1x1x100x128xi32, #tpu.memory_space<hbm>>
        %dma_start3A_52 = tpu.memref_squeeze %dma_start3A_51 : memref<1x1x100x128xi32, #tpu.memory_space<hbm>> -> memref<100x128xi32, #tpu.memory_space<hbm>>
        %dma_start3A_53 = arith.constant 0 : i32
        %dma_start3A_54 = arith.constant 0 : i32
        %dma_start3A_55 = tpu.memref_slice %arg2[%add3A_37, %arg1, %dma_start3A_53, %dma_start3A_54] : memref<6x16x100x128xi32, #tpu.memory_space<hbm>> -> memref<1x1x100x128xi32, #tpu.memory_space<hbm>>
        %dma_start3A_56 = tpu.memref_squeeze %dma_start3A_55 : memref<1x1x100x128xi32, #tpu.memory_space<hbm>> -> memref<100x128xi32, #tpu.memory_space<hbm>>
        tpu.enqueue_dma source(%dma_start3A_56 : memref<100x128xi32, #tpu.memory_space<hbm>>) target(%arg5 : memref<100x128xi32, #tpu.memory_space<vmem>>) target_semaphore(%run_scoped3A : memref<!tpu.dma_semaphore, #tpu.memory_space<semaphore_mem>>)
        %dma_wait3A = arith.constant 0 : i32
        %dma_wait3A_57 = arith.constant 0 : i32
        %dma_wait3A_58 = tpu.memref_slice %arg2[%add3A_37, %arg1, %dma_wait3A, %dma_wait3A_57] : memref<6x16x100x128xi32, #tpu.memory_space<hbm>> -> memref<1x1x100x128xi32, #tpu.memory_space<hbm>>
        %dma_wait3A_59 = tpu.memref_squeeze %dma_wait3A_58 : memref<1x1x100x128xi32, #tpu.memory_space<hbm>> -> memref<100x128xi32, #tpu.memory_space<hbm>>
        %dma_wait3A_60 = arith.constant 0 : i32
        %dma_wait3A_61 = arith.constant 0 : i32
        %dma_wait3A_62 = tpu.memref_slice %arg2[%add3A_37, %arg1, %dma_wait3A_60, %dma_wait3A_61] : memref<6x16x100x128xi32, #tpu.memory_space<hbm>> -> memref<1x1x100x128xi32, #tpu.memory_space<hbm>>
        %dma_wait3A_63 = tpu.memref_squeeze %dma_wait3A_62 : memref<1x1x100x128xi32, #tpu.memory_space<hbm>> -> memref<100x128xi32, #tpu.memory_space<hbm>>
        tpu.wait_dma2 semaphore(%run_scoped3A : memref<!tpu.dma_semaphore, #tpu.memory_space<semaphore_mem>>) src(%dma_wait3A_63 : memref<100x128xi32, #tpu.memory_space<hbm>>) dst(%arg5 : memref<100x128xi32, #tpu.memory_space<vmem>>)
        tpu.yield
      }) : () -> ()
      %scan3A_38 = arith.constant 0 : i32
      %scan3A_39 = arith.constant 0 : i32
      %scan3A_40 = arith.constant 100 : i32
      %scan3A_41 = arith.addi %scan3A_39, %scan3A_40 : i32
      %scan3A_42 = arith.constant 1 : i32
      scf.for %scan3A_50 = %scan3A_39 to %scan3A_41 step %scan3A_42  : i32 {
        %dma_start3A = arith.constant 0 : i32
        %dma_start3A_51 = tpu.memref_slice %arg5[%scan3A_50, %dma_start3A] : memref<100x128xi32, #tpu.memory_space<vmem>> -> memref<1x128xi32, #tpu.memory_space<vmem>>
        %dma_start3A_52 = tpu.memref_squeeze %dma_start3A_51 : memref<1x128xi32, #tpu.memory_space<vmem>> -> memref<128xi32, #tpu.memory_space<vmem>>
        %dma_start3A_53 = arith.constant 0 : i32
        %dma_start3A_54 = tpu.memref_slice %arg4[%dma_start3A_53] : memref<153600xf32, #tpu.memory_space<vmem_shared>> -> memref<153600xf32, #tpu.memory_space<vmem_shared>>
        tpu.enqueue_indirect_dma source(%arg6 : memref<128xf32, #tpu.memory_space<vmem>>) target(%dma_start3A_54 : memref<153600xf32, #tpu.memory_space<vmem_shared>>) offsets(%dma_start3A_52 : memref<128xi32, #tpu.memory_space<vmem>>) semaphore(%arg8 : memref<!tpu.dma_semaphore, #tpu.memory_space<semaphore_mem>>) {add = true}
      }
      %scan3A_43 = arith.constant 100 : i32
      %scan3A_44 = arith.constant 0 : i32
      %scan3A_45 = arith.constant 0 : i32
      %scan3A_46 = arith.constant 100 : i32
      %scan3A_47 = arith.addi %scan3A_45, %scan3A_46 : i32
      %scan3A_48 = arith.constant 1 : i32
      scf.for %scan3A_50 = %scan3A_45 to %scan3A_47 step %scan3A_48  : i32 {
        %dma_wait3A = arith.constant 0 : i32
        %dma_wait3A_51 = tpu.memref_slice %arg5[%scan3A_50, %dma_wait3A] : memref<100x128xi32, #tpu.memory_space<vmem>> -> memref<1x128xi32, #tpu.memory_space<vmem>>
        %dma_wait3A_52 = tpu.memref_squeeze %dma_wait3A_51 : memref<1x128xi32, #tpu.memory_space<vmem>> -> memref<128xi32, #tpu.memory_space<vmem>>
        %dma_wait3A_53 = arith.constant 0 : i32
        %dma_wait3A_54 = tpu.memref_slice %arg4[%dma_wait3A_53] : memref<153600xf32, #tpu.memory_space<vmem_shared>> -> memref<153600xf32, #tpu.memory_space<vmem_shared>>
        tpu.wait_indirect_dma semaphore(%arg8 : memref<!tpu.dma_semaphore, #tpu.memory_space<semaphore_mem>>) src(%arg6 : memref<128xf32, #tpu.memory_space<vmem>>) dst(%dma_wait3A_54 : memref<153600xf32, #tpu.memory_space<vmem_shared>>)
      }
      %scan3A_49 = arith.constant 100 : i32
    }
    %scan3A_26 = arith.constant 3 : i32
    %barrier3A_27 = arith.constant 0 : index
    tpu.barrier barrier_id(%barrier3A_27)
    %scan3A_28 = arith.constant 0 : i32
    %scan3A_29 = arith.constant 0 : i32
    %scan3A_30 = arith.constant 3 : i32
    %scan3A_31 = arith.addi %scan3A_29, %scan3A_30 : i32
    %scan3A_32 = arith.constant 1 : i32
    scf.for %scan3A_34 = %scan3A_29 to %scan3A_31 step %scan3A_32  : i32 {
      %mul3A_35 = arith.constant 3 : i32
      %mul3A_36 = arith.muli %mul3A_35, %arg0 : i32
      %add3A_37 = arith.addi %mul3A_36, %scan3A_34 : i32
      %mul3A_38 = arith.constant 51200 : i32
      %mul3A_39 = arith.muli %scan3A_34, %mul3A_38 : i32
      %mul3A_40 = arith.constant 3200 : i32
      %mul3A_41 = arith.muli %arg1, %mul3A_40 : i32
      %add3A_42 = arith.addi %mul3A_39, %mul3A_41 : i32
      "tpu.region"() ({
        %run_scoped3A = tpu.sem_alloc : memref<!tpu.dma_semaphore, #tpu.memory_space<semaphore_mem>>
        %dma_start3A = arith.constant 0 : i32
        %dma_start3A_43 = tpu.memref_slice %arg3[%add3A_37, %arg1, %dma_start3A] : memref<6x16x3200xf32, #tpu.memory_space<hbm>> -> memref<1x1x3200xf32, #tpu.memory_space<hbm>>
        %dma_start3A_44 = tpu.memref_squeeze %dma_start3A_43 : memref<1x1x3200xf32, #tpu.memory_space<hbm>> -> memref<3200xf32, #tpu.memory_space<hbm>>
        %dma_start3A_45 = tpu.memref_slice %arg4[%add3A_42] : memref<153600xf32, #tpu.memory_space<vmem_shared>> -> memref<3200xf32, #tpu.memory_space<vmem_shared>>
        tpu.enqueue_dma source(%dma_start3A_45 : memref<3200xf32, #tpu.memory_space<vmem_shared>>) target(%dma_start3A_44 : memref<3200xf32, #tpu.memory_space<hbm>>) target_semaphore(%run_scoped3A : memref<!tpu.dma_semaphore, #tpu.memory_space<semaphore_mem>>)
        %dma_wait3A = arith.constant 0 : i32
        %dma_wait3A_46 = tpu.memref_slice %arg3[%add3A_37, %arg1, %dma_wait3A] : memref<6x16x3200xf32, #tpu.memory_space<hbm>> -> memref<1x1x3200xf32, #tpu.memory_space<hbm>>
        %dma_wait3A_47 = tpu.memref_squeeze %dma_wait3A_46 : memref<1x1x3200xf32, #tpu.memory_space<hbm>> -> memref<3200xf32, #tpu.memory_space<hbm>>
        %dma_wait3A_48 = tpu.memref_slice %arg4[%add3A_42] : memref<153600xf32, #tpu.memory_space<vmem_shared>> -> memref<3200xf32, #tpu.memory_space<vmem_shared>>
        tpu.wait_dma2 semaphore(%run_scoped3A : memref<!tpu.dma_semaphore, #tpu.memory_space<semaphore_mem>>) src(%dma_wait3A_48 : memref<3200xf32, #tpu.memory_space<vmem_shared>>) dst(%dma_wait3A_47 : memref<3200xf32, #tpu.memory_space<hbm>>)
        tpu.yield
      }) : () -> ()
    }
    %scan3A_33 = arith.constant 3 : i32
    return
  }
}

#map = affine_map<(d0, d1) -> (0, 0, 0, 0)>
#map1 = affine_map<(d0, d1) -> (0, 0)>
#map2 = affine_map<(d0, d1) -> (0)>
module attributes {stable_mosaic.version = 14 : i64} {
  func.func @_sc_propagate(%arg0: i32, %arg1: i32, %arg2: memref<3x256x20x80xi32, #tpu.memory_space<hbm>>, %arg3: memref<3x256x20x80xi32, #tpu.memory_space<hbm>>, %arg4: memref<153600x128xf32, #tpu.memory_space<hbm>>, %arg5: memref<104x128xf32, #tpu.memory_space<hbm>>, %arg6: memref<40xi32, #tpu.memory_space<hbm>>, %arg7: memref<153600x128xf32, #tpu.memory_space<hbm>>, %arg8: memref<6528x128xf32, #tpu.memory_space<vmem_shared>>, %arg9: memref<20x80xi32, #tpu.memory_space<vmem>>, %arg10: memref<20x80xi32, #tpu.memory_space<vmem>>, %arg11: memref<4x80x128xf32, #tpu.memory_space<vmem>>, %arg12: memref<40xi32, #tpu.memory_space<vmem>>, %arg13: memref<4x!tpu.dma_semaphore, #tpu.memory_space<semaphore_mem>>, %arg14: memref<2x!tpu.dma_semaphore, #tpu.memory_space<semaphore_mem>>) attributes {dimension_semantics = [#tpu.dimension_semantics<core_parallel>, #tpu.dimension_semantics<subcore_parallel>], iteration_bounds = array<i64: 2, 16>, scalar_prefetch = 0 : i64, scratch_operands = 7 : i64, tpu.core_type = #tpu.core_type<sc_vector_subcore>, window_params = [{transform_indices = #map}, {transform_indices = #map}, {transform_indices = #map1}, {transform_indices = #map1}, {transform_indices = #map2}, {transform_indices = #map1}]} {
    "tpu.region"() ({
      %run_scoped3A = tpu.sem_alloc : memref<!tpu.dma_semaphore, #tpu.memory_space<semaphore_mem>>
      tpu.enqueue_dma source(%arg6 : memref<40xi32, #tpu.memory_space<hbm>>) target(%arg12 : memref<40xi32, #tpu.memory_space<vmem>>) target_semaphore(%run_scoped3A : memref<!tpu.dma_semaphore, #tpu.memory_space<semaphore_mem>>)
      tpu.wait_dma2 semaphore(%run_scoped3A : memref<!tpu.dma_semaphore, #tpu.memory_space<semaphore_mem>>) src(%arg6 : memref<40xi32, #tpu.memory_space<hbm>>) dst(%arg12 : memref<40xi32, #tpu.memory_space<vmem>>)
      tpu.yield
    }) : () -> ()
    %scan3A = arith.constant 0 : i32
    %scan3A_0 = arith.constant 0 : i32
    %scan3A_1 = arith.constant 12 : i32
    %scan3A_2 = arith.addi %scan3A_0, %scan3A_1 : i32
    %scan3A_3 = arith.constant 1 : i32
    scf.for %scan3A_5 = %scan3A_0 to %scan3A_2 step %scan3A_3  : i32 {
      %jit3A = arith.constant 4 : i32
      %div3A = arith.divsi %scan3A_5, %jit3A : i32
      %sign3A = arith.constant 0 : i32
      %sign3A_6 = arith.cmpi sgt, %scan3A_5, %sign3A : i32
      %sign3A_7 = arith.extui %sign3A_6 : i1 to i32
      %sign3A_8 = arith.constant 0 : i32
      %sign3A_9 = arith.cmpi slt, %scan3A_5, %sign3A_8 : i32
      %sign3A_10 = arith.extui %sign3A_9 : i1 to i32
      %sign3A_11 = arith.subi %sign3A_7, %sign3A_10 : i32
      %sign3A_12 = arith.constant 0 : i32
      %sign3A_13 = arith.cmpi sgt, %jit3A, %sign3A_12 : i32
      %sign3A_14 = arith.extui %sign3A_13 : i1 to i32
      %sign3A_15 = arith.constant 0 : i32
      %sign3A_16 = arith.cmpi slt, %jit3A, %sign3A_15 : i32
      %sign3A_17 = arith.extui %sign3A_16 : i1 to i32
      %sign3A_18 = arith.subi %sign3A_14, %sign3A_17 : i32
      %ne3A = arith.cmpi ne, %sign3A_11, %sign3A_18 : i32
      %rem3A = arith.remsi %scan3A_5, %jit3A : i32
      %ne3A_19 = arith.constant 0 : i32
      %ne3A_20 = arith.cmpi ne, %rem3A, %ne3A_19 : i32
      %and3A = arith.andi %ne3A, %ne3A_20 : i1
      %sub3A = arith.constant 1 : i32
      %sub3A_21 = arith.subi %div3A, %sub3A : i32
      %select_n3A = arith.select %and3A, %sub3A_21, %div3A : i32
      %mul3A = arith.constant 4 : i32
      %mul3A_22 = arith.muli %mul3A, %arg0 : i32
      %jit3A_23 = arith.constant 4 : i32
      %eq3A = arith.constant 0 : i32
      %eq3A_24 = arith.cmpi eq, %jit3A_23, %eq3A : i32
      %jit3A_25 = arith.constant 1 : i32
      %select_n3A_26 = arith.select %eq3A_24, %jit3A_25, %jit3A_23 : i32
      %rem3A_27 = arith.remsi %scan3A_5, %select_n3A_26 : i32
      %ne3A_28 = arith.constant 0 : i32
      %ne3A_29 = arith.cmpi ne, %rem3A_27, %ne3A_28 : i32
      %lt3A = arith.constant 0 : i32
      %lt3A_30 = arith.cmpi slt, %rem3A_27, %lt3A : i32
      %lt3A_31 = arith.constant 0 : i32
      %lt3A_32 = arith.cmpi slt, %select_n3A_26, %lt3A_31 : i32
      %ne3A_33 = arith.xori %lt3A_30, %lt3A_32 : i1
      %and3A_34 = arith.andi %ne3A_33, %ne3A_29 : i1
      %add3A = arith.addi %rem3A_27, %select_n3A_26 : i32
      %select_n3A_35 = arith.select %and3A_34, %add3A, %rem3A_27 : i32
      %add3A_36 = arith.addi %mul3A_22, %select_n3A_35 : i32
      %mul3A_37 = arith.constant 6400 : i32
      %mul3A_38 = arith.muli %add3A_36, %mul3A_37 : i32
      %mul3A_39 = arith.constant 8 : i32
      %mul3A_40 = arith.muli %mul3A_39, %select_n3A : i32
      %add3A_41 = arith.addi %mul3A_40, %add3A_36 : i32
      %get3A = arith.index_cast %add3A_41 : i32 to index
      %get3A_42 = tpu.vector_load %arg12[%get3A] {strides = array<i32>} : memref<40xi32, #tpu.memory_space<vmem>>, vector<16xi32>,
      %get3A_43 = vector.shape_cast %get3A_42 : vector<16xi32> to vector<16xi32>
      %slice3A = vector.extract_strided_slice %get3A_43 {offsets = [0], sizes = [1], strides = [1]} : vector<16xi32> to vector<1xi32>
      %squeeze3A = vector.extract %slice3A[0] : i32 from vector<1xi32>
      %add3A_44 = arith.constant 20 : i32
      %add3A_45 = arith.addi %squeeze3A, %add3A_44 : i32
      %sub3A_46 = arith.constant 1 : i32
      %sub3A_47 = arith.subi %add3A_45, %sub3A_46 : i32
      %jit3A_48 = arith.constant 20 : i32
      %div3A_49 = arith.divsi %sub3A_47, %jit3A_48 : i32
      %sign3A_50 = arith.constant 0 : i32
      %sign3A_51 = arith.cmpi sgt, %sub3A_47, %sign3A_50 : i32
      %sign3A_52 = arith.extui %sign3A_51 : i1 to i32
      %sign3A_53 = arith.constant 0 : i32
      %sign3A_54 = arith.cmpi slt, %sub3A_47, %sign3A_53 : i32
      %sign3A_55 = arith.extui %sign3A_54 : i1 to i32
      %sign3A_56 = arith.subi %sign3A_52, %sign3A_55 : i32
      %sign3A_57 = arith.constant 0 : i32
      %sign3A_58 = arith.cmpi sgt, %jit3A_48, %sign3A_57 : i32
      %sign3A_59 = arith.extui %sign3A_58 : i1 to i32
      %sign3A_60 = arith.constant 0 : i32
      %sign3A_61 = arith.cmpi slt, %jit3A_48, %sign3A_60 : i32
      %sign3A_62 = arith.extui %sign3A_61 : i1 to i32
      %sign3A_63 = arith.subi %sign3A_59, %sign3A_62 : i32
      %ne3A_64 = arith.cmpi ne, %sign3A_56, %sign3A_63 : i32
      %rem3A_65 = arith.remsi %sub3A_47, %jit3A_48 : i32
      %ne3A_66 = arith.constant 0 : i32
      %ne3A_67 = arith.cmpi ne, %rem3A_65, %ne3A_66 : i32
      %and3A_68 = arith.andi %ne3A_64, %ne3A_67 : i1
      %sub3A_69 = arith.constant 1 : i32
      %sub3A_70 = arith.subi %div3A_49, %sub3A_69 : i32
      %select_n3A_71 = arith.select %and3A_68, %sub3A_70, %div3A_49 : i32
      %sub3A_72 = arith.constant 1 : i32
      %sub3A_73 = arith.subi %select_n3A_71, %sub3A_72 : i32
      %sub3A_74 = arith.subi %sub3A_73, %arg1 : i32
      %jit3A_75 = arith.constant 16 : i32
      %div3A_76 = arith.divsi %sub3A_74, %jit3A_75 : i32
      %sign3A_77 = arith.constant 0 : i32
      %sign3A_78 = arith.cmpi sgt, %sub3A_74, %sign3A_77 : i32
      %sign3A_79 = arith.extui %sign3A_78 : i1 to i32
      %sign3A_80 = arith.constant 0 : i32
      %sign3A_81 = arith.cmpi slt, %sub3A_74, %sign3A_80 : i32
      %sign3A_82 = arith.extui %sign3A_81 : i1 to i32
      %sign3A_83 = arith.subi %sign3A_79, %sign3A_82 : i32
      %sign3A_84 = arith.constant 0 : i32
      %sign3A_85 = arith.cmpi sgt, %jit3A_75, %sign3A_84 : i32
      %sign3A_86 = arith.extui %sign3A_85 : i1 to i32
      %sign3A_87 = arith.constant 0 : i32
      %sign3A_88 = arith.cmpi slt, %jit3A_75, %sign3A_87 : i32
      %sign3A_89 = arith.extui %sign3A_88 : i1 to i32
      %sign3A_90 = arith.subi %sign3A_86, %sign3A_89 : i32
      %ne3A_91 = arith.cmpi ne, %sign3A_83, %sign3A_90 : i32
      %rem3A_92 = arith.remsi %sub3A_74, %jit3A_75 : i32
      %ne3A_93 = arith.constant 0 : i32
      %ne3A_94 = arith.cmpi ne, %rem3A_92, %ne3A_93 : i32
      %and3A_95 = arith.andi %ne3A_91, %ne3A_94 : i1
      %sub3A_96 = arith.constant 1 : i32
      %sub3A_97 = arith.subi %div3A_76, %sub3A_96 : i32
      %select_n3A_98 = arith.select %and3A_95, %sub3A_97, %div3A_76 : i32
      %add3A_99 = arith.constant 1 : i32
      %add3A_100 = arith.addi %select_n3A_98, %add3A_99 : i32
      %max3A = arith.constant 0 : i32
      %max3A_101 = arith.maxsi %max3A, %add3A_100 : i32
      %mul3A_102 = arith.constant 408 : i32
      %mul3A_103 = arith.muli %arg1, %mul3A_102 : i32
      %add3A_104 = arith.constant 0 : i32
      %add3A_105 = arith.addi %mul3A_103, %add3A_104 : i32
      "tpu.region"() ({
        %run_scoped3A = tpu.sem_alloc : memref<!tpu.dma_semaphore, #tpu.memory_space<semaphore_mem>>
        %dma_start3A = arith.constant 0 : i32
        %dma_start3A_138 = tpu.memref_slice %arg8[%add3A_105, %dma_start3A] : memref<6528x128xf32, #tpu.memory_space<vmem_shared>> -> memref<104x128xf32, #tpu.memory_space<vmem_shared>>
        tpu.enqueue_dma source(%arg5 : memref<104x128xf32, #tpu.memory_space<hbm>>) target(%dma_start3A_138 : memref<104x128xf32, #tpu.memory_space<vmem_shared>>) target_semaphore(%run_scoped3A : memref<!tpu.dma_semaphore, #tpu.memory_space<semaphore_mem>>)
        %dma_wait3A = arith.constant 0 : i32
        %dma_wait3A_139 = tpu.memref_slice %arg8[%add3A_105, %dma_wait3A] : memref<6528x128xf32, #tpu.memory_space<vmem_shared>> -> memref<104x128xf32, #tpu.memory_space<vmem_shared>>
        tpu.wait_dma2 semaphore(%run_scoped3A : memref<!tpu.dma_semaphore, #tpu.memory_space<semaphore_mem>>) src(%arg5 : memref<104x128xf32, #tpu.memory_space<hbm>>) dst(%dma_wait3A_139 : memref<104x128xf32, #tpu.memory_space<vmem_shared>>)
        tpu.yield
      }) : () -> ()
      %mul3A_106 = arith.constant 408 : i32
      %mul3A_107 = arith.muli %arg1, %mul3A_106 : i32
      %add3A_108 = arith.constant 104 : i32
      %add3A_109 = arith.addi %mul3A_107, %add3A_108 : i32
      "tpu.region"() ({
        %run_scoped3A = tpu.sem_alloc : memref<!tpu.dma_semaphore, #tpu.memory_space<semaphore_mem>>
        %dma_start3A = arith.constant 0 : i32
        %dma_start3A_138 = tpu.memref_slice %arg8[%add3A_109, %dma_start3A] : memref<6528x128xf32, #tpu.memory_space<vmem_shared>> -> memref<104x128xf32, #tpu.memory_space<vmem_shared>>
        tpu.enqueue_dma source(%arg5 : memref<104x128xf32, #tpu.memory_space<hbm>>) target(%dma_start3A_138 : memref<104x128xf32, #tpu.memory_space<vmem_shared>>) target_semaphore(%run_scoped3A : memref<!tpu.dma_semaphore, #tpu.memory_space<semaphore_mem>>)
        %dma_wait3A = arith.constant 0 : i32
        %dma_wait3A_139 = tpu.memref_slice %arg8[%add3A_109, %dma_wait3A] : memref<6528x128xf32, #tpu.memory_space<vmem_shared>> -> memref<104x128xf32, #tpu.memory_space<vmem_shared>>
        tpu.wait_dma2 semaphore(%run_scoped3A : memref<!tpu.dma_semaphore, #tpu.memory_space<semaphore_mem>>) src(%arg5 : memref<104x128xf32, #tpu.memory_space<hbm>>) dst(%dma_wait3A_139 : memref<104x128xf32, #tpu.memory_space<vmem_shared>>)
        tpu.yield
      }) : () -> ()
      %mul3A_110 = arith.constant 408 : i32
      %mul3A_111 = arith.muli %arg1, %mul3A_110 : i32
      %add3A_112 = arith.constant 208 : i32
      %add3A_113 = arith.addi %mul3A_111, %add3A_112 : i32
      "tpu.region"() ({
        %run_scoped3A = tpu.sem_alloc : memref<!tpu.dma_semaphore, #tpu.memory_space<semaphore_mem>>
        %dma_start3A = arith.constant 0 : i32
        %dma_start3A_138 = tpu.memref_slice %arg8[%add3A_113, %dma_start3A] : memref<6528x128xf32, #tpu.memory_space<vmem_shared>> -> memref<104x128xf32, #tpu.memory_space<vmem_shared>>
        tpu.enqueue_dma source(%arg5 : memref<104x128xf32, #tpu.memory_space<hbm>>) target(%dma_start3A_138 : memref<104x128xf32, #tpu.memory_space<vmem_shared>>) target_semaphore(%run_scoped3A : memref<!tpu.dma_semaphore, #tpu.memory_space<semaphore_mem>>)
        %dma_wait3A = arith.constant 0 : i32
        %dma_wait3A_139 = tpu.memref_slice %arg8[%add3A_113, %dma_wait3A] : memref<6528x128xf32, #tpu.memory_space<vmem_shared>> -> memref<104x128xf32, #tpu.memory_space<vmem_shared>>
        tpu.wait_dma2 semaphore(%run_scoped3A : memref<!tpu.dma_semaphore, #tpu.memory_space<semaphore_mem>>) src(%arg5 : memref<104x128xf32, #tpu.memory_space<hbm>>) dst(%dma_wait3A_139 : memref<104x128xf32, #tpu.memory_space<vmem_shared>>)
        tpu.yield
      }) : () -> ()
      %mul3A_114 = arith.constant 408 : i32
      %mul3A_115 = arith.muli %arg1, %mul3A_114 : i32
      %add3A_116 = arith.constant 312 : i32
      %add3A_117 = arith.addi %mul3A_115, %add3A_116 : i32
      "tpu.region"() ({
        %run_scoped3A = tpu.sem_alloc : memref<!tpu.dma_semaphore, #tpu.memory_space<semaphore_mem>>
        %dma_start3A = arith.constant 0 : i32
        %dma_start3A_138 = tpu.memref_slice %arg8[%add3A_117, %dma_start3A] : memref<6528x128xf32, #tpu.memory_space<vmem_shared>> -> memref<96x128xf32, #tpu.memory_space<vmem_shared>>
        %dma_start3A_139 = arith.constant 0 : i32
        %dma_start3A_140 = arith.constant 0 : i32
        %dma_start3A_141 = tpu.memref_slice %arg5[%dma_start3A_139, %dma_start3A_140] : memref<104x128xf32, #tpu.memory_space<hbm>> -> memref<96x128xf32, #tpu.memory_space<hbm>>
        tpu.enqueue_dma source(%dma_start3A_141 : memref<96x128xf32, #tpu.memory_space<hbm>>) target(%dma_start3A_138 : memref<96x128xf32, #tpu.memory_space<vmem_shared>>) target_semaphore(%run_scoped3A : memref<!tpu.dma_semaphore, #tpu.memory_space<semaphore_mem>>)
        %dma_wait3A = arith.constant 0 : i32
        %dma_wait3A_142 = tpu.memref_slice %arg8[%add3A_117, %dma_wait3A] : memref<6528x128xf32, #tpu.memory_space<vmem_shared>> -> memref<96x128xf32, #tpu.memory_space<vmem_shared>>
        %dma_wait3A_143 = arith.constant 0 : i32
        %dma_wait3A_144 = arith.constant 0 : i32
        %dma_wait3A_145 = tpu.memref_slice %arg5[%dma_wait3A_143, %dma_wait3A_144] : memref<104x128xf32, #tpu.memory_space<hbm>> -> memref<96x128xf32, #tpu.memory_space<hbm>>
        tpu.wait_dma2 semaphore(%run_scoped3A : memref<!tpu.dma_semaphore, #tpu.memory_space<semaphore_mem>>) src(%dma_wait3A_145 : memref<96x128xf32, #tpu.memory_space<hbm>>) dst(%dma_wait3A_142 : memref<96x128xf32, #tpu.memory_space<vmem_shared>>)
        tpu.yield
      }) : () -> ()
      %barrier3A = arith.constant 0 : index
      tpu.barrier barrier_id(%barrier3A)
      %while3A = arith.constant 0 : i32
      %while3A_118 = arith.constant 0 : i32
      %while3A_119 = arith.subi %max3A_101, %while3A_118 : i32
      %while3A_120 = arith.addi %while3A_118, %while3A_119 : i32
      %while3A_121 = arith.constant 1 : i32
      %while3A_122 = arith.divsi %while3A_119, %while3A_121 : i32
      %while3A_123 = arith.muli %while3A_122, %while3A_121 : i32
      %while3A_124 = arith.addi %while3A_118, %while3A_123 : i32
      %while3A_125 = arith.constant 1 : i32
      scf.for %while3A_138 = %while3A_118 to %while3A_124 step %while3A_125  : i32 {
        %mul3A_139 = arith.constant 16 : i32
        %mul3A_140 = arith.muli %mul3A_139, %while3A_138 : i32
        %add3A_141 = arith.addi %arg1, %mul3A_140 : i32
        %mul3A_142 = arith.constant 32 : i32
        %mul3A_143 = arith.muli %add3A_36, %mul3A_142 : i32
        %add3A_144 = arith.addi %mul3A_143, %add3A_141 : i32
        %mul3A_145 = arith.constant 20 : i32
        %mul3A_146 = arith.muli %mul3A_145, %add3A_141 : i32
        %sub3A_147 = arith.subi %squeeze3A, %mul3A_146 : i32
        %min3A = arith.constant 20 : i32
        %min3A_148 = arith.minsi %min3A, %sub3A_147 : i32
        "tpu.region"() ({
          %run_scoped3A = tpu.sem_alloc : memref<!tpu.dma_semaphore, #tpu.memory_space<semaphore_mem>>
          %dma_start3A_235 = arith.constant 0 : i32
          %dma_start3A_236 = arith.constant 0 : i32
          %dma_start3A_237 = tpu.memref_slice %arg2[%select_n3A, %add3A_144, %dma_start3A_235, %dma_start3A_236] : memref<3x256x20x80xi32, #tpu.memory_space<hbm>> -> memref<1x1x20x80xi32, #tpu.memory_space<hbm>>
          %dma_start3A_238 = tpu.memref_squeeze %dma_start3A_237 : memref<1x1x20x80xi32, #tpu.memory_space<hbm>> -> memref<20x80xi32, #tpu.memory_space<hbm>>
          %dma_start3A_239 = arith.constant 0 : i32
          %dma_start3A_240 = arith.constant 0 : i32
          %dma_start3A_241 = tpu.memref_slice %arg2[%select_n3A, %add3A_144, %dma_start3A_239, %dma_start3A_240] : memref<3x256x20x80xi32, #tpu.memory_space<hbm>> -> memref<1x1x20x80xi32, #tpu.memory_space<hbm>>
          %dma_start3A_242 = tpu.memref_squeeze %dma_start3A_241 : memref<1x1x20x80xi32, #tpu.memory_space<hbm>> -> memref<20x80xi32, #tpu.memory_space<hbm>>
          tpu.enqueue_dma source(%dma_start3A_242 : memref<20x80xi32, #tpu.memory_space<hbm>>) target(%arg9 : memref<20x80xi32, #tpu.memory_space<vmem>>) target_semaphore(%run_scoped3A : memref<!tpu.dma_semaphore, #tpu.memory_space<semaphore_mem>>)
          %dma_wait3A_243 = arith.constant 0 : i32
          %dma_wait3A_244 = arith.constant 0 : i32
          %dma_wait3A_245 = tpu.memref_slice %arg2[%select_n3A, %add3A_144, %dma_wait3A_243, %dma_wait3A_244] : memref<3x256x20x80xi32, #tpu.memory_space<hbm>> -> memref<1x1x20x80xi32, #tpu.memory_space<hbm>>
          %dma_wait3A_246 = tpu.memref_squeeze %dma_wait3A_245 : memref<1x1x20x80xi32, #tpu.memory_space<hbm>> -> memref<20x80xi32, #tpu.memory_space<hbm>>
          %dma_wait3A_247 = arith.constant 0 : i32
          %dma_wait3A_248 = arith.constant 0 : i32
          %dma_wait3A_249 = tpu.memref_slice %arg2[%select_n3A, %add3A_144, %dma_wait3A_247, %dma_wait3A_248] : memref<3x256x20x80xi32, #tpu.memory_space<hbm>> -> memref<1x1x20x80xi32, #tpu.memory_space<hbm>>
          %dma_wait3A_250 = tpu.memref_squeeze %dma_wait3A_249 : memref<1x1x20x80xi32, #tpu.memory_space<hbm>> -> memref<20x80xi32, #tpu.memory_space<hbm>>
          tpu.wait_dma2 semaphore(%run_scoped3A : memref<!tpu.dma_semaphore, #tpu.memory_space<semaphore_mem>>) src(%dma_wait3A_250 : memref<20x80xi32, #tpu.memory_space<hbm>>) dst(%arg9 : memref<20x80xi32, #tpu.memory_space<vmem>>)
          tpu.yield
        }) : () -> ()
        "tpu.region"() ({
          %run_scoped3A = tpu.sem_alloc : memref<!tpu.dma_semaphore, #tpu.memory_space<semaphore_mem>>
          %dma_start3A_235 = arith.constant 0 : i32
          %dma_start3A_236 = arith.constant 0 : i32
          %dma_start3A_237 = tpu.memref_slice %arg3[%select_n3A, %add3A_144, %dma_start3A_235, %dma_start3A_236] : memref<3x256x20x80xi32, #tpu.memory_space<hbm>> -> memref<1x1x20x80xi32, #tpu.memory_space<hbm>>
          %dma_start3A_238 = tpu.memref_squeeze %dma_start3A_237 : memref<1x1x20x80xi32, #tpu.memory_space<hbm>> -> memref<20x80xi32, #tpu.memory_space<hbm>>
          %dma_start3A_239 = arith.constant 0 : i32
          %dma_start3A_240 = arith.constant 0 : i32
          %dma_start3A_241 = tpu.memref_slice %arg3[%select_n3A, %add3A_144, %dma_start3A_239, %dma_start3A_240] : memref<3x256x20x80xi32, #tpu.memory_space<hbm>> -> memref<1x1x20x80xi32, #tpu.memory_space<hbm>>
          %dma_start3A_242 = tpu.memref_squeeze %dma_start3A_241 : memref<1x1x20x80xi32, #tpu.memory_space<hbm>> -> memref<20x80xi32, #tpu.memory_space<hbm>>
          tpu.enqueue_dma source(%dma_start3A_242 : memref<20x80xi32, #tpu.memory_space<hbm>>) target(%arg10 : memref<20x80xi32, #tpu.memory_space<vmem>>) target_semaphore(%run_scoped3A : memref<!tpu.dma_semaphore, #tpu.memory_space<semaphore_mem>>)
          %dma_wait3A_243 = arith.constant 0 : i32
          %dma_wait3A_244 = arith.constant 0 : i32
          %dma_wait3A_245 = tpu.memref_slice %arg3[%select_n3A, %add3A_144, %dma_wait3A_243, %dma_wait3A_244] : memref<3x256x20x80xi32, #tpu.memory_space<hbm>> -> memref<1x1x20x80xi32, #tpu.memory_space<hbm>>
          %dma_wait3A_246 = tpu.memref_squeeze %dma_wait3A_245 : memref<1x1x20x80xi32, #tpu.memory_space<hbm>> -> memref<20x80xi32, #tpu.memory_space<hbm>>
          %dma_wait3A_247 = arith.constant 0 : i32
          %dma_wait3A_248 = arith.constant 0 : i32
          %dma_wait3A_249 = tpu.memref_slice %arg3[%select_n3A, %add3A_144, %dma_wait3A_247, %dma_wait3A_248] : memref<3x256x20x80xi32, #tpu.memory_space<hbm>> -> memref<1x1x20x80xi32, #tpu.memory_space<hbm>>
          %dma_wait3A_250 = tpu.memref_squeeze %dma_wait3A_249 : memref<1x1x20x80xi32, #tpu.memory_space<hbm>> -> memref<20x80xi32, #tpu.memory_space<hbm>>
          tpu.wait_dma2 semaphore(%run_scoped3A : memref<!tpu.dma_semaphore, #tpu.memory_space<semaphore_mem>>) src(%dma_wait3A_250 : memref<20x80xi32, #tpu.memory_space<hbm>>) dst(%arg10 : memref<20x80xi32, #tpu.memory_space<vmem>>)
          tpu.yield
        }) : () -> ()
        %scan3A_149 = arith.constant 0 : i32
        %scan3A_150 = arith.constant 0 : i32
        %scan3A_151 = arith.constant 100 : i32
        %scan3A_152 = arith.addi %scan3A_150, %scan3A_151 : i32
        %scan3A_153 = arith.constant 1 : i32
        scf.for %scan3A_235 = %scan3A_150 to %scan3A_152 step %scan3A_153  : i32 {
          %jit3A_236 = arith.constant 5 : i32
          %div3A_237 = arith.divsi %scan3A_235, %jit3A_236 : i32
          %sign3A_238 = arith.constant 0 : i32
          %sign3A_239 = arith.cmpi sgt, %scan3A_235, %sign3A_238 : i32
          %sign3A_240 = arith.extui %sign3A_239 : i1 to i32
          %sign3A_241 = arith.constant 0 : i32
          %sign3A_242 = arith.cmpi slt, %scan3A_235, %sign3A_241 : i32
          %sign3A_243 = arith.extui %sign3A_242 : i1 to i32
          %sign3A_244 = arith.subi %sign3A_240, %sign3A_243 : i32
          %sign3A_245 = arith.constant 0 : i32
          %sign3A_246 = arith.cmpi sgt, %jit3A_236, %sign3A_245 : i32
          %sign3A_247 = arith.extui %sign3A_246 : i1 to i32
          %sign3A_248 = arith.constant 0 : i32
          %sign3A_249 = arith.cmpi slt, %jit3A_236, %sign3A_248 : i32
          %sign3A_250 = arith.extui %sign3A_249 : i1 to i32
          %sign3A_251 = arith.subi %sign3A_247, %sign3A_250 : i32
          %ne3A_252 = arith.cmpi ne, %sign3A_244, %sign3A_251 : i32
          %rem3A_253 = arith.remsi %scan3A_235, %jit3A_236 : i32
          %ne3A_254 = arith.constant 0 : i32
          %ne3A_255 = arith.cmpi ne, %rem3A_253, %ne3A_254 : i32
          %and3A_256 = arith.andi %ne3A_252, %ne3A_255 : i1
          %sub3A_257 = arith.constant 1 : i32
          %sub3A_258 = arith.subi %div3A_237, %sub3A_257 : i32
          %select_n3A_259 = arith.select %and3A_256, %sub3A_258, %div3A_237 : i32
          %jit3A_260 = arith.constant 5 : i32
          %eq3A_261 = arith.constant 0 : i32
          %eq3A_262 = arith.cmpi eq, %jit3A_260, %eq3A_261 : i32
          %jit3A_263 = arith.constant 1 : i32
          %select_n3A_264 = arith.select %eq3A_262, %jit3A_263, %jit3A_260 : i32
          %rem3A_265 = arith.remsi %scan3A_235, %select_n3A_264 : i32
          %ne3A_266 = arith.constant 0 : i32
          %ne3A_267 = arith.cmpi ne, %rem3A_265, %ne3A_266 : i32
          %lt3A_268 = arith.constant 0 : i32
          %lt3A_269 = arith.cmpi slt, %rem3A_265, %lt3A_268 : i32
          %lt3A_270 = arith.constant 0 : i32
          %lt3A_271 = arith.cmpi slt, %select_n3A_264, %lt3A_270 : i32
          %ne3A_272 = arith.xori %lt3A_269, %lt3A_271 : i1
          %and3A_273 = arith.andi %ne3A_272, %ne3A_267 : i1
          %add3A_274 = arith.addi %rem3A_265, %select_n3A_264 : i32
          %select_n3A_275 = arith.select %and3A_273, %add3A_274, %rem3A_265 : i32
          %mul3A_276 = arith.constant 16 : i32
          %mul3A_277 = arith.muli %select_n3A_275, %mul3A_276 : i32
          %get3A_278 = arith.index_cast %select_n3A_259 : i32 to index
          %get3A_279 = arith.index_cast %mul3A_277 : i32 to index
          %get3A_280 = tpu.vector_load %arg10[%get3A_278, %get3A_279] {strides = array<i32>} : memref<20x80xi32, #tpu.memory_space<vmem>>, vector<1x16xi32>,
          %get3A_281 = vector.shape_cast %get3A_280 : vector<1x16xi32> to vector<16xi32>
          %sub3A_282 = vector.broadcast %mul3A_38 : i32 to vector<16xi32>
          %sub3A_283 = arith.subi %get3A_281, %sub3A_282 : vector<16xi32>
          %ge3A = arith.constant 0 : i32
          %ge3A_284 = vector.broadcast %ge3A : i32 to vector<16xi32>
          %ge3A_285 = arith.cmpi sge, %sub3A_283, %ge3A_284 : vector<16xi32>
          %lt3A_286 = arith.constant 6400 : i32
          %lt3A_287 = vector.broadcast %lt3A_286 : i32 to vector<16xi32>
          %lt3A_288 = arith.cmpi slt, %sub3A_283, %lt3A_287 : vector<16xi32>
          %and3A_289 = arith.andi %ge3A_285, %lt3A_288 : vector<16xi1>
          %and3A_290 = arith.constant 127 : i32
          %and3A_291 = vector.broadcast %and3A_290 : i32 to vector<16xi32>
          %and3A_292 = arith.andi %get3A_281, %and3A_291 : vector<16xi32>
          %add3A_293 = arith.constant 6400 : i32
          %add3A_294 = vector.broadcast %add3A_293 : i32 to vector<16xi32>
          %add3A_295 = arith.addi %add3A_294, %and3A_292 : vector<16xi32>
          %select_n3A_296 = arith.select %and3A_289, %sub3A_283, %add3A_295 : vector<16xi1>, vector<16xi32>
          %jit3A_297 = arith.constant 5 : i32
          %div3A_298 = arith.divsi %scan3A_235, %jit3A_297 : i32
          %sign3A_299 = arith.constant 0 : i32
          %sign3A_300 = arith.cmpi sgt, %scan3A_235, %sign3A_299 : i32
          %sign3A_301 = arith.extui %sign3A_300 : i1 to i32
          %sign3A_302 = arith.constant 0 : i32
          %sign3A_303 = arith.cmpi slt, %scan3A_235, %sign3A_302 : i32
          %sign3A_304 = arith.extui %sign3A_303 : i1 to i32
          %sign3A_305 = arith.subi %sign3A_301, %sign3A_304 : i32
          %sign3A_306 = arith.constant 0 : i32
          %sign3A_307 = arith.cmpi sgt, %jit3A_297, %sign3A_306 : i32
          %sign3A_308 = arith.extui %sign3A_307 : i1 to i32
          %sign3A_309 = arith.constant 0 : i32
          %sign3A_310 = arith.cmpi slt, %jit3A_297, %sign3A_309 : i32
          %sign3A_311 = arith.extui %sign3A_310 : i1 to i32
          %sign3A_312 = arith.subi %sign3A_308, %sign3A_311 : i32
          %ne3A_313 = arith.cmpi ne, %sign3A_305, %sign3A_312 : i32
          %rem3A_314 = arith.remsi %scan3A_235, %jit3A_297 : i32
          %ne3A_315 = arith.constant 0 : i32
          %ne3A_316 = arith.cmpi ne, %rem3A_314, %ne3A_315 : i32
          %and3A_317 = arith.andi %ne3A_313, %ne3A_316 : i1
          %sub3A_318 = arith.constant 1 : i32
          %sub3A_319 = arith.subi %div3A_298, %sub3A_318 : i32
          %select_n3A_320 = arith.select %and3A_317, %sub3A_319, %div3A_298 : i32
          %jit3A_321 = arith.constant 5 : i32
          %eq3A_322 = arith.constant 0 : i32
          %eq3A_323 = arith.cmpi eq, %jit3A_321, %eq3A_322 : i32
          %jit3A_324 = arith.constant 1 : i32
          %select_n3A_325 = arith.select %eq3A_323, %jit3A_324, %jit3A_321 : i32
          %rem3A_326 = arith.remsi %scan3A_235, %select_n3A_325 : i32
          %ne3A_327 = arith.constant 0 : i32
          %ne3A_328 = arith.cmpi ne, %rem3A_326, %ne3A_327 : i32
          %lt3A_329 = arith.constant 0 : i32
          %lt3A_330 = arith.cmpi slt, %rem3A_326, %lt3A_329 : i32
          %lt3A_331 = arith.constant 0 : i32
          %lt3A_332 = arith.cmpi slt, %select_n3A_325, %lt3A_331 : i32
          %ne3A_333 = arith.xori %lt3A_330, %lt3A_332 : i1
          %and3A_334 = arith.andi %ne3A_333, %ne3A_328 : i1
          %add3A_335 = arith.addi %rem3A_326, %select_n3A_325 : i32
          %select_n3A_336 = arith.select %and3A_334, %add3A_335, %rem3A_326 : i32
          %mul3A_337 = arith.constant 16 : i32
          %mul3A_338 = arith.muli %select_n3A_336, %mul3A_337 : i32
          %swap3A = arith.index_cast %select_n3A_320 : i32 to index
          %swap3A_339 = arith.index_cast %mul3A_338 : i32 to index
          %swap3A_340 = tpu.vector_load %arg10[%swap3A, %swap3A_339] {strides = array<i32>} : memref<20x80xi32, #tpu.memory_space<vmem>>, vector<1x16xi32>,
          %swap3A_341 = vector.shape_cast %swap3A_340 : vector<1x16xi32> to vector<16xi32>
          %swap3A_342 = vector.shape_cast %select_n3A_296 : vector<16xi32> to vector<1x16xi32>
          tpu.vector_store %arg10[%swap3A, %swap3A_339], %swap3A_342 {strides = array<i32>} : memref<20x80xi32, #tpu.memory_space<vmem>>, vector<1x16xi32>,
        }
        %scan3A_154 = arith.constant 100 : i32
        %dma_start3A = arith.constant 0 : i32
        %dma_start3A_155 = arith.constant 0 : i32
        %dma_start3A_156 = arith.constant 0 : i32
        %dma_start3A_157 = arith.constant 0 : i32
        %dma_start3A_158 = arith.constant 0 : i32
        %dma_start3A_159 = tpu.memref_slice %arg11[%dma_start3A_155, %dma_start3A_157, %dma_start3A_158] : memref<4x80x128xf32, #tpu.memory_space<vmem>> -> memref<1x80x128xf32, #tpu.memory_space<vmem>>
        %dma_start3A_160 = tpu.memref_squeeze %dma_start3A_159 : memref<1x80x128xf32, #tpu.memory_space<vmem>> -> memref<80x128xf32, #tpu.memory_space<vmem>>
        %dma_start3A_161 = arith.constant 0 : i32
        %dma_start3A_162 = tpu.memref_slice %arg9[%dma_start3A, %dma_start3A_161] : memref<20x80xi32, #tpu.memory_space<vmem>> -> memref<1x80xi32, #tpu.memory_space<vmem>>
        %dma_start3A_163 = tpu.memref_squeeze %dma_start3A_162 : memref<1x80xi32, #tpu.memory_space<vmem>> -> memref<80xi32, #tpu.memory_space<vmem>>
        %dma_start3A_164 = arith.constant 0 : i32
        %dma_start3A_165 = arith.constant 0 : i32
        %dma_start3A_166 = tpu.memref_slice %arg4[%dma_start3A_164, %dma_start3A_165] : memref<153600x128xf32, #tpu.memory_space<hbm>> -> memref<153600x128xf32, #tpu.memory_space<hbm>>
        %dma_start3A_167 = tpu.memref_slice %arg13[%dma_start3A_156] : memref<4x!tpu.dma_semaphore, #tpu.memory_space<semaphore_mem>> -> memref<1x!tpu.dma_semaphore, #tpu.memory_space<semaphore_mem>>
        %dma_start3A_168 = tpu.memref_squeeze %dma_start3A_167 : memref<1x!tpu.dma_semaphore, #tpu.memory_space<semaphore_mem>> -> memref<!tpu.dma_semaphore, #tpu.memory_space<semaphore_mem>>
        tpu.enqueue_indirect_dma source(%dma_start3A_166 : memref<153600x128xf32, #tpu.memory_space<hbm>>) target(%dma_start3A_160 : memref<80x128xf32, #tpu.memory_space<vmem>>) offsets(%dma_start3A_163 : memref<80xi32, #tpu.memory_space<vmem>>) semaphore(%dma_start3A_168 : memref<!tpu.dma_semaphore, #tpu.memory_space<semaphore_mem>>)
        %gt3A = arith.constant 1 : i32
        %gt3A_169 = arith.cmpi sgt, %min3A_148, %gt3A : i32
        %convert_element_type3A = arith.extui %gt3A_169 : i1 to i32
        %cond3A = arith.constant 0 : i32
        %cond3A_170 = arith.cmpi ne, %convert_element_type3A, %cond3A : i32
        scf.if %cond3A_170 {
          %dma_start3A_235 = arith.constant 1 : i32
          %dma_start3A_236 = arith.constant 1 : i32
          %dma_start3A_237 = arith.constant 1 : i32
          %dma_start3A_238 = arith.constant 0 : i32
          %dma_start3A_239 = arith.constant 0 : i32
          %dma_start3A_240 = tpu.memref_slice %arg11[%dma_start3A_236, %dma_start3A_238, %dma_start3A_239] : memref<4x80x128xf32, #tpu.memory_space<vmem>> -> memref<1x80x128xf32, #tpu.memory_space<vmem>>
          %dma_start3A_241 = tpu.memref_squeeze %dma_start3A_240 : memref<1x80x128xf32, #tpu.memory_space<vmem>> -> memref<80x128xf32, #tpu.memory_space<vmem>>
          %dma_start3A_242 = arith.constant 0 : i32
          %dma_start3A_243 = tpu.memref_slice %arg9[%dma_start3A_235, %dma_start3A_242] : memref<20x80xi32, #tpu.memory_space<vmem>> -> memref<1x80xi32, #tpu.memory_space<vmem>>
          %dma_start3A_244 = tpu.memref_squeeze %dma_start3A_243 : memref<1x80xi32, #tpu.memory_space<vmem>> -> memref<80xi32, #tpu.memory_space<vmem>>
          %dma_start3A_245 = arith.constant 0 : i32
          %dma_start3A_246 = arith.constant 0 : i32
          %dma_start3A_247 = tpu.memref_slice %arg4[%dma_start3A_245, %dma_start3A_246] : memref<153600x128xf32, #tpu.memory_space<hbm>> -> memref<153600x128xf32, #tpu.memory_space<hbm>>
          %dma_start3A_248 = tpu.memref_slice %arg13[%dma_start3A_237] : memref<4x!tpu.dma_semaphore, #tpu.memory_space<semaphore_mem>> -> memref<1x!tpu.dma_semaphore, #tpu.memory_space<semaphore_mem>>
          %dma_start3A_249 = tpu.memref_squeeze %dma_start3A_248 : memref<1x!tpu.dma_semaphore, #tpu.memory_space<semaphore_mem>> -> memref<!tpu.dma_semaphore, #tpu.memory_space<semaphore_mem>>
          tpu.enqueue_indirect_dma source(%dma_start3A_247 : memref<153600x128xf32, #tpu.memory_space<hbm>>) target(%dma_start3A_241 : memref<80x128xf32, #tpu.memory_space<vmem>>) offsets(%dma_start3A_244 : memref<80xi32, #tpu.memory_space<vmem>>) semaphore(%dma_start3A_249 : memref<!tpu.dma_semaphore, #tpu.memory_space<semaphore_mem>>)
        } else {
        }
        %gt3A_171 = arith.constant 2 : i32
        %gt3A_172 = arith.cmpi sgt, %min3A_148, %gt3A_171 : i32
        %convert_element_type3A_173 = arith.extui %gt3A_172 : i1 to i32
        %cond3A_174 = arith.constant 0 : i32
        %cond3A_175 = arith.cmpi ne, %convert_element_type3A_173, %cond3A_174 : i32
        scf.if %cond3A_175 {
          %dma_start3A_235 = arith.constant 2 : i32
          %dma_start3A_236 = arith.constant 2 : i32
          %dma_start3A_237 = arith.constant 2 : i32
          %dma_start3A_238 = arith.constant 0 : i32
          %dma_start3A_239 = arith.constant 0 : i32
          %dma_start3A_240 = tpu.memref_slice %arg11[%dma_start3A_236, %dma_start3A_238, %dma_start3A_239] : memref<4x80x128xf32, #tpu.memory_space<vmem>> -> memref<1x80x128xf32, #tpu.memory_space<vmem>>
          %dma_start3A_241 = tpu.memref_squeeze %dma_start3A_240 : memref<1x80x128xf32, #tpu.memory_space<vmem>> -> memref<80x128xf32, #tpu.memory_space<vmem>>
          %dma_start3A_242 = arith.constant 0 : i32
          %dma_start3A_243 = tpu.memref_slice %arg9[%dma_start3A_235, %dma_start3A_242] : memref<20x80xi32, #tpu.memory_space<vmem>> -> memref<1x80xi32, #tpu.memory_space<vmem>>
          %dma_start3A_244 = tpu.memref_squeeze %dma_start3A_243 : memref<1x80xi32, #tpu.memory_space<vmem>> -> memref<80xi32, #tpu.memory_space<vmem>>
          %dma_start3A_245 = arith.constant 0 : i32
          %dma_start3A_246 = arith.constant 0 : i32
          %dma_start3A_247 = tpu.memref_slice %arg4[%dma_start3A_245, %dma_start3A_246] : memref<153600x128xf32, #tpu.memory_space<hbm>> -> memref<153600x128xf32, #tpu.memory_space<hbm>>
          %dma_start3A_248 = tpu.memref_slice %arg13[%dma_start3A_237] : memref<4x!tpu.dma_semaphore, #tpu.memory_space<semaphore_mem>> -> memref<1x!tpu.dma_semaphore, #tpu.memory_space<semaphore_mem>>
          %dma_start3A_249 = tpu.memref_squeeze %dma_start3A_248 : memref<1x!tpu.dma_semaphore, #tpu.memory_space<semaphore_mem>> -> memref<!tpu.dma_semaphore, #tpu.memory_space<semaphore_mem>>
          tpu.enqueue_indirect_dma source(%dma_start3A_247 : memref<153600x128xf32, #tpu.memory_space<hbm>>) target(%dma_start3A_241 : memref<80x128xf32, #tpu.memory_space<vmem>>) offsets(%dma_start3A_244 : memref<80xi32, #tpu.memory_space<vmem>>) semaphore(%dma_start3A_249 : memref<!tpu.dma_semaphore, #tpu.memory_space<semaphore_mem>>)
        } else {
        }
        %while3A_176 = arith.constant 0 : i32
        %while3A_177 = arith.constant 0 : i32
        %while3A_178 = arith.subi %min3A_148, %while3A_177 : i32
        %while3A_179 = arith.addi %while3A_177, %while3A_178 : i32
        %while3A_180 = arith.constant 1 : i32
        %while3A_181 = arith.divsi %while3A_178, %while3A_180 : i32
        %while3A_182 = arith.muli %while3A_181, %while3A_180 : i32
        %while3A_183 = arith.addi %while3A_177, %while3A_182 : i32
        %while3A_184 = arith.constant 1 : i32
        scf.for %while3A_235 = %while3A_177 to %while3A_183 step %while3A_184  : i32 {
          %jit3A_236 = arith.constant 4 : i32
          %eq3A_237 = arith.constant 0 : i32
          %eq3A_238 = arith.cmpi eq, %jit3A_236, %eq3A_237 : i32
          %jit3A_239 = arith.constant 1 : i32
          %select_n3A_240 = arith.select %eq3A_238, %jit3A_239, %jit3A_236 : i32
          %rem3A_241 = arith.remsi %while3A_235, %select_n3A_240 : i32
          %ne3A_242 = arith.constant 0 : i32
          %ne3A_243 = arith.cmpi ne, %rem3A_241, %ne3A_242 : i32
          %lt3A_244 = arith.constant 0 : i32
          %lt3A_245 = arith.cmpi slt, %rem3A_241, %lt3A_244 : i32
          %lt3A_246 = arith.constant 0 : i32
          %lt3A_247 = arith.cmpi slt, %select_n3A_240, %lt3A_246 : i32
          %ne3A_248 = arith.xori %lt3A_245, %lt3A_247 : i1
          %and3A_249 = arith.andi %ne3A_248, %ne3A_243 : i1
          %add3A_250 = arith.addi %rem3A_241, %select_n3A_240 : i32
          %select_n3A_251 = arith.select %and3A_249, %add3A_250, %rem3A_241 : i32
          %jit3A_252 = arith.constant 2 : i32
          %eq3A_253 = arith.constant 0 : i32
          %eq3A_254 = arith.cmpi eq, %jit3A_252, %eq3A_253 : i32
          %jit3A_255 = arith.constant 1 : i32
          %select_n3A_256 = arith.select %eq3A_254, %jit3A_255, %jit3A_252 : i32
          %rem3A_257 = arith.remsi %while3A_235, %select_n3A_256 : i32
          %ne3A_258 = arith.constant 0 : i32
          %ne3A_259 = arith.cmpi ne, %rem3A_257, %ne3A_258 : i32
          %lt3A_260 = arith.constant 0 : i32
          %lt3A_261 = arith.cmpi slt, %rem3A_257, %lt3A_260 : i32
          %lt3A_262 = arith.constant 0 : i32
          %lt3A_263 = arith.cmpi slt, %select_n3A_256, %lt3A_262 : i32
          %ne3A_264 = arith.xori %lt3A_261, %lt3A_263 : i1
          %and3A_265 = arith.andi %ne3A_264, %ne3A_259 : i1
          %add3A_266 = arith.addi %rem3A_257, %select_n3A_256 : i32
          %select_n3A_267 = arith.select %and3A_265, %add3A_266, %rem3A_257 : i32
          %dma_wait3A_268 = arith.constant 0 : i32
          %dma_wait3A_269 = arith.constant 0 : i32
          %dma_wait3A_270 = tpu.memref_slice %arg11[%select_n3A_251, %dma_wait3A_268, %dma_wait3A_269] : memref<4x80x128xf32, #tpu.memory_space<vmem>> -> memref<1x80x128xf32, #tpu.memory_space<vmem>>
          %dma_wait3A_271 = tpu.memref_squeeze %dma_wait3A_270 : memref<1x80x128xf32, #tpu.memory_space<vmem>> -> memref<80x128xf32, #tpu.memory_space<vmem>>
          %dma_wait3A_272 = arith.constant 0 : i32
          %dma_wait3A_273 = tpu.memref_slice %arg9[%while3A_235, %dma_wait3A_272] : memref<20x80xi32, #tpu.memory_space<vmem>> -> memref<1x80xi32, #tpu.memory_space<vmem>>
          %dma_wait3A_274 = tpu.memref_squeeze %dma_wait3A_273 : memref<1x80xi32, #tpu.memory_space<vmem>> -> memref<80xi32, #tpu.memory_space<vmem>>
          %dma_wait3A_275 = arith.constant 0 : i32
          %dma_wait3A_276 = arith.constant 0 : i32
          %dma_wait3A_277 = tpu.memref_slice %arg4[%dma_wait3A_275, %dma_wait3A_276] : memref<153600x128xf32, #tpu.memory_space<hbm>> -> memref<153600x128xf32, #tpu.memory_space<hbm>>
          %dma_wait3A_278 = tpu.memref_slice %arg13[%select_n3A_251] : memref<4x!tpu.dma_semaphore, #tpu.memory_space<semaphore_mem>> -> memref<1x!tpu.dma_semaphore, #tpu.memory_space<semaphore_mem>>
          %dma_wait3A_279 = tpu.memref_squeeze %dma_wait3A_278 : memref<1x!tpu.dma_semaphore, #tpu.memory_space<semaphore_mem>> -> memref<!tpu.dma_semaphore, #tpu.memory_space<semaphore_mem>>
          tpu.wait_indirect_dma semaphore(%dma_wait3A_279 : memref<!tpu.dma_semaphore, #tpu.memory_space<semaphore_mem>>) src(%dma_wait3A_277 : memref<153600x128xf32, #tpu.memory_space<hbm>>) dst(%dma_wait3A_271 : memref<80x128xf32, #tpu.memory_space<vmem>>)
          %dma_start3A_280 = arith.constant 0 : i32
          %dma_start3A_281 = arith.constant 0 : i32
          %dma_start3A_282 = tpu.memref_slice %arg11[%select_n3A_251, %dma_start3A_280, %dma_start3A_281] : memref<4x80x128xf32, #tpu.memory_space<vmem>> -> memref<1x80x128xf32, #tpu.memory_space<vmem>>
          %dma_start3A_283 = tpu.memref_squeeze %dma_start3A_282 : memref<1x80x128xf32, #tpu.memory_space<vmem>> -> memref<80x128xf32, #tpu.memory_space<vmem>>
          %dma_start3A_284 = arith.constant 0 : i32
          %dma_start3A_285 = tpu.memref_slice %arg10[%while3A_235, %dma_start3A_284] : memref<20x80xi32, #tpu.memory_space<vmem>> -> memref<1x80xi32, #tpu.memory_space<vmem>>
          %dma_start3A_286 = tpu.memref_squeeze %dma_start3A_285 : memref<1x80xi32, #tpu.memory_space<vmem>> -> memref<80xi32, #tpu.memory_space<vmem>>
          %dma_start3A_287 = arith.constant 0 : i32
          %dma_start3A_288 = arith.constant 0 : i32
          %dma_start3A_289 = tpu.memref_slice %arg8[%dma_start3A_287, %dma_start3A_288] : memref<6528x128xf32, #tpu.memory_space<vmem_shared>> -> memref<6528x128xf32, #tpu.memory_space<vmem_shared>>
          %dma_start3A_290 = tpu.memref_slice %arg14[%select_n3A_267] : memref<2x!tpu.dma_semaphore, #tpu.memory_space<semaphore_mem>> -> memref<1x!tpu.dma_semaphore, #tpu.memory_space<semaphore_mem>>
          %dma_start3A_291 = tpu.memref_squeeze %dma_start3A_290 : memref<1x!tpu.dma_semaphore, #tpu.memory_space<semaphore_mem>> -> memref<!tpu.dma_semaphore, #tpu.memory_space<semaphore_mem>>
          tpu.enqueue_indirect_dma source(%dma_start3A_283 : memref<80x128xf32, #tpu.memory_space<vmem>>) target(%dma_start3A_289 : memref<6528x128xf32, #tpu.memory_space<vmem_shared>>) offsets(%dma_start3A_286 : memref<80xi32, #tpu.memory_space<vmem>>) semaphore(%dma_start3A_291 : memref<!tpu.dma_semaphore, #tpu.memory_space<semaphore_mem>>) {add = true}
          %ge3A = arith.constant 1 : i32
          %ge3A_292 = arith.cmpi sge, %while3A_235, %ge3A : i32
          %convert_element_type3A_293 = arith.extui %ge3A_292 : i1 to i32
          %cond3A_294 = arith.constant 0 : i32
          %cond3A_295 = arith.cmpi ne, %convert_element_type3A_293, %cond3A_294 : i32
          scf.if %cond3A_295 {
            %sub3A_302 = arith.constant 1 : i32
            %sub3A_303 = arith.subi %while3A_235, %sub3A_302 : i32
            %jit3A_304 = arith.constant 4 : i32
            %eq3A_305 = arith.constant 0 : i32
            %eq3A_306 = arith.cmpi eq, %jit3A_304, %eq3A_305 : i32
            %jit3A_307 = arith.constant 1 : i32
            %select_n3A_308 = arith.select %eq3A_306, %jit3A_307, %jit3A_304 : i32
            %rem3A_309 = arith.remsi %sub3A_303, %select_n3A_308 : i32
            %ne3A_310 = arith.constant 0 : i32
            %ne3A_311 = arith.cmpi ne, %rem3A_309, %ne3A_310 : i32
            %lt3A_312 = arith.constant 0 : i32
            %lt3A_313 = arith.cmpi slt, %rem3A_309, %lt3A_312 : i32
            %lt3A_314 = arith.constant 0 : i32
            %lt3A_315 = arith.cmpi slt, %select_n3A_308, %lt3A_314 : i32
            %ne3A_316 = arith.xori %lt3A_313, %lt3A_315 : i1
            %and3A_317 = arith.andi %ne3A_316, %ne3A_311 : i1
            %add3A_318 = arith.addi %rem3A_309, %select_n3A_308 : i32
            %select_n3A_319 = arith.select %and3A_317, %add3A_318, %rem3A_309 : i32
            %sub3A_320 = arith.constant 1 : i32
            %sub3A_321 = arith.subi %while3A_235, %sub3A_320 : i32
            %sub3A_322 = arith.constant 1 : i32
            %sub3A_323 = arith.subi %sub3A_322, %select_n3A_267 : i32
            %dma_wait3A_324 = arith.constant 0 : i32
            %dma_wait3A_325 = arith.constant 0 : i32
            %dma_wait3A_326 = tpu.memref_slice %arg11[%select_n3A_319, %dma_wait3A_324, %dma_wait3A_325] : memref<4x80x128xf32, #tpu.memory_space<vmem>> -> memref<1x80x128xf32, #tpu.memory_space<vmem>>
            %dma_wait3A_327 = tpu.memref_squeeze %dma_wait3A_326 : memref<1x80x128xf32, #tpu.memory_space<vmem>> -> memref<80x128xf32, #tpu.memory_space<vmem>>
            %dma_wait3A_328 = arith.constant 0 : i32
            %dma_wait3A_329 = tpu.memref_slice %arg10[%sub3A_321, %dma_wait3A_328] : memref<20x80xi32, #tpu.memory_space<vmem>> -> memref<1x80xi32, #tpu.memory_space<vmem>>
            %dma_wait3A_330 = tpu.memref_squeeze %dma_wait3A_329 : memref<1x80xi32, #tpu.memory_space<vmem>> -> memref<80xi32, #tpu.memory_space<vmem>>
            %dma_wait3A_331 = arith.constant 0 : i32
            %dma_wait3A_332 = arith.constant 0 : i32
            %dma_wait3A_333 = tpu.memref_slice %arg8[%dma_wait3A_331, %dma_wait3A_332] : memref<6528x128xf32, #tpu.memory_space<vmem_shared>> -> memref<6528x128xf32, #tpu.memory_space<vmem_shared>>
            %dma_wait3A_334 = tpu.memref_slice %arg14[%sub3A_323] : memref<2x!tpu.dma_semaphore, #tpu.memory_space<semaphore_mem>> -> memref<1x!tpu.dma_semaphore, #tpu.memory_space<semaphore_mem>>
            %dma_wait3A_335 = tpu.memref_squeeze %dma_wait3A_334 : memref<1x!tpu.dma_semaphore, #tpu.memory_space<semaphore_mem>> -> memref<!tpu.dma_semaphore, #tpu.memory_space<semaphore_mem>>
            tpu.wait_indirect_dma semaphore(%dma_wait3A_335 : memref<!tpu.dma_semaphore, #tpu.memory_space<semaphore_mem>>) src(%dma_wait3A_327 : memref<80x128xf32, #tpu.memory_space<vmem>>) dst(%dma_wait3A_333 : memref<6528x128xf32, #tpu.memory_space<vmem_shared>>)
          } else {
          }
          %add3A_296 = arith.constant 3 : i32
          %add3A_297 = arith.addi %while3A_235, %add3A_296 : i32
          %lt3A_298 = arith.cmpi slt, %add3A_297, %min3A_148 : i32
          %convert_element_type3A_299 = arith.extui %lt3A_298 : i1 to i32
          %cond3A_300 = arith.constant 0 : i32
          %cond3A_301 = arith.cmpi ne, %convert_element_type3A_299, %cond3A_300 : i32
          scf.if %cond3A_301 {
            %add3A_302 = arith.constant 3 : i32
            %add3A_303 = arith.addi %while3A_235, %add3A_302 : i32
            %add3A_304 = arith.constant 3 : i32
            %add3A_305 = arith.addi %while3A_235, %add3A_304 : i32
            %jit3A_306 = arith.constant 4 : i32
            %eq3A_307 = arith.constant 0 : i32
            %eq3A_308 = arith.cmpi eq, %jit3A_306, %eq3A_307 : i32
            %jit3A_309 = arith.constant 1 : i32
            %select_n3A_310 = arith.select %eq3A_308, %jit3A_309, %jit3A_306 : i32
            %rem3A_311 = arith.remsi %add3A_305, %select_n3A_310 : i32
            %ne3A_312 = arith.constant 0 : i32
            %ne3A_313 = arith.cmpi ne, %rem3A_311, %ne3A_312 : i32
            %lt3A_314 = arith.constant 0 : i32
            %lt3A_315 = arith.cmpi slt, %rem3A_311, %lt3A_314 : i32
            %lt3A_316 = arith.constant 0 : i32
            %lt3A_317 = arith.cmpi slt, %select_n3A_310, %lt3A_316 : i32
            %ne3A_318 = arith.xori %lt3A_315, %lt3A_317 : i1
            %and3A_319 = arith.andi %ne3A_318, %ne3A_313 : i1
            %add3A_320 = arith.addi %rem3A_311, %select_n3A_310 : i32
            %select_n3A_321 = arith.select %and3A_319, %add3A_320, %rem3A_311 : i32
            %add3A_322 = arith.constant 3 : i32
            %add3A_323 = arith.addi %while3A_235, %add3A_322 : i32
            %jit3A_324 = arith.constant 4 : i32
            %eq3A_325 = arith.constant 0 : i32
            %eq3A_326 = arith.cmpi eq, %jit3A_324, %eq3A_325 : i32
            %jit3A_327 = arith.constant 1 : i32
            %select_n3A_328 = arith.select %eq3A_326, %jit3A_327, %jit3A_324 : i32
            %rem3A_329 = arith.remsi %add3A_323, %select_n3A_328 : i32
            %ne3A_330 = arith.constant 0 : i32
            %ne3A_331 = arith.cmpi ne, %rem3A_329, %ne3A_330 : i32
            %lt3A_332 = arith.constant 0 : i32
            %lt3A_333 = arith.cmpi slt, %rem3A_329, %lt3A_332 : i32
            %lt3A_334 = arith.constant 0 : i32
            %lt3A_335 = arith.cmpi slt, %select_n3A_328, %lt3A_334 : i32
            %ne3A_336 = arith.xori %lt3A_333, %lt3A_335 : i1
            %and3A_337 = arith.andi %ne3A_336, %ne3A_331 : i1
            %add3A_338 = arith.addi %rem3A_329, %select_n3A_328 : i32
            %select_n3A_339 = arith.select %and3A_337, %add3A_338, %rem3A_329 : i32
            %dma_start3A_340 = arith.constant 0 : i32
            %dma_start3A_341 = arith.constant 0 : i32
            %dma_start3A_342 = tpu.memref_slice %arg11[%select_n3A_321, %dma_start3A_340, %dma_start3A_341] : memref<4x80x128xf32, #tpu.memory_space<vmem>> -> memref<1x80x128xf32, #tpu.memory_space<vmem>>
            %dma_start3A_343 = tpu.memref_squeeze %dma_start3A_342 : memref<1x80x128xf32, #tpu.memory_space<vmem>> -> memref<80x128xf32, #tpu.memory_space<vmem>>
            %dma_start3A_344 = arith.constant 0 : i32
            %dma_start3A_345 = tpu.memref_slice %arg9[%add3A_303, %dma_start3A_344] : memref<20x80xi32, #tpu.memory_space<vmem>> -> memref<1x80xi32, #tpu.memory_space<vmem>>
            %dma_start3A_346 = tpu.memref_squeeze %dma_start3A_345 : memref<1x80xi32, #tpu.memory_space<vmem>> -> memref<80xi32, #tpu.memory_space<vmem>>
            %dma_start3A_347 = arith.constant 0 : i32
            %dma_start3A_348 = arith.constant 0 : i32
            %dma_start3A_349 = tpu.memref_slice %arg4[%dma_start3A_347, %dma_start3A_348] : memref<153600x128xf32, #tpu.memory_space<hbm>> -> memref<153600x128xf32, #tpu.memory_space<hbm>>
            %dma_start3A_350 = tpu.memref_slice %arg13[%select_n3A_339] : memref<4x!tpu.dma_semaphore, #tpu.memory_space<semaphore_mem>> -> memref<1x!tpu.dma_semaphore, #tpu.memory_space<semaphore_mem>>
            %dma_start3A_351 = tpu.memref_squeeze %dma_start3A_350 : memref<1x!tpu.dma_semaphore, #tpu.memory_space<semaphore_mem>> -> memref<!tpu.dma_semaphore, #tpu.memory_space<semaphore_mem>>
            tpu.enqueue_indirect_dma source(%dma_start3A_349 : memref<153600x128xf32, #tpu.memory_space<hbm>>) target(%dma_start3A_343 : memref<80x128xf32, #tpu.memory_space<vmem>>) offsets(%dma_start3A_346 : memref<80xi32, #tpu.memory_space<vmem>>) semaphore(%dma_start3A_351 : memref<!tpu.dma_semaphore, #tpu.memory_space<semaphore_mem>>)
          } else {
          }
        }
        %while3A_185 = arith.constant 1 : i32
        scf.for %while3A_235 = %while3A_183 to %while3A_179 step %while3A_185  : i32 {
          %jit3A_236 = arith.constant 4 : i32
          %eq3A_237 = arith.constant 0 : i32
          %eq3A_238 = arith.cmpi eq, %jit3A_236, %eq3A_237 : i32
          %jit3A_239 = arith.constant 1 : i32
          %select_n3A_240 = arith.select %eq3A_238, %jit3A_239, %jit3A_236 : i32
          %rem3A_241 = arith.remsi %while3A_235, %select_n3A_240 : i32
          %ne3A_242 = arith.constant 0 : i32
          %ne3A_243 = arith.cmpi ne, %rem3A_241, %ne3A_242 : i32
          %lt3A_244 = arith.constant 0 : i32
          %lt3A_245 = arith.cmpi slt, %rem3A_241, %lt3A_244 : i32
          %lt3A_246 = arith.constant 0 : i32
          %lt3A_247 = arith.cmpi slt, %select_n3A_240, %lt3A_246 : i32
          %ne3A_248 = arith.xori %lt3A_245, %lt3A_247 : i1
          %and3A_249 = arith.andi %ne3A_248, %ne3A_243 : i1
          %add3A_250 = arith.addi %rem3A_241, %select_n3A_240 : i32
          %select_n3A_251 = arith.select %and3A_249, %add3A_250, %rem3A_241 : i32
          %jit3A_252 = arith.constant 2 : i32
          %eq3A_253 = arith.constant 0 : i32
          %eq3A_254 = arith.cmpi eq, %jit3A_252, %eq3A_253 : i32
          %jit3A_255 = arith.constant 1 : i32
          %select_n3A_256 = arith.select %eq3A_254, %jit3A_255, %jit3A_252 : i32
          %rem3A_257 = arith.remsi %while3A_235, %select_n3A_256 : i32
          %ne3A_258 = arith.constant 0 : i32
          %ne3A_259 = arith.cmpi ne, %rem3A_257, %ne3A_258 : i32
          %lt3A_260 = arith.constant 0 : i32
          %lt3A_261 = arith.cmpi slt, %rem3A_257, %lt3A_260 : i32
          %lt3A_262 = arith.constant 0 : i32
          %lt3A_263 = arith.cmpi slt, %select_n3A_256, %lt3A_262 : i32
          %ne3A_264 = arith.xori %lt3A_261, %lt3A_263 : i1
          %and3A_265 = arith.andi %ne3A_264, %ne3A_259 : i1
          %add3A_266 = arith.addi %rem3A_257, %select_n3A_256 : i32
          %select_n3A_267 = arith.select %and3A_265, %add3A_266, %rem3A_257 : i32
          %dma_wait3A_268 = arith.constant 0 : i32
          %dma_wait3A_269 = arith.constant 0 : i32
          %dma_wait3A_270 = tpu.memref_slice %arg11[%select_n3A_251, %dma_wait3A_268, %dma_wait3A_269] : memref<4x80x128xf32, #tpu.memory_space<vmem>> -> memref<1x80x128xf32, #tpu.memory_space<vmem>>
          %dma_wait3A_271 = tpu.memref_squeeze %dma_wait3A_270 : memref<1x80x128xf32, #tpu.memory_space<vmem>> -> memref<80x128xf32, #tpu.memory_space<vmem>>
          %dma_wait3A_272 = arith.constant 0 : i32
          %dma_wait3A_273 = tpu.memref_slice %arg9[%while3A_235, %dma_wait3A_272] : memref<20x80xi32, #tpu.memory_space<vmem>> -> memref<1x80xi32, #tpu.memory_space<vmem>>
          %dma_wait3A_274 = tpu.memref_squeeze %dma_wait3A_273 : memref<1x80xi32, #tpu.memory_space<vmem>> -> memref<80xi32, #tpu.memory_space<vmem>>
          %dma_wait3A_275 = arith.constant 0 : i32
          %dma_wait3A_276 = arith.constant 0 : i32
          %dma_wait3A_277 = tpu.memref_slice %arg4[%dma_wait3A_275, %dma_wait3A_276] : memref<153600x128xf32, #tpu.memory_space<hbm>> -> memref<153600x128xf32, #tpu.memory_space<hbm>>
          %dma_wait3A_278 = tpu.memref_slice %arg13[%select_n3A_251] : memref<4x!tpu.dma_semaphore, #tpu.memory_space<semaphore_mem>> -> memref<1x!tpu.dma_semaphore, #tpu.memory_space<semaphore_mem>>
          %dma_wait3A_279 = tpu.memref_squeeze %dma_wait3A_278 : memref<1x!tpu.dma_semaphore, #tpu.memory_space<semaphore_mem>> -> memref<!tpu.dma_semaphore, #tpu.memory_space<semaphore_mem>>
          tpu.wait_indirect_dma semaphore(%dma_wait3A_279 : memref<!tpu.dma_semaphore, #tpu.memory_space<semaphore_mem>>) src(%dma_wait3A_277 : memref<153600x128xf32, #tpu.memory_space<hbm>>) dst(%dma_wait3A_271 : memref<80x128xf32, #tpu.memory_space<vmem>>)
          %dma_start3A_280 = arith.constant 0 : i32
          %dma_start3A_281 = arith.constant 0 : i32
          %dma_start3A_282 = tpu.memref_slice %arg11[%select_n3A_251, %dma_start3A_280, %dma_start3A_281] : memref<4x80x128xf32, #tpu.memory_space<vmem>> -> memref<1x80x128xf32, #tpu.memory_space<vmem>>
          %dma_start3A_283 = tpu.memref_squeeze %dma_start3A_282 : memref<1x80x128xf32, #tpu.memory_space<vmem>> -> memref<80x128xf32, #tpu.memory_space<vmem>>
          %dma_start3A_284 = arith.constant 0 : i32
          %dma_start3A_285 = tpu.memref_slice %arg10[%while3A_235, %dma_start3A_284] : memref<20x80xi32, #tpu.memory_space<vmem>> -> memref<1x80xi32, #tpu.memory_space<vmem>>
          %dma_start3A_286 = tpu.memref_squeeze %dma_start3A_285 : memref<1x80xi32, #tpu.memory_space<vmem>> -> memref<80xi32, #tpu.memory_space<vmem>>
          %dma_start3A_287 = arith.constant 0 : i32
          %dma_start3A_288 = arith.constant 0 : i32
          %dma_start3A_289 = tpu.memref_slice %arg8[%dma_start3A_287, %dma_start3A_288] : memref<6528x128xf32, #tpu.memory_space<vmem_shared>> -> memref<6528x128xf32, #tpu.memory_space<vmem_shared>>
          %dma_start3A_290 = tpu.memref_slice %arg14[%select_n3A_267] : memref<2x!tpu.dma_semaphore, #tpu.memory_space<semaphore_mem>> -> memref<1x!tpu.dma_semaphore, #tpu.memory_space<semaphore_mem>>
          %dma_start3A_291 = tpu.memref_squeeze %dma_start3A_290 : memref<1x!tpu.dma_semaphore, #tpu.memory_space<semaphore_mem>> -> memref<!tpu.dma_semaphore, #tpu.memory_space<semaphore_mem>>
          tpu.enqueue_indirect_dma source(%dma_start3A_283 : memref<80x128xf32, #tpu.memory_space<vmem>>) target(%dma_start3A_289 : memref<6528x128xf32, #tpu.memory_space<vmem_shared>>) offsets(%dma_start3A_286 : memref<80xi32, #tpu.memory_space<vmem>>) semaphore(%dma_start3A_291 : memref<!tpu.dma_semaphore, #tpu.memory_space<semaphore_mem>>) {add = true}
          %ge3A = arith.constant 1 : i32
          %ge3A_292 = arith.cmpi sge, %while3A_235, %ge3A : i32
          %convert_element_type3A_293 = arith.extui %ge3A_292 : i1 to i32
          %cond3A_294 = arith.constant 0 : i32
          %cond3A_295 = arith.cmpi ne, %convert_element_type3A_293, %cond3A_294 : i32
          scf.if %cond3A_295 {
            %sub3A_302 = arith.constant 1 : i32
            %sub3A_303 = arith.subi %while3A_235, %sub3A_302 : i32
            %jit3A_304 = arith.constant 4 : i32
            %eq3A_305 = arith.constant 0 : i32
            %eq3A_306 = arith.cmpi eq, %jit3A_304, %eq3A_305 : i32
            %jit3A_307 = arith.constant 1 : i32
            %select_n3A_308 = arith.select %eq3A_306, %jit3A_307, %jit3A_304 : i32
            %rem3A_309 = arith.remsi %sub3A_303, %select_n3A_308 : i32
            %ne3A_310 = arith.constant 0 : i32
            %ne3A_311 = arith.cmpi ne, %rem3A_309, %ne3A_310 : i32
            %lt3A_312 = arith.constant 0 : i32
            %lt3A_313 = arith.cmpi slt, %rem3A_309, %lt3A_312 : i32
            %lt3A_314 = arith.constant 0 : i32
            %lt3A_315 = arith.cmpi slt, %select_n3A_308, %lt3A_314 : i32
            %ne3A_316 = arith.xori %lt3A_313, %lt3A_315 : i1
            %and3A_317 = arith.andi %ne3A_316, %ne3A_311 : i1
            %add3A_318 = arith.addi %rem3A_309, %select_n3A_308 : i32
            %select_n3A_319 = arith.select %and3A_317, %add3A_318, %rem3A_309 : i32
            %sub3A_320 = arith.constant 1 : i32
            %sub3A_321 = arith.subi %while3A_235, %sub3A_320 : i32
            %sub3A_322 = arith.constant 1 : i32
            %sub3A_323 = arith.subi %sub3A_322, %select_n3A_267 : i32
            %dma_wait3A_324 = arith.constant 0 : i32
            %dma_wait3A_325 = arith.constant 0 : i32
            %dma_wait3A_326 = tpu.memref_slice %arg11[%select_n3A_319, %dma_wait3A_324, %dma_wait3A_325] : memref<4x80x128xf32, #tpu.memory_space<vmem>> -> memref<1x80x128xf32, #tpu.memory_space<vmem>>
            %dma_wait3A_327 = tpu.memref_squeeze %dma_wait3A_326 : memref<1x80x128xf32, #tpu.memory_space<vmem>> -> memref<80x128xf32, #tpu.memory_space<vmem>>
            %dma_wait3A_328 = arith.constant 0 : i32
            %dma_wait3A_329 = tpu.memref_slice %arg10[%sub3A_321, %dma_wait3A_328] : memref<20x80xi32, #tpu.memory_space<vmem>> -> memref<1x80xi32, #tpu.memory_space<vmem>>
            %dma_wait3A_330 = tpu.memref_squeeze %dma_wait3A_329 : memref<1x80xi32, #tpu.memory_space<vmem>> -> memref<80xi32, #tpu.memory_space<vmem>>
            %dma_wait3A_331 = arith.constant 0 : i32
            %dma_wait3A_332 = arith.constant 0 : i32
            %dma_wait3A_333 = tpu.memref_slice %arg8[%dma_wait3A_331, %dma_wait3A_332] : memref<6528x128xf32, #tpu.memory_space<vmem_shared>> -> memref<6528x128xf32, #tpu.memory_space<vmem_shared>>
            %dma_wait3A_334 = tpu.memref_slice %arg14[%sub3A_323] : memref<2x!tpu.dma_semaphore, #tpu.memory_space<semaphore_mem>> -> memref<1x!tpu.dma_semaphore, #tpu.memory_space<semaphore_mem>>
            %dma_wait3A_335 = tpu.memref_squeeze %dma_wait3A_334 : memref<1x!tpu.dma_semaphore, #tpu.memory_space<semaphore_mem>> -> memref<!tpu.dma_semaphore, #tpu.memory_space<semaphore_mem>>
            tpu.wait_indirect_dma semaphore(%dma_wait3A_335 : memref<!tpu.dma_semaphore, #tpu.memory_space<semaphore_mem>>) src(%dma_wait3A_327 : memref<80x128xf32, #tpu.memory_space<vmem>>) dst(%dma_wait3A_333 : memref<6528x128xf32, #tpu.memory_space<vmem_shared>>)
          } else {
          }
          %add3A_296 = arith.constant 3 : i32
          %add3A_297 = arith.addi %while3A_235, %add3A_296 : i32
          %lt3A_298 = arith.cmpi slt, %add3A_297, %min3A_148 : i32
          %convert_element_type3A_299 = arith.extui %lt3A_298 : i1 to i32
          %cond3A_300 = arith.constant 0 : i32
          %cond3A_301 = arith.cmpi ne, %convert_element_type3A_299, %cond3A_300 : i32
          scf.if %cond3A_301 {
            %add3A_302 = arith.constant 3 : i32
            %add3A_303 = arith.addi %while3A_235, %add3A_302 : i32
            %add3A_304 = arith.constant 3 : i32
            %add3A_305 = arith.addi %while3A_235, %add3A_304 : i32
            %jit3A_306 = arith.constant 4 : i32
            %eq3A_307 = arith.constant 0 : i32
            %eq3A_308 = arith.cmpi eq, %jit3A_306, %eq3A_307 : i32
            %jit3A_309 = arith.constant 1 : i32
            %select_n3A_310 = arith.select %eq3A_308, %jit3A_309, %jit3A_306 : i32
            %rem3A_311 = arith.remsi %add3A_305, %select_n3A_310 : i32
            %ne3A_312 = arith.constant 0 : i32
            %ne3A_313 = arith.cmpi ne, %rem3A_311, %ne3A_312 : i32
            %lt3A_314 = arith.constant 0 : i32
            %lt3A_315 = arith.cmpi slt, %rem3A_311, %lt3A_314 : i32
            %lt3A_316 = arith.constant 0 : i32
            %lt3A_317 = arith.cmpi slt, %select_n3A_310, %lt3A_316 : i32
            %ne3A_318 = arith.xori %lt3A_315, %lt3A_317 : i1
            %and3A_319 = arith.andi %ne3A_318, %ne3A_313 : i1
            %add3A_320 = arith.addi %rem3A_311, %select_n3A_310 : i32
            %select_n3A_321 = arith.select %and3A_319, %add3A_320, %rem3A_311 : i32
            %add3A_322 = arith.constant 3 : i32
            %add3A_323 = arith.addi %while3A_235, %add3A_322 : i32
            %jit3A_324 = arith.constant 4 : i32
            %eq3A_325 = arith.constant 0 : i32
            %eq3A_326 = arith.cmpi eq, %jit3A_324, %eq3A_325 : i32
            %jit3A_327 = arith.constant 1 : i32
            %select_n3A_328 = arith.select %eq3A_326, %jit3A_327, %jit3A_324 : i32
            %rem3A_329 = arith.remsi %add3A_323, %select_n3A_328 : i32
            %ne3A_330 = arith.constant 0 : i32
            %ne3A_331 = arith.cmpi ne, %rem3A_329, %ne3A_330 : i32
            %lt3A_332 = arith.constant 0 : i32
            %lt3A_333 = arith.cmpi slt, %rem3A_329, %lt3A_332 : i32
            %lt3A_334 = arith.constant 0 : i32
            %lt3A_335 = arith.cmpi slt, %select_n3A_328, %lt3A_334 : i32
            %ne3A_336 = arith.xori %lt3A_333, %lt3A_335 : i1
            %and3A_337 = arith.andi %ne3A_336, %ne3A_331 : i1
            %add3A_338 = arith.addi %rem3A_329, %select_n3A_328 : i32
            %select_n3A_339 = arith.select %and3A_337, %add3A_338, %rem3A_329 : i32
            %dma_start3A_340 = arith.constant 0 : i32
            %dma_start3A_341 = arith.constant 0 : i32
            %dma_start3A_342 = tpu.memref_slice %arg11[%select_n3A_321, %dma_start3A_340, %dma_start3A_341] : memref<4x80x128xf32, #tpu.memory_space<vmem>> -> memref<1x80x128xf32, #tpu.memory_space<vmem>>
            %dma_start3A_343 = tpu.memref_squeeze %dma_start3A_342 : memref<1x80x128xf32, #tpu.memory_space<vmem>> -> memref<80x128xf32, #tpu.memory_space<vmem>>
            %dma_start3A_344 = arith.constant 0 : i32
            %dma_start3A_345 = tpu.memref_slice %arg9[%add3A_303, %dma_start3A_344] : memref<20x80xi32, #tpu.memory_space<vmem>> -> memref<1x80xi32, #tpu.memory_space<vmem>>
            %dma_start3A_346 = tpu.memref_squeeze %dma_start3A_345 : memref<1x80xi32, #tpu.memory_space<vmem>> -> memref<80xi32, #tpu.memory_space<vmem>>
            %dma_start3A_347 = arith.constant 0 : i32
            %dma_start3A_348 = arith.constant 0 : i32
            %dma_start3A_349 = tpu.memref_slice %arg4[%dma_start3A_347, %dma_start3A_348] : memref<153600x128xf32, #tpu.memory_space<hbm>> -> memref<153600x128xf32, #tpu.memory_space<hbm>>
            %dma_start3A_350 = tpu.memref_slice %arg13[%select_n3A_339] : memref<4x!tpu.dma_semaphore, #tpu.memory_space<semaphore_mem>> -> memref<1x!tpu.dma_semaphore, #tpu.memory_space<semaphore_mem>>
            %dma_start3A_351 = tpu.memref_squeeze %dma_start3A_350 : memref<1x!tpu.dma_semaphore, #tpu.memory_space<semaphore_mem>> -> memref<!tpu.dma_semaphore, #tpu.memory_space<semaphore_mem>>
            tpu.enqueue_indirect_dma source(%dma_start3A_349 : memref<153600x128xf32, #tpu.memory_space<hbm>>) target(%dma_start3A_343 : memref<80x128xf32, #tpu.memory_space<vmem>>) offsets(%dma_start3A_346 : memref<80xi32, #tpu.memory_space<vmem>>) semaphore(%dma_start3A_351 : memref<!tpu.dma_semaphore, #tpu.memory_space<semaphore_mem>>)
          } else {
          }
        }
        %sub3A_186 = arith.constant 1 : i32
        %sub3A_187 = arith.subi %min3A_148, %sub3A_186 : i32
        %jit3A_188 = arith.constant 4 : i32
        %eq3A_189 = arith.constant 0 : i32
        %eq3A_190 = arith.cmpi eq, %jit3A_188, %eq3A_189 : i32
        %jit3A_191 = arith.constant 1 : i32
        %select_n3A_192 = arith.select %eq3A_190, %jit3A_191, %jit3A_188 : i32
        %rem3A_193 = arith.remsi %sub3A_187, %select_n3A_192 : i32
        %ne3A_194 = arith.constant 0 : i32
        %ne3A_195 = arith.cmpi ne, %rem3A_193, %ne3A_194 : i32
        %lt3A_196 = arith.constant 0 : i32
        %lt3A_197 = arith.cmpi slt, %rem3A_193, %lt3A_196 : i32
        %lt3A_198 = arith.constant 0 : i32
        %lt3A_199 = arith.cmpi slt, %select_n3A_192, %lt3A_198 : i32
        %ne3A_200 = arith.xori %lt3A_197, %lt3A_199 : i1
        %and3A_201 = arith.andi %ne3A_200, %ne3A_195 : i1
        %add3A_202 = arith.addi %rem3A_193, %select_n3A_192 : i32
        %select_n3A_203 = arith.select %and3A_201, %add3A_202, %rem3A_193 : i32
        %sub3A_204 = arith.constant 1 : i32
        %sub3A_205 = arith.subi %min3A_148, %sub3A_204 : i32
        %sub3A_206 = arith.constant 1 : i32
        %sub3A_207 = arith.subi %min3A_148, %sub3A_206 : i32
        %jit3A_208 = arith.constant 2 : i32
        %eq3A_209 = arith.constant 0 : i32
        %eq3A_210 = arith.cmpi eq, %jit3A_208, %eq3A_209 : i32
        %jit3A_211 = arith.constant 1 : i32
        %select_n3A_212 = arith.select %eq3A_210, %jit3A_211, %jit3A_208 : i32
        %rem3A_213 = arith.remsi %sub3A_207, %select_n3A_212 : i32
        %ne3A_214 = arith.constant 0 : i32
        %ne3A_215 = arith.cmpi ne, %rem3A_213, %ne3A_214 : i32
        %lt3A_216 = arith.constant 0 : i32
        %lt3A_217 = arith.cmpi slt, %rem3A_213, %lt3A_216 : i32
        %lt3A_218 = arith.constant 0 : i32
        %lt3A_219 = arith.cmpi slt, %select_n3A_212, %lt3A_218 : i32
        %ne3A_220 = arith.xori %lt3A_217, %lt3A_219 : i1
        %and3A_221 = arith.andi %ne3A_220, %ne3A_215 : i1
        %add3A_222 = arith.addi %rem3A_213, %select_n3A_212 : i32
        %select_n3A_223 = arith.select %and3A_221, %add3A_222, %rem3A_213 : i32
        %dma_wait3A = arith.constant 0 : i32
        %dma_wait3A_224 = arith.constant 0 : i32
        %dma_wait3A_225 = tpu.memref_slice %arg11[%select_n3A_203, %dma_wait3A, %dma_wait3A_224] : memref<4x80x128xf32, #tpu.memory_space<vmem>> -> memref<1x80x128xf32, #tpu.memory_space<vmem>>
        %dma_wait3A_226 = tpu.memref_squeeze %dma_wait3A_225 : memref<1x80x128xf32, #tpu.memory_space<vmem>> -> memref<80x128xf32, #tpu.memory_space<vmem>>
        %dma_wait3A_227 = arith.constant 0 : i32
        %dma_wait3A_228 = tpu.memref_slice %arg10[%sub3A_205, %dma_wait3A_227] : memref<20x80xi32, #tpu.memory_space<vmem>> -> memref<1x80xi32, #tpu.memory_space<vmem>>
        %dma_wait3A_229 = tpu.memref_squeeze %dma_wait3A_228 : memref<1x80xi32, #tpu.memory_space<vmem>> -> memref<80xi32, #tpu.memory_space<vmem>>
        %dma_wait3A_230 = arith.constant 0 : i32
        %dma_wait3A_231 = arith.constant 0 : i32
        %dma_wait3A_232 = tpu.memref_slice %arg8[%dma_wait3A_230, %dma_wait3A_231] : memref<6528x128xf32, #tpu.memory_space<vmem_shared>> -> memref<6528x128xf32, #tpu.memory_space<vmem_shared>>
        %dma_wait3A_233 = tpu.memref_slice %arg14[%select_n3A_223] : memref<2x!tpu.dma_semaphore, #tpu.memory_space<semaphore_mem>> -> memref<1x!tpu.dma_semaphore, #tpu.memory_space<semaphore_mem>>
        %dma_wait3A_234 = tpu.memref_squeeze %dma_wait3A_233 : memref<1x!tpu.dma_semaphore, #tpu.memory_space<semaphore_mem>> -> memref<!tpu.dma_semaphore, #tpu.memory_space<semaphore_mem>>
        tpu.wait_indirect_dma semaphore(%dma_wait3A_234 : memref<!tpu.dma_semaphore, #tpu.memory_space<semaphore_mem>>) src(%dma_wait3A_226 : memref<80x128xf32, #tpu.memory_space<vmem>>) dst(%dma_wait3A_232 : memref<6528x128xf32, #tpu.memory_space<vmem_shared>>)
      }
      %while3A_126 = arith.constant 1 : i32
      scf.for %while3A_138 = %while3A_124 to %while3A_120 step %while3A_126  : i32 {
        %mul3A_139 = arith.constant 16 : i32
        %mul3A_140 = arith.muli %mul3A_139, %while3A_138 : i32
        %add3A_141 = arith.addi %arg1, %mul3A_140 : i32
        %mul3A_142 = arith.constant 32 : i32
        %mul3A_143 = arith.muli %add3A_36, %mul3A_142 : i32
        %add3A_144 = arith.addi %mul3A_143, %add3A_141 : i32
        %mul3A_145 = arith.constant 20 : i32
        %mul3A_146 = arith.muli %mul3A_145, %add3A_141 : i32
        %sub3A_147 = arith.subi %squeeze3A, %mul3A_146 : i32
        %min3A = arith.constant 20 : i32
        %min3A_148 = arith.minsi %min3A, %sub3A_147 : i32
        "tpu.region"() ({
          %run_scoped3A = tpu.sem_alloc : memref<!tpu.dma_semaphore, #tpu.memory_space<semaphore_mem>>
          %dma_start3A_235 = arith.constant 0 : i32
          %dma_start3A_236 = arith.constant 0 : i32
          %dma_start3A_237 = tpu.memref_slice %arg2[%select_n3A, %add3A_144, %dma_start3A_235, %dma_start3A_236] : memref<3x256x20x80xi32, #tpu.memory_space<hbm>> -> memref<1x1x20x80xi32, #tpu.memory_space<hbm>>
          %dma_start3A_238 = tpu.memref_squeeze %dma_start3A_237 : memref<1x1x20x80xi32, #tpu.memory_space<hbm>> -> memref<20x80xi32, #tpu.memory_space<hbm>>
          %dma_start3A_239 = arith.constant 0 : i32
          %dma_start3A_240 = arith.constant 0 : i32
          %dma_start3A_241 = tpu.memref_slice %arg2[%select_n3A, %add3A_144, %dma_start3A_239, %dma_start3A_240] : memref<3x256x20x80xi32, #tpu.memory_space<hbm>> -> memref<1x1x20x80xi32, #tpu.memory_space<hbm>>
          %dma_start3A_242 = tpu.memref_squeeze %dma_start3A_241 : memref<1x1x20x80xi32, #tpu.memory_space<hbm>> -> memref<20x80xi32, #tpu.memory_space<hbm>>
          tpu.enqueue_dma source(%dma_start3A_242 : memref<20x80xi32, #tpu.memory_space<hbm>>) target(%arg9 : memref<20x80xi32, #tpu.memory_space<vmem>>) target_semaphore(%run_scoped3A : memref<!tpu.dma_semaphore, #tpu.memory_space<semaphore_mem>>)
          %dma_wait3A_243 = arith.constant 0 : i32
          %dma_wait3A_244 = arith.constant 0 : i32
          %dma_wait3A_245 = tpu.memref_slice %arg2[%select_n3A, %add3A_144, %dma_wait3A_243, %dma_wait3A_244] : memref<3x256x20x80xi32, #tpu.memory_space<hbm>> -> memref<1x1x20x80xi32, #tpu.memory_space<hbm>>
          %dma_wait3A_246 = tpu.memref_squeeze %dma_wait3A_245 : memref<1x1x20x80xi32, #tpu.memory_space<hbm>> -> memref<20x80xi32, #tpu.memory_space<hbm>>
          %dma_wait3A_247 = arith.constant 0 : i32
          %dma_wait3A_248 = arith.constant 0 : i32
          %dma_wait3A_249 = tpu.memref_slice %arg2[%select_n3A, %add3A_144, %dma_wait3A_247, %dma_wait3A_248] : memref<3x256x20x80xi32, #tpu.memory_space<hbm>> -> memref<1x1x20x80xi32, #tpu.memory_space<hbm>>
          %dma_wait3A_250 = tpu.memref_squeeze %dma_wait3A_249 : memref<1x1x20x80xi32, #tpu.memory_space<hbm>> -> memref<20x80xi32, #tpu.memory_space<hbm>>
          tpu.wait_dma2 semaphore(%run_scoped3A : memref<!tpu.dma_semaphore, #tpu.memory_space<semaphore_mem>>) src(%dma_wait3A_250 : memref<20x80xi32, #tpu.memory_space<hbm>>) dst(%arg9 : memref<20x80xi32, #tpu.memory_space<vmem>>)
          tpu.yield
        }) : () -> ()
        "tpu.region"() ({
          %run_scoped3A = tpu.sem_alloc : memref<!tpu.dma_semaphore, #tpu.memory_space<semaphore_mem>>
          %dma_start3A_235 = arith.constant 0 : i32
          %dma_start3A_236 = arith.constant 0 : i32
          %dma_start3A_237 = tpu.memref_slice %arg3[%select_n3A, %add3A_144, %dma_start3A_235, %dma_start3A_236] : memref<3x256x20x80xi32, #tpu.memory_space<hbm>> -> memref<1x1x20x80xi32, #tpu.memory_space<hbm>>
          %dma_start3A_238 = tpu.memref_squeeze %dma_start3A_237 : memref<1x1x20x80xi32, #tpu.memory_space<hbm>> -> memref<20x80xi32, #tpu.memory_space<hbm>>
          %dma_start3A_239 = arith.constant 0 : i32
          %dma_start3A_240 = arith.constant 0 : i32
          %dma_start3A_241 = tpu.memref_slice %arg3[%select_n3A, %add3A_144, %dma_start3A_239, %dma_start3A_240] : memref<3x256x20x80xi32, #tpu.memory_space<hbm>> -> memref<1x1x20x80xi32, #tpu.memory_space<hbm>>
          %dma_start3A_242 = tpu.memref_squeeze %dma_start3A_241 : memref<1x1x20x80xi32, #tpu.memory_space<hbm>> -> memref<20x80xi32, #tpu.memory_space<hbm>>
          tpu.enqueue_dma source(%dma_start3A_242 : memref<20x80xi32, #tpu.memory_space<hbm>>) target(%arg10 : memref<20x80xi32, #tpu.memory_space<vmem>>) target_semaphore(%run_scoped3A : memref<!tpu.dma_semaphore, #tpu.memory_space<semaphore_mem>>)
          %dma_wait3A_243 = arith.constant 0 : i32
          %dma_wait3A_244 = arith.constant 0 : i32
          %dma_wait3A_245 = tpu.memref_slice %arg3[%select_n3A, %add3A_144, %dma_wait3A_243, %dma_wait3A_244] : memref<3x256x20x80xi32, #tpu.memory_space<hbm>> -> memref<1x1x20x80xi32, #tpu.memory_space<hbm>>
          %dma_wait3A_246 = tpu.memref_squeeze %dma_wait3A_245 : memref<1x1x20x80xi32, #tpu.memory_space<hbm>> -> memref<20x80xi32, #tpu.memory_space<hbm>>
          %dma_wait3A_247 = arith.constant 0 : i32
          %dma_wait3A_248 = arith.constant 0 : i32
          %dma_wait3A_249 = tpu.memref_slice %arg3[%select_n3A, %add3A_144, %dma_wait3A_247, %dma_wait3A_248] : memref<3x256x20x80xi32, #tpu.memory_space<hbm>> -> memref<1x1x20x80xi32, #tpu.memory_space<hbm>>
          %dma_wait3A_250 = tpu.memref_squeeze %dma_wait3A_249 : memref<1x1x20x80xi32, #tpu.memory_space<hbm>> -> memref<20x80xi32, #tpu.memory_space<hbm>>
          tpu.wait_dma2 semaphore(%run_scoped3A : memref<!tpu.dma_semaphore, #tpu.memory_space<semaphore_mem>>) src(%dma_wait3A_250 : memref<20x80xi32, #tpu.memory_space<hbm>>) dst(%arg10 : memref<20x80xi32, #tpu.memory_space<vmem>>)
          tpu.yield
        }) : () -> ()
        %scan3A_149 = arith.constant 0 : i32
        %scan3A_150 = arith.constant 0 : i32
        %scan3A_151 = arith.constant 100 : i32
        %scan3A_152 = arith.addi %scan3A_150, %scan3A_151 : i32
        %scan3A_153 = arith.constant 1 : i32
        scf.for %scan3A_235 = %scan3A_150 to %scan3A_152 step %scan3A_153  : i32 {
          %jit3A_236 = arith.constant 5 : i32
          %div3A_237 = arith.divsi %scan3A_235, %jit3A_236 : i32
          %sign3A_238 = arith.constant 0 : i32
          %sign3A_239 = arith.cmpi sgt, %scan3A_235, %sign3A_238 : i32
          %sign3A_240 = arith.extui %sign3A_239 : i1 to i32
          %sign3A_241 = arith.constant 0 : i32
          %sign3A_242 = arith.cmpi slt, %scan3A_235, %sign3A_241 : i32
          %sign3A_243 = arith.extui %sign3A_242 : i1 to i32
          %sign3A_244 = arith.subi %sign3A_240, %sign3A_243 : i32
          %sign3A_245 = arith.constant 0 : i32
          %sign3A_246 = arith.cmpi sgt, %jit3A_236, %sign3A_245 : i32
          %sign3A_247 = arith.extui %sign3A_246 : i1 to i32
          %sign3A_248 = arith.constant 0 : i32
          %sign3A_249 = arith.cmpi slt, %jit3A_236, %sign3A_248 : i32
          %sign3A_250 = arith.extui %sign3A_249 : i1 to i32
          %sign3A_251 = arith.subi %sign3A_247, %sign3A_250 : i32
          %ne3A_252 = arith.cmpi ne, %sign3A_244, %sign3A_251 : i32
          %rem3A_253 = arith.remsi %scan3A_235, %jit3A_236 : i32
          %ne3A_254 = arith.constant 0 : i32
          %ne3A_255 = arith.cmpi ne, %rem3A_253, %ne3A_254 : i32
          %and3A_256 = arith.andi %ne3A_252, %ne3A_255 : i1
          %sub3A_257 = arith.constant 1 : i32
          %sub3A_258 = arith.subi %div3A_237, %sub3A_257 : i32
          %select_n3A_259 = arith.select %and3A_256, %sub3A_258, %div3A_237 : i32
          %jit3A_260 = arith.constant 5 : i32
          %eq3A_261 = arith.constant 0 : i32
          %eq3A_262 = arith.cmpi eq, %jit3A_260, %eq3A_261 : i32
          %jit3A_263 = arith.constant 1 : i32
          %select_n3A_264 = arith.select %eq3A_262, %jit3A_263, %jit3A_260 : i32
          %rem3A_265 = arith.remsi %scan3A_235, %select_n3A_264 : i32
          %ne3A_266 = arith.constant 0 : i32
          %ne3A_267 = arith.cmpi ne, %rem3A_265, %ne3A_266 : i32
          %lt3A_268 = arith.constant 0 : i32
          %lt3A_269 = arith.cmpi slt, %rem3A_265, %lt3A_268 : i32
          %lt3A_270 = arith.constant 0 : i32
          %lt3A_271 = arith.cmpi slt, %select_n3A_264, %lt3A_270 : i32
          %ne3A_272 = arith.xori %lt3A_269, %lt3A_271 : i1
          %and3A_273 = arith.andi %ne3A_272, %ne3A_267 : i1
          %add3A_274 = arith.addi %rem3A_265, %select_n3A_264 : i32
          %select_n3A_275 = arith.select %and3A_273, %add3A_274, %rem3A_265 : i32
          %mul3A_276 = arith.constant 16 : i32
          %mul3A_277 = arith.muli %select_n3A_275, %mul3A_276 : i32
          %get3A_278 = arith.index_cast %select_n3A_259 : i32 to index
          %get3A_279 = arith.index_cast %mul3A_277 : i32 to index
          %get3A_280 = tpu.vector_load %arg10[%get3A_278, %get3A_279] {strides = array<i32>} : memref<20x80xi32, #tpu.memory_space<vmem>>, vector<1x16xi32>,
          %get3A_281 = vector.shape_cast %get3A_280 : vector<1x16xi32> to vector<16xi32>
          %sub3A_282 = vector.broadcast %mul3A_38 : i32 to vector<16xi32>
          %sub3A_283 = arith.subi %get3A_281, %sub3A_282 : vector<16xi32>
          %ge3A = arith.constant 0 : i32
          %ge3A_284 = vector.broadcast %ge3A : i32 to vector<16xi32>
          %ge3A_285 = arith.cmpi sge, %sub3A_283, %ge3A_284 : vector<16xi32>
          %lt3A_286 = arith.constant 6400 : i32
          %lt3A_287 = vector.broadcast %lt3A_286 : i32 to vector<16xi32>
          %lt3A_288 = arith.cmpi slt, %sub3A_283, %lt3A_287 : vector<16xi32>
          %and3A_289 = arith.andi %ge3A_285, %lt3A_288 : vector<16xi1>
          %and3A_290 = arith.constant 127 : i32
          %and3A_291 = vector.broadcast %and3A_290 : i32 to vector<16xi32>
          %and3A_292 = arith.andi %get3A_281, %and3A_291 : vector<16xi32>
          %add3A_293 = arith.constant 6400 : i32
          %add3A_294 = vector.broadcast %add3A_293 : i32 to vector<16xi32>
          %add3A_295 = arith.addi %add3A_294, %and3A_292 : vector<16xi32>
          %select_n3A_296 = arith.select %and3A_289, %sub3A_283, %add3A_295 : vector<16xi1>, vector<16xi32>
          %jit3A_297 = arith.constant 5 : i32
          %div3A_298 = arith.divsi %scan3A_235, %jit3A_297 : i32
          %sign3A_299 = arith.constant 0 : i32
          %sign3A_300 = arith.cmpi sgt, %scan3A_235, %sign3A_299 : i32
          %sign3A_301 = arith.extui %sign3A_300 : i1 to i32
          %sign3A_302 = arith.constant 0 : i32
          %sign3A_303 = arith.cmpi slt, %scan3A_235, %sign3A_302 : i32
          %sign3A_304 = arith.extui %sign3A_303 : i1 to i32
          %sign3A_305 = arith.subi %sign3A_301, %sign3A_304 : i32
          %sign3A_306 = arith.constant 0 : i32
          %sign3A_307 = arith.cmpi sgt, %jit3A_297, %sign3A_306 : i32
          %sign3A_308 = arith.extui %sign3A_307 : i1 to i32
          %sign3A_309 = arith.constant 0 : i32
          %sign3A_310 = arith.cmpi slt, %jit3A_297, %sign3A_309 : i32
          %sign3A_311 = arith.extui %sign3A_310 : i1 to i32
          %sign3A_312 = arith.subi %sign3A_308, %sign3A_311 : i32
          %ne3A_313 = arith.cmpi ne, %sign3A_305, %sign3A_312 : i32
          %rem3A_314 = arith.remsi %scan3A_235, %jit3A_297 : i32
          %ne3A_315 = arith.constant 0 : i32
          %ne3A_316 = arith.cmpi ne, %rem3A_314, %ne3A_315 : i32
          %and3A_317 = arith.andi %ne3A_313, %ne3A_316 : i1
          %sub3A_318 = arith.constant 1 : i32
          %sub3A_319 = arith.subi %div3A_298, %sub3A_318 : i32
          %select_n3A_320 = arith.select %and3A_317, %sub3A_319, %div3A_298 : i32
          %jit3A_321 = arith.constant 5 : i32
          %eq3A_322 = arith.constant 0 : i32
          %eq3A_323 = arith.cmpi eq, %jit3A_321, %eq3A_322 : i32
          %jit3A_324 = arith.constant 1 : i32
          %select_n3A_325 = arith.select %eq3A_323, %jit3A_324, %jit3A_321 : i32
          %rem3A_326 = arith.remsi %scan3A_235, %select_n3A_325 : i32
          %ne3A_327 = arith.constant 0 : i32
          %ne3A_328 = arith.cmpi ne, %rem3A_326, %ne3A_327 : i32
          %lt3A_329 = arith.constant 0 : i32
          %lt3A_330 = arith.cmpi slt, %rem3A_326, %lt3A_329 : i32
          %lt3A_331 = arith.constant 0 : i32
          %lt3A_332 = arith.cmpi slt, %select_n3A_325, %lt3A_331 : i32
          %ne3A_333 = arith.xori %lt3A_330, %lt3A_332 : i1
          %and3A_334 = arith.andi %ne3A_333, %ne3A_328 : i1
          %add3A_335 = arith.addi %rem3A_326, %select_n3A_325 : i32
          %select_n3A_336 = arith.select %and3A_334, %add3A_335, %rem3A_326 : i32
          %mul3A_337 = arith.constant 16 : i32
          %mul3A_338 = arith.muli %select_n3A_336, %mul3A_337 : i32
          %swap3A = arith.index_cast %select_n3A_320 : i32 to index
          %swap3A_339 = arith.index_cast %mul3A_338 : i32 to index
          %swap3A_340 = tpu.vector_load %arg10[%swap3A, %swap3A_339] {strides = array<i32>} : memref<20x80xi32, #tpu.memory_space<vmem>>, vector<1x16xi32>,
          %swap3A_341 = vector.shape_cast %swap3A_340 : vector<1x16xi32> to vector<16xi32>
          %swap3A_342 = vector.shape_cast %select_n3A_296 : vector<16xi32> to vector<1x16xi32>
          tpu.vector_store %arg10[%swap3A, %swap3A_339], %swap3A_342 {strides = array<i32>} : memref<20x80xi32, #tpu.memory_space<vmem>>, vector<1x16xi32>,
        }
        %scan3A_154 = arith.constant 100 : i32
        %dma_start3A = arith.constant 0 : i32
        %dma_start3A_155 = arith.constant 0 : i32
        %dma_start3A_156 = arith.constant 0 : i32
        %dma_start3A_157 = arith.constant 0 : i32
        %dma_start3A_158 = arith.constant 0 : i32
        %dma_start3A_159 = tpu.memref_slice %arg11[%dma_start3A_155, %dma_start3A_157, %dma_start3A_158] : memref<4x80x128xf32, #tpu.memory_space<vmem>> -> memref<1x80x128xf32, #tpu.memory_space<vmem>>
        %dma_start3A_160 = tpu.memref_squeeze %dma_start3A_159 : memref<1x80x128xf32, #tpu.memory_space<vmem>> -> memref<80x128xf32, #tpu.memory_space<vmem>>
        %dma_start3A_161 = arith.constant 0 : i32
        %dma_start3A_162 = tpu.memref_slice %arg9[%dma_start3A, %dma_start3A_161] : memref<20x80xi32, #tpu.memory_space<vmem>> -> memref<1x80xi32, #tpu.memory_space<vmem>>
        %dma_start3A_163 = tpu.memref_squeeze %dma_start3A_162 : memref<1x80xi32, #tpu.memory_space<vmem>> -> memref<80xi32, #tpu.memory_space<vmem>>
        %dma_start3A_164 = arith.constant 0 : i32
        %dma_start3A_165 = arith.constant 0 : i32
        %dma_start3A_166 = tpu.memref_slice %arg4[%dma_start3A_164, %dma_start3A_165] : memref<153600x128xf32, #tpu.memory_space<hbm>> -> memref<153600x128xf32, #tpu.memory_space<hbm>>
        %dma_start3A_167 = tpu.memref_slice %arg13[%dma_start3A_156] : memref<4x!tpu.dma_semaphore, #tpu.memory_space<semaphore_mem>> -> memref<1x!tpu.dma_semaphore, #tpu.memory_space<semaphore_mem>>
        %dma_start3A_168 = tpu.memref_squeeze %dma_start3A_167 : memref<1x!tpu.dma_semaphore, #tpu.memory_space<semaphore_mem>> -> memref<!tpu.dma_semaphore, #tpu.memory_space<semaphore_mem>>
        tpu.enqueue_indirect_dma source(%dma_start3A_166 : memref<153600x128xf32, #tpu.memory_space<hbm>>) target(%dma_start3A_160 : memref<80x128xf32, #tpu.memory_space<vmem>>) offsets(%dma_start3A_163 : memref<80xi32, #tpu.memory_space<vmem>>) semaphore(%dma_start3A_168 : memref<!tpu.dma_semaphore, #tpu.memory_space<semaphore_mem>>)
        %gt3A = arith.constant 1 : i32
        %gt3A_169 = arith.cmpi sgt, %min3A_148, %gt3A : i32
        %convert_element_type3A = arith.extui %gt3A_169 : i1 to i32
        %cond3A = arith.constant 0 : i32
        %cond3A_170 = arith.cmpi ne, %convert_element_type3A, %cond3A : i32
        scf.if %cond3A_170 {
          %dma_start3A_235 = arith.constant 1 : i32
          %dma_start3A_236 = arith.constant 1 : i32
          %dma_start3A_237 = arith.constant 1 : i32
          %dma_start3A_238 = arith.constant 0 : i32
          %dma_start3A_239 = arith.constant 0 : i32
          %dma_start3A_240 = tpu.memref_slice %arg11[%dma_start3A_236, %dma_start3A_238, %dma_start3A_239] : memref<4x80x128xf32, #tpu.memory_space<vmem>> -> memref<1x80x128xf32, #tpu.memory_space<vmem>>
          %dma_start3A_241 = tpu.memref_squeeze %dma_start3A_240 : memref<1x80x128xf32, #tpu.memory_space<vmem>> -> memref<80x128xf32, #tpu.memory_space<vmem>>
          %dma_start3A_242 = arith.constant 0 : i32
          %dma_start3A_243 = tpu.memref_slice %arg9[%dma_start3A_235, %dma_start3A_242] : memref<20x80xi32, #tpu.memory_space<vmem>> -> memref<1x80xi32, #tpu.memory_space<vmem>>
          %dma_start3A_244 = tpu.memref_squeeze %dma_start3A_243 : memref<1x80xi32, #tpu.memory_space<vmem>> -> memref<80xi32, #tpu.memory_space<vmem>>
          %dma_start3A_245 = arith.constant 0 : i32
          %dma_start3A_246 = arith.constant 0 : i32
          %dma_start3A_247 = tpu.memref_slice %arg4[%dma_start3A_245, %dma_start3A_246] : memref<153600x128xf32, #tpu.memory_space<hbm>> -> memref<153600x128xf32, #tpu.memory_space<hbm>>
          %dma_start3A_248 = tpu.memref_slice %arg13[%dma_start3A_237] : memref<4x!tpu.dma_semaphore, #tpu.memory_space<semaphore_mem>> -> memref<1x!tpu.dma_semaphore, #tpu.memory_space<semaphore_mem>>
          %dma_start3A_249 = tpu.memref_squeeze %dma_start3A_248 : memref<1x!tpu.dma_semaphore, #tpu.memory_space<semaphore_mem>> -> memref<!tpu.dma_semaphore, #tpu.memory_space<semaphore_mem>>
          tpu.enqueue_indirect_dma source(%dma_start3A_247 : memref<153600x128xf32, #tpu.memory_space<hbm>>) target(%dma_start3A_241 : memref<80x128xf32, #tpu.memory_space<vmem>>) offsets(%dma_start3A_244 : memref<80xi32, #tpu.memory_space<vmem>>) semaphore(%dma_start3A_249 : memref<!tpu.dma_semaphore, #tpu.memory_space<semaphore_mem>>)
        } else {
        }
        %gt3A_171 = arith.constant 2 : i32
        %gt3A_172 = arith.cmpi sgt, %min3A_148, %gt3A_171 : i32
        %convert_element_type3A_173 = arith.extui %gt3A_172 : i1 to i32
        %cond3A_174 = arith.constant 0 : i32
        %cond3A_175 = arith.cmpi ne, %convert_element_type3A_173, %cond3A_174 : i32
        scf.if %cond3A_175 {
          %dma_start3A_235 = arith.constant 2 : i32
          %dma_start3A_236 = arith.constant 2 : i32
          %dma_start3A_237 = arith.constant 2 : i32
          %dma_start3A_238 = arith.constant 0 : i32
          %dma_start3A_239 = arith.constant 0 : i32
          %dma_start3A_240 = tpu.memref_slice %arg11[%dma_start3A_236, %dma_start3A_238, %dma_start3A_239] : memref<4x80x128xf32, #tpu.memory_space<vmem>> -> memref<1x80x128xf32, #tpu.memory_space<vmem>>
          %dma_start3A_241 = tpu.memref_squeeze %dma_start3A_240 : memref<1x80x128xf32, #tpu.memory_space<vmem>> -> memref<80x128xf32, #tpu.memory_space<vmem>>
          %dma_start3A_242 = arith.constant 0 : i32
          %dma_start3A_243 = tpu.memref_slice %arg9[%dma_start3A_235, %dma_start3A_242] : memref<20x80xi32, #tpu.memory_space<vmem>> -> memref<1x80xi32, #tpu.memory_space<vmem>>
          %dma_start3A_244 = tpu.memref_squeeze %dma_start3A_243 : memref<1x80xi32, #tpu.memory_space<vmem>> -> memref<80xi32, #tpu.memory_space<vmem>>
          %dma_start3A_245 = arith.constant 0 : i32
          %dma_start3A_246 = arith.constant 0 : i32
          %dma_start3A_247 = tpu.memref_slice %arg4[%dma_start3A_245, %dma_start3A_246] : memref<153600x128xf32, #tpu.memory_space<hbm>> -> memref<153600x128xf32, #tpu.memory_space<hbm>>
          %dma_start3A_248 = tpu.memref_slice %arg13[%dma_start3A_237] : memref<4x!tpu.dma_semaphore, #tpu.memory_space<semaphore_mem>> -> memref<1x!tpu.dma_semaphore, #tpu.memory_space<semaphore_mem>>
          %dma_start3A_249 = tpu.memref_squeeze %dma_start3A_248 : memref<1x!tpu.dma_semaphore, #tpu.memory_space<semaphore_mem>> -> memref<!tpu.dma_semaphore, #tpu.memory_space<semaphore_mem>>
          tpu.enqueue_indirect_dma source(%dma_start3A_247 : memref<153600x128xf32, #tpu.memory_space<hbm>>) target(%dma_start3A_241 : memref<80x128xf32, #tpu.memory_space<vmem>>) offsets(%dma_start3A_244 : memref<80xi32, #tpu.memory_space<vmem>>) semaphore(%dma_start3A_249 : memref<!tpu.dma_semaphore, #tpu.memory_space<semaphore_mem>>)
        } else {
        }
        %while3A_176 = arith.constant 0 : i32
        %while3A_177 = arith.constant 0 : i32
        %while3A_178 = arith.subi %min3A_148, %while3A_177 : i32
        %while3A_179 = arith.addi %while3A_177, %while3A_178 : i32
        %while3A_180 = arith.constant 1 : i32
        %while3A_181 = arith.divsi %while3A_178, %while3A_180 : i32
        %while3A_182 = arith.muli %while3A_181, %while3A_180 : i32
        %while3A_183 = arith.addi %while3A_177, %while3A_182 : i32
        %while3A_184 = arith.constant 1 : i32
        scf.for %while3A_235 = %while3A_177 to %while3A_183 step %while3A_184  : i32 {
          %jit3A_236 = arith.constant 4 : i32
          %eq3A_237 = arith.constant 0 : i32
          %eq3A_238 = arith.cmpi eq, %jit3A_236, %eq3A_237 : i32
          %jit3A_239 = arith.constant 1 : i32
          %select_n3A_240 = arith.select %eq3A_238, %jit3A_239, %jit3A_236 : i32
          %rem3A_241 = arith.remsi %while3A_235, %select_n3A_240 : i32
          %ne3A_242 = arith.constant 0 : i32
          %ne3A_243 = arith.cmpi ne, %rem3A_241, %ne3A_242 : i32
          %lt3A_244 = arith.constant 0 : i32
          %lt3A_245 = arith.cmpi slt, %rem3A_241, %lt3A_244 : i32
          %lt3A_246 = arith.constant 0 : i32
          %lt3A_247 = arith.cmpi slt, %select_n3A_240, %lt3A_246 : i32
          %ne3A_248 = arith.xori %lt3A_245, %lt3A_247 : i1
          %and3A_249 = arith.andi %ne3A_248, %ne3A_243 : i1
          %add3A_250 = arith.addi %rem3A_241, %select_n3A_240 : i32
          %select_n3A_251 = arith.select %and3A_249, %add3A_250, %rem3A_241 : i32
          %jit3A_252 = arith.constant 2 : i32
          %eq3A_253 = arith.constant 0 : i32
          %eq3A_254 = arith.cmpi eq, %jit3A_252, %eq3A_253 : i32
          %jit3A_255 = arith.constant 1 : i32
          %select_n3A_256 = arith.select %eq3A_254, %jit3A_255, %jit3A_252 : i32
          %rem3A_257 = arith.remsi %while3A_235, %select_n3A_256 : i32
          %ne3A_258 = arith.constant 0 : i32
          %ne3A_259 = arith.cmpi ne, %rem3A_257, %ne3A_258 : i32
          %lt3A_260 = arith.constant 0 : i32
          %lt3A_261 = arith.cmpi slt, %rem3A_257, %lt3A_260 : i32
          %lt3A_262 = arith.constant 0 : i32
          %lt3A_263 = arith.cmpi slt, %select_n3A_256, %lt3A_262 : i32
          %ne3A_264 = arith.xori %lt3A_261, %lt3A_263 : i1
          %and3A_265 = arith.andi %ne3A_264, %ne3A_259 : i1
          %add3A_266 = arith.addi %rem3A_257, %select_n3A_256 : i32
          %select_n3A_267 = arith.select %and3A_265, %add3A_266, %rem3A_257 : i32
          %dma_wait3A_268 = arith.constant 0 : i32
          %dma_wait3A_269 = arith.constant 0 : i32
          %dma_wait3A_270 = tpu.memref_slice %arg11[%select_n3A_251, %dma_wait3A_268, %dma_wait3A_269] : memref<4x80x128xf32, #tpu.memory_space<vmem>> -> memref<1x80x128xf32, #tpu.memory_space<vmem>>
          %dma_wait3A_271 = tpu.memref_squeeze %dma_wait3A_270 : memref<1x80x128xf32, #tpu.memory_space<vmem>> -> memref<80x128xf32, #tpu.memory_space<vmem>>
          %dma_wait3A_272 = arith.constant 0 : i32
          %dma_wait3A_273 = tpu.memref_slice %arg9[%while3A_235, %dma_wait3A_272] : memref<20x80xi32, #tpu.memory_space<vmem>> -> memref<1x80xi32, #tpu.memory_space<vmem>>
          %dma_wait3A_274 = tpu.memref_squeeze %dma_wait3A_273 : memref<1x80xi32, #tpu.memory_space<vmem>> -> memref<80xi32, #tpu.memory_space<vmem>>
          %dma_wait3A_275 = arith.constant 0 : i32
          %dma_wait3A_276 = arith.constant 0 : i32
          %dma_wait3A_277 = tpu.memref_slice %arg4[%dma_wait3A_275, %dma_wait3A_276] : memref<153600x128xf32, #tpu.memory_space<hbm>> -> memref<153600x128xf32, #tpu.memory_space<hbm>>
          %dma_wait3A_278 = tpu.memref_slice %arg13[%select_n3A_251] : memref<4x!tpu.dma_semaphore, #tpu.memory_space<semaphore_mem>> -> memref<1x!tpu.dma_semaphore, #tpu.memory_space<semaphore_mem>>
          %dma_wait3A_279 = tpu.memref_squeeze %dma_wait3A_278 : memref<1x!tpu.dma_semaphore, #tpu.memory_space<semaphore_mem>> -> memref<!tpu.dma_semaphore, #tpu.memory_space<semaphore_mem>>
          tpu.wait_indirect_dma semaphore(%dma_wait3A_279 : memref<!tpu.dma_semaphore, #tpu.memory_space<semaphore_mem>>) src(%dma_wait3A_277 : memref<153600x128xf32, #tpu.memory_space<hbm>>) dst(%dma_wait3A_271 : memref<80x128xf32, #tpu.memory_space<vmem>>)
          %dma_start3A_280 = arith.constant 0 : i32
          %dma_start3A_281 = arith.constant 0 : i32
          %dma_start3A_282 = tpu.memref_slice %arg11[%select_n3A_251, %dma_start3A_280, %dma_start3A_281] : memref<4x80x128xf32, #tpu.memory_space<vmem>> -> memref<1x80x128xf32, #tpu.memory_space<vmem>>
          %dma_start3A_283 = tpu.memref_squeeze %dma_start3A_282 : memref<1x80x128xf32, #tpu.memory_space<vmem>> -> memref<80x128xf32, #tpu.memory_space<vmem>>
          %dma_start3A_284 = arith.constant 0 : i32
          %dma_start3A_285 = tpu.memref_slice %arg10[%while3A_235, %dma_start3A_284] : memref<20x80xi32, #tpu.memory_space<vmem>> -> memref<1x80xi32, #tpu.memory_space<vmem>>
          %dma_start3A_286 = tpu.memref_squeeze %dma_start3A_285 : memref<1x80xi32, #tpu.memory_space<vmem>> -> memref<80xi32, #tpu.memory_space<vmem>>
          %dma_start3A_287 = arith.constant 0 : i32
          %dma_start3A_288 = arith.constant 0 : i32
          %dma_start3A_289 = tpu.memref_slice %arg8[%dma_start3A_287, %dma_start3A_288] : memref<6528x128xf32, #tpu.memory_space<vmem_shared>> -> memref<6528x128xf32, #tpu.memory_space<vmem_shared>>
          %dma_start3A_290 = tpu.memref_slice %arg14[%select_n3A_267] : memref<2x!tpu.dma_semaphore, #tpu.memory_space<semaphore_mem>> -> memref<1x!tpu.dma_semaphore, #tpu.memory_space<semaphore_mem>>
          %dma_start3A_291 = tpu.memref_squeeze %dma_start3A_290 : memref<1x!tpu.dma_semaphore, #tpu.memory_space<semaphore_mem>> -> memref<!tpu.dma_semaphore, #tpu.memory_space<semaphore_mem>>
          tpu.enqueue_indirect_dma source(%dma_start3A_283 : memref<80x128xf32, #tpu.memory_space<vmem>>) target(%dma_start3A_289 : memref<6528x128xf32, #tpu.memory_space<vmem_shared>>) offsets(%dma_start3A_286 : memref<80xi32, #tpu.memory_space<vmem>>) semaphore(%dma_start3A_291 : memref<!tpu.dma_semaphore, #tpu.memory_space<semaphore_mem>>) {add = true}
          %ge3A = arith.constant 1 : i32
          %ge3A_292 = arith.cmpi sge, %while3A_235, %ge3A : i32
          %convert_element_type3A_293 = arith.extui %ge3A_292 : i1 to i32
          %cond3A_294 = arith.constant 0 : i32
          %cond3A_295 = arith.cmpi ne, %convert_element_type3A_293, %cond3A_294 : i32
          scf.if %cond3A_295 {
            %sub3A_302 = arith.constant 1 : i32
            %sub3A_303 = arith.subi %while3A_235, %sub3A_302 : i32
            %jit3A_304 = arith.constant 4 : i32
            %eq3A_305 = arith.constant 0 : i32
            %eq3A_306 = arith.cmpi eq, %jit3A_304, %eq3A_305 : i32
            %jit3A_307 = arith.constant 1 : i32
            %select_n3A_308 = arith.select %eq3A_306, %jit3A_307, %jit3A_304 : i32
            %rem3A_309 = arith.remsi %sub3A_303, %select_n3A_308 : i32
            %ne3A_310 = arith.constant 0 : i32
            %ne3A_311 = arith.cmpi ne, %rem3A_309, %ne3A_310 : i32
            %lt3A_312 = arith.constant 0 : i32
            %lt3A_313 = arith.cmpi slt, %rem3A_309, %lt3A_312 : i32
            %lt3A_314 = arith.constant 0 : i32
            %lt3A_315 = arith.cmpi slt, %select_n3A_308, %lt3A_314 : i32
            %ne3A_316 = arith.xori %lt3A_313, %lt3A_315 : i1
            %and3A_317 = arith.andi %ne3A_316, %ne3A_311 : i1
            %add3A_318 = arith.addi %rem3A_309, %select_n3A_308 : i32
            %select_n3A_319 = arith.select %and3A_317, %add3A_318, %rem3A_309 : i32
            %sub3A_320 = arith.constant 1 : i32
            %sub3A_321 = arith.subi %while3A_235, %sub3A_320 : i32
            %sub3A_322 = arith.constant 1 : i32
            %sub3A_323 = arith.subi %sub3A_322, %select_n3A_267 : i32
            %dma_wait3A_324 = arith.constant 0 : i32
            %dma_wait3A_325 = arith.constant 0 : i32
            %dma_wait3A_326 = tpu.memref_slice %arg11[%select_n3A_319, %dma_wait3A_324, %dma_wait3A_325] : memref<4x80x128xf32, #tpu.memory_space<vmem>> -> memref<1x80x128xf32, #tpu.memory_space<vmem>>
            %dma_wait3A_327 = tpu.memref_squeeze %dma_wait3A_326 : memref<1x80x128xf32, #tpu.memory_space<vmem>> -> memref<80x128xf32, #tpu.memory_space<vmem>>
            %dma_wait3A_328 = arith.constant 0 : i32
            %dma_wait3A_329 = tpu.memref_slice %arg10[%sub3A_321, %dma_wait3A_328] : memref<20x80xi32, #tpu.memory_space<vmem>> -> memref<1x80xi32, #tpu.memory_space<vmem>>
            %dma_wait3A_330 = tpu.memref_squeeze %dma_wait3A_329 : memref<1x80xi32, #tpu.memory_space<vmem>> -> memref<80xi32, #tpu.memory_space<vmem>>
            %dma_wait3A_331 = arith.constant 0 : i32
            %dma_wait3A_332 = arith.constant 0 : i32
            %dma_wait3A_333 = tpu.memref_slice %arg8[%dma_wait3A_331, %dma_wait3A_332] : memref<6528x128xf32, #tpu.memory_space<vmem_shared>> -> memref<6528x128xf32, #tpu.memory_space<vmem_shared>>
            %dma_wait3A_334 = tpu.memref_slice %arg14[%sub3A_323] : memref<2x!tpu.dma_semaphore, #tpu.memory_space<semaphore_mem>> -> memref<1x!tpu.dma_semaphore, #tpu.memory_space<semaphore_mem>>
            %dma_wait3A_335 = tpu.memref_squeeze %dma_wait3A_334 : memref<1x!tpu.dma_semaphore, #tpu.memory_space<semaphore_mem>> -> memref<!tpu.dma_semaphore, #tpu.memory_space<semaphore_mem>>
            tpu.wait_indirect_dma semaphore(%dma_wait3A_335 : memref<!tpu.dma_semaphore, #tpu.memory_space<semaphore_mem>>) src(%dma_wait3A_327 : memref<80x128xf32, #tpu.memory_space<vmem>>) dst(%dma_wait3A_333 : memref<6528x128xf32, #tpu.memory_space<vmem_shared>>)
          } else {
          }
          %add3A_296 = arith.constant 3 : i32
          %add3A_297 = arith.addi %while3A_235, %add3A_296 : i32
          %lt3A_298 = arith.cmpi slt, %add3A_297, %min3A_148 : i32
          %convert_element_type3A_299 = arith.extui %lt3A_298 : i1 to i32
          %cond3A_300 = arith.constant 0 : i32
          %cond3A_301 = arith.cmpi ne, %convert_element_type3A_299, %cond3A_300 : i32
          scf.if %cond3A_301 {
            %add3A_302 = arith.constant 3 : i32
            %add3A_303 = arith.addi %while3A_235, %add3A_302 : i32
            %add3A_304 = arith.constant 3 : i32
            %add3A_305 = arith.addi %while3A_235, %add3A_304 : i32
            %jit3A_306 = arith.constant 4 : i32
            %eq3A_307 = arith.constant 0 : i32
            %eq3A_308 = arith.cmpi eq, %jit3A_306, %eq3A_307 : i32
            %jit3A_309 = arith.constant 1 : i32
            %select_n3A_310 = arith.select %eq3A_308, %jit3A_309, %jit3A_306 : i32
            %rem3A_311 = arith.remsi %add3A_305, %select_n3A_310 : i32
            %ne3A_312 = arith.constant 0 : i32
            %ne3A_313 = arith.cmpi ne, %rem3A_311, %ne3A_312 : i32
            %lt3A_314 = arith.constant 0 : i32
            %lt3A_315 = arith.cmpi slt, %rem3A_311, %lt3A_314 : i32
            %lt3A_316 = arith.constant 0 : i32
            %lt3A_317 = arith.cmpi slt, %select_n3A_310, %lt3A_316 : i32
            %ne3A_318 = arith.xori %lt3A_315, %lt3A_317 : i1
            %and3A_319 = arith.andi %ne3A_318, %ne3A_313 : i1
            %add3A_320 = arith.addi %rem3A_311, %select_n3A_310 : i32
            %select_n3A_321 = arith.select %and3A_319, %add3A_320, %rem3A_311 : i32
            %add3A_322 = arith.constant 3 : i32
            %add3A_323 = arith.addi %while3A_235, %add3A_322 : i32
            %jit3A_324 = arith.constant 4 : i32
            %eq3A_325 = arith.constant 0 : i32
            %eq3A_326 = arith.cmpi eq, %jit3A_324, %eq3A_325 : i32
            %jit3A_327 = arith.constant 1 : i32
            %select_n3A_328 = arith.select %eq3A_326, %jit3A_327, %jit3A_324 : i32
            %rem3A_329 = arith.remsi %add3A_323, %select_n3A_328 : i32
            %ne3A_330 = arith.constant 0 : i32
            %ne3A_331 = arith.cmpi ne, %rem3A_329, %ne3A_330 : i32
            %lt3A_332 = arith.constant 0 : i32
            %lt3A_333 = arith.cmpi slt, %rem3A_329, %lt3A_332 : i32
            %lt3A_334 = arith.constant 0 : i32
            %lt3A_335 = arith.cmpi slt, %select_n3A_328, %lt3A_334 : i32
            %ne3A_336 = arith.xori %lt3A_333, %lt3A_335 : i1
            %and3A_337 = arith.andi %ne3A_336, %ne3A_331 : i1
            %add3A_338 = arith.addi %rem3A_329, %select_n3A_328 : i32
            %select_n3A_339 = arith.select %and3A_337, %add3A_338, %rem3A_329 : i32
            %dma_start3A_340 = arith.constant 0 : i32
            %dma_start3A_341 = arith.constant 0 : i32
            %dma_start3A_342 = tpu.memref_slice %arg11[%select_n3A_321, %dma_start3A_340, %dma_start3A_341] : memref<4x80x128xf32, #tpu.memory_space<vmem>> -> memref<1x80x128xf32, #tpu.memory_space<vmem>>
            %dma_start3A_343 = tpu.memref_squeeze %dma_start3A_342 : memref<1x80x128xf32, #tpu.memory_space<vmem>> -> memref<80x128xf32, #tpu.memory_space<vmem>>
            %dma_start3A_344 = arith.constant 0 : i32
            %dma_start3A_345 = tpu.memref_slice %arg9[%add3A_303, %dma_start3A_344] : memref<20x80xi32, #tpu.memory_space<vmem>> -> memref<1x80xi32, #tpu.memory_space<vmem>>
            %dma_start3A_346 = tpu.memref_squeeze %dma_start3A_345 : memref<1x80xi32, #tpu.memory_space<vmem>> -> memref<80xi32, #tpu.memory_space<vmem>>
            %dma_start3A_347 = arith.constant 0 : i32
            %dma_start3A_348 = arith.constant 0 : i32
            %dma_start3A_349 = tpu.memref_slice %arg4[%dma_start3A_347, %dma_start3A_348] : memref<153600x128xf32, #tpu.memory_space<hbm>> -> memref<153600x128xf32, #tpu.memory_space<hbm>>
            %dma_start3A_350 = tpu.memref_slice %arg13[%select_n3A_339] : memref<4x!tpu.dma_semaphore, #tpu.memory_space<semaphore_mem>> -> memref<1x!tpu.dma_semaphore, #tpu.memory_space<semaphore_mem>>
            %dma_start3A_351 = tpu.memref_squeeze %dma_start3A_350 : memref<1x!tpu.dma_semaphore, #tpu.memory_space<semaphore_mem>> -> memref<!tpu.dma_semaphore, #tpu.memory_space<semaphore_mem>>
            tpu.enqueue_indirect_dma source(%dma_start3A_349 : memref<153600x128xf32, #tpu.memory_space<hbm>>) target(%dma_start3A_343 : memref<80x128xf32, #tpu.memory_space<vmem>>) offsets(%dma_start3A_346 : memref<80xi32, #tpu.memory_space<vmem>>) semaphore(%dma_start3A_351 : memref<!tpu.dma_semaphore, #tpu.memory_space<semaphore_mem>>)
          } else {
          }
        }
        %while3A_185 = arith.constant 1 : i32
        scf.for %while3A_235 = %while3A_183 to %while3A_179 step %while3A_185  : i32 {
          %jit3A_236 = arith.constant 4 : i32
          %eq3A_237 = arith.constant 0 : i32
          %eq3A_238 = arith.cmpi eq, %jit3A_236, %eq3A_237 : i32
          %jit3A_239 = arith.constant 1 : i32
          %select_n3A_240 = arith.select %eq3A_238, %jit3A_239, %jit3A_236 : i32
          %rem3A_241 = arith.remsi %while3A_235, %select_n3A_240 : i32
          %ne3A_242 = arith.constant 0 : i32
          %ne3A_243 = arith.cmpi ne, %rem3A_241, %ne3A_242 : i32
          %lt3A_244 = arith.constant 0 : i32
          %lt3A_245 = arith.cmpi slt, %rem3A_241, %lt3A_244 : i32
          %lt3A_246 = arith.constant 0 : i32
          %lt3A_247 = arith.cmpi slt, %select_n3A_240, %lt3A_246 : i32
          %ne3A_248 = arith.xori %lt3A_245, %lt3A_247 : i1
          %and3A_249 = arith.andi %ne3A_248, %ne3A_243 : i1
          %add3A_250 = arith.addi %rem3A_241, %select_n3A_240 : i32
          %select_n3A_251 = arith.select %and3A_249, %add3A_250, %rem3A_241 : i32
          %jit3A_252 = arith.constant 2 : i32
          %eq3A_253 = arith.constant 0 : i32
          %eq3A_254 = arith.cmpi eq, %jit3A_252, %eq3A_253 : i32
          %jit3A_255 = arith.constant 1 : i32
          %select_n3A_256 = arith.select %eq3A_254, %jit3A_255, %jit3A_252 : i32
          %rem3A_257 = arith.remsi %while3A_235, %select_n3A_256 : i32
          %ne3A_258 = arith.constant 0 : i32
          %ne3A_259 = arith.cmpi ne, %rem3A_257, %ne3A_258 : i32
          %lt3A_260 = arith.constant 0 : i32
          %lt3A_261 = arith.cmpi slt, %rem3A_257, %lt3A_260 : i32
          %lt3A_262 = arith.constant 0 : i32
          %lt3A_263 = arith.cmpi slt, %select_n3A_256, %lt3A_262 : i32
          %ne3A_264 = arith.xori %lt3A_261, %lt3A_263 : i1
          %and3A_265 = arith.andi %ne3A_264, %ne3A_259 : i1
          %add3A_266 = arith.addi %rem3A_257, %select_n3A_256 : i32
          %select_n3A_267 = arith.select %and3A_265, %add3A_266, %rem3A_257 : i32
          %dma_wait3A_268 = arith.constant 0 : i32
          %dma_wait3A_269 = arith.constant 0 : i32
          %dma_wait3A_270 = tpu.memref_slice %arg11[%select_n3A_251, %dma_wait3A_268, %dma_wait3A_269] : memref<4x80x128xf32, #tpu.memory_space<vmem>> -> memref<1x80x128xf32, #tpu.memory_space<vmem>>
          %dma_wait3A_271 = tpu.memref_squeeze %dma_wait3A_270 : memref<1x80x128xf32, #tpu.memory_space<vmem>> -> memref<80x128xf32, #tpu.memory_space<vmem>>
          %dma_wait3A_272 = arith.constant 0 : i32
          %dma_wait3A_273 = tpu.memref_slice %arg9[%while3A_235, %dma_wait3A_272] : memref<20x80xi32, #tpu.memory_space<vmem>> -> memref<1x80xi32, #tpu.memory_space<vmem>>
          %dma_wait3A_274 = tpu.memref_squeeze %dma_wait3A_273 : memref<1x80xi32, #tpu.memory_space<vmem>> -> memref<80xi32, #tpu.memory_space<vmem>>
          %dma_wait3A_275 = arith.constant 0 : i32
          %dma_wait3A_276 = arith.constant 0 : i32
          %dma_wait3A_277 = tpu.memref_slice %arg4[%dma_wait3A_275, %dma_wait3A_276] : memref<153600x128xf32, #tpu.memory_space<hbm>> -> memref<153600x128xf32, #tpu.memory_space<hbm>>
          %dma_wait3A_278 = tpu.memref_slice %arg13[%select_n3A_251] : memref<4x!tpu.dma_semaphore, #tpu.memory_space<semaphore_mem>> -> memref<1x!tpu.dma_semaphore, #tpu.memory_space<semaphore_mem>>
          %dma_wait3A_279 = tpu.memref_squeeze %dma_wait3A_278 : memref<1x!tpu.dma_semaphore, #tpu.memory_space<semaphore_mem>> -> memref<!tpu.dma_semaphore, #tpu.memory_space<semaphore_mem>>
          tpu.wait_indirect_dma semaphore(%dma_wait3A_279 : memref<!tpu.dma_semaphore, #tpu.memory_space<semaphore_mem>>) src(%dma_wait3A_277 : memref<153600x128xf32, #tpu.memory_space<hbm>>) dst(%dma_wait3A_271 : memref<80x128xf32, #tpu.memory_space<vmem>>)
          %dma_start3A_280 = arith.constant 0 : i32
          %dma_start3A_281 = arith.constant 0 : i32
          %dma_start3A_282 = tpu.memref_slice %arg11[%select_n3A_251, %dma_start3A_280, %dma_start3A_281] : memref<4x80x128xf32, #tpu.memory_space<vmem>> -> memref<1x80x128xf32, #tpu.memory_space<vmem>>
          %dma_start3A_283 = tpu.memref_squeeze %dma_start3A_282 : memref<1x80x128xf32, #tpu.memory_space<vmem>> -> memref<80x128xf32, #tpu.memory_space<vmem>>
          %dma_start3A_284 = arith.constant 0 : i32
          %dma_start3A_285 = tpu.memref_slice %arg10[%while3A_235, %dma_start3A_284] : memref<20x80xi32, #tpu.memory_space<vmem>> -> memref<1x80xi32, #tpu.memory_space<vmem>>
          %dma_start3A_286 = tpu.memref_squeeze %dma_start3A_285 : memref<1x80xi32, #tpu.memory_space<vmem>> -> memref<80xi32, #tpu.memory_space<vmem>>
          %dma_start3A_287 = arith.constant 0 : i32
          %dma_start3A_288 = arith.constant 0 : i32
          %dma_start3A_289 = tpu.memref_slice %arg8[%dma_start3A_287, %dma_start3A_288] : memref<6528x128xf32, #tpu.memory_space<vmem_shared>> -> memref<6528x128xf32, #tpu.memory_space<vmem_shared>>
          %dma_start3A_290 = tpu.memref_slice %arg14[%select_n3A_267] : memref<2x!tpu.dma_semaphore, #tpu.memory_space<semaphore_mem>> -> memref<1x!tpu.dma_semaphore, #tpu.memory_space<semaphore_mem>>
          %dma_start3A_291 = tpu.memref_squeeze %dma_start3A_290 : memref<1x!tpu.dma_semaphore, #tpu.memory_space<semaphore_mem>> -> memref<!tpu.dma_semaphore, #tpu.memory_space<semaphore_mem>>
          tpu.enqueue_indirect_dma source(%dma_start3A_283 : memref<80x128xf32, #tpu.memory_space<vmem>>) target(%dma_start3A_289 : memref<6528x128xf32, #tpu.memory_space<vmem_shared>>) offsets(%dma_start3A_286 : memref<80xi32, #tpu.memory_space<vmem>>) semaphore(%dma_start3A_291 : memref<!tpu.dma_semaphore, #tpu.memory_space<semaphore_mem>>) {add = true}
          %ge3A = arith.constant 1 : i32
          %ge3A_292 = arith.cmpi sge, %while3A_235, %ge3A : i32
          %convert_element_type3A_293 = arith.extui %ge3A_292 : i1 to i32
          %cond3A_294 = arith.constant 0 : i32
          %cond3A_295 = arith.cmpi ne, %convert_element_type3A_293, %cond3A_294 : i32
          scf.if %cond3A_295 {
            %sub3A_302 = arith.constant 1 : i32
            %sub3A_303 = arith.subi %while3A_235, %sub3A_302 : i32
            %jit3A_304 = arith.constant 4 : i32
            %eq3A_305 = arith.constant 0 : i32
            %eq3A_306 = arith.cmpi eq, %jit3A_304, %eq3A_305 : i32
            %jit3A_307 = arith.constant 1 : i32
            %select_n3A_308 = arith.select %eq3A_306, %jit3A_307, %jit3A_304 : i32
            %rem3A_309 = arith.remsi %sub3A_303, %select_n3A_308 : i32
            %ne3A_310 = arith.constant 0 : i32
            %ne3A_311 = arith.cmpi ne, %rem3A_309, %ne3A_310 : i32
            %lt3A_312 = arith.constant 0 : i32
            %lt3A_313 = arith.cmpi slt, %rem3A_309, %lt3A_312 : i32
            %lt3A_314 = arith.constant 0 : i32
            %lt3A_315 = arith.cmpi slt, %select_n3A_308, %lt3A_314 : i32
            %ne3A_316 = arith.xori %lt3A_313, %lt3A_315 : i1
            %and3A_317 = arith.andi %ne3A_316, %ne3A_311 : i1
            %add3A_318 = arith.addi %rem3A_309, %select_n3A_308 : i32
            %select_n3A_319 = arith.select %and3A_317, %add3A_318, %rem3A_309 : i32
            %sub3A_320 = arith.constant 1 : i32
            %sub3A_321 = arith.subi %while3A_235, %sub3A_320 : i32
            %sub3A_322 = arith.constant 1 : i32
            %sub3A_323 = arith.subi %sub3A_322, %select_n3A_267 : i32
            %dma_wait3A_324 = arith.constant 0 : i32
            %dma_wait3A_325 = arith.constant 0 : i32
            %dma_wait3A_326 = tpu.memref_slice %arg11[%select_n3A_319, %dma_wait3A_324, %dma_wait3A_325] : memref<4x80x128xf32, #tpu.memory_space<vmem>> -> memref<1x80x128xf32, #tpu.memory_space<vmem>>
            %dma_wait3A_327 = tpu.memref_squeeze %dma_wait3A_326 : memref<1x80x128xf32, #tpu.memory_space<vmem>> -> memref<80x128xf32, #tpu.memory_space<vmem>>
            %dma_wait3A_328 = arith.constant 0 : i32
            %dma_wait3A_329 = tpu.memref_slice %arg10[%sub3A_321, %dma_wait3A_328] : memref<20x80xi32, #tpu.memory_space<vmem>> -> memref<1x80xi32, #tpu.memory_space<vmem>>
            %dma_wait3A_330 = tpu.memref_squeeze %dma_wait3A_329 : memref<1x80xi32, #tpu.memory_space<vmem>> -> memref<80xi32, #tpu.memory_space<vmem>>
            %dma_wait3A_331 = arith.constant 0 : i32
            %dma_wait3A_332 = arith.constant 0 : i32
            %dma_wait3A_333 = tpu.memref_slice %arg8[%dma_wait3A_331, %dma_wait3A_332] : memref<6528x128xf32, #tpu.memory_space<vmem_shared>> -> memref<6528x128xf32, #tpu.memory_space<vmem_shared>>
            %dma_wait3A_334 = tpu.memref_slice %arg14[%sub3A_323] : memref<2x!tpu.dma_semaphore, #tpu.memory_space<semaphore_mem>> -> memref<1x!tpu.dma_semaphore, #tpu.memory_space<semaphore_mem>>
            %dma_wait3A_335 = tpu.memref_squeeze %dma_wait3A_334 : memref<1x!tpu.dma_semaphore, #tpu.memory_space<semaphore_mem>> -> memref<!tpu.dma_semaphore, #tpu.memory_space<semaphore_mem>>
            tpu.wait_indirect_dma semaphore(%dma_wait3A_335 : memref<!tpu.dma_semaphore, #tpu.memory_space<semaphore_mem>>) src(%dma_wait3A_327 : memref<80x128xf32, #tpu.memory_space<vmem>>) dst(%dma_wait3A_333 : memref<6528x128xf32, #tpu.memory_space<vmem_shared>>)
          } else {
          }
          %add3A_296 = arith.constant 3 : i32
          %add3A_297 = arith.addi %while3A_235, %add3A_296 : i32
          %lt3A_298 = arith.cmpi slt, %add3A_297, %min3A_148 : i32
          %convert_element_type3A_299 = arith.extui %lt3A_298 : i1 to i32
          %cond3A_300 = arith.constant 0 : i32
          %cond3A_301 = arith.cmpi ne, %convert_element_type3A_299, %cond3A_300 : i32
          scf.if %cond3A_301 {
            %add3A_302 = arith.constant 3 : i32
            %add3A_303 = arith.addi %while3A_235, %add3A_302 : i32
            %add3A_304 = arith.constant 3 : i32
            %add3A_305 = arith.addi %while3A_235, %add3A_304 : i32
            %jit3A_306 = arith.constant 4 : i32
            %eq3A_307 = arith.constant 0 : i32
            %eq3A_308 = arith.cmpi eq, %jit3A_306, %eq3A_307 : i32
            %jit3A_309 = arith.constant 1 : i32
            %select_n3A_310 = arith.select %eq3A_308, %jit3A_309, %jit3A_306 : i32
            %rem3A_311 = arith.remsi %add3A_305, %select_n3A_310 : i32
            %ne3A_312 = arith.constant 0 : i32
            %ne3A_313 = arith.cmpi ne, %rem3A_311, %ne3A_312 : i32
            %lt3A_314 = arith.constant 0 : i32
            %lt3A_315 = arith.cmpi slt, %rem3A_311, %lt3A_314 : i32
            %lt3A_316 = arith.constant 0 : i32
            %lt3A_317 = arith.cmpi slt, %select_n3A_310, %lt3A_316 : i32
            %ne3A_318 = arith.xori %lt3A_315, %lt3A_317 : i1
            %and3A_319 = arith.andi %ne3A_318, %ne3A_313 : i1
            %add3A_320 = arith.addi %rem3A_311, %select_n3A_310 : i32
            %select_n3A_321 = arith.select %and3A_319, %add3A_320, %rem3A_311 : i32
            %add3A_322 = arith.constant 3 : i32
            %add3A_323 = arith.addi %while3A_235, %add3A_322 : i32
            %jit3A_324 = arith.constant 4 : i32
            %eq3A_325 = arith.constant 0 : i32
            %eq3A_326 = arith.cmpi eq, %jit3A_324, %eq3A_325 : i32
            %jit3A_327 = arith.constant 1 : i32
            %select_n3A_328 = arith.select %eq3A_326, %jit3A_327, %jit3A_324 : i32
            %rem3A_329 = arith.remsi %add3A_323, %select_n3A_328 : i32
            %ne3A_330 = arith.constant 0 : i32
            %ne3A_331 = arith.cmpi ne, %rem3A_329, %ne3A_330 : i32
            %lt3A_332 = arith.constant 0 : i32
            %lt3A_333 = arith.cmpi slt, %rem3A_329, %lt3A_332 : i32
            %lt3A_334 = arith.constant 0 : i32
            %lt3A_335 = arith.cmpi slt, %select_n3A_328, %lt3A_334 : i32
            %ne3A_336 = arith.xori %lt3A_333, %lt3A_335 : i1
            %and3A_337 = arith.andi %ne3A_336, %ne3A_331 : i1
            %add3A_338 = arith.addi %rem3A_329, %select_n3A_328 : i32
            %select_n3A_339 = arith.select %and3A_337, %add3A_338, %rem3A_329 : i32
            %dma_start3A_340 = arith.constant 0 : i32
            %dma_start3A_341 = arith.constant 0 : i32
            %dma_start3A_342 = tpu.memref_slice %arg11[%select_n3A_321, %dma_start3A_340, %dma_start3A_341] : memref<4x80x128xf32, #tpu.memory_space<vmem>> -> memref<1x80x128xf32, #tpu.memory_space<vmem>>
            %dma_start3A_343 = tpu.memref_squeeze %dma_start3A_342 : memref<1x80x128xf32, #tpu.memory_space<vmem>> -> memref<80x128xf32, #tpu.memory_space<vmem>>
            %dma_start3A_344 = arith.constant 0 : i32
            %dma_start3A_345 = tpu.memref_slice %arg9[%add3A_303, %dma_start3A_344] : memref<20x80xi32, #tpu.memory_space<vmem>> -> memref<1x80xi32, #tpu.memory_space<vmem>>
            %dma_start3A_346 = tpu.memref_squeeze %dma_start3A_345 : memref<1x80xi32, #tpu.memory_space<vmem>> -> memref<80xi32, #tpu.memory_space<vmem>>
            %dma_start3A_347 = arith.constant 0 : i32
            %dma_start3A_348 = arith.constant 0 : i32
            %dma_start3A_349 = tpu.memref_slice %arg4[%dma_start3A_347, %dma_start3A_348] : memref<153600x128xf32, #tpu.memory_space<hbm>> -> memref<153600x128xf32, #tpu.memory_space<hbm>>
            %dma_start3A_350 = tpu.memref_slice %arg13[%select_n3A_339] : memref<4x!tpu.dma_semaphore, #tpu.memory_space<semaphore_mem>> -> memref<1x!tpu.dma_semaphore, #tpu.memory_space<semaphore_mem>>
            %dma_start3A_351 = tpu.memref_squeeze %dma_start3A_350 : memref<1x!tpu.dma_semaphore, #tpu.memory_space<semaphore_mem>> -> memref<!tpu.dma_semaphore, #tpu.memory_space<semaphore_mem>>
            tpu.enqueue_indirect_dma source(%dma_start3A_349 : memref<153600x128xf32, #tpu.memory_space<hbm>>) target(%dma_start3A_343 : memref<80x128xf32, #tpu.memory_space<vmem>>) offsets(%dma_start3A_346 : memref<80xi32, #tpu.memory_space<vmem>>) semaphore(%dma_start3A_351 : memref<!tpu.dma_semaphore, #tpu.memory_space<semaphore_mem>>)
          } else {
          }
        }
        %sub3A_186 = arith.constant 1 : i32
        %sub3A_187 = arith.subi %min3A_148, %sub3A_186 : i32
        %jit3A_188 = arith.constant 4 : i32
        %eq3A_189 = arith.constant 0 : i32
        %eq3A_190 = arith.cmpi eq, %jit3A_188, %eq3A_189 : i32
        %jit3A_191 = arith.constant 1 : i32
        %select_n3A_192 = arith.select %eq3A_190, %jit3A_191, %jit3A_188 : i32
        %rem3A_193 = arith.remsi %sub3A_187, %select_n3A_192 : i32
        %ne3A_194 = arith.constant 0 : i32
        %ne3A_195 = arith.cmpi ne, %rem3A_193, %ne3A_194 : i32
        %lt3A_196 = arith.constant 0 : i32
        %lt3A_197 = arith.cmpi slt, %rem3A_193, %lt3A_196 : i32
        %lt3A_198 = arith.constant 0 : i32
        %lt3A_199 = arith.cmpi slt, %select_n3A_192, %lt3A_198 : i32
        %ne3A_200 = arith.xori %lt3A_197, %lt3A_199 : i1
        %and3A_201 = arith.andi %ne3A_200, %ne3A_195 : i1
        %add3A_202 = arith.addi %rem3A_193, %select_n3A_192 : i32
        %select_n3A_203 = arith.select %and3A_201, %add3A_202, %rem3A_193 : i32
        %sub3A_204 = arith.constant 1 : i32
        %sub3A_205 = arith.subi %min3A_148, %sub3A_204 : i32
        %sub3A_206 = arith.constant 1 : i32
        %sub3A_207 = arith.subi %min3A_148, %sub3A_206 : i32
        %jit3A_208 = arith.constant 2 : i32
        %eq3A_209 = arith.constant 0 : i32
        %eq3A_210 = arith.cmpi eq, %jit3A_208, %eq3A_209 : i32
        %jit3A_211 = arith.constant 1 : i32
        %select_n3A_212 = arith.select %eq3A_210, %jit3A_211, %jit3A_208 : i32
        %rem3A_213 = arith.remsi %sub3A_207, %select_n3A_212 : i32
        %ne3A_214 = arith.constant 0 : i32
        %ne3A_215 = arith.cmpi ne, %rem3A_213, %ne3A_214 : i32
        %lt3A_216 = arith.constant 0 : i32
        %lt3A_217 = arith.cmpi slt, %rem3A_213, %lt3A_216 : i32
        %lt3A_218 = arith.constant 0 : i32
        %lt3A_219 = arith.cmpi slt, %select_n3A_212, %lt3A_218 : i32
        %ne3A_220 = arith.xori %lt3A_217, %lt3A_219 : i1
        %and3A_221 = arith.andi %ne3A_220, %ne3A_215 : i1
        %add3A_222 = arith.addi %rem3A_213, %select_n3A_212 : i32
        %select_n3A_223 = arith.select %and3A_221, %add3A_222, %rem3A_213 : i32
        %dma_wait3A = arith.constant 0 : i32
        %dma_wait3A_224 = arith.constant 0 : i32
        %dma_wait3A_225 = tpu.memref_slice %arg11[%select_n3A_203, %dma_wait3A, %dma_wait3A_224] : memref<4x80x128xf32, #tpu.memory_space<vmem>> -> memref<1x80x128xf32, #tpu.memory_space<vmem>>
        %dma_wait3A_226 = tpu.memref_squeeze %dma_wait3A_225 : memref<1x80x128xf32, #tpu.memory_space<vmem>> -> memref<80x128xf32, #tpu.memory_space<vmem>>
        %dma_wait3A_227 = arith.constant 0 : i32
        %dma_wait3A_228 = tpu.memref_slice %arg10[%sub3A_205, %dma_wait3A_227] : memref<20x80xi32, #tpu.memory_space<vmem>> -> memref<1x80xi32, #tpu.memory_space<vmem>>
        %dma_wait3A_229 = tpu.memref_squeeze %dma_wait3A_228 : memref<1x80xi32, #tpu.memory_space<vmem>> -> memref<80xi32, #tpu.memory_space<vmem>>
        %dma_wait3A_230 = arith.constant 0 : i32
        %dma_wait3A_231 = arith.constant 0 : i32
        %dma_wait3A_232 = tpu.memref_slice %arg8[%dma_wait3A_230, %dma_wait3A_231] : memref<6528x128xf32, #tpu.memory_space<vmem_shared>> -> memref<6528x128xf32, #tpu.memory_space<vmem_shared>>
        %dma_wait3A_233 = tpu.memref_slice %arg14[%select_n3A_223] : memref<2x!tpu.dma_semaphore, #tpu.memory_space<semaphore_mem>> -> memref<1x!tpu.dma_semaphore, #tpu.memory_space<semaphore_mem>>
        %dma_wait3A_234 = tpu.memref_squeeze %dma_wait3A_233 : memref<1x!tpu.dma_semaphore, #tpu.memory_space<semaphore_mem>> -> memref<!tpu.dma_semaphore, #tpu.memory_space<semaphore_mem>>
        tpu.wait_indirect_dma semaphore(%dma_wait3A_234 : memref<!tpu.dma_semaphore, #tpu.memory_space<semaphore_mem>>) src(%dma_wait3A_226 : memref<80x128xf32, #tpu.memory_space<vmem>>) dst(%dma_wait3A_232 : memref<6528x128xf32, #tpu.memory_space<vmem_shared>>)
      }
      %barrier3A_127 = arith.constant 0 : index
      tpu.barrier barrier_id(%barrier3A_127)
      %mul3A_128 = arith.constant 400 : i32
      %mul3A_129 = arith.muli %arg1, %mul3A_128 : i32
      %mul3A_130 = arith.constant 51200 : i32
      %mul3A_131 = arith.muli %select_n3A, %mul3A_130 : i32
      %mul3A_132 = arith.constant 6400 : i32
      %mul3A_133 = arith.muli %add3A_36, %mul3A_132 : i32
      %add3A_134 = arith.addi %mul3A_131, %mul3A_133 : i32
      %mul3A_135 = arith.constant 400 : i32
      %mul3A_136 = arith.muli %arg1, %mul3A_135 : i32
      %add3A_137 = arith.addi %add3A_134, %mul3A_136 : i32
      "tpu.region"() ({
        %run_scoped3A = tpu.sem_alloc : memref<!tpu.dma_semaphore, #tpu.memory_space<semaphore_mem>>
        %dma_start3A = arith.constant 0 : i32
        %dma_start3A_138 = tpu.memref_slice %arg7[%add3A_137, %dma_start3A] : memref<153600x128xf32, #tpu.memory_space<hbm>> -> memref<400x128xf32, #tpu.memory_space<hbm>>
        %dma_start3A_139 = arith.constant 0 : i32
        %dma_start3A_140 = tpu.memref_slice %arg8[%mul3A_129, %dma_start3A_139] : memref<6528x128xf32, #tpu.memory_space<vmem_shared>> -> memref<400x128xf32, #tpu.memory_space<vmem_shared>>
        tpu.enqueue_dma source(%dma_start3A_140 : memref<400x128xf32, #tpu.memory_space<vmem_shared>>) target(%dma_start3A_138 : memref<400x128xf32, #tpu.memory_space<hbm>>) target_semaphore(%run_scoped3A : memref<!tpu.dma_semaphore, #tpu.memory_space<semaphore_mem>>)
        %dma_wait3A = arith.constant 0 : i32
        %dma_wait3A_141 = tpu.memref_slice %arg7[%add3A_137, %dma_wait3A] : memref<153600x128xf32, #tpu.memory_space<hbm>> -> memref<400x128xf32, #tpu.memory_space<hbm>>
        %dma_wait3A_142 = arith.constant 0 : i32
        %dma_wait3A_143 = tpu.memref_slice %arg8[%mul3A_129, %dma_wait3A_142] : memref<6528x128xf32, #tpu.memory_space<vmem_shared>> -> memref<400x128xf32, #tpu.memory_space<vmem_shared>>
        tpu.wait_dma2 semaphore(%run_scoped3A : memref<!tpu.dma_semaphore, #tpu.memory_space<semaphore_mem>>) src(%dma_wait3A_143 : memref<400x128xf32, #tpu.memory_space<vmem_shared>>) dst(%dma_wait3A_141 : memref<400x128xf32, #tpu.memory_space<hbm>>)
        tpu.yield
      }) : () -> ()
    }
    %scan3A_4 = arith.constant 12 : i32
    return
  }
}

#map = affine_map<(d0, d1) -> (0, 0, 0, 0)>
#map1 = affine_map<(d0, d1) -> (0)>
#map2 = affine_map<(d0, d1) -> (0, 0, 0)>
module attributes {stable_mosaic.version = 14 : i64} {
  func.func @_sc_permute(%arg0: i32, %arg1: i32, %arg2: memref<3x16x100x128xi32, #tpu.memory_space<hbm>>, %arg3: memref<3x16x100x128xi32, #tpu.memory_space<hbm>>, %arg4: memref<3x16x100x128xi32, #tpu.memory_space<hbm>>, %arg5: memref<409600xi32, #tpu.memory_space<hbm>>, %arg6: memref<3x16x25600xi32, #tpu.memory_space<hbm>>, %arg7: memref<3x16x25600xi32, #tpu.memory_space<hbm>>, %arg8: memref<409728xi32, #tpu.memory_space<vmem_shared>>, %arg9: memref<409728xi32, #tpu.memory_space<vmem_shared>>, %arg10: memref<100x128xi32, #tpu.memory_space<vmem>>, %arg11: memref<100x128xi32, #tpu.memory_space<vmem>>, %arg12: memref<100x128xi32, #tpu.memory_space<vmem>>, %arg13: memref<!tpu.dma_semaphore, #tpu.memory_space<semaphore_mem>>) attributes {dimension_semantics = [#tpu.dimension_semantics<core_parallel>, #tpu.dimension_semantics<subcore_parallel>], iteration_bounds = array<i64: 2, 16>, scalar_prefetch = 0 : i64, scratch_operands = 6 : i64, tpu.core_type = #tpu.core_type<sc_vector_subcore>, window_params = [{transform_indices = #map}, {transform_indices = #map}, {transform_indices = #map}, {transform_indices = #map1}, {transform_indices = #map2}, {transform_indices = #map2}]} {
    %sub3A = arith.constant 2 : i32
    %sub3A_0 = arith.subi %sub3A, %arg0 : i32
    %while3A = arith.constant 0 : i32
    %while3A_1 = arith.constant 0 : i32
    %while3A_2 = arith.subi %sub3A_0, %while3A_1 : i32
    %while3A_3 = arith.addi %while3A_1, %while3A_2 : i32
    %while3A_4 = arith.constant 1 : i32
    %while3A_5 = arith.divsi %while3A_2, %while3A_4 : i32
    %while3A_6 = arith.muli %while3A_5, %while3A_4 : i32
    %while3A_7 = arith.addi %while3A_1, %while3A_6 : i32
    %while3A_8 = arith.constant 1 : i32
    scf.for %while3A_10 = %while3A_1 to %while3A_7 step %while3A_8  : i32 {
      %mul3A = arith.constant 2 : i32
      %mul3A_11 = arith.muli %mul3A, %arg0 : i32
      %add3A = arith.addi %mul3A_11, %while3A_10 : i32
      %mul3A_12 = arith.constant 25600 : i32
      %mul3A_13 = arith.muli %arg1, %mul3A_12 : i32
      %mul3A_14 = arith.constant 25600 : i32
      %mul3A_15 = arith.muli %arg1, %mul3A_14 : i32
      "tpu.region"() ({
        %run_scoped3A = tpu.sem_alloc : memref<!tpu.dma_semaphore, #tpu.memory_space<semaphore_mem>>
        %dma_start3A = tpu.memref_slice %arg8[%mul3A_15] : memref<409728xi32, #tpu.memory_space<vmem_shared>> -> memref<25600xi32, #tpu.memory_space<vmem_shared>>
        %dma_start3A_38 = tpu.memref_slice %arg5[%mul3A_13] : memref<409600xi32, #tpu.memory_space<hbm>> -> memref<25600xi32, #tpu.memory_space<hbm>>
        tpu.enqueue_dma source(%dma_start3A_38 : memref<25600xi32, #tpu.memory_space<hbm>>) target(%dma_start3A : memref<25600xi32, #tpu.memory_space<vmem_shared>>) target_semaphore(%run_scoped3A : memref<!tpu.dma_semaphore, #tpu.memory_space<semaphore_mem>>)
        %dma_wait3A = tpu.memref_slice %arg8[%mul3A_15] : memref<409728xi32, #tpu.memory_space<vmem_shared>> -> memref<25600xi32, #tpu.memory_space<vmem_shared>>
        %dma_wait3A_39 = tpu.memref_slice %arg5[%mul3A_13] : memref<409600xi32, #tpu.memory_space<hbm>> -> memref<25600xi32, #tpu.memory_space<hbm>>
        tpu.wait_dma2 semaphore(%run_scoped3A : memref<!tpu.dma_semaphore, #tpu.memory_space<semaphore_mem>>) src(%dma_wait3A_39 : memref<25600xi32, #tpu.memory_space<hbm>>) dst(%dma_wait3A : memref<25600xi32, #tpu.memory_space<vmem_shared>>)
        tpu.yield
      }) : () -> ()
      %mul3A_16 = arith.constant 25600 : i32
      %mul3A_17 = arith.muli %arg1, %mul3A_16 : i32
      %mul3A_18 = arith.constant 25600 : i32
      %mul3A_19 = arith.muli %arg1, %mul3A_18 : i32
      "tpu.region"() ({
        %run_scoped3A = tpu.sem_alloc : memref<!tpu.dma_semaphore, #tpu.memory_space<semaphore_mem>>
        %dma_start3A = tpu.memref_slice %arg9[%mul3A_19] : memref<409728xi32, #tpu.memory_space<vmem_shared>> -> memref<25600xi32, #tpu.memory_space<vmem_shared>>
        %dma_start3A_38 = tpu.memref_slice %arg5[%mul3A_17] : memref<409600xi32, #tpu.memory_space<hbm>> -> memref<25600xi32, #tpu.memory_space<hbm>>
        tpu.enqueue_dma source(%dma_start3A_38 : memref<25600xi32, #tpu.memory_space<hbm>>) target(%dma_start3A : memref<25600xi32, #tpu.memory_space<vmem_shared>>) target_semaphore(%run_scoped3A : memref<!tpu.dma_semaphore, #tpu.memory_space<semaphore_mem>>)
        %dma_wait3A = tpu.memref_slice %arg9[%mul3A_19] : memref<409728xi32, #tpu.memory_space<vmem_shared>> -> memref<25600xi32, #tpu.memory_space<vmem_shared>>
        %dma_wait3A_39 = tpu.memref_slice %arg5[%mul3A_17] : memref<409600xi32, #tpu.memory_space<hbm>> -> memref<25600xi32, #tpu.memory_space<hbm>>
        tpu.wait_dma2 semaphore(%run_scoped3A : memref<!tpu.dma_semaphore, #tpu.memory_space<semaphore_mem>>) src(%dma_wait3A_39 : memref<25600xi32, #tpu.memory_space<hbm>>) dst(%dma_wait3A : memref<25600xi32, #tpu.memory_space<vmem_shared>>)
        tpu.yield
      }) : () -> ()
      %eq3A = arith.constant 0 : i32
      %eq3A_20 = arith.cmpi eq, %arg1, %eq3A : i32
      %convert_element_type3A = arith.extui %eq3A_20 : i1 to i32
      %cond3A = arith.constant 0 : i32
      %cond3A_21 = arith.cmpi ne, %convert_element_type3A, %cond3A : i32
      scf.if %cond3A_21 {
        "tpu.region"() ({
          %run_scoped3A = tpu.sem_alloc : memref<!tpu.dma_semaphore, #tpu.memory_space<semaphore_mem>>
          %dma_start3A = arith.constant 409600 : i32
          %dma_start3A_38 = tpu.memref_slice %arg8[%dma_start3A] : memref<409728xi32, #tpu.memory_space<vmem_shared>> -> memref<128xi32, #tpu.memory_space<vmem_shared>>
          %dma_start3A_39 = arith.constant 0 : i32
          %dma_start3A_40 = tpu.memref_slice %arg5[%dma_start3A_39] : memref<409600xi32, #tpu.memory_space<hbm>> -> memref<128xi32, #tpu.memory_space<hbm>>
          tpu.enqueue_dma source(%dma_start3A_40 : memref<128xi32, #tpu.memory_space<hbm>>) target(%dma_start3A_38 : memref<128xi32, #tpu.memory_space<vmem_shared>>) target_semaphore(%run_scoped3A : memref<!tpu.dma_semaphore, #tpu.memory_space<semaphore_mem>>)
          %dma_wait3A = arith.constant 409600 : i32
          %dma_wait3A_41 = tpu.memref_slice %arg8[%dma_wait3A] : memref<409728xi32, #tpu.memory_space<vmem_shared>> -> memref<128xi32, #tpu.memory_space<vmem_shared>>
          %dma_wait3A_42 = arith.constant 0 : i32
          %dma_wait3A_43 = tpu.memref_slice %arg5[%dma_wait3A_42] : memref<409600xi32, #tpu.memory_space<hbm>> -> memref<128xi32, #tpu.memory_space<hbm>>
          tpu.wait_dma2 semaphore(%run_scoped3A : memref<!tpu.dma_semaphore, #tpu.memory_space<semaphore_mem>>) src(%dma_wait3A_43 : memref<128xi32, #tpu.memory_space<hbm>>) dst(%dma_wait3A_41 : memref<128xi32, #tpu.memory_space<vmem_shared>>)
          tpu.yield
        }) : () -> ()
        "tpu.region"() ({
          %run_scoped3A = tpu.sem_alloc : memref<!tpu.dma_semaphore, #tpu.memory_space<semaphore_mem>>
          %dma_start3A = arith.constant 409600 : i32
          %dma_start3A_38 = tpu.memref_slice %arg9[%dma_start3A] : memref<409728xi32, #tpu.memory_space<vmem_shared>> -> memref<128xi32, #tpu.memory_space<vmem_shared>>
          %dma_start3A_39 = arith.constant 0 : i32
          %dma_start3A_40 = tpu.memref_slice %arg5[%dma_start3A_39] : memref<409600xi32, #tpu.memory_space<hbm>> -> memref<128xi32, #tpu.memory_space<hbm>>
          tpu.enqueue_dma source(%dma_start3A_40 : memref<128xi32, #tpu.memory_space<hbm>>) target(%dma_start3A_38 : memref<128xi32, #tpu.memory_space<vmem_shared>>) target_semaphore(%run_scoped3A : memref<!tpu.dma_semaphore, #tpu.memory_space<semaphore_mem>>)
          %dma_wait3A = arith.constant 409600 : i32
          %dma_wait3A_41 = tpu.memref_slice %arg9[%dma_wait3A] : memref<409728xi32, #tpu.memory_space<vmem_shared>> -> memref<128xi32, #tpu.memory_space<vmem_shared>>
          %dma_wait3A_42 = arith.constant 0 : i32
          %dma_wait3A_43 = tpu.memref_slice %arg5[%dma_wait3A_42] : memref<409600xi32, #tpu.memory_space<hbm>> -> memref<128xi32, #tpu.memory_space<hbm>>
          tpu.wait_dma2 semaphore(%run_scoped3A : memref<!tpu.dma_semaphore, #tpu.memory_space<semaphore_mem>>) src(%dma_wait3A_43 : memref<128xi32, #tpu.memory_space<hbm>>) dst(%dma_wait3A_41 : memref<128xi32, #tpu.memory_space<vmem_shared>>)
          tpu.yield
        }) : () -> ()
      } else {
      }
      %barrier3A = arith.constant 0 : index
      tpu.barrier barrier_id(%barrier3A)
      "tpu.region"() ({
        %run_scoped3A = tpu.sem_alloc : memref<!tpu.dma_semaphore, #tpu.memory_space<semaphore_mem>>
        %dma_start3A = arith.constant 0 : i32
        %dma_start3A_38 = arith.constant 0 : i32
        %dma_start3A_39 = tpu.memref_slice %arg2[%add3A, %arg1, %dma_start3A, %dma_start3A_38] : memref<3x16x100x128xi32, #tpu.memory_space<hbm>> -> memref<1x1x100x128xi32, #tpu.memory_space<hbm>>
        %dma_start3A_40 = tpu.memref_squeeze %dma_start3A_39 : memref<1x1x100x128xi32, #tpu.memory_space<hbm>> -> memref<100x128xi32, #tpu.memory_space<hbm>>
        %dma_start3A_41 = arith.constant 0 : i32
        %dma_start3A_42 = arith.constant 0 : i32
        %dma_start3A_43 = tpu.memref_slice %arg2[%add3A, %arg1, %dma_start3A_41, %dma_start3A_42] : memref<3x16x100x128xi32, #tpu.memory_space<hbm>> -> memref<1x1x100x128xi32, #tpu.memory_space<hbm>>
        %dma_start3A_44 = tpu.memref_squeeze %dma_start3A_43 : memref<1x1x100x128xi32, #tpu.memory_space<hbm>> -> memref<100x128xi32, #tpu.memory_space<hbm>>
        tpu.enqueue_dma source(%dma_start3A_44 : memref<100x128xi32, #tpu.memory_space<hbm>>) target(%arg10 : memref<100x128xi32, #tpu.memory_space<vmem>>) target_semaphore(%run_scoped3A : memref<!tpu.dma_semaphore, #tpu.memory_space<semaphore_mem>>)
        %dma_wait3A = arith.constant 0 : i32
        %dma_wait3A_45 = arith.constant 0 : i32
        %dma_wait3A_46 = tpu.memref_slice %arg2[%add3A, %arg1, %dma_wait3A, %dma_wait3A_45] : memref<3x16x100x128xi32, #tpu.memory_space<hbm>> -> memref<1x1x100x128xi32, #tpu.memory_space<hbm>>
        %dma_wait3A_47 = tpu.memref_squeeze %dma_wait3A_46 : memref<1x1x100x128xi32, #tpu.memory_space<hbm>> -> memref<100x128xi32, #tpu.memory_space<hbm>>
        %dma_wait3A_48 = arith.constant 0 : i32
        %dma_wait3A_49 = arith.constant 0 : i32
        %dma_wait3A_50 = tpu.memref_slice %arg2[%add3A, %arg1, %dma_wait3A_48, %dma_wait3A_49] : memref<3x16x100x128xi32, #tpu.memory_space<hbm>> -> memref<1x1x100x128xi32, #tpu.memory_space<hbm>>
        %dma_wait3A_51 = tpu.memref_squeeze %dma_wait3A_50 : memref<1x1x100x128xi32, #tpu.memory_space<hbm>> -> memref<100x128xi32, #tpu.memory_space<hbm>>
        tpu.wait_dma2 semaphore(%run_scoped3A : memref<!tpu.dma_semaphore, #tpu.memory_space<semaphore_mem>>) src(%dma_wait3A_51 : memref<100x128xi32, #tpu.memory_space<hbm>>) dst(%arg10 : memref<100x128xi32, #tpu.memory_space<vmem>>)
        tpu.yield
      }) : () -> ()
      "tpu.region"() ({
        %run_scoped3A = tpu.sem_alloc : memref<!tpu.dma_semaphore, #tpu.memory_space<semaphore_mem>>
        %dma_start3A = arith.constant 0 : i32
        %dma_start3A_38 = arith.constant 0 : i32
        %dma_start3A_39 = tpu.memref_slice %arg3[%add3A, %arg1, %dma_start3A, %dma_start3A_38] : memref<3x16x100x128xi32, #tpu.memory_space<hbm>> -> memref<1x1x100x128xi32, #tpu.memory_space<hbm>>
        %dma_start3A_40 = tpu.memref_squeeze %dma_start3A_39 : memref<1x1x100x128xi32, #tpu.memory_space<hbm>> -> memref<100x128xi32, #tpu.memory_space<hbm>>
        %dma_start3A_41 = arith.constant 0 : i32
        %dma_start3A_42 = arith.constant 0 : i32
        %dma_start3A_43 = tpu.memref_slice %arg3[%add3A, %arg1, %dma_start3A_41, %dma_start3A_42] : memref<3x16x100x128xi32, #tpu.memory_space<hbm>> -> memref<1x1x100x128xi32, #tpu.memory_space<hbm>>
        %dma_start3A_44 = tpu.memref_squeeze %dma_start3A_43 : memref<1x1x100x128xi32, #tpu.memory_space<hbm>> -> memref<100x128xi32, #tpu.memory_space<hbm>>
        tpu.enqueue_dma source(%dma_start3A_44 : memref<100x128xi32, #tpu.memory_space<hbm>>) target(%arg11 : memref<100x128xi32, #tpu.memory_space<vmem>>) target_semaphore(%run_scoped3A : memref<!tpu.dma_semaphore, #tpu.memory_space<semaphore_mem>>)
        %dma_wait3A = arith.constant 0 : i32
        %dma_wait3A_45 = arith.constant 0 : i32
        %dma_wait3A_46 = tpu.memref_slice %arg3[%add3A, %arg1, %dma_wait3A, %dma_wait3A_45] : memref<3x16x100x128xi32, #tpu.memory_space<hbm>> -> memref<1x1x100x128xi32, #tpu.memory_space<hbm>>
        %dma_wait3A_47 = tpu.memref_squeeze %dma_wait3A_46 : memref<1x1x100x128xi32, #tpu.memory_space<hbm>> -> memref<100x128xi32, #tpu.memory_space<hbm>>
        %dma_wait3A_48 = arith.constant 0 : i32
        %dma_wait3A_49 = arith.constant 0 : i32
        %dma_wait3A_50 = tpu.memref_slice %arg3[%add3A, %arg1, %dma_wait3A_48, %dma_wait3A_49] : memref<3x16x100x128xi32, #tpu.memory_space<hbm>> -> memref<1x1x100x128xi32, #tpu.memory_space<hbm>>
        %dma_wait3A_51 = tpu.memref_squeeze %dma_wait3A_50 : memref<1x1x100x128xi32, #tpu.memory_space<hbm>> -> memref<100x128xi32, #tpu.memory_space<hbm>>
        tpu.wait_dma2 semaphore(%run_scoped3A : memref<!tpu.dma_semaphore, #tpu.memory_space<semaphore_mem>>) src(%dma_wait3A_51 : memref<100x128xi32, #tpu.memory_space<hbm>>) dst(%arg11 : memref<100x128xi32, #tpu.memory_space<vmem>>)
        tpu.yield
      }) : () -> ()
      "tpu.region"() ({
        %run_scoped3A = tpu.sem_alloc : memref<!tpu.dma_semaphore, #tpu.memory_space<semaphore_mem>>
        %dma_start3A = arith.constant 0 : i32
        %dma_start3A_38 = arith.constant 0 : i32
        %dma_start3A_39 = tpu.memref_slice %arg4[%add3A, %arg1, %dma_start3A, %dma_start3A_38] : memref<3x16x100x128xi32, #tpu.memory_space<hbm>> -> memref<1x1x100x128xi32, #tpu.memory_space<hbm>>
        %dma_start3A_40 = tpu.memref_squeeze %dma_start3A_39 : memref<1x1x100x128xi32, #tpu.memory_space<hbm>> -> memref<100x128xi32, #tpu.memory_space<hbm>>
        %dma_start3A_41 = arith.constant 0 : i32
        %dma_start3A_42 = arith.constant 0 : i32
        %dma_start3A_43 = tpu.memref_slice %arg4[%add3A, %arg1, %dma_start3A_41, %dma_start3A_42] : memref<3x16x100x128xi32, #tpu.memory_space<hbm>> -> memref<1x1x100x128xi32, #tpu.memory_space<hbm>>
        %dma_start3A_44 = tpu.memref_squeeze %dma_start3A_43 : memref<1x1x100x128xi32, #tpu.memory_space<hbm>> -> memref<100x128xi32, #tpu.memory_space<hbm>>
        tpu.enqueue_dma source(%dma_start3A_44 : memref<100x128xi32, #tpu.memory_space<hbm>>) target(%arg12 : memref<100x128xi32, #tpu.memory_space<vmem>>) target_semaphore(%run_scoped3A : memref<!tpu.dma_semaphore, #tpu.memory_space<semaphore_mem>>)
        %dma_wait3A = arith.constant 0 : i32
        %dma_wait3A_45 = arith.constant 0 : i32
        %dma_wait3A_46 = tpu.memref_slice %arg4[%add3A, %arg1, %dma_wait3A, %dma_wait3A_45] : memref<3x16x100x128xi32, #tpu.memory_space<hbm>> -> memref<1x1x100x128xi32, #tpu.memory_space<hbm>>
        %dma_wait3A_47 = tpu.memref_squeeze %dma_wait3A_46 : memref<1x1x100x128xi32, #tpu.memory_space<hbm>> -> memref<100x128xi32, #tpu.memory_space<hbm>>
        %dma_wait3A_48 = arith.constant 0 : i32
        %dma_wait3A_49 = arith.constant 0 : i32
        %dma_wait3A_50 = tpu.memref_slice %arg4[%add3A, %arg1, %dma_wait3A_48, %dma_wait3A_49] : memref<3x16x100x128xi32, #tpu.memory_space<hbm>> -> memref<1x1x100x128xi32, #tpu.memory_space<hbm>>
        %dma_wait3A_51 = tpu.memref_squeeze %dma_wait3A_50 : memref<1x1x100x128xi32, #tpu.memory_space<hbm>> -> memref<100x128xi32, #tpu.memory_space<hbm>>
        tpu.wait_dma2 semaphore(%run_scoped3A : memref<!tpu.dma_semaphore, #tpu.memory_space<semaphore_mem>>) src(%dma_wait3A_51 : memref<100x128xi32, #tpu.memory_space<hbm>>) dst(%arg12 : memref<100x128xi32, #tpu.memory_space<vmem>>)
        tpu.yield
      }) : () -> ()
      %scan3A = arith.constant 0 : i32
      %scan3A_22 = arith.constant 0 : i32
      %scan3A_23 = arith.constant 100 : i32
      %scan3A_24 = arith.addi %scan3A_22, %scan3A_23 : i32
      %scan3A_25 = arith.constant 1 : i32
      scf.for %scan3A_38 = %scan3A_22 to %scan3A_24 step %scan3A_25  : i32 {
        %dma_start3A = arith.constant 0 : i32
        %dma_start3A_39 = tpu.memref_slice %arg11[%scan3A_38, %dma_start3A] : memref<100x128xi32, #tpu.memory_space<vmem>> -> memref<1x128xi32, #tpu.memory_space<vmem>>
        %dma_start3A_40 = tpu.memref_squeeze %dma_start3A_39 : memref<1x128xi32, #tpu.memory_space<vmem>> -> memref<128xi32, #tpu.memory_space<vmem>>
        %dma_start3A_41 = arith.constant 0 : i32
        %dma_start3A_42 = tpu.memref_slice %arg10[%scan3A_38, %dma_start3A_41] : memref<100x128xi32, #tpu.memory_space<vmem>> -> memref<1x128xi32, #tpu.memory_space<vmem>>
        %dma_start3A_43 = tpu.memref_squeeze %dma_start3A_42 : memref<1x128xi32, #tpu.memory_space<vmem>> -> memref<128xi32, #tpu.memory_space<vmem>>
        %dma_start3A_44 = arith.constant 0 : i32
        %dma_start3A_45 = tpu.memref_slice %arg8[%dma_start3A_44] : memref<409728xi32, #tpu.memory_space<vmem_shared>> -> memref<409728xi32, #tpu.memory_space<vmem_shared>>
        tpu.enqueue_indirect_dma source(%dma_start3A_40 : memref<128xi32, #tpu.memory_space<vmem>>) target(%dma_start3A_45 : memref<409728xi32, #tpu.memory_space<vmem_shared>>) offsets(%dma_start3A_43 : memref<128xi32, #tpu.memory_space<vmem>>) semaphore(%arg13 : memref<!tpu.dma_semaphore, #tpu.memory_space<semaphore_mem>>)
        %dma_start3A_46 = arith.constant 0 : i32
        %dma_start3A_47 = tpu.memref_slice %arg12[%scan3A_38, %dma_start3A_46] : memref<100x128xi32, #tpu.memory_space<vmem>> -> memref<1x128xi32, #tpu.memory_space<vmem>>
        %dma_start3A_48 = tpu.memref_squeeze %dma_start3A_47 : memref<1x128xi32, #tpu.memory_space<vmem>> -> memref<128xi32, #tpu.memory_space<vmem>>
        %dma_start3A_49 = arith.constant 0 : i32
        %dma_start3A_50 = tpu.memref_slice %arg10[%scan3A_38, %dma_start3A_49] : memref<100x128xi32, #tpu.memory_space<vmem>> -> memref<1x128xi32, #tpu.memory_space<vmem>>
        %dma_start3A_51 = tpu.memref_squeeze %dma_start3A_50 : memref<1x128xi32, #tpu.memory_space<vmem>> -> memref<128xi32, #tpu.memory_space<vmem>>
        %dma_start3A_52 = arith.constant 0 : i32
        %dma_start3A_53 = tpu.memref_slice %arg9[%dma_start3A_52] : memref<409728xi32, #tpu.memory_space<vmem_shared>> -> memref<409728xi32, #tpu.memory_space<vmem_shared>>
        tpu.enqueue_indirect_dma source(%dma_start3A_48 : memref<128xi32, #tpu.memory_space<vmem>>) target(%dma_start3A_53 : memref<409728xi32, #tpu.memory_space<vmem_shared>>) offsets(%dma_start3A_51 : memref<128xi32, #tpu.memory_space<vmem>>) semaphore(%arg13 : memref<!tpu.dma_semaphore, #tpu.memory_space<semaphore_mem>>)
      }
      %scan3A_26 = arith.constant 100 : i32
      %scan3A_27 = arith.constant 0 : i32
      %scan3A_28 = arith.constant 0 : i32
      %scan3A_29 = arith.constant 100 : i32
      %scan3A_30 = arith.addi %scan3A_28, %scan3A_29 : i32
      %scan3A_31 = arith.constant 1 : i32
      scf.for %scan3A_38 = %scan3A_28 to %scan3A_30 step %scan3A_31  : i32 {
        %dma_wait3A = arith.constant 0 : i32
        %dma_wait3A_39 = tpu.memref_slice %arg11[%scan3A_38, %dma_wait3A] : memref<100x128xi32, #tpu.memory_space<vmem>> -> memref<1x128xi32, #tpu.memory_space<vmem>>
        %dma_wait3A_40 = tpu.memref_squeeze %dma_wait3A_39 : memref<1x128xi32, #tpu.memory_space<vmem>> -> memref<128xi32, #tpu.memory_space<vmem>>
        %dma_wait3A_41 = arith.constant 0 : i32
        %dma_wait3A_42 = tpu.memref_slice %arg10[%scan3A_38, %dma_wait3A_41] : memref<100x128xi32, #tpu.memory_space<vmem>> -> memref<1x128xi32, #tpu.memory_space<vmem>>
        %dma_wait3A_43 = tpu.memref_squeeze %dma_wait3A_42 : memref<1x128xi32, #tpu.memory_space<vmem>> -> memref<128xi32, #tpu.memory_space<vmem>>
        %dma_wait3A_44 = arith.constant 0 : i32
        %dma_wait3A_45 = tpu.memref_slice %arg8[%dma_wait3A_44] : memref<409728xi32, #tpu.memory_space<vmem_shared>> -> memref<409728xi32, #tpu.memory_space<vmem_shared>>
        tpu.wait_indirect_dma semaphore(%arg13 : memref<!tpu.dma_semaphore, #tpu.memory_space<semaphore_mem>>) src(%dma_wait3A_40 : memref<128xi32, #tpu.memory_space<vmem>>) dst(%dma_wait3A_45 : memref<409728xi32, #tpu.memory_space<vmem_shared>>)
        %dma_wait3A_46 = arith.constant 0 : i32
        %dma_wait3A_47 = tpu.memref_slice %arg12[%scan3A_38, %dma_wait3A_46] : memref<100x128xi32, #tpu.memory_space<vmem>> -> memref<1x128xi32, #tpu.memory_space<vmem>>
        %dma_wait3A_48 = tpu.memref_squeeze %dma_wait3A_47 : memref<1x128xi32, #tpu.memory_space<vmem>> -> memref<128xi32, #tpu.memory_space<vmem>>
        %dma_wait3A_49 = arith.constant 0 : i32
        %dma_wait3A_50 = tpu.memref_slice %arg10[%scan3A_38, %dma_wait3A_49] : memref<100x128xi32, #tpu.memory_space<vmem>> -> memref<1x128xi32, #tpu.memory_space<vmem>>
        %dma_wait3A_51 = tpu.memref_squeeze %dma_wait3A_50 : memref<1x128xi32, #tpu.memory_space<vmem>> -> memref<128xi32, #tpu.memory_space<vmem>>
        %dma_wait3A_52 = arith.constant 0 : i32
        %dma_wait3A_53 = tpu.memref_slice %arg9[%dma_wait3A_52] : memref<409728xi32, #tpu.memory_space<vmem_shared>> -> memref<409728xi32, #tpu.memory_space<vmem_shared>>
        tpu.wait_indirect_dma semaphore(%arg13 : memref<!tpu.dma_semaphore, #tpu.memory_space<semaphore_mem>>) src(%dma_wait3A_48 : memref<128xi32, #tpu.memory_space<vmem>>) dst(%dma_wait3A_53 : memref<409728xi32, #tpu.memory_space<vmem_shared>>)
      }
      %scan3A_32 = arith.constant 100 : i32
      %barrier3A_33 = arith.constant 0 : index
      tpu.barrier barrier_id(%barrier3A_33)
      %mul3A_34 = arith.constant 25600 : i32
      %mul3A_35 = arith.muli %arg1, %mul3A_34 : i32
      "tpu.region"() ({
        %run_scoped3A = tpu.sem_alloc : memref<!tpu.dma_semaphore, #tpu.memory_space<semaphore_mem>>
        %dma_start3A = arith.constant 0 : i32
        %dma_start3A_38 = tpu.memref_slice %arg6[%add3A, %arg1, %dma_start3A] : memref<3x16x25600xi32, #tpu.memory_space<hbm>> -> memref<1x1x25600xi32, #tpu.memory_space<hbm>>
        %dma_start3A_39 = tpu.memref_squeeze %dma_start3A_38 : memref<1x1x25600xi32, #tpu.memory_space<hbm>> -> memref<25600xi32, #tpu.memory_space<hbm>>
        %dma_start3A_40 = tpu.memref_slice %arg8[%mul3A_35] : memref<409728xi32, #tpu.memory_space<vmem_shared>> -> memref<25600xi32, #tpu.memory_space<vmem_shared>>
        tpu.enqueue_dma source(%dma_start3A_40 : memref<25600xi32, #tpu.memory_space<vmem_shared>>) target(%dma_start3A_39 : memref<25600xi32, #tpu.memory_space<hbm>>) target_semaphore(%run_scoped3A : memref<!tpu.dma_semaphore, #tpu.memory_space<semaphore_mem>>)
        %dma_wait3A = arith.constant 0 : i32
        %dma_wait3A_41 = tpu.memref_slice %arg6[%add3A, %arg1, %dma_wait3A] : memref<3x16x25600xi32, #tpu.memory_space<hbm>> -> memref<1x1x25600xi32, #tpu.memory_space<hbm>>
        %dma_wait3A_42 = tpu.memref_squeeze %dma_wait3A_41 : memref<1x1x25600xi32, #tpu.memory_space<hbm>> -> memref<25600xi32, #tpu.memory_space<hbm>>
        %dma_wait3A_43 = tpu.memref_slice %arg8[%mul3A_35] : memref<409728xi32, #tpu.memory_space<vmem_shared>> -> memref<25600xi32, #tpu.memory_space<vmem_shared>>
        tpu.wait_dma2 semaphore(%run_scoped3A : memref<!tpu.dma_semaphore, #tpu.memory_space<semaphore_mem>>) src(%dma_wait3A_43 : memref<25600xi32, #tpu.memory_space<vmem_shared>>) dst(%dma_wait3A_42 : memref<25600xi32, #tpu.memory_space<hbm>>)
        tpu.yield
      }) : () -> ()
      %mul3A_36 = arith.constant 25600 : i32
      %mul3A_37 = arith.muli %arg1, %mul3A_36 : i32
      "tpu.region"() ({
        %run_scoped3A = tpu.sem_alloc : memref<!tpu.dma_semaphore, #tpu.memory_space<semaphore_mem>>
        %dma_start3A = arith.constant 0 : i32
        %dma_start3A_38 = tpu.memref_slice %arg7[%add3A, %arg1, %dma_start3A] : memref<3x16x25600xi32, #tpu.memory_space<hbm>> -> memref<1x1x25600xi32, #tpu.memory_space<hbm>>
        %dma_start3A_39 = tpu.memref_squeeze %dma_start3A_38 : memref<1x1x25600xi32, #tpu.memory_space<hbm>> -> memref<25600xi32, #tpu.memory_space<hbm>>
        %dma_start3A_40 = tpu.memref_slice %arg9[%mul3A_37] : memref<409728xi32, #tpu.memory_space<vmem_shared>> -> memref<25600xi32, #tpu.memory_space<vmem_shared>>
        tpu.enqueue_dma source(%dma_start3A_40 : memref<25600xi32, #tpu.memory_space<vmem_shared>>) target(%dma_start3A_39 : memref<25600xi32, #tpu.memory_space<hbm>>) target_semaphore(%run_scoped3A : memref<!tpu.dma_semaphore, #tpu.memory_space<semaphore_mem>>)
        %dma_wait3A = arith.constant 0 : i32
        %dma_wait3A_41 = tpu.memref_slice %arg7[%add3A, %arg1, %dma_wait3A] : memref<3x16x25600xi32, #tpu.memory_space<hbm>> -> memref<1x1x25600xi32, #tpu.memory_space<hbm>>
        %dma_wait3A_42 = tpu.memref_squeeze %dma_wait3A_41 : memref<1x1x25600xi32, #tpu.memory_space<hbm>> -> memref<25600xi32, #tpu.memory_space<hbm>>
        %dma_wait3A_43 = tpu.memref_slice %arg9[%mul3A_37] : memref<409728xi32, #tpu.memory_space<vmem_shared>> -> memref<25600xi32, #tpu.memory_space<vmem_shared>>
        tpu.wait_dma2 semaphore(%run_scoped3A : memref<!tpu.dma_semaphore, #tpu.memory_space<semaphore_mem>>) src(%dma_wait3A_43 : memref<25600xi32, #tpu.memory_space<vmem_shared>>) dst(%dma_wait3A_42 : memref<25600xi32, #tpu.memory_space<hbm>>)
        tpu.yield
      }) : () -> ()
    }
    %while3A_9 = arith.constant 1 : i32
    scf.for %while3A_10 = %while3A_7 to %while3A_3 step %while3A_9  : i32 {
      %mul3A = arith.constant 2 : i32
      %mul3A_11 = arith.muli %mul3A, %arg0 : i32
      %add3A = arith.addi %mul3A_11, %while3A_10 : i32
      %mul3A_12 = arith.constant 25600 : i32
      %mul3A_13 = arith.muli %arg1, %mul3A_12 : i32
      %mul3A_14 = arith.constant 25600 : i32
      %mul3A_15 = arith.muli %arg1, %mul3A_14 : i32
      "tpu.region"() ({
        %run_scoped3A = tpu.sem_alloc : memref<!tpu.dma_semaphore, #tpu.memory_space<semaphore_mem>>
        %dma_start3A = tpu.memref_slice %arg8[%mul3A_15] : memref<409728xi32, #tpu.memory_space<vmem_shared>> -> memref<25600xi32, #tpu.memory_space<vmem_shared>>
        %dma_start3A_38 = tpu.memref_slice %arg5[%mul3A_13] : memref<409600xi32, #tpu.memory_space<hbm>> -> memref<25600xi32, #tpu.memory_space<hbm>>
        tpu.enqueue_dma source(%dma_start3A_38 : memref<25600xi32, #tpu.memory_space<hbm>>) target(%dma_start3A : memref<25600xi32, #tpu.memory_space<vmem_shared>>) target_semaphore(%run_scoped3A : memref<!tpu.dma_semaphore, #tpu.memory_space<semaphore_mem>>)
        %dma_wait3A = tpu.memref_slice %arg8[%mul3A_15] : memref<409728xi32, #tpu.memory_space<vmem_shared>> -> memref<25600xi32, #tpu.memory_space<vmem_shared>>
        %dma_wait3A_39 = tpu.memref_slice %arg5[%mul3A_13] : memref<409600xi32, #tpu.memory_space<hbm>> -> memref<25600xi32, #tpu.memory_space<hbm>>
        tpu.wait_dma2 semaphore(%run_scoped3A : memref<!tpu.dma_semaphore, #tpu.memory_space<semaphore_mem>>) src(%dma_wait3A_39 : memref<25600xi32, #tpu.memory_space<hbm>>) dst(%dma_wait3A : memref<25600xi32, #tpu.memory_space<vmem_shared>>)
        tpu.yield
      }) : () -> ()
      %mul3A_16 = arith.constant 25600 : i32
      %mul3A_17 = arith.muli %arg1, %mul3A_16 : i32
      %mul3A_18 = arith.constant 25600 : i32
      %mul3A_19 = arith.muli %arg1, %mul3A_18 : i32
      "tpu.region"() ({
        %run_scoped3A = tpu.sem_alloc : memref<!tpu.dma_semaphore, #tpu.memory_space<semaphore_mem>>
        %dma_start3A = tpu.memref_slice %arg9[%mul3A_19] : memref<409728xi32, #tpu.memory_space<vmem_shared>> -> memref<25600xi32, #tpu.memory_space<vmem_shared>>
        %dma_start3A_38 = tpu.memref_slice %arg5[%mul3A_17] : memref<409600xi32, #tpu.memory_space<hbm>> -> memref<25600xi32, #tpu.memory_space<hbm>>
        tpu.enqueue_dma source(%dma_start3A_38 : memref<25600xi32, #tpu.memory_space<hbm>>) target(%dma_start3A : memref<25600xi32, #tpu.memory_space<vmem_shared>>) target_semaphore(%run_scoped3A : memref<!tpu.dma_semaphore, #tpu.memory_space<semaphore_mem>>)
        %dma_wait3A = tpu.memref_slice %arg9[%mul3A_19] : memref<409728xi32, #tpu.memory_space<vmem_shared>> -> memref<25600xi32, #tpu.memory_space<vmem_shared>>
        %dma_wait3A_39 = tpu.memref_slice %arg5[%mul3A_17] : memref<409600xi32, #tpu.memory_space<hbm>> -> memref<25600xi32, #tpu.memory_space<hbm>>
        tpu.wait_dma2 semaphore(%run_scoped3A : memref<!tpu.dma_semaphore, #tpu.memory_space<semaphore_mem>>) src(%dma_wait3A_39 : memref<25600xi32, #tpu.memory_space<hbm>>) dst(%dma_wait3A : memref<25600xi32, #tpu.memory_space<vmem_shared>>)
        tpu.yield
      }) : () -> ()
      %eq3A = arith.constant 0 : i32
      %eq3A_20 = arith.cmpi eq, %arg1, %eq3A : i32
      %convert_element_type3A = arith.extui %eq3A_20 : i1 to i32
      %cond3A = arith.constant 0 : i32
      %cond3A_21 = arith.cmpi ne, %convert_element_type3A, %cond3A : i32
      scf.if %cond3A_21 {
        "tpu.region"() ({
          %run_scoped3A = tpu.sem_alloc : memref<!tpu.dma_semaphore, #tpu.memory_space<semaphore_mem>>
          %dma_start3A = arith.constant 409600 : i32
          %dma_start3A_38 = tpu.memref_slice %arg8[%dma_start3A] : memref<409728xi32, #tpu.memory_space<vmem_shared>> -> memref<128xi32, #tpu.memory_space<vmem_shared>>
          %dma_start3A_39 = arith.constant 0 : i32
          %dma_start3A_40 = tpu.memref_slice %arg5[%dma_start3A_39] : memref<409600xi32, #tpu.memory_space<hbm>> -> memref<128xi32, #tpu.memory_space<hbm>>
          tpu.enqueue_dma source(%dma_start3A_40 : memref<128xi32, #tpu.memory_space<hbm>>) target(%dma_start3A_38 : memref<128xi32, #tpu.memory_space<vmem_shared>>) target_semaphore(%run_scoped3A : memref<!tpu.dma_semaphore, #tpu.memory_space<semaphore_mem>>)
          %dma_wait3A = arith.constant 409600 : i32
          %dma_wait3A_41 = tpu.memref_slice %arg8[%dma_wait3A] : memref<409728xi32, #tpu.memory_space<vmem_shared>> -> memref<128xi32, #tpu.memory_space<vmem_shared>>
          %dma_wait3A_42 = arith.constant 0 : i32
          %dma_wait3A_43 = tpu.memref_slice %arg5[%dma_wait3A_42] : memref<409600xi32, #tpu.memory_space<hbm>> -> memref<128xi32, #tpu.memory_space<hbm>>
          tpu.wait_dma2 semaphore(%run_scoped3A : memref<!tpu.dma_semaphore, #tpu.memory_space<semaphore_mem>>) src(%dma_wait3A_43 : memref<128xi32, #tpu.memory_space<hbm>>) dst(%dma_wait3A_41 : memref<128xi32, #tpu.memory_space<vmem_shared>>)
          tpu.yield
        }) : () -> ()
        "tpu.region"() ({
          %run_scoped3A = tpu.sem_alloc : memref<!tpu.dma_semaphore, #tpu.memory_space<semaphore_mem>>
          %dma_start3A = arith.constant 409600 : i32
          %dma_start3A_38 = tpu.memref_slice %arg9[%dma_start3A] : memref<409728xi32, #tpu.memory_space<vmem_shared>> -> memref<128xi32, #tpu.memory_space<vmem_shared>>
          %dma_start3A_39 = arith.constant 0 : i32
          %dma_start3A_40 = tpu.memref_slice %arg5[%dma_start3A_39] : memref<409600xi32, #tpu.memory_space<hbm>> -> memref<128xi32, #tpu.memory_space<hbm>>
          tpu.enqueue_dma source(%dma_start3A_40 : memref<128xi32, #tpu.memory_space<hbm>>) target(%dma_start3A_38 : memref<128xi32, #tpu.memory_space<vmem_shared>>) target_semaphore(%run_scoped3A : memref<!tpu.dma_semaphore, #tpu.memory_space<semaphore_mem>>)
          %dma_wait3A = arith.constant 409600 : i32
          %dma_wait3A_41 = tpu.memref_slice %arg9[%dma_wait3A] : memref<409728xi32, #tpu.memory_space<vmem_shared>> -> memref<128xi32, #tpu.memory_space<vmem_shared>>
          %dma_wait3A_42 = arith.constant 0 : i32
          %dma_wait3A_43 = tpu.memref_slice %arg5[%dma_wait3A_42] : memref<409600xi32, #tpu.memory_space<hbm>> -> memref<128xi32, #tpu.memory_space<hbm>>
          tpu.wait_dma2 semaphore(%run_scoped3A : memref<!tpu.dma_semaphore, #tpu.memory_space<semaphore_mem>>) src(%dma_wait3A_43 : memref<128xi32, #tpu.memory_space<hbm>>) dst(%dma_wait3A_41 : memref<128xi32, #tpu.memory_space<vmem_shared>>)
          tpu.yield
        }) : () -> ()
      } else {
      }
      %barrier3A = arith.constant 0 : index
      tpu.barrier barrier_id(%barrier3A)
      "tpu.region"() ({
        %run_scoped3A = tpu.sem_alloc : memref<!tpu.dma_semaphore, #tpu.memory_space<semaphore_mem>>
        %dma_start3A = arith.constant 0 : i32
        %dma_start3A_38 = arith.constant 0 : i32
        %dma_start3A_39 = tpu.memref_slice %arg2[%add3A, %arg1, %dma_start3A, %dma_start3A_38] : memref<3x16x100x128xi32, #tpu.memory_space<hbm>> -> memref<1x1x100x128xi32, #tpu.memory_space<hbm>>
        %dma_start3A_40 = tpu.memref_squeeze %dma_start3A_39 : memref<1x1x100x128xi32, #tpu.memory_space<hbm>> -> memref<100x128xi32, #tpu.memory_space<hbm>>
        %dma_start3A_41 = arith.constant 0 : i32
        %dma_start3A_42 = arith.constant 0 : i32
        %dma_start3A_43 = tpu.memref_slice %arg2[%add3A, %arg1, %dma_start3A_41, %dma_start3A_42] : memref<3x16x100x128xi32, #tpu.memory_space<hbm>> -> memref<1x1x100x128xi32, #tpu.memory_space<hbm>>
        %dma_start3A_44 = tpu.memref_squeeze %dma_start3A_43 : memref<1x1x100x128xi32, #tpu.memory_space<hbm>> -> memref<100x128xi32, #tpu.memory_space<hbm>>
        tpu.enqueue_dma source(%dma_start3A_44 : memref<100x128xi32, #tpu.memory_space<hbm>>) target(%arg10 : memref<100x128xi32, #tpu.memory_space<vmem>>) target_semaphore(%run_scoped3A : memref<!tpu.dma_semaphore, #tpu.memory_space<semaphore_mem>>)
        %dma_wait3A = arith.constant 0 : i32
        %dma_wait3A_45 = arith.constant 0 : i32
        %dma_wait3A_46 = tpu.memref_slice %arg2[%add3A, %arg1, %dma_wait3A, %dma_wait3A_45] : memref<3x16x100x128xi32, #tpu.memory_space<hbm>> -> memref<1x1x100x128xi32, #tpu.memory_space<hbm>>
        %dma_wait3A_47 = tpu.memref_squeeze %dma_wait3A_46 : memref<1x1x100x128xi32, #tpu.memory_space<hbm>> -> memref<100x128xi32, #tpu.memory_space<hbm>>
        %dma_wait3A_48 = arith.constant 0 : i32
        %dma_wait3A_49 = arith.constant 0 : i32
        %dma_wait3A_50 = tpu.memref_slice %arg2[%add3A, %arg1, %dma_wait3A_48, %dma_wait3A_49] : memref<3x16x100x128xi32, #tpu.memory_space<hbm>> -> memref<1x1x100x128xi32, #tpu.memory_space<hbm>>
        %dma_wait3A_51 = tpu.memref_squeeze %dma_wait3A_50 : memref<1x1x100x128xi32, #tpu.memory_space<hbm>> -> memref<100x128xi32, #tpu.memory_space<hbm>>
        tpu.wait_dma2 semaphore(%run_scoped3A : memref<!tpu.dma_semaphore, #tpu.memory_space<semaphore_mem>>) src(%dma_wait3A_51 : memref<100x128xi32, #tpu.memory_space<hbm>>) dst(%arg10 : memref<100x128xi32, #tpu.memory_space<vmem>>)
        tpu.yield
      }) : () -> ()
      "tpu.region"() ({
        %run_scoped3A = tpu.sem_alloc : memref<!tpu.dma_semaphore, #tpu.memory_space<semaphore_mem>>
        %dma_start3A = arith.constant 0 : i32
        %dma_start3A_38 = arith.constant 0 : i32
        %dma_start3A_39 = tpu.memref_slice %arg3[%add3A, %arg1, %dma_start3A, %dma_start3A_38] : memref<3x16x100x128xi32, #tpu.memory_space<hbm>> -> memref<1x1x100x128xi32, #tpu.memory_space<hbm>>
        %dma_start3A_40 = tpu.memref_squeeze %dma_start3A_39 : memref<1x1x100x128xi32, #tpu.memory_space<hbm>> -> memref<100x128xi32, #tpu.memory_space<hbm>>
        %dma_start3A_41 = arith.constant 0 : i32
        %dma_start3A_42 = arith.constant 0 : i32
        %dma_start3A_43 = tpu.memref_slice %arg3[%add3A, %arg1, %dma_start3A_41, %dma_start3A_42] : memref<3x16x100x128xi32, #tpu.memory_space<hbm>> -> memref<1x1x100x128xi32, #tpu.memory_space<hbm>>
        %dma_start3A_44 = tpu.memref_squeeze %dma_start3A_43 : memref<1x1x100x128xi32, #tpu.memory_space<hbm>> -> memref<100x128xi32, #tpu.memory_space<hbm>>
        tpu.enqueue_dma source(%dma_start3A_44 : memref<100x128xi32, #tpu.memory_space<hbm>>) target(%arg11 : memref<100x128xi32, #tpu.memory_space<vmem>>) target_semaphore(%run_scoped3A : memref<!tpu.dma_semaphore, #tpu.memory_space<semaphore_mem>>)
        %dma_wait3A = arith.constant 0 : i32
        %dma_wait3A_45 = arith.constant 0 : i32
        %dma_wait3A_46 = tpu.memref_slice %arg3[%add3A, %arg1, %dma_wait3A, %dma_wait3A_45] : memref<3x16x100x128xi32, #tpu.memory_space<hbm>> -> memref<1x1x100x128xi32, #tpu.memory_space<hbm>>
        %dma_wait3A_47 = tpu.memref_squeeze %dma_wait3A_46 : memref<1x1x100x128xi32, #tpu.memory_space<hbm>> -> memref<100x128xi32, #tpu.memory_space<hbm>>
        %dma_wait3A_48 = arith.constant 0 : i32
        %dma_wait3A_49 = arith.constant 0 : i32
        %dma_wait3A_50 = tpu.memref_slice %arg3[%add3A, %arg1, %dma_wait3A_48, %dma_wait3A_49] : memref<3x16x100x128xi32, #tpu.memory_space<hbm>> -> memref<1x1x100x128xi32, #tpu.memory_space<hbm>>
        %dma_wait3A_51 = tpu.memref_squeeze %dma_wait3A_50 : memref<1x1x100x128xi32, #tpu.memory_space<hbm>> -> memref<100x128xi32, #tpu.memory_space<hbm>>
        tpu.wait_dma2 semaphore(%run_scoped3A : memref<!tpu.dma_semaphore, #tpu.memory_space<semaphore_mem>>) src(%dma_wait3A_51 : memref<100x128xi32, #tpu.memory_space<hbm>>) dst(%arg11 : memref<100x128xi32, #tpu.memory_space<vmem>>)
        tpu.yield
      }) : () -> ()
      "tpu.region"() ({
        %run_scoped3A = tpu.sem_alloc : memref<!tpu.dma_semaphore, #tpu.memory_space<semaphore_mem>>
        %dma_start3A = arith.constant 0 : i32
        %dma_start3A_38 = arith.constant 0 : i32
        %dma_start3A_39 = tpu.memref_slice %arg4[%add3A, %arg1, %dma_start3A, %dma_start3A_38] : memref<3x16x100x128xi32, #tpu.memory_space<hbm>> -> memref<1x1x100x128xi32, #tpu.memory_space<hbm>>
        %dma_start3A_40 = tpu.memref_squeeze %dma_start3A_39 : memref<1x1x100x128xi32, #tpu.memory_space<hbm>> -> memref<100x128xi32, #tpu.memory_space<hbm>>
        %dma_start3A_41 = arith.constant 0 : i32
        %dma_start3A_42 = arith.constant 0 : i32
        %dma_start3A_43 = tpu.memref_slice %arg4[%add3A, %arg1, %dma_start3A_41, %dma_start3A_42] : memref<3x16x100x128xi32, #tpu.memory_space<hbm>> -> memref<1x1x100x128xi32, #tpu.memory_space<hbm>>
        %dma_start3A_44 = tpu.memref_squeeze %dma_start3A_43 : memref<1x1x100x128xi32, #tpu.memory_space<hbm>> -> memref<100x128xi32, #tpu.memory_space<hbm>>
        tpu.enqueue_dma source(%dma_start3A_44 : memref<100x128xi32, #tpu.memory_space<hbm>>) target(%arg12 : memref<100x128xi32, #tpu.memory_space<vmem>>) target_semaphore(%run_scoped3A : memref<!tpu.dma_semaphore, #tpu.memory_space<semaphore_mem>>)
        %dma_wait3A = arith.constant 0 : i32
        %dma_wait3A_45 = arith.constant 0 : i32
        %dma_wait3A_46 = tpu.memref_slice %arg4[%add3A, %arg1, %dma_wait3A, %dma_wait3A_45] : memref<3x16x100x128xi32, #tpu.memory_space<hbm>> -> memref<1x1x100x128xi32, #tpu.memory_space<hbm>>
        %dma_wait3A_47 = tpu.memref_squeeze %dma_wait3A_46 : memref<1x1x100x128xi32, #tpu.memory_space<hbm>> -> memref<100x128xi32, #tpu.memory_space<hbm>>
        %dma_wait3A_48 = arith.constant 0 : i32
        %dma_wait3A_49 = arith.constant 0 : i32
        %dma_wait3A_50 = tpu.memref_slice %arg4[%add3A, %arg1, %dma_wait3A_48, %dma_wait3A_49] : memref<3x16x100x128xi32, #tpu.memory_space<hbm>> -> memref<1x1x100x128xi32, #tpu.memory_space<hbm>>
        %dma_wait3A_51 = tpu.memref_squeeze %dma_wait3A_50 : memref<1x1x100x128xi32, #tpu.memory_space<hbm>> -> memref<100x128xi32, #tpu.memory_space<hbm>>
        tpu.wait_dma2 semaphore(%run_scoped3A : memref<!tpu.dma_semaphore, #tpu.memory_space<semaphore_mem>>) src(%dma_wait3A_51 : memref<100x128xi32, #tpu.memory_space<hbm>>) dst(%arg12 : memref<100x128xi32, #tpu.memory_space<vmem>>)
        tpu.yield
      }) : () -> ()
      %scan3A = arith.constant 0 : i32
      %scan3A_22 = arith.constant 0 : i32
      %scan3A_23 = arith.constant 100 : i32
      %scan3A_24 = arith.addi %scan3A_22, %scan3A_23 : i32
      %scan3A_25 = arith.constant 1 : i32
      scf.for %scan3A_38 = %scan3A_22 to %scan3A_24 step %scan3A_25  : i32 {
        %dma_start3A = arith.constant 0 : i32
        %dma_start3A_39 = tpu.memref_slice %arg11[%scan3A_38, %dma_start3A] : memref<100x128xi32, #tpu.memory_space<vmem>> -> memref<1x128xi32, #tpu.memory_space<vmem>>
        %dma_start3A_40 = tpu.memref_squeeze %dma_start3A_39 : memref<1x128xi32, #tpu.memory_space<vmem>> -> memref<128xi32, #tpu.memory_space<vmem>>
        %dma_start3A_41 = arith.constant 0 : i32
        %dma_start3A_42 = tpu.memref_slice %arg10[%scan3A_38, %dma_start3A_41] : memref<100x128xi32, #tpu.memory_space<vmem>> -> memref<1x128xi32, #tpu.memory_space<vmem>>
        %dma_start3A_43 = tpu.memref_squeeze %dma_start3A_42 : memref<1x128xi32, #tpu.memory_space<vmem>> -> memref<128xi32, #tpu.memory_space<vmem>>
        %dma_start3A_44 = arith.constant 0 : i32
        %dma_start3A_45 = tpu.memref_slice %arg8[%dma_start3A_44] : memref<409728xi32, #tpu.memory_space<vmem_shared>> -> memref<409728xi32, #tpu.memory_space<vmem_shared>>
        tpu.enqueue_indirect_dma source(%dma_start3A_40 : memref<128xi32, #tpu.memory_space<vmem>>) target(%dma_start3A_45 : memref<409728xi32, #tpu.memory_space<vmem_shared>>) offsets(%dma_start3A_43 : memref<128xi32, #tpu.memory_space<vmem>>) semaphore(%arg13 : memref<!tpu.dma_semaphore, #tpu.memory_space<semaphore_mem>>)
        %dma_start3A_46 = arith.constant 0 : i32
        %dma_start3A_47 = tpu.memref_slice %arg12[%scan3A_38, %dma_start3A_46] : memref<100x128xi32, #tpu.memory_space<vmem>> -> memref<1x128xi32, #tpu.memory_space<vmem>>
        %dma_start3A_48 = tpu.memref_squeeze %dma_start3A_47 : memref<1x128xi32, #tpu.memory_space<vmem>> -> memref<128xi32, #tpu.memory_space<vmem>>
        %dma_start3A_49 = arith.constant 0 : i32
        %dma_start3A_50 = tpu.memref_slice %arg10[%scan3A_38, %dma_start3A_49] : memref<100x128xi32, #tpu.memory_space<vmem>> -> memref<1x128xi32, #tpu.memory_space<vmem>>
        %dma_start3A_51 = tpu.memref_squeeze %dma_start3A_50 : memref<1x128xi32, #tpu.memory_space<vmem>> -> memref<128xi32, #tpu.memory_space<vmem>>
        %dma_start3A_52 = arith.constant 0 : i32
        %dma_start3A_53 = tpu.memref_slice %arg9[%dma_start3A_52] : memref<409728xi32, #tpu.memory_space<vmem_shared>> -> memref<409728xi32, #tpu.memory_space<vmem_shared>>
        tpu.enqueue_indirect_dma source(%dma_start3A_48 : memref<128xi32, #tpu.memory_space<vmem>>) target(%dma_start3A_53 : memref<409728xi32, #tpu.memory_space<vmem_shared>>) offsets(%dma_start3A_51 : memref<128xi32, #tpu.memory_space<vmem>>) semaphore(%arg13 : memref<!tpu.dma_semaphore, #tpu.memory_space<semaphore_mem>>)
      }
      %scan3A_26 = arith.constant 100 : i32
      %scan3A_27 = arith.constant 0 : i32
      %scan3A_28 = arith.constant 0 : i32
      %scan3A_29 = arith.constant 100 : i32
      %scan3A_30 = arith.addi %scan3A_28, %scan3A_29 : i32
      %scan3A_31 = arith.constant 1 : i32
      scf.for %scan3A_38 = %scan3A_28 to %scan3A_30 step %scan3A_31  : i32 {
        %dma_wait3A = arith.constant 0 : i32
        %dma_wait3A_39 = tpu.memref_slice %arg11[%scan3A_38, %dma_wait3A] : memref<100x128xi32, #tpu.memory_space<vmem>> -> memref<1x128xi32, #tpu.memory_space<vmem>>
        %dma_wait3A_40 = tpu.memref_squeeze %dma_wait3A_39 : memref<1x128xi32, #tpu.memory_space<vmem>> -> memref<128xi32, #tpu.memory_space<vmem>>
        %dma_wait3A_41 = arith.constant 0 : i32
        %dma_wait3A_42 = tpu.memref_slice %arg10[%scan3A_38, %dma_wait3A_41] : memref<100x128xi32, #tpu.memory_space<vmem>> -> memref<1x128xi32, #tpu.memory_space<vmem>>
        %dma_wait3A_43 = tpu.memref_squeeze %dma_wait3A_42 : memref<1x128xi32, #tpu.memory_space<vmem>> -> memref<128xi32, #tpu.memory_space<vmem>>
        %dma_wait3A_44 = arith.constant 0 : i32
        %dma_wait3A_45 = tpu.memref_slice %arg8[%dma_wait3A_44] : memref<409728xi32, #tpu.memory_space<vmem_shared>> -> memref<409728xi32, #tpu.memory_space<vmem_shared>>
        tpu.wait_indirect_dma semaphore(%arg13 : memref<!tpu.dma_semaphore, #tpu.memory_space<semaphore_mem>>) src(%dma_wait3A_40 : memref<128xi32, #tpu.memory_space<vmem>>) dst(%dma_wait3A_45 : memref<409728xi32, #tpu.memory_space<vmem_shared>>)
        %dma_wait3A_46 = arith.constant 0 : i32
        %dma_wait3A_47 = tpu.memref_slice %arg12[%scan3A_38, %dma_wait3A_46] : memref<100x128xi32, #tpu.memory_space<vmem>> -> memref<1x128xi32, #tpu.memory_space<vmem>>
        %dma_wait3A_48 = tpu.memref_squeeze %dma_wait3A_47 : memref<1x128xi32, #tpu.memory_space<vmem>> -> memref<128xi32, #tpu.memory_space<vmem>>
        %dma_wait3A_49 = arith.constant 0 : i32
        %dma_wait3A_50 = tpu.memref_slice %arg10[%scan3A_38, %dma_wait3A_49] : memref<100x128xi32, #tpu.memory_space<vmem>> -> memref<1x128xi32, #tpu.memory_space<vmem>>
        %dma_wait3A_51 = tpu.memref_squeeze %dma_wait3A_50 : memref<1x128xi32, #tpu.memory_space<vmem>> -> memref<128xi32, #tpu.memory_space<vmem>>
        %dma_wait3A_52 = arith.constant 0 : i32
        %dma_wait3A_53 = tpu.memref_slice %arg9[%dma_wait3A_52] : memref<409728xi32, #tpu.memory_space<vmem_shared>> -> memref<409728xi32, #tpu.memory_space<vmem_shared>>
        tpu.wait_indirect_dma semaphore(%arg13 : memref<!tpu.dma_semaphore, #tpu.memory_space<semaphore_mem>>) src(%dma_wait3A_48 : memref<128xi32, #tpu.memory_space<vmem>>) dst(%dma_wait3A_53 : memref<409728xi32, #tpu.memory_space<vmem_shared>>)
      }
      %scan3A_32 = arith.constant 100 : i32
      %barrier3A_33 = arith.constant 0 : index
      tpu.barrier barrier_id(%barrier3A_33)
      %mul3A_34 = arith.constant 25600 : i32
      %mul3A_35 = arith.muli %arg1, %mul3A_34 : i32
      "tpu.region"() ({
        %run_scoped3A = tpu.sem_alloc : memref<!tpu.dma_semaphore, #tpu.memory_space<semaphore_mem>>
        %dma_start3A = arith.constant 0 : i32
        %dma_start3A_38 = tpu.memref_slice %arg6[%add3A, %arg1, %dma_start3A] : memref<3x16x25600xi32, #tpu.memory_space<hbm>> -> memref<1x1x25600xi32, #tpu.memory_space<hbm>>
        %dma_start3A_39 = tpu.memref_squeeze %dma_start3A_38 : memref<1x1x25600xi32, #tpu.memory_space<hbm>> -> memref<25600xi32, #tpu.memory_space<hbm>>
        %dma_start3A_40 = tpu.memref_slice %arg8[%mul3A_35] : memref<409728xi32, #tpu.memory_space<vmem_shared>> -> memref<25600xi32, #tpu.memory_space<vmem_shared>>
        tpu.enqueue_dma source(%dma_start3A_40 : memref<25600xi32, #tpu.memory_space<vmem_shared>>) target(%dma_start3A_39 : memref<25600xi32, #tpu.memory_space<hbm>>) target_semaphore(%run_scoped3A : memref<!tpu.dma_semaphore, #tpu.memory_space<semaphore_mem>>)
        %dma_wait3A = arith.constant 0 : i32
        %dma_wait3A_41 = tpu.memref_slice %arg6[%add3A, %arg1, %dma_wait3A] : memref<3x16x25600xi32, #tpu.memory_space<hbm>> -> memref<1x1x25600xi32, #tpu.memory_space<hbm>>
        %dma_wait3A_42 = tpu.memref_squeeze %dma_wait3A_41 : memref<1x1x25600xi32, #tpu.memory_space<hbm>> -> memref<25600xi32, #tpu.memory_space<hbm>>
        %dma_wait3A_43 = tpu.memref_slice %arg8[%mul3A_35] : memref<409728xi32, #tpu.memory_space<vmem_shared>> -> memref<25600xi32, #tpu.memory_space<vmem_shared>>
        tpu.wait_dma2 semaphore(%run_scoped3A : memref<!tpu.dma_semaphore, #tpu.memory_space<semaphore_mem>>) src(%dma_wait3A_43 : memref<25600xi32, #tpu.memory_space<vmem_shared>>) dst(%dma_wait3A_42 : memref<25600xi32, #tpu.memory_space<hbm>>)
        tpu.yield
      }) : () -> ()
      %mul3A_36 = arith.constant 25600 : i32
      %mul3A_37 = arith.muli %arg1, %mul3A_36 : i32
      "tpu.region"() ({
        %run_scoped3A = tpu.sem_alloc : memref<!tpu.dma_semaphore, #tpu.memory_space<semaphore_mem>>
        %dma_start3A = arith.constant 0 : i32
        %dma_start3A_38 = tpu.memref_slice %arg7[%add3A, %arg1, %dma_start3A] : memref<3x16x25600xi32, #tpu.memory_space<hbm>> -> memref<1x1x25600xi32, #tpu.memory_space<hbm>>
        %dma_start3A_39 = tpu.memref_squeeze %dma_start3A_38 : memref<1x1x25600xi32, #tpu.memory_space<hbm>> -> memref<25600xi32, #tpu.memory_space<hbm>>
        %dma_start3A_40 = tpu.memref_slice %arg9[%mul3A_37] : memref<409728xi32, #tpu.memory_space<vmem_shared>> -> memref<25600xi32, #tpu.memory_space<vmem_shared>>
        tpu.enqueue_dma source(%dma_start3A_40 : memref<25600xi32, #tpu.memory_space<vmem_shared>>) target(%dma_start3A_39 : memref<25600xi32, #tpu.memory_space<hbm>>) target_semaphore(%run_scoped3A : memref<!tpu.dma_semaphore, #tpu.memory_space<semaphore_mem>>)
        %dma_wait3A = arith.constant 0 : i32
        %dma_wait3A_41 = tpu.memref_slice %arg7[%add3A, %arg1, %dma_wait3A] : memref<3x16x25600xi32, #tpu.memory_space<hbm>> -> memref<1x1x25600xi32, #tpu.memory_space<hbm>>
        %dma_wait3A_42 = tpu.memref_squeeze %dma_wait3A_41 : memref<1x1x25600xi32, #tpu.memory_space<hbm>> -> memref<25600xi32, #tpu.memory_space<hbm>>
        %dma_wait3A_43 = tpu.memref_slice %arg9[%mul3A_37] : memref<409728xi32, #tpu.memory_space<vmem_shared>> -> memref<25600xi32, #tpu.memory_space<vmem_shared>>
        tpu.wait_dma2 semaphore(%run_scoped3A : memref<!tpu.dma_semaphore, #tpu.memory_space<semaphore_mem>>) src(%dma_wait3A_43 : memref<25600xi32, #tpu.memory_space<vmem_shared>>) dst(%dma_wait3A_42 : memref<25600xi32, #tpu.memory_space<hbm>>)
        tpu.yield
      }) : () -> ()
    }
    return
  }
}

#map = affine_map<(d0, d1) -> (0, 0, 0, 0)>
#map1 = affine_map<(d0, d1) -> (0, 0)>
#map2 = affine_map<(d0, d1) -> (0)>
module attributes {stable_mosaic.version = 14 : i64} {
  func.func @_sc_propagate(%arg0: i32, %arg1: i32, %arg2: memref<3x256x20x80xi32, #tpu.memory_space<hbm>>, %arg3: memref<3x256x20x80xi32, #tpu.memory_space<hbm>>, %arg4: memref<153600x128xf32, #tpu.memory_space<hbm>>, %arg5: memref<104x128xf32, #tpu.memory_space<hbm>>, %arg6: memref<40xi32, #tpu.memory_space<hbm>>, %arg7: memref<153600x128xf32, #tpu.memory_space<hbm>>, %arg8: memref<6528x128xf32, #tpu.memory_space<vmem_shared>>, %arg9: memref<20x80xi32, #tpu.memory_space<vmem>>, %arg10: memref<20x80xi32, #tpu.memory_space<vmem>>, %arg11: memref<4x80x128xf32, #tpu.memory_space<vmem>>, %arg12: memref<40xi32, #tpu.memory_space<vmem>>, %arg13: memref<4x!tpu.dma_semaphore, #tpu.memory_space<semaphore_mem>>, %arg14: memref<2x!tpu.dma_semaphore, #tpu.memory_space<semaphore_mem>>) attributes {dimension_semantics = [#tpu.dimension_semantics<core_parallel>, #tpu.dimension_semantics<subcore_parallel>], iteration_bounds = array<i64: 2, 16>, scalar_prefetch = 0 : i64, scratch_operands = 7 : i64, tpu.core_type = #tpu.core_type<sc_vector_subcore>, window_params = [{transform_indices = #map}, {transform_indices = #map}, {transform_indices = #map1}, {transform_indices = #map1}, {transform_indices = #map2}, {transform_indices = #map1}]} {
    "tpu.region"() ({
      %run_scoped3A = tpu.sem_alloc : memref<!tpu.dma_semaphore, #tpu.memory_space<semaphore_mem>>
      tpu.enqueue_dma source(%arg6 : memref<40xi32, #tpu.memory_space<hbm>>) target(%arg12 : memref<40xi32, #tpu.memory_space<vmem>>) target_semaphore(%run_scoped3A : memref<!tpu.dma_semaphore, #tpu.memory_space<semaphore_mem>>)
      tpu.wait_dma2 semaphore(%run_scoped3A : memref<!tpu.dma_semaphore, #tpu.memory_space<semaphore_mem>>) src(%arg6 : memref<40xi32, #tpu.memory_space<hbm>>) dst(%arg12 : memref<40xi32, #tpu.memory_space<vmem>>)
      tpu.yield
    }) : () -> ()
    %scan3A = arith.constant 0 : i32
    %scan3A_0 = arith.constant 0 : i32
    %scan3A_1 = arith.constant 12 : i32
    %scan3A_2 = arith.addi %scan3A_0, %scan3A_1 : i32
    %scan3A_3 = arith.constant 1 : i32
    scf.for %scan3A_5 = %scan3A_0 to %scan3A_2 step %scan3A_3  : i32 {
      %jit3A = arith.constant 4 : i32
      %div3A = arith.divsi %scan3A_5, %jit3A : i32
      %sign3A = arith.constant 0 : i32
      %sign3A_6 = arith.cmpi sgt, %scan3A_5, %sign3A : i32
      %sign3A_7 = arith.extui %sign3A_6 : i1 to i32
      %sign3A_8 = arith.constant 0 : i32
      %sign3A_9 = arith.cmpi slt, %scan3A_5, %sign3A_8 : i32
      %sign3A_10 = arith.extui %sign3A_9 : i1 to i32
      %sign3A_11 = arith.subi %sign3A_7, %sign3A_10 : i32
      %sign3A_12 = arith.constant 0 : i32
      %sign3A_13 = arith.cmpi sgt, %jit3A, %sign3A_12 : i32
      %sign3A_14 = arith.extui %sign3A_13 : i1 to i32
      %sign3A_15 = arith.constant 0 : i32
      %sign3A_16 = arith.cmpi slt, %jit3A, %sign3A_15 : i32
      %sign3A_17 = arith.extui %sign3A_16 : i1 to i32
      %sign3A_18 = arith.subi %sign3A_14, %sign3A_17 : i32
      %ne3A = arith.cmpi ne, %sign3A_11, %sign3A_18 : i32
      %rem3A = arith.remsi %scan3A_5, %jit3A : i32
      %ne3A_19 = arith.constant 0 : i32
      %ne3A_20 = arith.cmpi ne, %rem3A, %ne3A_19 : i32
      %and3A = arith.andi %ne3A, %ne3A_20 : i1
      %sub3A = arith.constant 1 : i32
      %sub3A_21 = arith.subi %div3A, %sub3A : i32
      %select_n3A = arith.select %and3A, %sub3A_21, %div3A : i32
      %mul3A = arith.constant 4 : i32
      %mul3A_22 = arith.muli %mul3A, %arg0 : i32
      %jit3A_23 = arith.constant 4 : i32
      %eq3A = arith.constant 0 : i32
      %eq3A_24 = arith.cmpi eq, %jit3A_23, %eq3A : i32
      %jit3A_25 = arith.constant 1 : i32
      %select_n3A_26 = arith.select %eq3A_24, %jit3A_25, %jit3A_23 : i32
      %rem3A_27 = arith.remsi %scan3A_5, %select_n3A_26 : i32
      %ne3A_28 = arith.constant 0 : i32
      %ne3A_29 = arith.cmpi ne, %rem3A_27, %ne3A_28 : i32
      %lt3A = arith.constant 0 : i32
      %lt3A_30 = arith.cmpi slt, %rem3A_27, %lt3A : i32
      %lt3A_31 = arith.constant 0 : i32
      %lt3A_32 = arith.cmpi slt, %select_n3A_26, %lt3A_31 : i32
      %ne3A_33 = arith.xori %lt3A_30, %lt3A_32 : i1
      %and3A_34 = arith.andi %ne3A_33, %ne3A_29 : i1
      %add3A = arith.addi %rem3A_27, %select_n3A_26 : i32
      %select_n3A_35 = arith.select %and3A_34, %add3A, %rem3A_27 : i32
      %add3A_36 = arith.addi %mul3A_22, %select_n3A_35 : i32
      %mul3A_37 = arith.constant 6400 : i32
      %mul3A_38 = arith.muli %add3A_36, %mul3A_37 : i32
      %mul3A_39 = arith.constant 8 : i32
      %mul3A_40 = arith.muli %mul3A_39, %select_n3A : i32
      %add3A_41 = arith.addi %mul3A_40, %add3A_36 : i32
      %get3A = arith.index_cast %add3A_41 : i32 to index
      %get3A_42 = tpu.vector_load %arg12[%get3A] {strides = array<i32>} : memref<40xi32, #tpu.memory_space<vmem>>, vector<16xi32>,
      %get3A_43 = vector.shape_cast %get3A_42 : vector<16xi32> to vector<16xi32>
      %slice3A = vector.extract_strided_slice %get3A_43 {offsets = [0], sizes = [1], strides = [1]} : vector<16xi32> to vector<1xi32>
      %squeeze3A = vector.extract %slice3A[0] : i32 from vector<1xi32>
      %add3A_44 = arith.constant 20 : i32
      %add3A_45 = arith.addi %squeeze3A, %add3A_44 : i32
      %sub3A_46 = arith.constant 1 : i32
      %sub3A_47 = arith.subi %add3A_45, %sub3A_46 : i32
      %jit3A_48 = arith.constant 20 : i32
      %div3A_49 = arith.divsi %sub3A_47, %jit3A_48 : i32
      %sign3A_50 = arith.constant 0 : i32
      %sign3A_51 = arith.cmpi sgt, %sub3A_47, %sign3A_50 : i32
      %sign3A_52 = arith.extui %sign3A_51 : i1 to i32
      %sign3A_53 = arith.constant 0 : i32
      %sign3A_54 = arith.cmpi slt, %sub3A_47, %sign3A_53 : i32
      %sign3A_55 = arith.extui %sign3A_54 : i1 to i32
      %sign3A_56 = arith.subi %sign3A_52, %sign3A_55 : i32
      %sign3A_57 = arith.constant 0 : i32
      %sign3A_58 = arith.cmpi sgt, %jit3A_48, %sign3A_57 : i32
      %sign3A_59 = arith.extui %sign3A_58 : i1 to i32
      %sign3A_60 = arith.constant 0 : i32
      %sign3A_61 = arith.cmpi slt, %jit3A_48, %sign3A_60 : i32
      %sign3A_62 = arith.extui %sign3A_61 : i1 to i32
      %sign3A_63 = arith.subi %sign3A_59, %sign3A_62 : i32
      %ne3A_64 = arith.cmpi ne, %sign3A_56, %sign3A_63 : i32
      %rem3A_65 = arith.remsi %sub3A_47, %jit3A_48 : i32
      %ne3A_66 = arith.constant 0 : i32
      %ne3A_67 = arith.cmpi ne, %rem3A_65, %ne3A_66 : i32
      %and3A_68 = arith.andi %ne3A_64, %ne3A_67 : i1
      %sub3A_69 = arith.constant 1 : i32
      %sub3A_70 = arith.subi %div3A_49, %sub3A_69 : i32
      %select_n3A_71 = arith.select %and3A_68, %sub3A_70, %div3A_49 : i32
      %sub3A_72 = arith.constant 1 : i32
      %sub3A_73 = arith.subi %select_n3A_71, %sub3A_72 : i32
      %sub3A_74 = arith.subi %sub3A_73, %arg1 : i32
      %jit3A_75 = arith.constant 16 : i32
      %div3A_76 = arith.divsi %sub3A_74, %jit3A_75 : i32
      %sign3A_77 = arith.constant 0 : i32
      %sign3A_78 = arith.cmpi sgt, %sub3A_74, %sign3A_77 : i32
      %sign3A_79 = arith.extui %sign3A_78 : i1 to i32
      %sign3A_80 = arith.constant 0 : i32
      %sign3A_81 = arith.cmpi slt, %sub3A_74, %sign3A_80 : i32
      %sign3A_82 = arith.extui %sign3A_81 : i1 to i32
      %sign3A_83 = arith.subi %sign3A_79, %sign3A_82 : i32
      %sign3A_84 = arith.constant 0 : i32
      %sign3A_85 = arith.cmpi sgt, %jit3A_75, %sign3A_84 : i32
      %sign3A_86 = arith.extui %sign3A_85 : i1 to i32
      %sign3A_87 = arith.constant 0 : i32
      %sign3A_88 = arith.cmpi slt, %jit3A_75, %sign3A_87 : i32
      %sign3A_89 = arith.extui %sign3A_88 : i1 to i32
      %sign3A_90 = arith.subi %sign3A_86, %sign3A_89 : i32
      %ne3A_91 = arith.cmpi ne, %sign3A_83, %sign3A_90 : i32
      %rem3A_92 = arith.remsi %sub3A_74, %jit3A_75 : i32
      %ne3A_93 = arith.constant 0 : i32
      %ne3A_94 = arith.cmpi ne, %rem3A_92, %ne3A_93 : i32
      %and3A_95 = arith.andi %ne3A_91, %ne3A_94 : i1
      %sub3A_96 = arith.constant 1 : i32
      %sub3A_97 = arith.subi %div3A_76, %sub3A_96 : i32
      %select_n3A_98 = arith.select %and3A_95, %sub3A_97, %div3A_76 : i32
      %add3A_99 = arith.constant 1 : i32
      %add3A_100 = arith.addi %select_n3A_98, %add3A_99 : i32
      %max3A = arith.constant 0 : i32
      %max3A_101 = arith.maxsi %max3A, %add3A_100 : i32
      %mul3A_102 = arith.constant 408 : i32
      %mul3A_103 = arith.muli %arg1, %mul3A_102 : i32
      %add3A_104 = arith.constant 0 : i32
      %add3A_105 = arith.addi %mul3A_103, %add3A_104 : i32
      "tpu.region"() ({
        %run_scoped3A = tpu.sem_alloc : memref<!tpu.dma_semaphore, #tpu.memory_space<semaphore_mem>>
        %dma_start3A = arith.constant 0 : i32
        %dma_start3A_138 = tpu.memref_slice %arg8[%add3A_105, %dma_start3A] : memref<6528x128xf32, #tpu.memory_space<vmem_shared>> -> memref<104x128xf32, #tpu.memory_space<vmem_shared>>
        tpu.enqueue_dma source(%arg5 : memref<104x128xf32, #tpu.memory_space<hbm>>) target(%dma_start3A_138 : memref<104x128xf32, #tpu.memory_space<vmem_shared>>) target_semaphore(%run_scoped3A : memref<!tpu.dma_semaphore, #tpu.memory_space<semaphore_mem>>)
        %dma_wait3A = arith.constant 0 : i32
        %dma_wait3A_139 = tpu.memref_slice %arg8[%add3A_105, %dma_wait3A] : memref<6528x128xf32, #tpu.memory_space<vmem_shared>> -> memref<104x128xf32, #tpu.memory_space<vmem_shared>>
        tpu.wait_dma2 semaphore(%run_scoped3A : memref<!tpu.dma_semaphore, #tpu.memory_space<semaphore_mem>>) src(%arg5 : memref<104x128xf32, #tpu.memory_space<hbm>>) dst(%dma_wait3A_139 : memref<104x128xf32, #tpu.memory_space<vmem_shared>>)
        tpu.yield
      }) : () -> ()
      %mul3A_106 = arith.constant 408 : i32
      %mul3A_107 = arith.muli %arg1, %mul3A_106 : i32
      %add3A_108 = arith.constant 104 : i32
      %add3A_109 = arith.addi %mul3A_107, %add3A_108 : i32
      "tpu.region"() ({
        %run_scoped3A = tpu.sem_alloc : memref<!tpu.dma_semaphore, #tpu.memory_space<semaphore_mem>>
        %dma_start3A = arith.constant 0 : i32
        %dma_start3A_138 = tpu.memref_slice %arg8[%add3A_109, %dma_start3A] : memref<6528x128xf32, #tpu.memory_space<vmem_shared>> -> memref<104x128xf32, #tpu.memory_space<vmem_shared>>
        tpu.enqueue_dma source(%arg5 : memref<104x128xf32, #tpu.memory_space<hbm>>) target(%dma_start3A_138 : memref<104x128xf32, #tpu.memory_space<vmem_shared>>) target_semaphore(%run_scoped3A : memref<!tpu.dma_semaphore, #tpu.memory_space<semaphore_mem>>)
        %dma_wait3A = arith.constant 0 : i32
        %dma_wait3A_139 = tpu.memref_slice %arg8[%add3A_109, %dma_wait3A] : memref<6528x128xf32, #tpu.memory_space<vmem_shared>> -> memref<104x128xf32, #tpu.memory_space<vmem_shared>>
        tpu.wait_dma2 semaphore(%run_scoped3A : memref<!tpu.dma_semaphore, #tpu.memory_space<semaphore_mem>>) src(%arg5 : memref<104x128xf32, #tpu.memory_space<hbm>>) dst(%dma_wait3A_139 : memref<104x128xf32, #tpu.memory_space<vmem_shared>>)
        tpu.yield
      }) : () -> ()
      %mul3A_110 = arith.constant 408 : i32
      %mul3A_111 = arith.muli %arg1, %mul3A_110 : i32
      %add3A_112 = arith.constant 208 : i32
      %add3A_113 = arith.addi %mul3A_111, %add3A_112 : i32
      "tpu.region"() ({
        %run_scoped3A = tpu.sem_alloc : memref<!tpu.dma_semaphore, #tpu.memory_space<semaphore_mem>>
        %dma_start3A = arith.constant 0 : i32
        %dma_start3A_138 = tpu.memref_slice %arg8[%add3A_113, %dma_start3A] : memref<6528x128xf32, #tpu.memory_space<vmem_shared>> -> memref<104x128xf32, #tpu.memory_space<vmem_shared>>
        tpu.enqueue_dma source(%arg5 : memref<104x128xf32, #tpu.memory_space<hbm>>) target(%dma_start3A_138 : memref<104x128xf32, #tpu.memory_space<vmem_shared>>) target_semaphore(%run_scoped3A : memref<!tpu.dma_semaphore, #tpu.memory_space<semaphore_mem>>)
        %dma_wait3A = arith.constant 0 : i32
        %dma_wait3A_139 = tpu.memref_slice %arg8[%add3A_113, %dma_wait3A] : memref<6528x128xf32, #tpu.memory_space<vmem_shared>> -> memref<104x128xf32, #tpu.memory_space<vmem_shared>>
        tpu.wait_dma2 semaphore(%run_scoped3A : memref<!tpu.dma_semaphore, #tpu.memory_space<semaphore_mem>>) src(%arg5 : memref<104x128xf32, #tpu.memory_space<hbm>>) dst(%dma_wait3A_139 : memref<104x128xf32, #tpu.memory_space<vmem_shared>>)
        tpu.yield
      }) : () -> ()
      %mul3A_114 = arith.constant 408 : i32
      %mul3A_115 = arith.muli %arg1, %mul3A_114 : i32
      %add3A_116 = arith.constant 312 : i32
      %add3A_117 = arith.addi %mul3A_115, %add3A_116 : i32
      "tpu.region"() ({
        %run_scoped3A = tpu.sem_alloc : memref<!tpu.dma_semaphore, #tpu.memory_space<semaphore_mem>>
        %dma_start3A = arith.constant 0 : i32
        %dma_start3A_138 = tpu.memref_slice %arg8[%add3A_117, %dma_start3A] : memref<6528x128xf32, #tpu.memory_space<vmem_shared>> -> memref<96x128xf32, #tpu.memory_space<vmem_shared>>
        %dma_start3A_139 = arith.constant 0 : i32
        %dma_start3A_140 = arith.constant 0 : i32
        %dma_start3A_141 = tpu.memref_slice %arg5[%dma_start3A_139, %dma_start3A_140] : memref<104x128xf32, #tpu.memory_space<hbm>> -> memref<96x128xf32, #tpu.memory_space<hbm>>
        tpu.enqueue_dma source(%dma_start3A_141 : memref<96x128xf32, #tpu.memory_space<hbm>>) target(%dma_start3A_138 : memref<96x128xf32, #tpu.memory_space<vmem_shared>>) target_semaphore(%run_scoped3A : memref<!tpu.dma_semaphore, #tpu.memory_space<semaphore_mem>>)
        %dma_wait3A = arith.constant 0 : i32
        %dma_wait3A_142 = tpu.memref_slice %arg8[%add3A_117, %dma_wait3A] : memref<6528x128xf32, #tpu.memory_space<vmem_shared>> -> memref<96x128xf32, #tpu.memory_space<vmem_shared>>
        %dma_wait3A_143 = arith.constant 0 : i32
        %dma_wait3A_144 = arith.constant 0 : i32
        %dma_wait3A_145 = tpu.memref_slice %arg5[%dma_wait3A_143, %dma_wait3A_144] : memref<104x128xf32, #tpu.memory_space<hbm>> -> memref<96x128xf32, #tpu.memory_space<hbm>>
        tpu.wait_dma2 semaphore(%run_scoped3A : memref<!tpu.dma_semaphore, #tpu.memory_space<semaphore_mem>>) src(%dma_wait3A_145 : memref<96x128xf32, #tpu.memory_space<hbm>>) dst(%dma_wait3A_142 : memref<96x128xf32, #tpu.memory_space<vmem_shared>>)
        tpu.yield
      }) : () -> ()
      %barrier3A = arith.constant 0 : index
      tpu.barrier barrier_id(%barrier3A)
      %while3A = arith.constant 0 : i32
      %while3A_118 = arith.constant 0 : i32
      %while3A_119 = arith.subi %max3A_101, %while3A_118 : i32
      %while3A_120 = arith.addi %while3A_118, %while3A_119 : i32
      %while3A_121 = arith.constant 1 : i32
      %while3A_122 = arith.divsi %while3A_119, %while3A_121 : i32
      %while3A_123 = arith.muli %while3A_122, %while3A_121 : i32
      %while3A_124 = arith.addi %while3A_118, %while3A_123 : i32
      %while3A_125 = arith.constant 1 : i32
      scf.for %while3A_138 = %while3A_118 to %while3A_124 step %while3A_125  : i32 {
        %mul3A_139 = arith.constant 16 : i32
        %mul3A_140 = arith.muli %mul3A_139, %while3A_138 : i32
        %add3A_141 = arith.addi %arg1, %mul3A_140 : i32
        %mul3A_142 = arith.constant 32 : i32
        %mul3A_143 = arith.muli %add3A_36, %mul3A_142 : i32
        %add3A_144 = arith.addi %mul3A_143, %add3A_141 : i32
        %mul3A_145 = arith.constant 20 : i32
        %mul3A_146 = arith.muli %mul3A_145, %add3A_141 : i32
        %sub3A_147 = arith.subi %squeeze3A, %mul3A_146 : i32
        %min3A = arith.constant 20 : i32
        %min3A_148 = arith.minsi %min3A, %sub3A_147 : i32
        "tpu.region"() ({
          %run_scoped3A = tpu.sem_alloc : memref<!tpu.dma_semaphore, #tpu.memory_space<semaphore_mem>>
          %dma_start3A_235 = arith.constant 0 : i32
          %dma_start3A_236 = arith.constant 0 : i32
          %dma_start3A_237 = tpu.memref_slice %arg2[%select_n3A, %add3A_144, %dma_start3A_235, %dma_start3A_236] : memref<3x256x20x80xi32, #tpu.memory_space<hbm>> -> memref<1x1x20x80xi32, #tpu.memory_space<hbm>>
          %dma_start3A_238 = tpu.memref_squeeze %dma_start3A_237 : memref<1x1x20x80xi32, #tpu.memory_space<hbm>> -> memref<20x80xi32, #tpu.memory_space<hbm>>
          %dma_start3A_239 = arith.constant 0 : i32
          %dma_start3A_240 = arith.constant 0 : i32
          %dma_start3A_241 = tpu.memref_slice %arg2[%select_n3A, %add3A_144, %dma_start3A_239, %dma_start3A_240] : memref<3x256x20x80xi32, #tpu.memory_space<hbm>> -> memref<1x1x20x80xi32, #tpu.memory_space<hbm>>
          %dma_start3A_242 = tpu.memref_squeeze %dma_start3A_241 : memref<1x1x20x80xi32, #tpu.memory_space<hbm>> -> memref<20x80xi32, #tpu.memory_space<hbm>>
          tpu.enqueue_dma source(%dma_start3A_242 : memref<20x80xi32, #tpu.memory_space<hbm>>) target(%arg9 : memref<20x80xi32, #tpu.memory_space<vmem>>) target_semaphore(%run_scoped3A : memref<!tpu.dma_semaphore, #tpu.memory_space<semaphore_mem>>)
          %dma_wait3A_243 = arith.constant 0 : i32
          %dma_wait3A_244 = arith.constant 0 : i32
          %dma_wait3A_245 = tpu.memref_slice %arg2[%select_n3A, %add3A_144, %dma_wait3A_243, %dma_wait3A_244] : memref<3x256x20x80xi32, #tpu.memory_space<hbm>> -> memref<1x1x20x80xi32, #tpu.memory_space<hbm>>
          %dma_wait3A_246 = tpu.memref_squeeze %dma_wait3A_245 : memref<1x1x20x80xi32, #tpu.memory_space<hbm>> -> memref<20x80xi32, #tpu.memory_space<hbm>>
          %dma_wait3A_247 = arith.constant 0 : i32
          %dma_wait3A_248 = arith.constant 0 : i32
          %dma_wait3A_249 = tpu.memref_slice %arg2[%select_n3A, %add3A_144, %dma_wait3A_247, %dma_wait3A_248] : memref<3x256x20x80xi32, #tpu.memory_space<hbm>> -> memref<1x1x20x80xi32, #tpu.memory_space<hbm>>
          %dma_wait3A_250 = tpu.memref_squeeze %dma_wait3A_249 : memref<1x1x20x80xi32, #tpu.memory_space<hbm>> -> memref<20x80xi32, #tpu.memory_space<hbm>>
          tpu.wait_dma2 semaphore(%run_scoped3A : memref<!tpu.dma_semaphore, #tpu.memory_space<semaphore_mem>>) src(%dma_wait3A_250 : memref<20x80xi32, #tpu.memory_space<hbm>>) dst(%arg9 : memref<20x80xi32, #tpu.memory_space<vmem>>)
          tpu.yield
        }) : () -> ()
        "tpu.region"() ({
          %run_scoped3A = tpu.sem_alloc : memref<!tpu.dma_semaphore, #tpu.memory_space<semaphore_mem>>
          %dma_start3A_235 = arith.constant 0 : i32
          %dma_start3A_236 = arith.constant 0 : i32
          %dma_start3A_237 = tpu.memref_slice %arg3[%select_n3A, %add3A_144, %dma_start3A_235, %dma_start3A_236] : memref<3x256x20x80xi32, #tpu.memory_space<hbm>> -> memref<1x1x20x80xi32, #tpu.memory_space<hbm>>
          %dma_start3A_238 = tpu.memref_squeeze %dma_start3A_237 : memref<1x1x20x80xi32, #tpu.memory_space<hbm>> -> memref<20x80xi32, #tpu.memory_space<hbm>>
          %dma_start3A_239 = arith.constant 0 : i32
          %dma_start3A_240 = arith.constant 0 : i32
          %dma_start3A_241 = tpu.memref_slice %arg3[%select_n3A, %add3A_144, %dma_start3A_239, %dma_start3A_240] : memref<3x256x20x80xi32, #tpu.memory_space<hbm>> -> memref<1x1x20x80xi32, #tpu.memory_space<hbm>>
          %dma_start3A_242 = tpu.memref_squeeze %dma_start3A_241 : memref<1x1x20x80xi32, #tpu.memory_space<hbm>> -> memref<20x80xi32, #tpu.memory_space<hbm>>
          tpu.enqueue_dma source(%dma_start3A_242 : memref<20x80xi32, #tpu.memory_space<hbm>>) target(%arg10 : memref<20x80xi32, #tpu.memory_space<vmem>>) target_semaphore(%run_scoped3A : memref<!tpu.dma_semaphore, #tpu.memory_space<semaphore_mem>>)
          %dma_wait3A_243 = arith.constant 0 : i32
          %dma_wait3A_244 = arith.constant 0 : i32
          %dma_wait3A_245 = tpu.memref_slice %arg3[%select_n3A, %add3A_144, %dma_wait3A_243, %dma_wait3A_244] : memref<3x256x20x80xi32, #tpu.memory_space<hbm>> -> memref<1x1x20x80xi32, #tpu.memory_space<hbm>>
          %dma_wait3A_246 = tpu.memref_squeeze %dma_wait3A_245 : memref<1x1x20x80xi32, #tpu.memory_space<hbm>> -> memref<20x80xi32, #tpu.memory_space<hbm>>
          %dma_wait3A_247 = arith.constant 0 : i32
          %dma_wait3A_248 = arith.constant 0 : i32
          %dma_wait3A_249 = tpu.memref_slice %arg3[%select_n3A, %add3A_144, %dma_wait3A_247, %dma_wait3A_248] : memref<3x256x20x80xi32, #tpu.memory_space<hbm>> -> memref<1x1x20x80xi32, #tpu.memory_space<hbm>>
          %dma_wait3A_250 = tpu.memref_squeeze %dma_wait3A_249 : memref<1x1x20x80xi32, #tpu.memory_space<hbm>> -> memref<20x80xi32, #tpu.memory_space<hbm>>
          tpu.wait_dma2 semaphore(%run_scoped3A : memref<!tpu.dma_semaphore, #tpu.memory_space<semaphore_mem>>) src(%dma_wait3A_250 : memref<20x80xi32, #tpu.memory_space<hbm>>) dst(%arg10 : memref<20x80xi32, #tpu.memory_space<vmem>>)
          tpu.yield
        }) : () -> ()
        %scan3A_149 = arith.constant 0 : i32
        %scan3A_150 = arith.constant 0 : i32
        %scan3A_151 = arith.constant 100 : i32
        %scan3A_152 = arith.addi %scan3A_150, %scan3A_151 : i32
        %scan3A_153 = arith.constant 1 : i32
        scf.for %scan3A_235 = %scan3A_150 to %scan3A_152 step %scan3A_153  : i32 {
          %jit3A_236 = arith.constant 5 : i32
          %div3A_237 = arith.divsi %scan3A_235, %jit3A_236 : i32
          %sign3A_238 = arith.constant 0 : i32
          %sign3A_239 = arith.cmpi sgt, %scan3A_235, %sign3A_238 : i32
          %sign3A_240 = arith.extui %sign3A_239 : i1 to i32
          %sign3A_241 = arith.constant 0 : i32
          %sign3A_242 = arith.cmpi slt, %scan3A_235, %sign3A_241 : i32
          %sign3A_243 = arith.extui %sign3A_242 : i1 to i32
          %sign3A_244 = arith.subi %sign3A_240, %sign3A_243 : i32
          %sign3A_245 = arith.constant 0 : i32
          %sign3A_246 = arith.cmpi sgt, %jit3A_236, %sign3A_245 : i32
          %sign3A_247 = arith.extui %sign3A_246 : i1 to i32
          %sign3A_248 = arith.constant 0 : i32
          %sign3A_249 = arith.cmpi slt, %jit3A_236, %sign3A_248 : i32
          %sign3A_250 = arith.extui %sign3A_249 : i1 to i32
          %sign3A_251 = arith.subi %sign3A_247, %sign3A_250 : i32
          %ne3A_252 = arith.cmpi ne, %sign3A_244, %sign3A_251 : i32
          %rem3A_253 = arith.remsi %scan3A_235, %jit3A_236 : i32
          %ne3A_254 = arith.constant 0 : i32
          %ne3A_255 = arith.cmpi ne, %rem3A_253, %ne3A_254 : i32
          %and3A_256 = arith.andi %ne3A_252, %ne3A_255 : i1
          %sub3A_257 = arith.constant 1 : i32
          %sub3A_258 = arith.subi %div3A_237, %sub3A_257 : i32
          %select_n3A_259 = arith.select %and3A_256, %sub3A_258, %div3A_237 : i32
          %jit3A_260 = arith.constant 5 : i32
          %eq3A_261 = arith.constant 0 : i32
          %eq3A_262 = arith.cmpi eq, %jit3A_260, %eq3A_261 : i32
          %jit3A_263 = arith.constant 1 : i32
          %select_n3A_264 = arith.select %eq3A_262, %jit3A_263, %jit3A_260 : i32
          %rem3A_265 = arith.remsi %scan3A_235, %select_n3A_264 : i32
          %ne3A_266 = arith.constant 0 : i32
          %ne3A_267 = arith.cmpi ne, %rem3A_265, %ne3A_266 : i32
          %lt3A_268 = arith.constant 0 : i32
          %lt3A_269 = arith.cmpi slt, %rem3A_265, %lt3A_268 : i32
          %lt3A_270 = arith.constant 0 : i32
          %lt3A_271 = arith.cmpi slt, %select_n3A_264, %lt3A_270 : i32
          %ne3A_272 = arith.xori %lt3A_269, %lt3A_271 : i1
          %and3A_273 = arith.andi %ne3A_272, %ne3A_267 : i1
          %add3A_274 = arith.addi %rem3A_265, %select_n3A_264 : i32
          %select_n3A_275 = arith.select %and3A_273, %add3A_274, %rem3A_265 : i32
          %mul3A_276 = arith.constant 16 : i32
          %mul3A_277 = arith.muli %select_n3A_275, %mul3A_276 : i32
          %get3A_278 = arith.index_cast %select_n3A_259 : i32 to index
          %get3A_279 = arith.index_cast %mul3A_277 : i32 to index
          %get3A_280 = tpu.vector_load %arg10[%get3A_278, %get3A_279] {strides = array<i32>} : memref<20x80xi32, #tpu.memory_space<vmem>>, vector<1x16xi32>,
          %get3A_281 = vector.shape_cast %get3A_280 : vector<1x16xi32> to vector<16xi32>
          %sub3A_282 = vector.broadcast %mul3A_38 : i32 to vector<16xi32>
          %sub3A_283 = arith.subi %get3A_281, %sub3A_282 : vector<16xi32>
          %ge3A = arith.constant 0 : i32
          %ge3A_284 = vector.broadcast %ge3A : i32 to vector<16xi32>
          %ge3A_285 = arith.cmpi sge, %sub3A_283, %ge3A_284 : vector<16xi32>
          %lt3A_286 = arith.constant 6400 : i32
          %lt3A_287 = vector.broadcast %lt3A_286 : i32 to vector<16xi32>
          %lt3A_288 = arith.cmpi slt, %sub3A_283, %lt3A_287 : vector<16xi32>
          %and3A_289 = arith.andi %ge3A_285, %lt3A_288 : vector<16xi1>
          %and3A_290 = arith.constant 127 : i32
          %and3A_291 = vector.broadcast %and3A_290 : i32 to vector<16xi32>
          %and3A_292 = arith.andi %get3A_281, %and3A_291 : vector<16xi32>
          %add3A_293 = arith.constant 6400 : i32
          %add3A_294 = vector.broadcast %add3A_293 : i32 to vector<16xi32>
          %add3A_295 = arith.addi %add3A_294, %and3A_292 : vector<16xi32>
          %select_n3A_296 = arith.select %and3A_289, %sub3A_283, %add3A_295 : vector<16xi1>, vector<16xi32>
          %jit3A_297 = arith.constant 5 : i32
          %div3A_298 = arith.divsi %scan3A_235, %jit3A_297 : i32
          %sign3A_299 = arith.constant 0 : i32
          %sign3A_300 = arith.cmpi sgt, %scan3A_235, %sign3A_299 : i32
          %sign3A_301 = arith.extui %sign3A_300 : i1 to i32
          %sign3A_302 = arith.constant 0 : i32
          %sign3A_303 = arith.cmpi slt, %scan3A_235, %sign3A_302 : i32
          %sign3A_304 = arith.extui %sign3A_303 : i1 to i32
          %sign3A_305 = arith.subi %sign3A_301, %sign3A_304 : i32
          %sign3A_306 = arith.constant 0 : i32
          %sign3A_307 = arith.cmpi sgt, %jit3A_297, %sign3A_306 : i32
          %sign3A_308 = arith.extui %sign3A_307 : i1 to i32
          %sign3A_309 = arith.constant 0 : i32
          %sign3A_310 = arith.cmpi slt, %jit3A_297, %sign3A_309 : i32
          %sign3A_311 = arith.extui %sign3A_310 : i1 to i32
          %sign3A_312 = arith.subi %sign3A_308, %sign3A_311 : i32
          %ne3A_313 = arith.cmpi ne, %sign3A_305, %sign3A_312 : i32
          %rem3A_314 = arith.remsi %scan3A_235, %jit3A_297 : i32
          %ne3A_315 = arith.constant 0 : i32
          %ne3A_316 = arith.cmpi ne, %rem3A_314, %ne3A_315 : i32
          %and3A_317 = arith.andi %ne3A_313, %ne3A_316 : i1
          %sub3A_318 = arith.constant 1 : i32
          %sub3A_319 = arith.subi %div3A_298, %sub3A_318 : i32
          %select_n3A_320 = arith.select %and3A_317, %sub3A_319, %div3A_298 : i32
          %jit3A_321 = arith.constant 5 : i32
          %eq3A_322 = arith.constant 0 : i32
          %eq3A_323 = arith.cmpi eq, %jit3A_321, %eq3A_322 : i32
          %jit3A_324 = arith.constant 1 : i32
          %select_n3A_325 = arith.select %eq3A_323, %jit3A_324, %jit3A_321 : i32
          %rem3A_326 = arith.remsi %scan3A_235, %select_n3A_325 : i32
          %ne3A_327 = arith.constant 0 : i32
          %ne3A_328 = arith.cmpi ne, %rem3A_326, %ne3A_327 : i32
          %lt3A_329 = arith.constant 0 : i32
          %lt3A_330 = arith.cmpi slt, %rem3A_326, %lt3A_329 : i32
          %lt3A_331 = arith.constant 0 : i32
          %lt3A_332 = arith.cmpi slt, %select_n3A_325, %lt3A_331 : i32
          %ne3A_333 = arith.xori %lt3A_330, %lt3A_332 : i1
          %and3A_334 = arith.andi %ne3A_333, %ne3A_328 : i1
          %add3A_335 = arith.addi %rem3A_326, %select_n3A_325 : i32
          %select_n3A_336 = arith.select %and3A_334, %add3A_335, %rem3A_326 : i32
          %mul3A_337 = arith.constant 16 : i32
          %mul3A_338 = arith.muli %select_n3A_336, %mul3A_337 : i32
          %swap3A = arith.index_cast %select_n3A_320 : i32 to index
          %swap3A_339 = arith.index_cast %mul3A_338 : i32 to index
          %swap3A_340 = tpu.vector_load %arg10[%swap3A, %swap3A_339] {strides = array<i32>} : memref<20x80xi32, #tpu.memory_space<vmem>>, vector<1x16xi32>,
          %swap3A_341 = vector.shape_cast %swap3A_340 : vector<1x16xi32> to vector<16xi32>
          %swap3A_342 = vector.shape_cast %select_n3A_296 : vector<16xi32> to vector<1x16xi32>
          tpu.vector_store %arg10[%swap3A, %swap3A_339], %swap3A_342 {strides = array<i32>} : memref<20x80xi32, #tpu.memory_space<vmem>>, vector<1x16xi32>,
        }
        %scan3A_154 = arith.constant 100 : i32
        %dma_start3A = arith.constant 0 : i32
        %dma_start3A_155 = arith.constant 0 : i32
        %dma_start3A_156 = arith.constant 0 : i32
        %dma_start3A_157 = arith.constant 0 : i32
        %dma_start3A_158 = arith.constant 0 : i32
        %dma_start3A_159 = tpu.memref_slice %arg11[%dma_start3A_155, %dma_start3A_157, %dma_start3A_158] : memref<4x80x128xf32, #tpu.memory_space<vmem>> -> memref<1x80x128xf32, #tpu.memory_space<vmem>>
        %dma_start3A_160 = tpu.memref_squeeze %dma_start3A_159 : memref<1x80x128xf32, #tpu.memory_space<vmem>> -> memref<80x128xf32, #tpu.memory_space<vmem>>
        %dma_start3A_161 = arith.constant 0 : i32
        %dma_start3A_162 = tpu.memref_slice %arg9[%dma_start3A, %dma_start3A_161] : memref<20x80xi32, #tpu.memory_space<vmem>> -> memref<1x80xi32, #tpu.memory_space<vmem>>
        %dma_start3A_163 = tpu.memref_squeeze %dma_start3A_162 : memref<1x80xi32, #tpu.memory_space<vmem>> -> memref<80xi32, #tpu.memory_space<vmem>>
        %dma_start3A_164 = arith.constant 0 : i32
        %dma_start3A_165 = arith.constant 0 : i32
        %dma_start3A_166 = tpu.memref_slice %arg4[%dma_start3A_164, %dma_start3A_165] : memref<153600x128xf32, #tpu.memory_space<hbm>> -> memref<153600x128xf32, #tpu.memory_space<hbm>>
        %dma_start3A_167 = tpu.memref_slice %arg13[%dma_start3A_156] : memref<4x!tpu.dma_semaphore, #tpu.memory_space<semaphore_mem>> -> memref<1x!tpu.dma_semaphore, #tpu.memory_space<semaphore_mem>>
        %dma_start3A_168 = tpu.memref_squeeze %dma_start3A_167 : memref<1x!tpu.dma_semaphore, #tpu.memory_space<semaphore_mem>> -> memref<!tpu.dma_semaphore, #tpu.memory_space<semaphore_mem>>
        tpu.enqueue_indirect_dma source(%dma_start3A_166 : memref<153600x128xf32, #tpu.memory_space<hbm>>) target(%dma_start3A_160 : memref<80x128xf32, #tpu.memory_space<vmem>>) offsets(%dma_start3A_163 : memref<80xi32, #tpu.memory_space<vmem>>) semaphore(%dma_start3A_168 : memref<!tpu.dma_semaphore, #tpu.memory_space<semaphore_mem>>)
        %gt3A = arith.constant 1 : i32
        %gt3A_169 = arith.cmpi sgt, %min3A_148, %gt3A : i32
        %convert_element_type3A = arith.extui %gt3A_169 : i1 to i32
        %cond3A = arith.constant 0 : i32
        %cond3A_170 = arith.cmpi ne, %convert_element_type3A, %cond3A : i32
        scf.if %cond3A_170 {
          %dma_start3A_235 = arith.constant 1 : i32
          %dma_start3A_236 = arith.constant 1 : i32
          %dma_start3A_237 = arith.constant 1 : i32
          %dma_start3A_238 = arith.constant 0 : i32
          %dma_start3A_239 = arith.constant 0 : i32
          %dma_start3A_240 = tpu.memref_slice %arg11[%dma_start3A_236, %dma_start3A_238, %dma_start3A_239] : memref<4x80x128xf32, #tpu.memory_space<vmem>> -> memref<1x80x128xf32, #tpu.memory_space<vmem>>
          %dma_start3A_241 = tpu.memref_squeeze %dma_start3A_240 : memref<1x80x128xf32, #tpu.memory_space<vmem>> -> memref<80x128xf32, #tpu.memory_space<vmem>>
          %dma_start3A_242 = arith.constant 0 : i32
          %dma_start3A_243 = tpu.memref_slice %arg9[%dma_start3A_235, %dma_start3A_242] : memref<20x80xi32, #tpu.memory_space<vmem>> -> memref<1x80xi32, #tpu.memory_space<vmem>>
          %dma_start3A_244 = tpu.memref_squeeze %dma_start3A_243 : memref<1x80xi32, #tpu.memory_space<vmem>> -> memref<80xi32, #tpu.memory_space<vmem>>
          %dma_start3A_245 = arith.constant 0 : i32
          %dma_start3A_246 = arith.constant 0 : i32
          %dma_start3A_247 = tpu.memref_slice %arg4[%dma_start3A_245, %dma_start3A_246] : memref<153600x128xf32, #tpu.memory_space<hbm>> -> memref<153600x128xf32, #tpu.memory_space<hbm>>
          %dma_start3A_248 = tpu.memref_slice %arg13[%dma_start3A_237] : memref<4x!tpu.dma_semaphore, #tpu.memory_space<semaphore_mem>> -> memref<1x!tpu.dma_semaphore, #tpu.memory_space<semaphore_mem>>
          %dma_start3A_249 = tpu.memref_squeeze %dma_start3A_248 : memref<1x!tpu.dma_semaphore, #tpu.memory_space<semaphore_mem>> -> memref<!tpu.dma_semaphore, #tpu.memory_space<semaphore_mem>>
          tpu.enqueue_indirect_dma source(%dma_start3A_247 : memref<153600x128xf32, #tpu.memory_space<hbm>>) target(%dma_start3A_241 : memref<80x128xf32, #tpu.memory_space<vmem>>) offsets(%dma_start3A_244 : memref<80xi32, #tpu.memory_space<vmem>>) semaphore(%dma_start3A_249 : memref<!tpu.dma_semaphore, #tpu.memory_space<semaphore_mem>>)
        } else {
        }
        %gt3A_171 = arith.constant 2 : i32
        %gt3A_172 = arith.cmpi sgt, %min3A_148, %gt3A_171 : i32
        %convert_element_type3A_173 = arith.extui %gt3A_172 : i1 to i32
        %cond3A_174 = arith.constant 0 : i32
        %cond3A_175 = arith.cmpi ne, %convert_element_type3A_173, %cond3A_174 : i32
        scf.if %cond3A_175 {
          %dma_start3A_235 = arith.constant 2 : i32
          %dma_start3A_236 = arith.constant 2 : i32
          %dma_start3A_237 = arith.constant 2 : i32
          %dma_start3A_238 = arith.constant 0 : i32
          %dma_start3A_239 = arith.constant 0 : i32
          %dma_start3A_240 = tpu.memref_slice %arg11[%dma_start3A_236, %dma_start3A_238, %dma_start3A_239] : memref<4x80x128xf32, #tpu.memory_space<vmem>> -> memref<1x80x128xf32, #tpu.memory_space<vmem>>
          %dma_start3A_241 = tpu.memref_squeeze %dma_start3A_240 : memref<1x80x128xf32, #tpu.memory_space<vmem>> -> memref<80x128xf32, #tpu.memory_space<vmem>>
          %dma_start3A_242 = arith.constant 0 : i32
          %dma_start3A_243 = tpu.memref_slice %arg9[%dma_start3A_235, %dma_start3A_242] : memref<20x80xi32, #tpu.memory_space<vmem>> -> memref<1x80xi32, #tpu.memory_space<vmem>>
          %dma_start3A_244 = tpu.memref_squeeze %dma_start3A_243 : memref<1x80xi32, #tpu.memory_space<vmem>> -> memref<80xi32, #tpu.memory_space<vmem>>
          %dma_start3A_245 = arith.constant 0 : i32
          %dma_start3A_246 = arith.constant 0 : i32
          %dma_start3A_247 = tpu.memref_slice %arg4[%dma_start3A_245, %dma_start3A_246] : memref<153600x128xf32, #tpu.memory_space<hbm>> -> memref<153600x128xf32, #tpu.memory_space<hbm>>
          %dma_start3A_248 = tpu.memref_slice %arg13[%dma_start3A_237] : memref<4x!tpu.dma_semaphore, #tpu.memory_space<semaphore_mem>> -> memref<1x!tpu.dma_semaphore, #tpu.memory_space<semaphore_mem>>
          %dma_start3A_249 = tpu.memref_squeeze %dma_start3A_248 : memref<1x!tpu.dma_semaphore, #tpu.memory_space<semaphore_mem>> -> memref<!tpu.dma_semaphore, #tpu.memory_space<semaphore_mem>>
          tpu.enqueue_indirect_dma source(%dma_start3A_247 : memref<153600x128xf32, #tpu.memory_space<hbm>>) target(%dma_start3A_241 : memref<80x128xf32, #tpu.memory_space<vmem>>) offsets(%dma_start3A_244 : memref<80xi32, #tpu.memory_space<vmem>>) semaphore(%dma_start3A_249 : memref<!tpu.dma_semaphore, #tpu.memory_space<semaphore_mem>>)
        } else {
        }
        %while3A_176 = arith.constant 0 : i32
        %while3A_177 = arith.constant 0 : i32
        %while3A_178 = arith.subi %min3A_148, %while3A_177 : i32
        %while3A_179 = arith.addi %while3A_177, %while3A_178 : i32
        %while3A_180 = arith.constant 1 : i32
        %while3A_181 = arith.divsi %while3A_178, %while3A_180 : i32
        %while3A_182 = arith.muli %while3A_181, %while3A_180 : i32
        %while3A_183 = arith.addi %while3A_177, %while3A_182 : i32
        %while3A_184 = arith.constant 1 : i32
        scf.for %while3A_235 = %while3A_177 to %while3A_183 step %while3A_184  : i32 {
          %jit3A_236 = arith.constant 4 : i32
          %eq3A_237 = arith.constant 0 : i32
          %eq3A_238 = arith.cmpi eq, %jit3A_236, %eq3A_237 : i32
          %jit3A_239 = arith.constant 1 : i32
          %select_n3A_240 = arith.select %eq3A_238, %jit3A_239, %jit3A_236 : i32
          %rem3A_241 = arith.remsi %while3A_235, %select_n3A_240 : i32
          %ne3A_242 = arith.constant 0 : i32
          %ne3A_243 = arith.cmpi ne, %rem3A_241, %ne3A_242 : i32
          %lt3A_244 = arith.constant 0 : i32
          %lt3A_245 = arith.cmpi slt, %rem3A_241, %lt3A_244 : i32
          %lt3A_246 = arith.constant 0 : i32
          %lt3A_247 = arith.cmpi slt, %select_n3A_240, %lt3A_246 : i32
          %ne3A_248 = arith.xori %lt3A_245, %lt3A_247 : i1
          %and3A_249 = arith.andi %ne3A_248, %ne3A_243 : i1
          %add3A_250 = arith.addi %rem3A_241, %select_n3A_240 : i32
          %select_n3A_251 = arith.select %and3A_249, %add3A_250, %rem3A_241 : i32
          %jit3A_252 = arith.constant 2 : i32
          %eq3A_253 = arith.constant 0 : i32
          %eq3A_254 = arith.cmpi eq, %jit3A_252, %eq3A_253 : i32
          %jit3A_255 = arith.constant 1 : i32
          %select_n3A_256 = arith.select %eq3A_254, %jit3A_255, %jit3A_252 : i32
          %rem3A_257 = arith.remsi %while3A_235, %select_n3A_256 : i32
          %ne3A_258 = arith.constant 0 : i32
          %ne3A_259 = arith.cmpi ne, %rem3A_257, %ne3A_258 : i32
          %lt3A_260 = arith.constant 0 : i32
          %lt3A_261 = arith.cmpi slt, %rem3A_257, %lt3A_260 : i32
          %lt3A_262 = arith.constant 0 : i32
          %lt3A_263 = arith.cmpi slt, %select_n3A_256, %lt3A_262 : i32
          %ne3A_264 = arith.xori %lt3A_261, %lt3A_263 : i1
          %and3A_265 = arith.andi %ne3A_264, %ne3A_259 : i1
          %add3A_266 = arith.addi %rem3A_257, %select_n3A_256 : i32
          %select_n3A_267 = arith.select %and3A_265, %add3A_266, %rem3A_257 : i32
          %dma_wait3A_268 = arith.constant 0 : i32
          %dma_wait3A_269 = arith.constant 0 : i32
          %dma_wait3A_270 = tpu.memref_slice %arg11[%select_n3A_251, %dma_wait3A_268, %dma_wait3A_269] : memref<4x80x128xf32, #tpu.memory_space<vmem>> -> memref<1x80x128xf32, #tpu.memory_space<vmem>>
          %dma_wait3A_271 = tpu.memref_squeeze %dma_wait3A_270 : memref<1x80x128xf32, #tpu.memory_space<vmem>> -> memref<80x128xf32, #tpu.memory_space<vmem>>
          %dma_wait3A_272 = arith.constant 0 : i32
          %dma_wait3A_273 = tpu.memref_slice %arg9[%while3A_235, %dma_wait3A_272] : memref<20x80xi32, #tpu.memory_space<vmem>> -> memref<1x80xi32, #tpu.memory_space<vmem>>
          %dma_wait3A_274 = tpu.memref_squeeze %dma_wait3A_273 : memref<1x80xi32, #tpu.memory_space<vmem>> -> memref<80xi32, #tpu.memory_space<vmem>>
          %dma_wait3A_275 = arith.constant 0 : i32
          %dma_wait3A_276 = arith.constant 0 : i32
          %dma_wait3A_277 = tpu.memref_slice %arg4[%dma_wait3A_275, %dma_wait3A_276] : memref<153600x128xf32, #tpu.memory_space<hbm>> -> memref<153600x128xf32, #tpu.memory_space<hbm>>
          %dma_wait3A_278 = tpu.memref_slice %arg13[%select_n3A_251] : memref<4x!tpu.dma_semaphore, #tpu.memory_space<semaphore_mem>> -> memref<1x!tpu.dma_semaphore, #tpu.memory_space<semaphore_mem>>
          %dma_wait3A_279 = tpu.memref_squeeze %dma_wait3A_278 : memref<1x!tpu.dma_semaphore, #tpu.memory_space<semaphore_mem>> -> memref<!tpu.dma_semaphore, #tpu.memory_space<semaphore_mem>>
          tpu.wait_indirect_dma semaphore(%dma_wait3A_279 : memref<!tpu.dma_semaphore, #tpu.memory_space<semaphore_mem>>) src(%dma_wait3A_277 : memref<153600x128xf32, #tpu.memory_space<hbm>>) dst(%dma_wait3A_271 : memref<80x128xf32, #tpu.memory_space<vmem>>)
          %dma_start3A_280 = arith.constant 0 : i32
          %dma_start3A_281 = arith.constant 0 : i32
          %dma_start3A_282 = tpu.memref_slice %arg11[%select_n3A_251, %dma_start3A_280, %dma_start3A_281] : memref<4x80x128xf32, #tpu.memory_space<vmem>> -> memref<1x80x128xf32, #tpu.memory_space<vmem>>
          %dma_start3A_283 = tpu.memref_squeeze %dma_start3A_282 : memref<1x80x128xf32, #tpu.memory_space<vmem>> -> memref<80x128xf32, #tpu.memory_space<vmem>>
          %dma_start3A_284 = arith.constant 0 : i32
          %dma_start3A_285 = tpu.memref_slice %arg10[%while3A_235, %dma_start3A_284] : memref<20x80xi32, #tpu.memory_space<vmem>> -> memref<1x80xi32, #tpu.memory_space<vmem>>
          %dma_start3A_286 = tpu.memref_squeeze %dma_start3A_285 : memref<1x80xi32, #tpu.memory_space<vmem>> -> memref<80xi32, #tpu.memory_space<vmem>>
          %dma_start3A_287 = arith.constant 0 : i32
          %dma_start3A_288 = arith.constant 0 : i32
          %dma_start3A_289 = tpu.memref_slice %arg8[%dma_start3A_287, %dma_start3A_288] : memref<6528x128xf32, #tpu.memory_space<vmem_shared>> -> memref<6528x128xf32, #tpu.memory_space<vmem_shared>>
          %dma_start3A_290 = tpu.memref_slice %arg14[%select_n3A_267] : memref<2x!tpu.dma_semaphore, #tpu.memory_space<semaphore_mem>> -> memref<1x!tpu.dma_semaphore, #tpu.memory_space<semaphore_mem>>
          %dma_start3A_291 = tpu.memref_squeeze %dma_start3A_290 : memref<1x!tpu.dma_semaphore, #tpu.memory_space<semaphore_mem>> -> memref<!tpu.dma_semaphore, #tpu.memory_space<semaphore_mem>>
          tpu.enqueue_indirect_dma source(%dma_start3A_283 : memref<80x128xf32, #tpu.memory_space<vmem>>) target(%dma_start3A_289 : memref<6528x128xf32, #tpu.memory_space<vmem_shared>>) offsets(%dma_start3A_286 : memref<80xi32, #tpu.memory_space<vmem>>) semaphore(%dma_start3A_291 : memref<!tpu.dma_semaphore, #tpu.memory_space<semaphore_mem>>) {add = true}
          %ge3A = arith.constant 1 : i32
          %ge3A_292 = arith.cmpi sge, %while3A_235, %ge3A : i32
          %convert_element_type3A_293 = arith.extui %ge3A_292 : i1 to i32
          %cond3A_294 = arith.constant 0 : i32
          %cond3A_295 = arith.cmpi ne, %convert_element_type3A_293, %cond3A_294 : i32
          scf.if %cond3A_295 {
            %sub3A_302 = arith.constant 1 : i32
            %sub3A_303 = arith.subi %while3A_235, %sub3A_302 : i32
            %jit3A_304 = arith.constant 4 : i32
            %eq3A_305 = arith.constant 0 : i32
            %eq3A_306 = arith.cmpi eq, %jit3A_304, %eq3A_305 : i32
            %jit3A_307 = arith.constant 1 : i32
            %select_n3A_308 = arith.select %eq3A_306, %jit3A_307, %jit3A_304 : i32
            %rem3A_309 = arith.remsi %sub3A_303, %select_n3A_308 : i32
            %ne3A_310 = arith.constant 0 : i32
            %ne3A_311 = arith.cmpi ne, %rem3A_309, %ne3A_310 : i32
            %lt3A_312 = arith.constant 0 : i32
            %lt3A_313 = arith.cmpi slt, %rem3A_309, %lt3A_312 : i32
            %lt3A_314 = arith.constant 0 : i32
            %lt3A_315 = arith.cmpi slt, %select_n3A_308, %lt3A_314 : i32
            %ne3A_316 = arith.xori %lt3A_313, %lt3A_315 : i1
            %and3A_317 = arith.andi %ne3A_316, %ne3A_311 : i1
            %add3A_318 = arith.addi %rem3A_309, %select_n3A_308 : i32
            %select_n3A_319 = arith.select %and3A_317, %add3A_318, %rem3A_309 : i32
            %sub3A_320 = arith.constant 1 : i32
            %sub3A_321 = arith.subi %while3A_235, %sub3A_320 : i32
            %sub3A_322 = arith.constant 1 : i32
            %sub3A_323 = arith.subi %sub3A_322, %select_n3A_267 : i32
            %dma_wait3A_324 = arith.constant 0 : i32
            %dma_wait3A_325 = arith.constant 0 : i32
            %dma_wait3A_326 = tpu.memref_slice %arg11[%select_n3A_319, %dma_wait3A_324, %dma_wait3A_325] : memref<4x80x128xf32, #tpu.memory_space<vmem>> -> memref<1x80x128xf32, #tpu.memory_space<vmem>>
            %dma_wait3A_327 = tpu.memref_squeeze %dma_wait3A_326 : memref<1x80x128xf32, #tpu.memory_space<vmem>> -> memref<80x128xf32, #tpu.memory_space<vmem>>
            %dma_wait3A_328 = arith.constant 0 : i32
            %dma_wait3A_329 = tpu.memref_slice %arg10[%sub3A_321, %dma_wait3A_328] : memref<20x80xi32, #tpu.memory_space<vmem>> -> memref<1x80xi32, #tpu.memory_space<vmem>>
            %dma_wait3A_330 = tpu.memref_squeeze %dma_wait3A_329 : memref<1x80xi32, #tpu.memory_space<vmem>> -> memref<80xi32, #tpu.memory_space<vmem>>
            %dma_wait3A_331 = arith.constant 0 : i32
            %dma_wait3A_332 = arith.constant 0 : i32
            %dma_wait3A_333 = tpu.memref_slice %arg8[%dma_wait3A_331, %dma_wait3A_332] : memref<6528x128xf32, #tpu.memory_space<vmem_shared>> -> memref<6528x128xf32, #tpu.memory_space<vmem_shared>>
            %dma_wait3A_334 = tpu.memref_slice %arg14[%sub3A_323] : memref<2x!tpu.dma_semaphore, #tpu.memory_space<semaphore_mem>> -> memref<1x!tpu.dma_semaphore, #tpu.memory_space<semaphore_mem>>
            %dma_wait3A_335 = tpu.memref_squeeze %dma_wait3A_334 : memref<1x!tpu.dma_semaphore, #tpu.memory_space<semaphore_mem>> -> memref<!tpu.dma_semaphore, #tpu.memory_space<semaphore_mem>>
            tpu.wait_indirect_dma semaphore(%dma_wait3A_335 : memref<!tpu.dma_semaphore, #tpu.memory_space<semaphore_mem>>) src(%dma_wait3A_327 : memref<80x128xf32, #tpu.memory_space<vmem>>) dst(%dma_wait3A_333 : memref<6528x128xf32, #tpu.memory_space<vmem_shared>>)
          } else {
          }
          %add3A_296 = arith.constant 3 : i32
          %add3A_297 = arith.addi %while3A_235, %add3A_296 : i32
          %lt3A_298 = arith.cmpi slt, %add3A_297, %min3A_148 : i32
          %convert_element_type3A_299 = arith.extui %lt3A_298 : i1 to i32
          %cond3A_300 = arith.constant 0 : i32
          %cond3A_301 = arith.cmpi ne, %convert_element_type3A_299, %cond3A_300 : i32
          scf.if %cond3A_301 {
            %add3A_302 = arith.constant 3 : i32
            %add3A_303 = arith.addi %while3A_235, %add3A_302 : i32
            %add3A_304 = arith.constant 3 : i32
            %add3A_305 = arith.addi %while3A_235, %add3A_304 : i32
            %jit3A_306 = arith.constant 4 : i32
            %eq3A_307 = arith.constant 0 : i32
            %eq3A_308 = arith.cmpi eq, %jit3A_306, %eq3A_307 : i32
            %jit3A_309 = arith.constant 1 : i32
            %select_n3A_310 = arith.select %eq3A_308, %jit3A_309, %jit3A_306 : i32
            %rem3A_311 = arith.remsi %add3A_305, %select_n3A_310 : i32
            %ne3A_312 = arith.constant 0 : i32
            %ne3A_313 = arith.cmpi ne, %rem3A_311, %ne3A_312 : i32
            %lt3A_314 = arith.constant 0 : i32
            %lt3A_315 = arith.cmpi slt, %rem3A_311, %lt3A_314 : i32
            %lt3A_316 = arith.constant 0 : i32
            %lt3A_317 = arith.cmpi slt, %select_n3A_310, %lt3A_316 : i32
            %ne3A_318 = arith.xori %lt3A_315, %lt3A_317 : i1
            %and3A_319 = arith.andi %ne3A_318, %ne3A_313 : i1
            %add3A_320 = arith.addi %rem3A_311, %select_n3A_310 : i32
            %select_n3A_321 = arith.select %and3A_319, %add3A_320, %rem3A_311 : i32
            %add3A_322 = arith.constant 3 : i32
            %add3A_323 = arith.addi %while3A_235, %add3A_322 : i32
            %jit3A_324 = arith.constant 4 : i32
            %eq3A_325 = arith.constant 0 : i32
            %eq3A_326 = arith.cmpi eq, %jit3A_324, %eq3A_325 : i32
            %jit3A_327 = arith.constant 1 : i32
            %select_n3A_328 = arith.select %eq3A_326, %jit3A_327, %jit3A_324 : i32
            %rem3A_329 = arith.remsi %add3A_323, %select_n3A_328 : i32
            %ne3A_330 = arith.constant 0 : i32
            %ne3A_331 = arith.cmpi ne, %rem3A_329, %ne3A_330 : i32
            %lt3A_332 = arith.constant 0 : i32
            %lt3A_333 = arith.cmpi slt, %rem3A_329, %lt3A_332 : i32
            %lt3A_334 = arith.constant 0 : i32
            %lt3A_335 = arith.cmpi slt, %select_n3A_328, %lt3A_334 : i32
            %ne3A_336 = arith.xori %lt3A_333, %lt3A_335 : i1
            %and3A_337 = arith.andi %ne3A_336, %ne3A_331 : i1
            %add3A_338 = arith.addi %rem3A_329, %select_n3A_328 : i32
            %select_n3A_339 = arith.select %and3A_337, %add3A_338, %rem3A_329 : i32
            %dma_start3A_340 = arith.constant 0 : i32
            %dma_start3A_341 = arith.constant 0 : i32
            %dma_start3A_342 = tpu.memref_slice %arg11[%select_n3A_321, %dma_start3A_340, %dma_start3A_341] : memref<4x80x128xf32, #tpu.memory_space<vmem>> -> memref<1x80x128xf32, #tpu.memory_space<vmem>>
            %dma_start3A_343 = tpu.memref_squeeze %dma_start3A_342 : memref<1x80x128xf32, #tpu.memory_space<vmem>> -> memref<80x128xf32, #tpu.memory_space<vmem>>
            %dma_start3A_344 = arith.constant 0 : i32
            %dma_start3A_345 = tpu.memref_slice %arg9[%add3A_303, %dma_start3A_344] : memref<20x80xi32, #tpu.memory_space<vmem>> -> memref<1x80xi32, #tpu.memory_space<vmem>>
            %dma_start3A_346 = tpu.memref_squeeze %dma_start3A_345 : memref<1x80xi32, #tpu.memory_space<vmem>> -> memref<80xi32, #tpu.memory_space<vmem>>
            %dma_start3A_347 = arith.constant 0 : i32
            %dma_start3A_348 = arith.constant 0 : i32
            %dma_start3A_349 = tpu.memref_slice %arg4[%dma_start3A_347, %dma_start3A_348] : memref<153600x128xf32, #tpu.memory_space<hbm>> -> memref<153600x128xf32, #tpu.memory_space<hbm>>
            %dma_start3A_350 = tpu.memref_slice %arg13[%select_n3A_339] : memref<4x!tpu.dma_semaphore, #tpu.memory_space<semaphore_mem>> -> memref<1x!tpu.dma_semaphore, #tpu.memory_space<semaphore_mem>>
            %dma_start3A_351 = tpu.memref_squeeze %dma_start3A_350 : memref<1x!tpu.dma_semaphore, #tpu.memory_space<semaphore_mem>> -> memref<!tpu.dma_semaphore, #tpu.memory_space<semaphore_mem>>
            tpu.enqueue_indirect_dma source(%dma_start3A_349 : memref<153600x128xf32, #tpu.memory_space<hbm>>) target(%dma_start3A_343 : memref<80x128xf32, #tpu.memory_space<vmem>>) offsets(%dma_start3A_346 : memref<80xi32, #tpu.memory_space<vmem>>) semaphore(%dma_start3A_351 : memref<!tpu.dma_semaphore, #tpu.memory_space<semaphore_mem>>)
          } else {
          }
        }
        %while3A_185 = arith.constant 1 : i32
        scf.for %while3A_235 = %while3A_183 to %while3A_179 step %while3A_185  : i32 {
          %jit3A_236 = arith.constant 4 : i32
          %eq3A_237 = arith.constant 0 : i32
          %eq3A_238 = arith.cmpi eq, %jit3A_236, %eq3A_237 : i32
          %jit3A_239 = arith.constant 1 : i32
          %select_n3A_240 = arith.select %eq3A_238, %jit3A_239, %jit3A_236 : i32
          %rem3A_241 = arith.remsi %while3A_235, %select_n3A_240 : i32
          %ne3A_242 = arith.constant 0 : i32
          %ne3A_243 = arith.cmpi ne, %rem3A_241, %ne3A_242 : i32
          %lt3A_244 = arith.constant 0 : i32
          %lt3A_245 = arith.cmpi slt, %rem3A_241, %lt3A_244 : i32
          %lt3A_246 = arith.constant 0 : i32
          %lt3A_247 = arith.cmpi slt, %select_n3A_240, %lt3A_246 : i32
          %ne3A_248 = arith.xori %lt3A_245, %lt3A_247 : i1
          %and3A_249 = arith.andi %ne3A_248, %ne3A_243 : i1
          %add3A_250 = arith.addi %rem3A_241, %select_n3A_240 : i32
          %select_n3A_251 = arith.select %and3A_249, %add3A_250, %rem3A_241 : i32
          %jit3A_252 = arith.constant 2 : i32
          %eq3A_253 = arith.constant 0 : i32
          %eq3A_254 = arith.cmpi eq, %jit3A_252, %eq3A_253 : i32
          %jit3A_255 = arith.constant 1 : i32
          %select_n3A_256 = arith.select %eq3A_254, %jit3A_255, %jit3A_252 : i32
          %rem3A_257 = arith.remsi %while3A_235, %select_n3A_256 : i32
          %ne3A_258 = arith.constant 0 : i32
          %ne3A_259 = arith.cmpi ne, %rem3A_257, %ne3A_258 : i32
          %lt3A_260 = arith.constant 0 : i32
          %lt3A_261 = arith.cmpi slt, %rem3A_257, %lt3A_260 : i32
          %lt3A_262 = arith.constant 0 : i32
          %lt3A_263 = arith.cmpi slt, %select_n3A_256, %lt3A_262 : i32
          %ne3A_264 = arith.xori %lt3A_261, %lt3A_263 : i1
          %and3A_265 = arith.andi %ne3A_264, %ne3A_259 : i1
          %add3A_266 = arith.addi %rem3A_257, %select_n3A_256 : i32
          %select_n3A_267 = arith.select %and3A_265, %add3A_266, %rem3A_257 : i32
          %dma_wait3A_268 = arith.constant 0 : i32
          %dma_wait3A_269 = arith.constant 0 : i32
          %dma_wait3A_270 = tpu.memref_slice %arg11[%select_n3A_251, %dma_wait3A_268, %dma_wait3A_269] : memref<4x80x128xf32, #tpu.memory_space<vmem>> -> memref<1x80x128xf32, #tpu.memory_space<vmem>>
          %dma_wait3A_271 = tpu.memref_squeeze %dma_wait3A_270 : memref<1x80x128xf32, #tpu.memory_space<vmem>> -> memref<80x128xf32, #tpu.memory_space<vmem>>
          %dma_wait3A_272 = arith.constant 0 : i32
          %dma_wait3A_273 = tpu.memref_slice %arg9[%while3A_235, %dma_wait3A_272] : memref<20x80xi32, #tpu.memory_space<vmem>> -> memref<1x80xi32, #tpu.memory_space<vmem>>
          %dma_wait3A_274 = tpu.memref_squeeze %dma_wait3A_273 : memref<1x80xi32, #tpu.memory_space<vmem>> -> memref<80xi32, #tpu.memory_space<vmem>>
          %dma_wait3A_275 = arith.constant 0 : i32
          %dma_wait3A_276 = arith.constant 0 : i32
          %dma_wait3A_277 = tpu.memref_slice %arg4[%dma_wait3A_275, %dma_wait3A_276] : memref<153600x128xf32, #tpu.memory_space<hbm>> -> memref<153600x128xf32, #tpu.memory_space<hbm>>
          %dma_wait3A_278 = tpu.memref_slice %arg13[%select_n3A_251] : memref<4x!tpu.dma_semaphore, #tpu.memory_space<semaphore_mem>> -> memref<1x!tpu.dma_semaphore, #tpu.memory_space<semaphore_mem>>
          %dma_wait3A_279 = tpu.memref_squeeze %dma_wait3A_278 : memref<1x!tpu.dma_semaphore, #tpu.memory_space<semaphore_mem>> -> memref<!tpu.dma_semaphore, #tpu.memory_space<semaphore_mem>>
          tpu.wait_indirect_dma semaphore(%dma_wait3A_279 : memref<!tpu.dma_semaphore, #tpu.memory_space<semaphore_mem>>) src(%dma_wait3A_277 : memref<153600x128xf32, #tpu.memory_space<hbm>>) dst(%dma_wait3A_271 : memref<80x128xf32, #tpu.memory_space<vmem>>)
          %dma_start3A_280 = arith.constant 0 : i32
          %dma_start3A_281 = arith.constant 0 : i32
          %dma_start3A_282 = tpu.memref_slice %arg11[%select_n3A_251, %dma_start3A_280, %dma_start3A_281] : memref<4x80x128xf32, #tpu.memory_space<vmem>> -> memref<1x80x128xf32, #tpu.memory_space<vmem>>
          %dma_start3A_283 = tpu.memref_squeeze %dma_start3A_282 : memref<1x80x128xf32, #tpu.memory_space<vmem>> -> memref<80x128xf32, #tpu.memory_space<vmem>>
          %dma_start3A_284 = arith.constant 0 : i32
          %dma_start3A_285 = tpu.memref_slice %arg10[%while3A_235, %dma_start3A_284] : memref<20x80xi32, #tpu.memory_space<vmem>> -> memref<1x80xi32, #tpu.memory_space<vmem>>
          %dma_start3A_286 = tpu.memref_squeeze %dma_start3A_285 : memref<1x80xi32, #tpu.memory_space<vmem>> -> memref<80xi32, #tpu.memory_space<vmem>>
          %dma_start3A_287 = arith.constant 0 : i32
          %dma_start3A_288 = arith.constant 0 : i32
          %dma_start3A_289 = tpu.memref_slice %arg8[%dma_start3A_287, %dma_start3A_288] : memref<6528x128xf32, #tpu.memory_space<vmem_shared>> -> memref<6528x128xf32, #tpu.memory_space<vmem_shared>>
          %dma_start3A_290 = tpu.memref_slice %arg14[%select_n3A_267] : memref<2x!tpu.dma_semaphore, #tpu.memory_space<semaphore_mem>> -> memref<1x!tpu.dma_semaphore, #tpu.memory_space<semaphore_mem>>
          %dma_start3A_291 = tpu.memref_squeeze %dma_start3A_290 : memref<1x!tpu.dma_semaphore, #tpu.memory_space<semaphore_mem>> -> memref<!tpu.dma_semaphore, #tpu.memory_space<semaphore_mem>>
          tpu.enqueue_indirect_dma source(%dma_start3A_283 : memref<80x128xf32, #tpu.memory_space<vmem>>) target(%dma_start3A_289 : memref<6528x128xf32, #tpu.memory_space<vmem_shared>>) offsets(%dma_start3A_286 : memref<80xi32, #tpu.memory_space<vmem>>) semaphore(%dma_start3A_291 : memref<!tpu.dma_semaphore, #tpu.memory_space<semaphore_mem>>) {add = true}
          %ge3A = arith.constant 1 : i32
          %ge3A_292 = arith.cmpi sge, %while3A_235, %ge3A : i32
          %convert_element_type3A_293 = arith.extui %ge3A_292 : i1 to i32
          %cond3A_294 = arith.constant 0 : i32
          %cond3A_295 = arith.cmpi ne, %convert_element_type3A_293, %cond3A_294 : i32
          scf.if %cond3A_295 {
            %sub3A_302 = arith.constant 1 : i32
            %sub3A_303 = arith.subi %while3A_235, %sub3A_302 : i32
            %jit3A_304 = arith.constant 4 : i32
            %eq3A_305 = arith.constant 0 : i32
            %eq3A_306 = arith.cmpi eq, %jit3A_304, %eq3A_305 : i32
            %jit3A_307 = arith.constant 1 : i32
            %select_n3A_308 = arith.select %eq3A_306, %jit3A_307, %jit3A_304 : i32
            %rem3A_309 = arith.remsi %sub3A_303, %select_n3A_308 : i32
            %ne3A_310 = arith.constant 0 : i32
            %ne3A_311 = arith.cmpi ne, %rem3A_309, %ne3A_310 : i32
            %lt3A_312 = arith.constant 0 : i32
            %lt3A_313 = arith.cmpi slt, %rem3A_309, %lt3A_312 : i32
            %lt3A_314 = arith.constant 0 : i32
            %lt3A_315 = arith.cmpi slt, %select_n3A_308, %lt3A_314 : i32
            %ne3A_316 = arith.xori %lt3A_313, %lt3A_315 : i1
            %and3A_317 = arith.andi %ne3A_316, %ne3A_311 : i1
            %add3A_318 = arith.addi %rem3A_309, %select_n3A_308 : i32
            %select_n3A_319 = arith.select %and3A_317, %add3A_318, %rem3A_309 : i32
            %sub3A_320 = arith.constant 1 : i32
            %sub3A_321 = arith.subi %while3A_235, %sub3A_320 : i32
            %sub3A_322 = arith.constant 1 : i32
            %sub3A_323 = arith.subi %sub3A_322, %select_n3A_267 : i32
            %dma_wait3A_324 = arith.constant 0 : i32
            %dma_wait3A_325 = arith.constant 0 : i32
            %dma_wait3A_326 = tpu.memref_slice %arg11[%select_n3A_319, %dma_wait3A_324, %dma_wait3A_325] : memref<4x80x128xf32, #tpu.memory_space<vmem>> -> memref<1x80x128xf32, #tpu.memory_space<vmem>>
            %dma_wait3A_327 = tpu.memref_squeeze %dma_wait3A_326 : memref<1x80x128xf32, #tpu.memory_space<vmem>> -> memref<80x128xf32, #tpu.memory_space<vmem>>
            %dma_wait3A_328 = arith.constant 0 : i32
            %dma_wait3A_329 = tpu.memref_slice %arg10[%sub3A_321, %dma_wait3A_328] : memref<20x80xi32, #tpu.memory_space<vmem>> -> memref<1x80xi32, #tpu.memory_space<vmem>>
            %dma_wait3A_330 = tpu.memref_squeeze %dma_wait3A_329 : memref<1x80xi32, #tpu.memory_space<vmem>> -> memref<80xi32, #tpu.memory_space<vmem>>
            %dma_wait3A_331 = arith.constant 0 : i32
            %dma_wait3A_332 = arith.constant 0 : i32
            %dma_wait3A_333 = tpu.memref_slice %arg8[%dma_wait3A_331, %dma_wait3A_332] : memref<6528x128xf32, #tpu.memory_space<vmem_shared>> -> memref<6528x128xf32, #tpu.memory_space<vmem_shared>>
            %dma_wait3A_334 = tpu.memref_slice %arg14[%sub3A_323] : memref<2x!tpu.dma_semaphore, #tpu.memory_space<semaphore_mem>> -> memref<1x!tpu.dma_semaphore, #tpu.memory_space<semaphore_mem>>
            %dma_wait3A_335 = tpu.memref_squeeze %dma_wait3A_334 : memref<1x!tpu.dma_semaphore, #tpu.memory_space<semaphore_mem>> -> memref<!tpu.dma_semaphore, #tpu.memory_space<semaphore_mem>>
            tpu.wait_indirect_dma semaphore(%dma_wait3A_335 : memref<!tpu.dma_semaphore, #tpu.memory_space<semaphore_mem>>) src(%dma_wait3A_327 : memref<80x128xf32, #tpu.memory_space<vmem>>) dst(%dma_wait3A_333 : memref<6528x128xf32, #tpu.memory_space<vmem_shared>>)
          } else {
          }
          %add3A_296 = arith.constant 3 : i32
          %add3A_297 = arith.addi %while3A_235, %add3A_296 : i32
          %lt3A_298 = arith.cmpi slt, %add3A_297, %min3A_148 : i32
          %convert_element_type3A_299 = arith.extui %lt3A_298 : i1 to i32
          %cond3A_300 = arith.constant 0 : i32
          %cond3A_301 = arith.cmpi ne, %convert_element_type3A_299, %cond3A_300 : i32
          scf.if %cond3A_301 {
            %add3A_302 = arith.constant 3 : i32
            %add3A_303 = arith.addi %while3A_235, %add3A_302 : i32
            %add3A_304 = arith.constant 3 : i32
            %add3A_305 = arith.addi %while3A_235, %add3A_304 : i32
            %jit3A_306 = arith.constant 4 : i32
            %eq3A_307 = arith.constant 0 : i32
            %eq3A_308 = arith.cmpi eq, %jit3A_306, %eq3A_307 : i32
            %jit3A_309 = arith.constant 1 : i32
            %select_n3A_310 = arith.select %eq3A_308, %jit3A_309, %jit3A_306 : i32
            %rem3A_311 = arith.remsi %add3A_305, %select_n3A_310 : i32
            %ne3A_312 = arith.constant 0 : i32
            %ne3A_313 = arith.cmpi ne, %rem3A_311, %ne3A_312 : i32
            %lt3A_314 = arith.constant 0 : i32
            %lt3A_315 = arith.cmpi slt, %rem3A_311, %lt3A_314 : i32
            %lt3A_316 = arith.constant 0 : i32
            %lt3A_317 = arith.cmpi slt, %select_n3A_310, %lt3A_316 : i32
            %ne3A_318 = arith.xori %lt3A_315, %lt3A_317 : i1
            %and3A_319 = arith.andi %ne3A_318, %ne3A_313 : i1
            %add3A_320 = arith.addi %rem3A_311, %select_n3A_310 : i32
            %select_n3A_321 = arith.select %and3A_319, %add3A_320, %rem3A_311 : i32
            %add3A_322 = arith.constant 3 : i32
            %add3A_323 = arith.addi %while3A_235, %add3A_322 : i32
            %jit3A_324 = arith.constant 4 : i32
            %eq3A_325 = arith.constant 0 : i32
            %eq3A_326 = arith.cmpi eq, %jit3A_324, %eq3A_325 : i32
            %jit3A_327 = arith.constant 1 : i32
            %select_n3A_328 = arith.select %eq3A_326, %jit3A_327, %jit3A_324 : i32
            %rem3A_329 = arith.remsi %add3A_323, %select_n3A_328 : i32
            %ne3A_330 = arith.constant 0 : i32
            %ne3A_331 = arith.cmpi ne, %rem3A_329, %ne3A_330 : i32
            %lt3A_332 = arith.constant 0 : i32
            %lt3A_333 = arith.cmpi slt, %rem3A_329, %lt3A_332 : i32
            %lt3A_334 = arith.constant 0 : i32
            %lt3A_335 = arith.cmpi slt, %select_n3A_328, %lt3A_334 : i32
            %ne3A_336 = arith.xori %lt3A_333, %lt3A_335 : i1
            %and3A_337 = arith.andi %ne3A_336, %ne3A_331 : i1
            %add3A_338 = arith.addi %rem3A_329, %select_n3A_328 : i32
            %select_n3A_339 = arith.select %and3A_337, %add3A_338, %rem3A_329 : i32
            %dma_start3A_340 = arith.constant 0 : i32
            %dma_start3A_341 = arith.constant 0 : i32
            %dma_start3A_342 = tpu.memref_slice %arg11[%select_n3A_321, %dma_start3A_340, %dma_start3A_341] : memref<4x80x128xf32, #tpu.memory_space<vmem>> -> memref<1x80x128xf32, #tpu.memory_space<vmem>>
            %dma_start3A_343 = tpu.memref_squeeze %dma_start3A_342 : memref<1x80x128xf32, #tpu.memory_space<vmem>> -> memref<80x128xf32, #tpu.memory_space<vmem>>
            %dma_start3A_344 = arith.constant 0 : i32
            %dma_start3A_345 = tpu.memref_slice %arg9[%add3A_303, %dma_start3A_344] : memref<20x80xi32, #tpu.memory_space<vmem>> -> memref<1x80xi32, #tpu.memory_space<vmem>>
            %dma_start3A_346 = tpu.memref_squeeze %dma_start3A_345 : memref<1x80xi32, #tpu.memory_space<vmem>> -> memref<80xi32, #tpu.memory_space<vmem>>
            %dma_start3A_347 = arith.constant 0 : i32
            %dma_start3A_348 = arith.constant 0 : i32
            %dma_start3A_349 = tpu.memref_slice %arg4[%dma_start3A_347, %dma_start3A_348] : memref<153600x128xf32, #tpu.memory_space<hbm>> -> memref<153600x128xf32, #tpu.memory_space<hbm>>
            %dma_start3A_350 = tpu.memref_slice %arg13[%select_n3A_339] : memref<4x!tpu.dma_semaphore, #tpu.memory_space<semaphore_mem>> -> memref<1x!tpu.dma_semaphore, #tpu.memory_space<semaphore_mem>>
            %dma_start3A_351 = tpu.memref_squeeze %dma_start3A_350 : memref<1x!tpu.dma_semaphore, #tpu.memory_space<semaphore_mem>> -> memref<!tpu.dma_semaphore, #tpu.memory_space<semaphore_mem>>
            tpu.enqueue_indirect_dma source(%dma_start3A_349 : memref<153600x128xf32, #tpu.memory_space<hbm>>) target(%dma_start3A_343 : memref<80x128xf32, #tpu.memory_space<vmem>>) offsets(%dma_start3A_346 : memref<80xi32, #tpu.memory_space<vmem>>) semaphore(%dma_start3A_351 : memref<!tpu.dma_semaphore, #tpu.memory_space<semaphore_mem>>)
          } else {
          }
        }
        %sub3A_186 = arith.constant 1 : i32
        %sub3A_187 = arith.subi %min3A_148, %sub3A_186 : i32
        %jit3A_188 = arith.constant 4 : i32
        %eq3A_189 = arith.constant 0 : i32
        %eq3A_190 = arith.cmpi eq, %jit3A_188, %eq3A_189 : i32
        %jit3A_191 = arith.constant 1 : i32
        %select_n3A_192 = arith.select %eq3A_190, %jit3A_191, %jit3A_188 : i32
        %rem3A_193 = arith.remsi %sub3A_187, %select_n3A_192 : i32
        %ne3A_194 = arith.constant 0 : i32
        %ne3A_195 = arith.cmpi ne, %rem3A_193, %ne3A_194 : i32
        %lt3A_196 = arith.constant 0 : i32
        %lt3A_197 = arith.cmpi slt, %rem3A_193, %lt3A_196 : i32
        %lt3A_198 = arith.constant 0 : i32
        %lt3A_199 = arith.cmpi slt, %select_n3A_192, %lt3A_198 : i32
        %ne3A_200 = arith.xori %lt3A_197, %lt3A_199 : i1
        %and3A_201 = arith.andi %ne3A_200, %ne3A_195 : i1
        %add3A_202 = arith.addi %rem3A_193, %select_n3A_192 : i32
        %select_n3A_203 = arith.select %and3A_201, %add3A_202, %rem3A_193 : i32
        %sub3A_204 = arith.constant 1 : i32
        %sub3A_205 = arith.subi %min3A_148, %sub3A_204 : i32
        %sub3A_206 = arith.constant 1 : i32
        %sub3A_207 = arith.subi %min3A_148, %sub3A_206 : i32
        %jit3A_208 = arith.constant 2 : i32
        %eq3A_209 = arith.constant 0 : i32
        %eq3A_210 = arith.cmpi eq, %jit3A_208, %eq3A_209 : i32
        %jit3A_211 = arith.constant 1 : i32
        %select_n3A_212 = arith.select %eq3A_210, %jit3A_211, %jit3A_208 : i32
        %rem3A_213 = arith.remsi %sub3A_207, %select_n3A_212 : i32
        %ne3A_214 = arith.constant 0 : i32
        %ne3A_215 = arith.cmpi ne, %rem3A_213, %ne3A_214 : i32
        %lt3A_216 = arith.constant 0 : i32
        %lt3A_217 = arith.cmpi slt, %rem3A_213, %lt3A_216 : i32
        %lt3A_218 = arith.constant 0 : i32
        %lt3A_219 = arith.cmpi slt, %select_n3A_212, %lt3A_218 : i32
        %ne3A_220 = arith.xori %lt3A_217, %lt3A_219 : i1
        %and3A_221 = arith.andi %ne3A_220, %ne3A_215 : i1
        %add3A_222 = arith.addi %rem3A_213, %select_n3A_212 : i32
        %select_n3A_223 = arith.select %and3A_221, %add3A_222, %rem3A_213 : i32
        %dma_wait3A = arith.constant 0 : i32
        %dma_wait3A_224 = arith.constant 0 : i32
        %dma_wait3A_225 = tpu.memref_slice %arg11[%select_n3A_203, %dma_wait3A, %dma_wait3A_224] : memref<4x80x128xf32, #tpu.memory_space<vmem>> -> memref<1x80x128xf32, #tpu.memory_space<vmem>>
        %dma_wait3A_226 = tpu.memref_squeeze %dma_wait3A_225 : memref<1x80x128xf32, #tpu.memory_space<vmem>> -> memref<80x128xf32, #tpu.memory_space<vmem>>
        %dma_wait3A_227 = arith.constant 0 : i32
        %dma_wait3A_228 = tpu.memref_slice %arg10[%sub3A_205, %dma_wait3A_227] : memref<20x80xi32, #tpu.memory_space<vmem>> -> memref<1x80xi32, #tpu.memory_space<vmem>>
        %dma_wait3A_229 = tpu.memref_squeeze %dma_wait3A_228 : memref<1x80xi32, #tpu.memory_space<vmem>> -> memref<80xi32, #tpu.memory_space<vmem>>
        %dma_wait3A_230 = arith.constant 0 : i32
        %dma_wait3A_231 = arith.constant 0 : i32
        %dma_wait3A_232 = tpu.memref_slice %arg8[%dma_wait3A_230, %dma_wait3A_231] : memref<6528x128xf32, #tpu.memory_space<vmem_shared>> -> memref<6528x128xf32, #tpu.memory_space<vmem_shared>>
        %dma_wait3A_233 = tpu.memref_slice %arg14[%select_n3A_223] : memref<2x!tpu.dma_semaphore, #tpu.memory_space<semaphore_mem>> -> memref<1x!tpu.dma_semaphore, #tpu.memory_space<semaphore_mem>>
        %dma_wait3A_234 = tpu.memref_squeeze %dma_wait3A_233 : memref<1x!tpu.dma_semaphore, #tpu.memory_space<semaphore_mem>> -> memref<!tpu.dma_semaphore, #tpu.memory_space<semaphore_mem>>
        tpu.wait_indirect_dma semaphore(%dma_wait3A_234 : memref<!tpu.dma_semaphore, #tpu.memory_space<semaphore_mem>>) src(%dma_wait3A_226 : memref<80x128xf32, #tpu.memory_space<vmem>>) dst(%dma_wait3A_232 : memref<6528x128xf32, #tpu.memory_space<vmem_shared>>)
      }
      %while3A_126 = arith.constant 1 : i32
      scf.for %while3A_138 = %while3A_124 to %while3A_120 step %while3A_126  : i32 {
        %mul3A_139 = arith.constant 16 : i32
        %mul3A_140 = arith.muli %mul3A_139, %while3A_138 : i32
        %add3A_141 = arith.addi %arg1, %mul3A_140 : i32
        %mul3A_142 = arith.constant 32 : i32
        %mul3A_143 = arith.muli %add3A_36, %mul3A_142 : i32
        %add3A_144 = arith.addi %mul3A_143, %add3A_141 : i32
        %mul3A_145 = arith.constant 20 : i32
        %mul3A_146 = arith.muli %mul3A_145, %add3A_141 : i32
        %sub3A_147 = arith.subi %squeeze3A, %mul3A_146 : i32
        %min3A = arith.constant 20 : i32
        %min3A_148 = arith.minsi %min3A, %sub3A_147 : i32
        "tpu.region"() ({
          %run_scoped3A = tpu.sem_alloc : memref<!tpu.dma_semaphore, #tpu.memory_space<semaphore_mem>>
          %dma_start3A_235 = arith.constant 0 : i32
          %dma_start3A_236 = arith.constant 0 : i32
          %dma_start3A_237 = tpu.memref_slice %arg2[%select_n3A, %add3A_144, %dma_start3A_235, %dma_start3A_236] : memref<3x256x20x80xi32, #tpu.memory_space<hbm>> -> memref<1x1x20x80xi32, #tpu.memory_space<hbm>>
          %dma_start3A_238 = tpu.memref_squeeze %dma_start3A_237 : memref<1x1x20x80xi32, #tpu.memory_space<hbm>> -> memref<20x80xi32, #tpu.memory_space<hbm>>
          %dma_start3A_239 = arith.constant 0 : i32
          %dma_start3A_240 = arith.constant 0 : i32
          %dma_start3A_241 = tpu.memref_slice %arg2[%select_n3A, %add3A_144, %dma_start3A_239, %dma_start3A_240] : memref<3x256x20x80xi32, #tpu.memory_space<hbm>> -> memref<1x1x20x80xi32, #tpu.memory_space<hbm>>
          %dma_start3A_242 = tpu.memref_squeeze %dma_start3A_241 : memref<1x1x20x80xi32, #tpu.memory_space<hbm>> -> memref<20x80xi32, #tpu.memory_space<hbm>>
          tpu.enqueue_dma source(%dma_start3A_242 : memref<20x80xi32, #tpu.memory_space<hbm>>) target(%arg9 : memref<20x80xi32, #tpu.memory_space<vmem>>) target_semaphore(%run_scoped3A : memref<!tpu.dma_semaphore, #tpu.memory_space<semaphore_mem>>)
          %dma_wait3A_243 = arith.constant 0 : i32
          %dma_wait3A_244 = arith.constant 0 : i32
          %dma_wait3A_245 = tpu.memref_slice %arg2[%select_n3A, %add3A_144, %dma_wait3A_243, %dma_wait3A_244] : memref<3x256x20x80xi32, #tpu.memory_space<hbm>> -> memref<1x1x20x80xi32, #tpu.memory_space<hbm>>
          %dma_wait3A_246 = tpu.memref_squeeze %dma_wait3A_245 : memref<1x1x20x80xi32, #tpu.memory_space<hbm>> -> memref<20x80xi32, #tpu.memory_space<hbm>>
          %dma_wait3A_247 = arith.constant 0 : i32
          %dma_wait3A_248 = arith.constant 0 : i32
          %dma_wait3A_249 = tpu.memref_slice %arg2[%select_n3A, %add3A_144, %dma_wait3A_247, %dma_wait3A_248] : memref<3x256x20x80xi32, #tpu.memory_space<hbm>> -> memref<1x1x20x80xi32, #tpu.memory_space<hbm>>
          %dma_wait3A_250 = tpu.memref_squeeze %dma_wait3A_249 : memref<1x1x20x80xi32, #tpu.memory_space<hbm>> -> memref<20x80xi32, #tpu.memory_space<hbm>>
          tpu.wait_dma2 semaphore(%run_scoped3A : memref<!tpu.dma_semaphore, #tpu.memory_space<semaphore_mem>>) src(%dma_wait3A_250 : memref<20x80xi32, #tpu.memory_space<hbm>>) dst(%arg9 : memref<20x80xi32, #tpu.memory_space<vmem>>)
          tpu.yield
        }) : () -> ()
        "tpu.region"() ({
          %run_scoped3A = tpu.sem_alloc : memref<!tpu.dma_semaphore, #tpu.memory_space<semaphore_mem>>
          %dma_start3A_235 = arith.constant 0 : i32
          %dma_start3A_236 = arith.constant 0 : i32
          %dma_start3A_237 = tpu.memref_slice %arg3[%select_n3A, %add3A_144, %dma_start3A_235, %dma_start3A_236] : memref<3x256x20x80xi32, #tpu.memory_space<hbm>> -> memref<1x1x20x80xi32, #tpu.memory_space<hbm>>
          %dma_start3A_238 = tpu.memref_squeeze %dma_start3A_237 : memref<1x1x20x80xi32, #tpu.memory_space<hbm>> -> memref<20x80xi32, #tpu.memory_space<hbm>>
          %dma_start3A_239 = arith.constant 0 : i32
          %dma_start3A_240 = arith.constant 0 : i32
          %dma_start3A_241 = tpu.memref_slice %arg3[%select_n3A, %add3A_144, %dma_start3A_239, %dma_start3A_240] : memref<3x256x20x80xi32, #tpu.memory_space<hbm>> -> memref<1x1x20x80xi32, #tpu.memory_space<hbm>>
          %dma_start3A_242 = tpu.memref_squeeze %dma_start3A_241 : memref<1x1x20x80xi32, #tpu.memory_space<hbm>> -> memref<20x80xi32, #tpu.memory_space<hbm>>
          tpu.enqueue_dma source(%dma_start3A_242 : memref<20x80xi32, #tpu.memory_space<hbm>>) target(%arg10 : memref<20x80xi32, #tpu.memory_space<vmem>>) target_semaphore(%run_scoped3A : memref<!tpu.dma_semaphore, #tpu.memory_space<semaphore_mem>>)
          %dma_wait3A_243 = arith.constant 0 : i32
          %dma_wait3A_244 = arith.constant 0 : i32
          %dma_wait3A_245 = tpu.memref_slice %arg3[%select_n3A, %add3A_144, %dma_wait3A_243, %dma_wait3A_244] : memref<3x256x20x80xi32, #tpu.memory_space<hbm>> -> memref<1x1x20x80xi32, #tpu.memory_space<hbm>>
          %dma_wait3A_246 = tpu.memref_squeeze %dma_wait3A_245 : memref<1x1x20x80xi32, #tpu.memory_space<hbm>> -> memref<20x80xi32, #tpu.memory_space<hbm>>
          %dma_wait3A_247 = arith.constant 0 : i32
          %dma_wait3A_248 = arith.constant 0 : i32
          %dma_wait3A_249 = tpu.memref_slice %arg3[%select_n3A, %add3A_144, %dma_wait3A_247, %dma_wait3A_248] : memref<3x256x20x80xi32, #tpu.memory_space<hbm>> -> memref<1x1x20x80xi32, #tpu.memory_space<hbm>>
          %dma_wait3A_250 = tpu.memref_squeeze %dma_wait3A_249 : memref<1x1x20x80xi32, #tpu.memory_space<hbm>> -> memref<20x80xi32, #tpu.memory_space<hbm>>
          tpu.wait_dma2 semaphore(%run_scoped3A : memref<!tpu.dma_semaphore, #tpu.memory_space<semaphore_mem>>) src(%dma_wait3A_250 : memref<20x80xi32, #tpu.memory_space<hbm>>) dst(%arg10 : memref<20x80xi32, #tpu.memory_space<vmem>>)
          tpu.yield
        }) : () -> ()
        %scan3A_149 = arith.constant 0 : i32
        %scan3A_150 = arith.constant 0 : i32
        %scan3A_151 = arith.constant 100 : i32
        %scan3A_152 = arith.addi %scan3A_150, %scan3A_151 : i32
        %scan3A_153 = arith.constant 1 : i32
        scf.for %scan3A_235 = %scan3A_150 to %scan3A_152 step %scan3A_153  : i32 {
          %jit3A_236 = arith.constant 5 : i32
          %div3A_237 = arith.divsi %scan3A_235, %jit3A_236 : i32
          %sign3A_238 = arith.constant 0 : i32
          %sign3A_239 = arith.cmpi sgt, %scan3A_235, %sign3A_238 : i32
          %sign3A_240 = arith.extui %sign3A_239 : i1 to i32
          %sign3A_241 = arith.constant 0 : i32
          %sign3A_242 = arith.cmpi slt, %scan3A_235, %sign3A_241 : i32
          %sign3A_243 = arith.extui %sign3A_242 : i1 to i32
          %sign3A_244 = arith.subi %sign3A_240, %sign3A_243 : i32
          %sign3A_245 = arith.constant 0 : i32
          %sign3A_246 = arith.cmpi sgt, %jit3A_236, %sign3A_245 : i32
          %sign3A_247 = arith.extui %sign3A_246 : i1 to i32
          %sign3A_248 = arith.constant 0 : i32
          %sign3A_249 = arith.cmpi slt, %jit3A_236, %sign3A_248 : i32
          %sign3A_250 = arith.extui %sign3A_249 : i1 to i32
          %sign3A_251 = arith.subi %sign3A_247, %sign3A_250 : i32
          %ne3A_252 = arith.cmpi ne, %sign3A_244, %sign3A_251 : i32
          %rem3A_253 = arith.remsi %scan3A_235, %jit3A_236 : i32
          %ne3A_254 = arith.constant 0 : i32
          %ne3A_255 = arith.cmpi ne, %rem3A_253, %ne3A_254 : i32
          %and3A_256 = arith.andi %ne3A_252, %ne3A_255 : i1
          %sub3A_257 = arith.constant 1 : i32
          %sub3A_258 = arith.subi %div3A_237, %sub3A_257 : i32
          %select_n3A_259 = arith.select %and3A_256, %sub3A_258, %div3A_237 : i32
          %jit3A_260 = arith.constant 5 : i32
          %eq3A_261 = arith.constant 0 : i32
          %eq3A_262 = arith.cmpi eq, %jit3A_260, %eq3A_261 : i32
          %jit3A_263 = arith.constant 1 : i32
          %select_n3A_264 = arith.select %eq3A_262, %jit3A_263, %jit3A_260 : i32
          %rem3A_265 = arith.remsi %scan3A_235, %select_n3A_264 : i32
          %ne3A_266 = arith.constant 0 : i32
          %ne3A_267 = arith.cmpi ne, %rem3A_265, %ne3A_266 : i32
          %lt3A_268 = arith.constant 0 : i32
          %lt3A_269 = arith.cmpi slt, %rem3A_265, %lt3A_268 : i32
          %lt3A_270 = arith.constant 0 : i32
          %lt3A_271 = arith.cmpi slt, %select_n3A_264, %lt3A_270 : i32
          %ne3A_272 = arith.xori %lt3A_269, %lt3A_271 : i1
          %and3A_273 = arith.andi %ne3A_272, %ne3A_267 : i1
          %add3A_274 = arith.addi %rem3A_265, %select_n3A_264 : i32
          %select_n3A_275 = arith.select %and3A_273, %add3A_274, %rem3A_265 : i32
          %mul3A_276 = arith.constant 16 : i32
          %mul3A_277 = arith.muli %select_n3A_275, %mul3A_276 : i32
          %get3A_278 = arith.index_cast %select_n3A_259 : i32 to index
          %get3A_279 = arith.index_cast %mul3A_277 : i32 to index
          %get3A_280 = tpu.vector_load %arg10[%get3A_278, %get3A_279] {strides = array<i32>} : memref<20x80xi32, #tpu.memory_space<vmem>>, vector<1x16xi32>,
          %get3A_281 = vector.shape_cast %get3A_280 : vector<1x16xi32> to vector<16xi32>
          %sub3A_282 = vector.broadcast %mul3A_38 : i32 to vector<16xi32>
          %sub3A_283 = arith.subi %get3A_281, %sub3A_282 : vector<16xi32>
          %ge3A = arith.constant 0 : i32
          %ge3A_284 = vector.broadcast %ge3A : i32 to vector<16xi32>
          %ge3A_285 = arith.cmpi sge, %sub3A_283, %ge3A_284 : vector<16xi32>
          %lt3A_286 = arith.constant 6400 : i32
          %lt3A_287 = vector.broadcast %lt3A_286 : i32 to vector<16xi32>
          %lt3A_288 = arith.cmpi slt, %sub3A_283, %lt3A_287 : vector<16xi32>
          %and3A_289 = arith.andi %ge3A_285, %lt3A_288 : vector<16xi1>
          %and3A_290 = arith.constant 127 : i32
          %and3A_291 = vector.broadcast %and3A_290 : i32 to vector<16xi32>
          %and3A_292 = arith.andi %get3A_281, %and3A_291 : vector<16xi32>
          %add3A_293 = arith.constant 6400 : i32
          %add3A_294 = vector.broadcast %add3A_293 : i32 to vector<16xi32>
          %add3A_295 = arith.addi %add3A_294, %and3A_292 : vector<16xi32>
          %select_n3A_296 = arith.select %and3A_289, %sub3A_283, %add3A_295 : vector<16xi1>, vector<16xi32>
          %jit3A_297 = arith.constant 5 : i32
          %div3A_298 = arith.divsi %scan3A_235, %jit3A_297 : i32
          %sign3A_299 = arith.constant 0 : i32
          %sign3A_300 = arith.cmpi sgt, %scan3A_235, %sign3A_299 : i32
          %sign3A_301 = arith.extui %sign3A_300 : i1 to i32
          %sign3A_302 = arith.constant 0 : i32
          %sign3A_303 = arith.cmpi slt, %scan3A_235, %sign3A_302 : i32
          %sign3A_304 = arith.extui %sign3A_303 : i1 to i32
          %sign3A_305 = arith.subi %sign3A_301, %sign3A_304 : i32
          %sign3A_306 = arith.constant 0 : i32
          %sign3A_307 = arith.cmpi sgt, %jit3A_297, %sign3A_306 : i32
          %sign3A_308 = arith.extui %sign3A_307 : i1 to i32
          %sign3A_309 = arith.constant 0 : i32
          %sign3A_310 = arith.cmpi slt, %jit3A_297, %sign3A_309 : i32
          %sign3A_311 = arith.extui %sign3A_310 : i1 to i32
          %sign3A_312 = arith.subi %sign3A_308, %sign3A_311 : i32
          %ne3A_313 = arith.cmpi ne, %sign3A_305, %sign3A_312 : i32
          %rem3A_314 = arith.remsi %scan3A_235, %jit3A_297 : i32
          %ne3A_315 = arith.constant 0 : i32
          %ne3A_316 = arith.cmpi ne, %rem3A_314, %ne3A_315 : i32
          %and3A_317 = arith.andi %ne3A_313, %ne3A_316 : i1
          %sub3A_318 = arith.constant 1 : i32
          %sub3A_319 = arith.subi %div3A_298, %sub3A_318 : i32
          %select_n3A_320 = arith.select %and3A_317, %sub3A_319, %div3A_298 : i32
          %jit3A_321 = arith.constant 5 : i32
          %eq3A_322 = arith.constant 0 : i32
          %eq3A_323 = arith.cmpi eq, %jit3A_321, %eq3A_322 : i32
          %jit3A_324 = arith.constant 1 : i32
          %select_n3A_325 = arith.select %eq3A_323, %jit3A_324, %jit3A_321 : i32
          %rem3A_326 = arith.remsi %scan3A_235, %select_n3A_325 : i32
          %ne3A_327 = arith.constant 0 : i32
          %ne3A_328 = arith.cmpi ne, %rem3A_326, %ne3A_327 : i32
          %lt3A_329 = arith.constant 0 : i32
          %lt3A_330 = arith.cmpi slt, %rem3A_326, %lt3A_329 : i32
          %lt3A_331 = arith.constant 0 : i32
          %lt3A_332 = arith.cmpi slt, %select_n3A_325, %lt3A_331 : i32
          %ne3A_333 = arith.xori %lt3A_330, %lt3A_332 : i1
          %and3A_334 = arith.andi %ne3A_333, %ne3A_328 : i1
          %add3A_335 = arith.addi %rem3A_326, %select_n3A_325 : i32
          %select_n3A_336 = arith.select %and3A_334, %add3A_335, %rem3A_326 : i32
          %mul3A_337 = arith.constant 16 : i32
          %mul3A_338 = arith.muli %select_n3A_336, %mul3A_337 : i32
          %swap3A = arith.index_cast %select_n3A_320 : i32 to index
          %swap3A_339 = arith.index_cast %mul3A_338 : i32 to index
          %swap3A_340 = tpu.vector_load %arg10[%swap3A, %swap3A_339] {strides = array<i32>} : memref<20x80xi32, #tpu.memory_space<vmem>>, vector<1x16xi32>,
          %swap3A_341 = vector.shape_cast %swap3A_340 : vector<1x16xi32> to vector<16xi32>
          %swap3A_342 = vector.shape_cast %select_n3A_296 : vector<16xi32> to vector<1x16xi32>
          tpu.vector_store %arg10[%swap3A, %swap3A_339], %swap3A_342 {strides = array<i32>} : memref<20x80xi32, #tpu.memory_space<vmem>>, vector<1x16xi32>,
        }
        %scan3A_154 = arith.constant 100 : i32
        %dma_start3A = arith.constant 0 : i32
        %dma_start3A_155 = arith.constant 0 : i32
        %dma_start3A_156 = arith.constant 0 : i32
        %dma_start3A_157 = arith.constant 0 : i32
        %dma_start3A_158 = arith.constant 0 : i32
        %dma_start3A_159 = tpu.memref_slice %arg11[%dma_start3A_155, %dma_start3A_157, %dma_start3A_158] : memref<4x80x128xf32, #tpu.memory_space<vmem>> -> memref<1x80x128xf32, #tpu.memory_space<vmem>>
        %dma_start3A_160 = tpu.memref_squeeze %dma_start3A_159 : memref<1x80x128xf32, #tpu.memory_space<vmem>> -> memref<80x128xf32, #tpu.memory_space<vmem>>
        %dma_start3A_161 = arith.constant 0 : i32
        %dma_start3A_162 = tpu.memref_slice %arg9[%dma_start3A, %dma_start3A_161] : memref<20x80xi32, #tpu.memory_space<vmem>> -> memref<1x80xi32, #tpu.memory_space<vmem>>
        %dma_start3A_163 = tpu.memref_squeeze %dma_start3A_162 : memref<1x80xi32, #tpu.memory_space<vmem>> -> memref<80xi32, #tpu.memory_space<vmem>>
        %dma_start3A_164 = arith.constant 0 : i32
        %dma_start3A_165 = arith.constant 0 : i32
        %dma_start3A_166 = tpu.memref_slice %arg4[%dma_start3A_164, %dma_start3A_165] : memref<153600x128xf32, #tpu.memory_space<hbm>> -> memref<153600x128xf32, #tpu.memory_space<hbm>>
        %dma_start3A_167 = tpu.memref_slice %arg13[%dma_start3A_156] : memref<4x!tpu.dma_semaphore, #tpu.memory_space<semaphore_mem>> -> memref<1x!tpu.dma_semaphore, #tpu.memory_space<semaphore_mem>>
        %dma_start3A_168 = tpu.memref_squeeze %dma_start3A_167 : memref<1x!tpu.dma_semaphore, #tpu.memory_space<semaphore_mem>> -> memref<!tpu.dma_semaphore, #tpu.memory_space<semaphore_mem>>
        tpu.enqueue_indirect_dma source(%dma_start3A_166 : memref<153600x128xf32, #tpu.memory_space<hbm>>) target(%dma_start3A_160 : memref<80x128xf32, #tpu.memory_space<vmem>>) offsets(%dma_start3A_163 : memref<80xi32, #tpu.memory_space<vmem>>) semaphore(%dma_start3A_168 : memref<!tpu.dma_semaphore, #tpu.memory_space<semaphore_mem>>)
        %gt3A = arith.constant 1 : i32
        %gt3A_169 = arith.cmpi sgt, %min3A_148, %gt3A : i32
        %convert_element_type3A = arith.extui %gt3A_169 : i1 to i32
        %cond3A = arith.constant 0 : i32
        %cond3A_170 = arith.cmpi ne, %convert_element_type3A, %cond3A : i32
        scf.if %cond3A_170 {
          %dma_start3A_235 = arith.constant 1 : i32
          %dma_start3A_236 = arith.constant 1 : i32
          %dma_start3A_237 = arith.constant 1 : i32
          %dma_start3A_238 = arith.constant 0 : i32
          %dma_start3A_239 = arith.constant 0 : i32
          %dma_start3A_240 = tpu.memref_slice %arg11[%dma_start3A_236, %dma_start3A_238, %dma_start3A_239] : memref<4x80x128xf32, #tpu.memory_space<vmem>> -> memref<1x80x128xf32, #tpu.memory_space<vmem>>
          %dma_start3A_241 = tpu.memref_squeeze %dma_start3A_240 : memref<1x80x128xf32, #tpu.memory_space<vmem>> -> memref<80x128xf32, #tpu.memory_space<vmem>>
          %dma_start3A_242 = arith.constant 0 : i32
          %dma_start3A_243 = tpu.memref_slice %arg9[%dma_start3A_235, %dma_start3A_242] : memref<20x80xi32, #tpu.memory_space<vmem>> -> memref<1x80xi32, #tpu.memory_space<vmem>>
          %dma_start3A_244 = tpu.memref_squeeze %dma_start3A_243 : memref<1x80xi32, #tpu.memory_space<vmem>> -> memref<80xi32, #tpu.memory_space<vmem>>
          %dma_start3A_245 = arith.constant 0 : i32
          %dma_start3A_246 = arith.constant 0 : i32
          %dma_start3A_247 = tpu.memref_slice %arg4[%dma_start3A_245, %dma_start3A_246] : memref<153600x128xf32, #tpu.memory_space<hbm>> -> memref<153600x128xf32, #tpu.memory_space<hbm>>
          %dma_start3A_248 = tpu.memref_slice %arg13[%dma_start3A_237] : memref<4x!tpu.dma_semaphore, #tpu.memory_space<semaphore_mem>> -> memref<1x!tpu.dma_semaphore, #tpu.memory_space<semaphore_mem>>
          %dma_start3A_249 = tpu.memref_squeeze %dma_start3A_248 : memref<1x!tpu.dma_semaphore, #tpu.memory_space<semaphore_mem>> -> memref<!tpu.dma_semaphore, #tpu.memory_space<semaphore_mem>>
          tpu.enqueue_indirect_dma source(%dma_start3A_247 : memref<153600x128xf32, #tpu.memory_space<hbm>>) target(%dma_start3A_241 : memref<80x128xf32, #tpu.memory_space<vmem>>) offsets(%dma_start3A_244 : memref<80xi32, #tpu.memory_space<vmem>>) semaphore(%dma_start3A_249 : memref<!tpu.dma_semaphore, #tpu.memory_space<semaphore_mem>>)
        } else {
        }
        %gt3A_171 = arith.constant 2 : i32
        %gt3A_172 = arith.cmpi sgt, %min3A_148, %gt3A_171 : i32
        %convert_element_type3A_173 = arith.extui %gt3A_172 : i1 to i32
        %cond3A_174 = arith.constant 0 : i32
        %cond3A_175 = arith.cmpi ne, %convert_element_type3A_173, %cond3A_174 : i32
        scf.if %cond3A_175 {
          %dma_start3A_235 = arith.constant 2 : i32
          %dma_start3A_236 = arith.constant 2 : i32
          %dma_start3A_237 = arith.constant 2 : i32
          %dma_start3A_238 = arith.constant 0 : i32
          %dma_start3A_239 = arith.constant 0 : i32
          %dma_start3A_240 = tpu.memref_slice %arg11[%dma_start3A_236, %dma_start3A_238, %dma_start3A_239] : memref<4x80x128xf32, #tpu.memory_space<vmem>> -> memref<1x80x128xf32, #tpu.memory_space<vmem>>
          %dma_start3A_241 = tpu.memref_squeeze %dma_start3A_240 : memref<1x80x128xf32, #tpu.memory_space<vmem>> -> memref<80x128xf32, #tpu.memory_space<vmem>>
          %dma_start3A_242 = arith.constant 0 : i32
          %dma_start3A_243 = tpu.memref_slice %arg9[%dma_start3A_235, %dma_start3A_242] : memref<20x80xi32, #tpu.memory_space<vmem>> -> memref<1x80xi32, #tpu.memory_space<vmem>>
          %dma_start3A_244 = tpu.memref_squeeze %dma_start3A_243 : memref<1x80xi32, #tpu.memory_space<vmem>> -> memref<80xi32, #tpu.memory_space<vmem>>
          %dma_start3A_245 = arith.constant 0 : i32
          %dma_start3A_246 = arith.constant 0 : i32
          %dma_start3A_247 = tpu.memref_slice %arg4[%dma_start3A_245, %dma_start3A_246] : memref<153600x128xf32, #tpu.memory_space<hbm>> -> memref<153600x128xf32, #tpu.memory_space<hbm>>
          %dma_start3A_248 = tpu.memref_slice %arg13[%dma_start3A_237] : memref<4x!tpu.dma_semaphore, #tpu.memory_space<semaphore_mem>> -> memref<1x!tpu.dma_semaphore, #tpu.memory_space<semaphore_mem>>
          %dma_start3A_249 = tpu.memref_squeeze %dma_start3A_248 : memref<1x!tpu.dma_semaphore, #tpu.memory_space<semaphore_mem>> -> memref<!tpu.dma_semaphore, #tpu.memory_space<semaphore_mem>>
          tpu.enqueue_indirect_dma source(%dma_start3A_247 : memref<153600x128xf32, #tpu.memory_space<hbm>>) target(%dma_start3A_241 : memref<80x128xf32, #tpu.memory_space<vmem>>) offsets(%dma_start3A_244 : memref<80xi32, #tpu.memory_space<vmem>>) semaphore(%dma_start3A_249 : memref<!tpu.dma_semaphore, #tpu.memory_space<semaphore_mem>>)
        } else {
        }
        %while3A_176 = arith.constant 0 : i32
        %while3A_177 = arith.constant 0 : i32
        %while3A_178 = arith.subi %min3A_148, %while3A_177 : i32
        %while3A_179 = arith.addi %while3A_177, %while3A_178 : i32
        %while3A_180 = arith.constant 1 : i32
        %while3A_181 = arith.divsi %while3A_178, %while3A_180 : i32
        %while3A_182 = arith.muli %while3A_181, %while3A_180 : i32
        %while3A_183 = arith.addi %while3A_177, %while3A_182 : i32
        %while3A_184 = arith.constant 1 : i32
        scf.for %while3A_235 = %while3A_177 to %while3A_183 step %while3A_184  : i32 {
          %jit3A_236 = arith.constant 4 : i32
          %eq3A_237 = arith.constant 0 : i32
          %eq3A_238 = arith.cmpi eq, %jit3A_236, %eq3A_237 : i32
          %jit3A_239 = arith.constant 1 : i32
          %select_n3A_240 = arith.select %eq3A_238, %jit3A_239, %jit3A_236 : i32
          %rem3A_241 = arith.remsi %while3A_235, %select_n3A_240 : i32
          %ne3A_242 = arith.constant 0 : i32
          %ne3A_243 = arith.cmpi ne, %rem3A_241, %ne3A_242 : i32
          %lt3A_244 = arith.constant 0 : i32
          %lt3A_245 = arith.cmpi slt, %rem3A_241, %lt3A_244 : i32
          %lt3A_246 = arith.constant 0 : i32
          %lt3A_247 = arith.cmpi slt, %select_n3A_240, %lt3A_246 : i32
          %ne3A_248 = arith.xori %lt3A_245, %lt3A_247 : i1
          %and3A_249 = arith.andi %ne3A_248, %ne3A_243 : i1
          %add3A_250 = arith.addi %rem3A_241, %select_n3A_240 : i32
          %select_n3A_251 = arith.select %and3A_249, %add3A_250, %rem3A_241 : i32
          %jit3A_252 = arith.constant 2 : i32
          %eq3A_253 = arith.constant 0 : i32
          %eq3A_254 = arith.cmpi eq, %jit3A_252, %eq3A_253 : i32
          %jit3A_255 = arith.constant 1 : i32
          %select_n3A_256 = arith.select %eq3A_254, %jit3A_255, %jit3A_252 : i32
          %rem3A_257 = arith.remsi %while3A_235, %select_n3A_256 : i32
          %ne3A_258 = arith.constant 0 : i32
          %ne3A_259 = arith.cmpi ne, %rem3A_257, %ne3A_258 : i32
          %lt3A_260 = arith.constant 0 : i32
          %lt3A_261 = arith.cmpi slt, %rem3A_257, %lt3A_260 : i32
          %lt3A_262 = arith.constant 0 : i32
          %lt3A_263 = arith.cmpi slt, %select_n3A_256, %lt3A_262 : i32
          %ne3A_264 = arith.xori %lt3A_261, %lt3A_263 : i1
          %and3A_265 = arith.andi %ne3A_264, %ne3A_259 : i1
          %add3A_266 = arith.addi %rem3A_257, %select_n3A_256 : i32
          %select_n3A_267 = arith.select %and3A_265, %add3A_266, %rem3A_257 : i32
          %dma_wait3A_268 = arith.constant 0 : i32
          %dma_wait3A_269 = arith.constant 0 : i32
          %dma_wait3A_270 = tpu.memref_slice %arg11[%select_n3A_251, %dma_wait3A_268, %dma_wait3A_269] : memref<4x80x128xf32, #tpu.memory_space<vmem>> -> memref<1x80x128xf32, #tpu.memory_space<vmem>>
          %dma_wait3A_271 = tpu.memref_squeeze %dma_wait3A_270 : memref<1x80x128xf32, #tpu.memory_space<vmem>> -> memref<80x128xf32, #tpu.memory_space<vmem>>
          %dma_wait3A_272 = arith.constant 0 : i32
          %dma_wait3A_273 = tpu.memref_slice %arg9[%while3A_235, %dma_wait3A_272] : memref<20x80xi32, #tpu.memory_space<vmem>> -> memref<1x80xi32, #tpu.memory_space<vmem>>
          %dma_wait3A_274 = tpu.memref_squeeze %dma_wait3A_273 : memref<1x80xi32, #tpu.memory_space<vmem>> -> memref<80xi32, #tpu.memory_space<vmem>>
          %dma_wait3A_275 = arith.constant 0 : i32
          %dma_wait3A_276 = arith.constant 0 : i32
          %dma_wait3A_277 = tpu.memref_slice %arg4[%dma_wait3A_275, %dma_wait3A_276] : memref<153600x128xf32, #tpu.memory_space<hbm>> -> memref<153600x128xf32, #tpu.memory_space<hbm>>
          %dma_wait3A_278 = tpu.memref_slice %arg13[%select_n3A_251] : memref<4x!tpu.dma_semaphore, #tpu.memory_space<semaphore_mem>> -> memref<1x!tpu.dma_semaphore, #tpu.memory_space<semaphore_mem>>
          %dma_wait3A_279 = tpu.memref_squeeze %dma_wait3A_278 : memref<1x!tpu.dma_semaphore, #tpu.memory_space<semaphore_mem>> -> memref<!tpu.dma_semaphore, #tpu.memory_space<semaphore_mem>>
          tpu.wait_indirect_dma semaphore(%dma_wait3A_279 : memref<!tpu.dma_semaphore, #tpu.memory_space<semaphore_mem>>) src(%dma_wait3A_277 : memref<153600x128xf32, #tpu.memory_space<hbm>>) dst(%dma_wait3A_271 : memref<80x128xf32, #tpu.memory_space<vmem>>)
          %dma_start3A_280 = arith.constant 0 : i32
          %dma_start3A_281 = arith.constant 0 : i32
          %dma_start3A_282 = tpu.memref_slice %arg11[%select_n3A_251, %dma_start3A_280, %dma_start3A_281] : memref<4x80x128xf32, #tpu.memory_space<vmem>> -> memref<1x80x128xf32, #tpu.memory_space<vmem>>
          %dma_start3A_283 = tpu.memref_squeeze %dma_start3A_282 : memref<1x80x128xf32, #tpu.memory_space<vmem>> -> memref<80x128xf32, #tpu.memory_space<vmem>>
          %dma_start3A_284 = arith.constant 0 : i32
          %dma_start3A_285 = tpu.memref_slice %arg10[%while3A_235, %dma_start3A_284] : memref<20x80xi32, #tpu.memory_space<vmem>> -> memref<1x80xi32, #tpu.memory_space<vmem>>
          %dma_start3A_286 = tpu.memref_squeeze %dma_start3A_285 : memref<1x80xi32, #tpu.memory_space<vmem>> -> memref<80xi32, #tpu.memory_space<vmem>>
          %dma_start3A_287 = arith.constant 0 : i32
          %dma_start3A_288 = arith.constant 0 : i32
          %dma_start3A_289 = tpu.memref_slice %arg8[%dma_start3A_287, %dma_start3A_288] : memref<6528x128xf32, #tpu.memory_space<vmem_shared>> -> memref<6528x128xf32, #tpu.memory_space<vmem_shared>>
          %dma_start3A_290 = tpu.memref_slice %arg14[%select_n3A_267] : memref<2x!tpu.dma_semaphore, #tpu.memory_space<semaphore_mem>> -> memref<1x!tpu.dma_semaphore, #tpu.memory_space<semaphore_mem>>
          %dma_start3A_291 = tpu.memref_squeeze %dma_start3A_290 : memref<1x!tpu.dma_semaphore, #tpu.memory_space<semaphore_mem>> -> memref<!tpu.dma_semaphore, #tpu.memory_space<semaphore_mem>>
          tpu.enqueue_indirect_dma source(%dma_start3A_283 : memref<80x128xf32, #tpu.memory_space<vmem>>) target(%dma_start3A_289 : memref<6528x128xf32, #tpu.memory_space<vmem_shared>>) offsets(%dma_start3A_286 : memref<80xi32, #tpu.memory_space<vmem>>) semaphore(%dma_start3A_291 : memref<!tpu.dma_semaphore, #tpu.memory_space<semaphore_mem>>) {add = true}
          %ge3A = arith.constant 1 : i32
          %ge3A_292 = arith.cmpi sge, %while3A_235, %ge3A : i32
          %convert_element_type3A_293 = arith.extui %ge3A_292 : i1 to i32
          %cond3A_294 = arith.constant 0 : i32
          %cond3A_295 = arith.cmpi ne, %convert_element_type3A_293, %cond3A_294 : i32
          scf.if %cond3A_295 {
            %sub3A_302 = arith.constant 1 : i32
            %sub3A_303 = arith.subi %while3A_235, %sub3A_302 : i32
            %jit3A_304 = arith.constant 4 : i32
            %eq3A_305 = arith.constant 0 : i32
            %eq3A_306 = arith.cmpi eq, %jit3A_304, %eq3A_305 : i32
            %jit3A_307 = arith.constant 1 : i32
            %select_n3A_308 = arith.select %eq3A_306, %jit3A_307, %jit3A_304 : i32
            %rem3A_309 = arith.remsi %sub3A_303, %select_n3A_308 : i32
            %ne3A_310 = arith.constant 0 : i32
            %ne3A_311 = arith.cmpi ne, %rem3A_309, %ne3A_310 : i32
            %lt3A_312 = arith.constant 0 : i32
            %lt3A_313 = arith.cmpi slt, %rem3A_309, %lt3A_312 : i32
            %lt3A_314 = arith.constant 0 : i32
            %lt3A_315 = arith.cmpi slt, %select_n3A_308, %lt3A_314 : i32
            %ne3A_316 = arith.xori %lt3A_313, %lt3A_315 : i1
            %and3A_317 = arith.andi %ne3A_316, %ne3A_311 : i1
            %add3A_318 = arith.addi %rem3A_309, %select_n3A_308 : i32
            %select_n3A_319 = arith.select %and3A_317, %add3A_318, %rem3A_309 : i32
            %sub3A_320 = arith.constant 1 : i32
            %sub3A_321 = arith.subi %while3A_235, %sub3A_320 : i32
            %sub3A_322 = arith.constant 1 : i32
            %sub3A_323 = arith.subi %sub3A_322, %select_n3A_267 : i32
            %dma_wait3A_324 = arith.constant 0 : i32
            %dma_wait3A_325 = arith.constant 0 : i32
            %dma_wait3A_326 = tpu.memref_slice %arg11[%select_n3A_319, %dma_wait3A_324, %dma_wait3A_325] : memref<4x80x128xf32, #tpu.memory_space<vmem>> -> memref<1x80x128xf32, #tpu.memory_space<vmem>>
            %dma_wait3A_327 = tpu.memref_squeeze %dma_wait3A_326 : memref<1x80x128xf32, #tpu.memory_space<vmem>> -> memref<80x128xf32, #tpu.memory_space<vmem>>
            %dma_wait3A_328 = arith.constant 0 : i32
            %dma_wait3A_329 = tpu.memref_slice %arg10[%sub3A_321, %dma_wait3A_328] : memref<20x80xi32, #tpu.memory_space<vmem>> -> memref<1x80xi32, #tpu.memory_space<vmem>>
            %dma_wait3A_330 = tpu.memref_squeeze %dma_wait3A_329 : memref<1x80xi32, #tpu.memory_space<vmem>> -> memref<80xi32, #tpu.memory_space<vmem>>
            %dma_wait3A_331 = arith.constant 0 : i32
            %dma_wait3A_332 = arith.constant 0 : i32
            %dma_wait3A_333 = tpu.memref_slice %arg8[%dma_wait3A_331, %dma_wait3A_332] : memref<6528x128xf32, #tpu.memory_space<vmem_shared>> -> memref<6528x128xf32, #tpu.memory_space<vmem_shared>>
            %dma_wait3A_334 = tpu.memref_slice %arg14[%sub3A_323] : memref<2x!tpu.dma_semaphore, #tpu.memory_space<semaphore_mem>> -> memref<1x!tpu.dma_semaphore, #tpu.memory_space<semaphore_mem>>
            %dma_wait3A_335 = tpu.memref_squeeze %dma_wait3A_334 : memref<1x!tpu.dma_semaphore, #tpu.memory_space<semaphore_mem>> -> memref<!tpu.dma_semaphore, #tpu.memory_space<semaphore_mem>>
            tpu.wait_indirect_dma semaphore(%dma_wait3A_335 : memref<!tpu.dma_semaphore, #tpu.memory_space<semaphore_mem>>) src(%dma_wait3A_327 : memref<80x128xf32, #tpu.memory_space<vmem>>) dst(%dma_wait3A_333 : memref<6528x128xf32, #tpu.memory_space<vmem_shared>>)
          } else {
          }
          %add3A_296 = arith.constant 3 : i32
          %add3A_297 = arith.addi %while3A_235, %add3A_296 : i32
          %lt3A_298 = arith.cmpi slt, %add3A_297, %min3A_148 : i32
          %convert_element_type3A_299 = arith.extui %lt3A_298 : i1 to i32
          %cond3A_300 = arith.constant 0 : i32
          %cond3A_301 = arith.cmpi ne, %convert_element_type3A_299, %cond3A_300 : i32
          scf.if %cond3A_301 {
            %add3A_302 = arith.constant 3 : i32
            %add3A_303 = arith.addi %while3A_235, %add3A_302 : i32
            %add3A_304 = arith.constant 3 : i32
            %add3A_305 = arith.addi %while3A_235, %add3A_304 : i32
            %jit3A_306 = arith.constant 4 : i32
            %eq3A_307 = arith.constant 0 : i32
            %eq3A_308 = arith.cmpi eq, %jit3A_306, %eq3A_307 : i32
            %jit3A_309 = arith.constant 1 : i32
            %select_n3A_310 = arith.select %eq3A_308, %jit3A_309, %jit3A_306 : i32
            %rem3A_311 = arith.remsi %add3A_305, %select_n3A_310 : i32
            %ne3A_312 = arith.constant 0 : i32
            %ne3A_313 = arith.cmpi ne, %rem3A_311, %ne3A_312 : i32
            %lt3A_314 = arith.constant 0 : i32
            %lt3A_315 = arith.cmpi slt, %rem3A_311, %lt3A_314 : i32
            %lt3A_316 = arith.constant 0 : i32
            %lt3A_317 = arith.cmpi slt, %select_n3A_310, %lt3A_316 : i32
            %ne3A_318 = arith.xori %lt3A_315, %lt3A_317 : i1
            %and3A_319 = arith.andi %ne3A_318, %ne3A_313 : i1
            %add3A_320 = arith.addi %rem3A_311, %select_n3A_310 : i32
            %select_n3A_321 = arith.select %and3A_319, %add3A_320, %rem3A_311 : i32
            %add3A_322 = arith.constant 3 : i32
            %add3A_323 = arith.addi %while3A_235, %add3A_322 : i32
            %jit3A_324 = arith.constant 4 : i32
            %eq3A_325 = arith.constant 0 : i32
            %eq3A_326 = arith.cmpi eq, %jit3A_324, %eq3A_325 : i32
            %jit3A_327 = arith.constant 1 : i32
            %select_n3A_328 = arith.select %eq3A_326, %jit3A_327, %jit3A_324 : i32
            %rem3A_329 = arith.remsi %add3A_323, %select_n3A_328 : i32
            %ne3A_330 = arith.constant 0 : i32
            %ne3A_331 = arith.cmpi ne, %rem3A_329, %ne3A_330 : i32
            %lt3A_332 = arith.constant 0 : i32
            %lt3A_333 = arith.cmpi slt, %rem3A_329, %lt3A_332 : i32
            %lt3A_334 = arith.constant 0 : i32
            %lt3A_335 = arith.cmpi slt, %select_n3A_328, %lt3A_334 : i32
            %ne3A_336 = arith.xori %lt3A_333, %lt3A_335 : i1
            %and3A_337 = arith.andi %ne3A_336, %ne3A_331 : i1
            %add3A_338 = arith.addi %rem3A_329, %select_n3A_328 : i32
            %select_n3A_339 = arith.select %and3A_337, %add3A_338, %rem3A_329 : i32
            %dma_start3A_340 = arith.constant 0 : i32
            %dma_start3A_341 = arith.constant 0 : i32
            %dma_start3A_342 = tpu.memref_slice %arg11[%select_n3A_321, %dma_start3A_340, %dma_start3A_341] : memref<4x80x128xf32, #tpu.memory_space<vmem>> -> memref<1x80x128xf32, #tpu.memory_space<vmem>>
            %dma_start3A_343 = tpu.memref_squeeze %dma_start3A_342 : memref<1x80x128xf32, #tpu.memory_space<vmem>> -> memref<80x128xf32, #tpu.memory_space<vmem>>
            %dma_start3A_344 = arith.constant 0 : i32
            %dma_start3A_345 = tpu.memref_slice %arg9[%add3A_303, %dma_start3A_344] : memref<20x80xi32, #tpu.memory_space<vmem>> -> memref<1x80xi32, #tpu.memory_space<vmem>>
            %dma_start3A_346 = tpu.memref_squeeze %dma_start3A_345 : memref<1x80xi32, #tpu.memory_space<vmem>> -> memref<80xi32, #tpu.memory_space<vmem>>
            %dma_start3A_347 = arith.constant 0 : i32
            %dma_start3A_348 = arith.constant 0 : i32
            %dma_start3A_349 = tpu.memref_slice %arg4[%dma_start3A_347, %dma_start3A_348] : memref<153600x128xf32, #tpu.memory_space<hbm>> -> memref<153600x128xf32, #tpu.memory_space<hbm>>
            %dma_start3A_350 = tpu.memref_slice %arg13[%select_n3A_339] : memref<4x!tpu.dma_semaphore, #tpu.memory_space<semaphore_mem>> -> memref<1x!tpu.dma_semaphore, #tpu.memory_space<semaphore_mem>>
            %dma_start3A_351 = tpu.memref_squeeze %dma_start3A_350 : memref<1x!tpu.dma_semaphore, #tpu.memory_space<semaphore_mem>> -> memref<!tpu.dma_semaphore, #tpu.memory_space<semaphore_mem>>
            tpu.enqueue_indirect_dma source(%dma_start3A_349 : memref<153600x128xf32, #tpu.memory_space<hbm>>) target(%dma_start3A_343 : memref<80x128xf32, #tpu.memory_space<vmem>>) offsets(%dma_start3A_346 : memref<80xi32, #tpu.memory_space<vmem>>) semaphore(%dma_start3A_351 : memref<!tpu.dma_semaphore, #tpu.memory_space<semaphore_mem>>)
          } else {
          }
        }
        %while3A_185 = arith.constant 1 : i32
        scf.for %while3A_235 = %while3A_183 to %while3A_179 step %while3A_185  : i32 {
          %jit3A_236 = arith.constant 4 : i32
          %eq3A_237 = arith.constant 0 : i32
          %eq3A_238 = arith.cmpi eq, %jit3A_236, %eq3A_237 : i32
          %jit3A_239 = arith.constant 1 : i32
          %select_n3A_240 = arith.select %eq3A_238, %jit3A_239, %jit3A_236 : i32
          %rem3A_241 = arith.remsi %while3A_235, %select_n3A_240 : i32
          %ne3A_242 = arith.constant 0 : i32
          %ne3A_243 = arith.cmpi ne, %rem3A_241, %ne3A_242 : i32
          %lt3A_244 = arith.constant 0 : i32
          %lt3A_245 = arith.cmpi slt, %rem3A_241, %lt3A_244 : i32
          %lt3A_246 = arith.constant 0 : i32
          %lt3A_247 = arith.cmpi slt, %select_n3A_240, %lt3A_246 : i32
          %ne3A_248 = arith.xori %lt3A_245, %lt3A_247 : i1
          %and3A_249 = arith.andi %ne3A_248, %ne3A_243 : i1
          %add3A_250 = arith.addi %rem3A_241, %select_n3A_240 : i32
          %select_n3A_251 = arith.select %and3A_249, %add3A_250, %rem3A_241 : i32
          %jit3A_252 = arith.constant 2 : i32
          %eq3A_253 = arith.constant 0 : i32
          %eq3A_254 = arith.cmpi eq, %jit3A_252, %eq3A_253 : i32
          %jit3A_255 = arith.constant 1 : i32
          %select_n3A_256 = arith.select %eq3A_254, %jit3A_255, %jit3A_252 : i32
          %rem3A_257 = arith.remsi %while3A_235, %select_n3A_256 : i32
          %ne3A_258 = arith.constant 0 : i32
          %ne3A_259 = arith.cmpi ne, %rem3A_257, %ne3A_258 : i32
          %lt3A_260 = arith.constant 0 : i32
          %lt3A_261 = arith.cmpi slt, %rem3A_257, %lt3A_260 : i32
          %lt3A_262 = arith.constant 0 : i32
          %lt3A_263 = arith.cmpi slt, %select_n3A_256, %lt3A_262 : i32
          %ne3A_264 = arith.xori %lt3A_261, %lt3A_263 : i1
          %and3A_265 = arith.andi %ne3A_264, %ne3A_259 : i1
          %add3A_266 = arith.addi %rem3A_257, %select_n3A_256 : i32
          %select_n3A_267 = arith.select %and3A_265, %add3A_266, %rem3A_257 : i32
          %dma_wait3A_268 = arith.constant 0 : i32
          %dma_wait3A_269 = arith.constant 0 : i32
          %dma_wait3A_270 = tpu.memref_slice %arg11[%select_n3A_251, %dma_wait3A_268, %dma_wait3A_269] : memref<4x80x128xf32, #tpu.memory_space<vmem>> -> memref<1x80x128xf32, #tpu.memory_space<vmem>>
          %dma_wait3A_271 = tpu.memref_squeeze %dma_wait3A_270 : memref<1x80x128xf32, #tpu.memory_space<vmem>> -> memref<80x128xf32, #tpu.memory_space<vmem>>
          %dma_wait3A_272 = arith.constant 0 : i32
          %dma_wait3A_273 = tpu.memref_slice %arg9[%while3A_235, %dma_wait3A_272] : memref<20x80xi32, #tpu.memory_space<vmem>> -> memref<1x80xi32, #tpu.memory_space<vmem>>
          %dma_wait3A_274 = tpu.memref_squeeze %dma_wait3A_273 : memref<1x80xi32, #tpu.memory_space<vmem>> -> memref<80xi32, #tpu.memory_space<vmem>>
          %dma_wait3A_275 = arith.constant 0 : i32
          %dma_wait3A_276 = arith.constant 0 : i32
          %dma_wait3A_277 = tpu.memref_slice %arg4[%dma_wait3A_275, %dma_wait3A_276] : memref<153600x128xf32, #tpu.memory_space<hbm>> -> memref<153600x128xf32, #tpu.memory_space<hbm>>
          %dma_wait3A_278 = tpu.memref_slice %arg13[%select_n3A_251] : memref<4x!tpu.dma_semaphore, #tpu.memory_space<semaphore_mem>> -> memref<1x!tpu.dma_semaphore, #tpu.memory_space<semaphore_mem>>
          %dma_wait3A_279 = tpu.memref_squeeze %dma_wait3A_278 : memref<1x!tpu.dma_semaphore, #tpu.memory_space<semaphore_mem>> -> memref<!tpu.dma_semaphore, #tpu.memory_space<semaphore_mem>>
          tpu.wait_indirect_dma semaphore(%dma_wait3A_279 : memref<!tpu.dma_semaphore, #tpu.memory_space<semaphore_mem>>) src(%dma_wait3A_277 : memref<153600x128xf32, #tpu.memory_space<hbm>>) dst(%dma_wait3A_271 : memref<80x128xf32, #tpu.memory_space<vmem>>)
          %dma_start3A_280 = arith.constant 0 : i32
          %dma_start3A_281 = arith.constant 0 : i32
          %dma_start3A_282 = tpu.memref_slice %arg11[%select_n3A_251, %dma_start3A_280, %dma_start3A_281] : memref<4x80x128xf32, #tpu.memory_space<vmem>> -> memref<1x80x128xf32, #tpu.memory_space<vmem>>
          %dma_start3A_283 = tpu.memref_squeeze %dma_start3A_282 : memref<1x80x128xf32, #tpu.memory_space<vmem>> -> memref<80x128xf32, #tpu.memory_space<vmem>>
          %dma_start3A_284 = arith.constant 0 : i32
          %dma_start3A_285 = tpu.memref_slice %arg10[%while3A_235, %dma_start3A_284] : memref<20x80xi32, #tpu.memory_space<vmem>> -> memref<1x80xi32, #tpu.memory_space<vmem>>
          %dma_start3A_286 = tpu.memref_squeeze %dma_start3A_285 : memref<1x80xi32, #tpu.memory_space<vmem>> -> memref<80xi32, #tpu.memory_space<vmem>>
          %dma_start3A_287 = arith.constant 0 : i32
          %dma_start3A_288 = arith.constant 0 : i32
          %dma_start3A_289 = tpu.memref_slice %arg8[%dma_start3A_287, %dma_start3A_288] : memref<6528x128xf32, #tpu.memory_space<vmem_shared>> -> memref<6528x128xf32, #tpu.memory_space<vmem_shared>>
          %dma_start3A_290 = tpu.memref_slice %arg14[%select_n3A_267] : memref<2x!tpu.dma_semaphore, #tpu.memory_space<semaphore_mem>> -> memref<1x!tpu.dma_semaphore, #tpu.memory_space<semaphore_mem>>
          %dma_start3A_291 = tpu.memref_squeeze %dma_start3A_290 : memref<1x!tpu.dma_semaphore, #tpu.memory_space<semaphore_mem>> -> memref<!tpu.dma_semaphore, #tpu.memory_space<semaphore_mem>>
          tpu.enqueue_indirect_dma source(%dma_start3A_283 : memref<80x128xf32, #tpu.memory_space<vmem>>) target(%dma_start3A_289 : memref<6528x128xf32, #tpu.memory_space<vmem_shared>>) offsets(%dma_start3A_286 : memref<80xi32, #tpu.memory_space<vmem>>) semaphore(%dma_start3A_291 : memref<!tpu.dma_semaphore, #tpu.memory_space<semaphore_mem>>) {add = true}
          %ge3A = arith.constant 1 : i32
          %ge3A_292 = arith.cmpi sge, %while3A_235, %ge3A : i32
          %convert_element_type3A_293 = arith.extui %ge3A_292 : i1 to i32
          %cond3A_294 = arith.constant 0 : i32
          %cond3A_295 = arith.cmpi ne, %convert_element_type3A_293, %cond3A_294 : i32
          scf.if %cond3A_295 {
            %sub3A_302 = arith.constant 1 : i32
            %sub3A_303 = arith.subi %while3A_235, %sub3A_302 : i32
            %jit3A_304 = arith.constant 4 : i32
            %eq3A_305 = arith.constant 0 : i32
            %eq3A_306 = arith.cmpi eq, %jit3A_304, %eq3A_305 : i32
            %jit3A_307 = arith.constant 1 : i32
            %select_n3A_308 = arith.select %eq3A_306, %jit3A_307, %jit3A_304 : i32
            %rem3A_309 = arith.remsi %sub3A_303, %select_n3A_308 : i32
            %ne3A_310 = arith.constant 0 : i32
            %ne3A_311 = arith.cmpi ne, %rem3A_309, %ne3A_310 : i32
            %lt3A_312 = arith.constant 0 : i32
            %lt3A_313 = arith.cmpi slt, %rem3A_309, %lt3A_312 : i32
            %lt3A_314 = arith.constant 0 : i32
            %lt3A_315 = arith.cmpi slt, %select_n3A_308, %lt3A_314 : i32
            %ne3A_316 = arith.xori %lt3A_313, %lt3A_315 : i1
            %and3A_317 = arith.andi %ne3A_316, %ne3A_311 : i1
            %add3A_318 = arith.addi %rem3A_309, %select_n3A_308 : i32
            %select_n3A_319 = arith.select %and3A_317, %add3A_318, %rem3A_309 : i32
            %sub3A_320 = arith.constant 1 : i32
            %sub3A_321 = arith.subi %while3A_235, %sub3A_320 : i32
            %sub3A_322 = arith.constant 1 : i32
            %sub3A_323 = arith.subi %sub3A_322, %select_n3A_267 : i32
            %dma_wait3A_324 = arith.constant 0 : i32
            %dma_wait3A_325 = arith.constant 0 : i32
            %dma_wait3A_326 = tpu.memref_slice %arg11[%select_n3A_319, %dma_wait3A_324, %dma_wait3A_325] : memref<4x80x128xf32, #tpu.memory_space<vmem>> -> memref<1x80x128xf32, #tpu.memory_space<vmem>>
            %dma_wait3A_327 = tpu.memref_squeeze %dma_wait3A_326 : memref<1x80x128xf32, #tpu.memory_space<vmem>> -> memref<80x128xf32, #tpu.memory_space<vmem>>
            %dma_wait3A_328 = arith.constant 0 : i32
            %dma_wait3A_329 = tpu.memref_slice %arg10[%sub3A_321, %dma_wait3A_328] : memref<20x80xi32, #tpu.memory_space<vmem>> -> memref<1x80xi32, #tpu.memory_space<vmem>>
            %dma_wait3A_330 = tpu.memref_squeeze %dma_wait3A_329 : memref<1x80xi32, #tpu.memory_space<vmem>> -> memref<80xi32, #tpu.memory_space<vmem>>
            %dma_wait3A_331 = arith.constant 0 : i32
            %dma_wait3A_332 = arith.constant 0 : i32
            %dma_wait3A_333 = tpu.memref_slice %arg8[%dma_wait3A_331, %dma_wait3A_332] : memref<6528x128xf32, #tpu.memory_space<vmem_shared>> -> memref<6528x128xf32, #tpu.memory_space<vmem_shared>>
            %dma_wait3A_334 = tpu.memref_slice %arg14[%sub3A_323] : memref<2x!tpu.dma_semaphore, #tpu.memory_space<semaphore_mem>> -> memref<1x!tpu.dma_semaphore, #tpu.memory_space<semaphore_mem>>
            %dma_wait3A_335 = tpu.memref_squeeze %dma_wait3A_334 : memref<1x!tpu.dma_semaphore, #tpu.memory_space<semaphore_mem>> -> memref<!tpu.dma_semaphore, #tpu.memory_space<semaphore_mem>>
            tpu.wait_indirect_dma semaphore(%dma_wait3A_335 : memref<!tpu.dma_semaphore, #tpu.memory_space<semaphore_mem>>) src(%dma_wait3A_327 : memref<80x128xf32, #tpu.memory_space<vmem>>) dst(%dma_wait3A_333 : memref<6528x128xf32, #tpu.memory_space<vmem_shared>>)
          } else {
          }
          %add3A_296 = arith.constant 3 : i32
          %add3A_297 = arith.addi %while3A_235, %add3A_296 : i32
          %lt3A_298 = arith.cmpi slt, %add3A_297, %min3A_148 : i32
          %convert_element_type3A_299 = arith.extui %lt3A_298 : i1 to i32
          %cond3A_300 = arith.constant 0 : i32
          %cond3A_301 = arith.cmpi ne, %convert_element_type3A_299, %cond3A_300 : i32
          scf.if %cond3A_301 {
            %add3A_302 = arith.constant 3 : i32
            %add3A_303 = arith.addi %while3A_235, %add3A_302 : i32
            %add3A_304 = arith.constant 3 : i32
            %add3A_305 = arith.addi %while3A_235, %add3A_304 : i32
            %jit3A_306 = arith.constant 4 : i32
            %eq3A_307 = arith.constant 0 : i32
            %eq3A_308 = arith.cmpi eq, %jit3A_306, %eq3A_307 : i32
            %jit3A_309 = arith.constant 1 : i32
            %select_n3A_310 = arith.select %eq3A_308, %jit3A_309, %jit3A_306 : i32
            %rem3A_311 = arith.remsi %add3A_305, %select_n3A_310 : i32
            %ne3A_312 = arith.constant 0 : i32
            %ne3A_313 = arith.cmpi ne, %rem3A_311, %ne3A_312 : i32
            %lt3A_314 = arith.constant 0 : i32
            %lt3A_315 = arith.cmpi slt, %rem3A_311, %lt3A_314 : i32
            %lt3A_316 = arith.constant 0 : i32
            %lt3A_317 = arith.cmpi slt, %select_n3A_310, %lt3A_316 : i32
            %ne3A_318 = arith.xori %lt3A_315, %lt3A_317 : i1
            %and3A_319 = arith.andi %ne3A_318, %ne3A_313 : i1
            %add3A_320 = arith.addi %rem3A_311, %select_n3A_310 : i32
            %select_n3A_321 = arith.select %and3A_319, %add3A_320, %rem3A_311 : i32
            %add3A_322 = arith.constant 3 : i32
            %add3A_323 = arith.addi %while3A_235, %add3A_322 : i32
            %jit3A_324 = arith.constant 4 : i32
            %eq3A_325 = arith.constant 0 : i32
            %eq3A_326 = arith.cmpi eq, %jit3A_324, %eq3A_325 : i32
            %jit3A_327 = arith.constant 1 : i32
            %select_n3A_328 = arith.select %eq3A_326, %jit3A_327, %jit3A_324 : i32
            %rem3A_329 = arith.remsi %add3A_323, %select_n3A_328 : i32
            %ne3A_330 = arith.constant 0 : i32
            %ne3A_331 = arith.cmpi ne, %rem3A_329, %ne3A_330 : i32
            %lt3A_332 = arith.constant 0 : i32
            %lt3A_333 = arith.cmpi slt, %rem3A_329, %lt3A_332 : i32
            %lt3A_334 = arith.constant 0 : i32
            %lt3A_335 = arith.cmpi slt, %select_n3A_328, %lt3A_334 : i32
            %ne3A_336 = arith.xori %lt3A_333, %lt3A_335 : i1
            %and3A_337 = arith.andi %ne3A_336, %ne3A_331 : i1
            %add3A_338 = arith.addi %rem3A_329, %select_n3A_328 : i32
            %select_n3A_339 = arith.select %and3A_337, %add3A_338, %rem3A_329 : i32
            %dma_start3A_340 = arith.constant 0 : i32
            %dma_start3A_341 = arith.constant 0 : i32
            %dma_start3A_342 = tpu.memref_slice %arg11[%select_n3A_321, %dma_start3A_340, %dma_start3A_341] : memref<4x80x128xf32, #tpu.memory_space<vmem>> -> memref<1x80x128xf32, #tpu.memory_space<vmem>>
            %dma_start3A_343 = tpu.memref_squeeze %dma_start3A_342 : memref<1x80x128xf32, #tpu.memory_space<vmem>> -> memref<80x128xf32, #tpu.memory_space<vmem>>
            %dma_start3A_344 = arith.constant 0 : i32
            %dma_start3A_345 = tpu.memref_slice %arg9[%add3A_303, %dma_start3A_344] : memref<20x80xi32, #tpu.memory_space<vmem>> -> memref<1x80xi32, #tpu.memory_space<vmem>>
            %dma_start3A_346 = tpu.memref_squeeze %dma_start3A_345 : memref<1x80xi32, #tpu.memory_space<vmem>> -> memref<80xi32, #tpu.memory_space<vmem>>
            %dma_start3A_347 = arith.constant 0 : i32
            %dma_start3A_348 = arith.constant 0 : i32
            %dma_start3A_349 = tpu.memref_slice %arg4[%dma_start3A_347, %dma_start3A_348] : memref<153600x128xf32, #tpu.memory_space<hbm>> -> memref<153600x128xf32, #tpu.memory_space<hbm>>
            %dma_start3A_350 = tpu.memref_slice %arg13[%select_n3A_339] : memref<4x!tpu.dma_semaphore, #tpu.memory_space<semaphore_mem>> -> memref<1x!tpu.dma_semaphore, #tpu.memory_space<semaphore_mem>>
            %dma_start3A_351 = tpu.memref_squeeze %dma_start3A_350 : memref<1x!tpu.dma_semaphore, #tpu.memory_space<semaphore_mem>> -> memref<!tpu.dma_semaphore, #tpu.memory_space<semaphore_mem>>
            tpu.enqueue_indirect_dma source(%dma_start3A_349 : memref<153600x128xf32, #tpu.memory_space<hbm>>) target(%dma_start3A_343 : memref<80x128xf32, #tpu.memory_space<vmem>>) offsets(%dma_start3A_346 : memref<80xi32, #tpu.memory_space<vmem>>) semaphore(%dma_start3A_351 : memref<!tpu.dma_semaphore, #tpu.memory_space<semaphore_mem>>)
          } else {
          }
        }
        %sub3A_186 = arith.constant 1 : i32
        %sub3A_187 = arith.subi %min3A_148, %sub3A_186 : i32
        %jit3A_188 = arith.constant 4 : i32
        %eq3A_189 = arith.constant 0 : i32
        %eq3A_190 = arith.cmpi eq, %jit3A_188, %eq3A_189 : i32
        %jit3A_191 = arith.constant 1 : i32
        %select_n3A_192 = arith.select %eq3A_190, %jit3A_191, %jit3A_188 : i32
        %rem3A_193 = arith.remsi %sub3A_187, %select_n3A_192 : i32
        %ne3A_194 = arith.constant 0 : i32
        %ne3A_195 = arith.cmpi ne, %rem3A_193, %ne3A_194 : i32
        %lt3A_196 = arith.constant 0 : i32
        %lt3A_197 = arith.cmpi slt, %rem3A_193, %lt3A_196 : i32
        %lt3A_198 = arith.constant 0 : i32
        %lt3A_199 = arith.cmpi slt, %select_n3A_192, %lt3A_198 : i32
        %ne3A_200 = arith.xori %lt3A_197, %lt3A_199 : i1
        %and3A_201 = arith.andi %ne3A_200, %ne3A_195 : i1
        %add3A_202 = arith.addi %rem3A_193, %select_n3A_192 : i32
        %select_n3A_203 = arith.select %and3A_201, %add3A_202, %rem3A_193 : i32
        %sub3A_204 = arith.constant 1 : i32
        %sub3A_205 = arith.subi %min3A_148, %sub3A_204 : i32
        %sub3A_206 = arith.constant 1 : i32
        %sub3A_207 = arith.subi %min3A_148, %sub3A_206 : i32
        %jit3A_208 = arith.constant 2 : i32
        %eq3A_209 = arith.constant 0 : i32
        %eq3A_210 = arith.cmpi eq, %jit3A_208, %eq3A_209 : i32
        %jit3A_211 = arith.constant 1 : i32
        %select_n3A_212 = arith.select %eq3A_210, %jit3A_211, %jit3A_208 : i32
        %rem3A_213 = arith.remsi %sub3A_207, %select_n3A_212 : i32
        %ne3A_214 = arith.constant 0 : i32
        %ne3A_215 = arith.cmpi ne, %rem3A_213, %ne3A_214 : i32
        %lt3A_216 = arith.constant 0 : i32
        %lt3A_217 = arith.cmpi slt, %rem3A_213, %lt3A_216 : i32
        %lt3A_218 = arith.constant 0 : i32
        %lt3A_219 = arith.cmpi slt, %select_n3A_212, %lt3A_218 : i32
        %ne3A_220 = arith.xori %lt3A_217, %lt3A_219 : i1
        %and3A_221 = arith.andi %ne3A_220, %ne3A_215 : i1
        %add3A_222 = arith.addi %rem3A_213, %select_n3A_212 : i32
        %select_n3A_223 = arith.select %and3A_221, %add3A_222, %rem3A_213 : i32
        %dma_wait3A = arith.constant 0 : i32
        %dma_wait3A_224 = arith.constant 0 : i32
        %dma_wait3A_225 = tpu.memref_slice %arg11[%select_n3A_203, %dma_wait3A, %dma_wait3A_224] : memref<4x80x128xf32, #tpu.memory_space<vmem>> -> memref<1x80x128xf32, #tpu.memory_space<vmem>>
        %dma_wait3A_226 = tpu.memref_squeeze %dma_wait3A_225 : memref<1x80x128xf32, #tpu.memory_space<vmem>> -> memref<80x128xf32, #tpu.memory_space<vmem>>
        %dma_wait3A_227 = arith.constant 0 : i32
        %dma_wait3A_228 = tpu.memref_slice %arg10[%sub3A_205, %dma_wait3A_227] : memref<20x80xi32, #tpu.memory_space<vmem>> -> memref<1x80xi32, #tpu.memory_space<vmem>>
        %dma_wait3A_229 = tpu.memref_squeeze %dma_wait3A_228 : memref<1x80xi32, #tpu.memory_space<vmem>> -> memref<80xi32, #tpu.memory_space<vmem>>
        %dma_wait3A_230 = arith.constant 0 : i32
        %dma_wait3A_231 = arith.constant 0 : i32
        %dma_wait3A_232 = tpu.memref_slice %arg8[%dma_wait3A_230, %dma_wait3A_231] : memref<6528x128xf32, #tpu.memory_space<vmem_shared>> -> memref<6528x128xf32, #tpu.memory_space<vmem_shared>>
        %dma_wait3A_233 = tpu.memref_slice %arg14[%select_n3A_223] : memref<2x!tpu.dma_semaphore, #tpu.memory_space<semaphore_mem>> -> memref<1x!tpu.dma_semaphore, #tpu.memory_space<semaphore_mem>>
        %dma_wait3A_234 = tpu.memref_squeeze %dma_wait3A_233 : memref<1x!tpu.dma_semaphore, #tpu.memory_space<semaphore_mem>> -> memref<!tpu.dma_semaphore, #tpu.memory_space<semaphore_mem>>
        tpu.wait_indirect_dma semaphore(%dma_wait3A_234 : memref<!tpu.dma_semaphore, #tpu.memory_space<semaphore_mem>>) src(%dma_wait3A_226 : memref<80x128xf32, #tpu.memory_space<vmem>>) dst(%dma_wait3A_232 : memref<6528x128xf32, #tpu.memory_space<vmem_shared>>)
      }
      %barrier3A_127 = arith.constant 0 : index
      tpu.barrier barrier_id(%barrier3A_127)
      %mul3A_128 = arith.constant 400 : i32
      %mul3A_129 = arith.muli %arg1, %mul3A_128 : i32
      %mul3A_130 = arith.constant 51200 : i32
      %mul3A_131 = arith.muli %select_n3A, %mul3A_130 : i32
      %mul3A_132 = arith.constant 6400 : i32
      %mul3A_133 = arith.muli %add3A_36, %mul3A_132 : i32
      %add3A_134 = arith.addi %mul3A_131, %mul3A_133 : i32
      %mul3A_135 = arith.constant 400 : i32
      %mul3A_136 = arith.muli %arg1, %mul3A_135 : i32
      %add3A_137 = arith.addi %add3A_134, %mul3A_136 : i32
      "tpu.region"() ({
        %run_scoped3A = tpu.sem_alloc : memref<!tpu.dma_semaphore, #tpu.memory_space<semaphore_mem>>
        %dma_start3A = arith.constant 0 : i32
        %dma_start3A_138 = tpu.memref_slice %arg7[%add3A_137, %dma_start3A] : memref<153600x128xf32, #tpu.memory_space<hbm>> -> memref<400x128xf32, #tpu.memory_space<hbm>>
        %dma_start3A_139 = arith.constant 0 : i32
        %dma_start3A_140 = tpu.memref_slice %arg8[%mul3A_129, %dma_start3A_139] : memref<6528x128xf32, #tpu.memory_space<vmem_shared>> -> memref<400x128xf32, #tpu.memory_space<vmem_shared>>
        tpu.enqueue_dma source(%dma_start3A_140 : memref<400x128xf32, #tpu.memory_space<vmem_shared>>) target(%dma_start3A_138 : memref<400x128xf32, #tpu.memory_space<hbm>>) target_semaphore(%run_scoped3A : memref<!tpu.dma_semaphore, #tpu.memory_space<semaphore_mem>>)
        %dma_wait3A = arith.constant 0 : i32
        %dma_wait3A_141 = tpu.memref_slice %arg7[%add3A_137, %dma_wait3A] : memref<153600x128xf32, #tpu.memory_space<hbm>> -> memref<400x128xf32, #tpu.memory_space<hbm>>
        %dma_wait3A_142 = arith.constant 0 : i32
        %dma_wait3A_143 = tpu.memref_slice %arg8[%mul3A_129, %dma_wait3A_142] : memref<6528x128xf32, #tpu.memory_space<vmem_shared>> -> memref<400x128xf32, #tpu.memory_space<vmem_shared>>
        tpu.wait_dma2 semaphore(%run_scoped3A : memref<!tpu.dma_semaphore, #tpu.memory_space<semaphore_mem>>) src(%dma_wait3A_143 : memref<400x128xf32, #tpu.memory_space<vmem_shared>>) dst(%dma_wait3A_141 : memref<400x128xf32, #tpu.memory_space<hbm>>)
        tpu.yield
      }) : () -> ()
    }
    %scan3A_4 = arith.constant 12 : i32
    return
  }
}

module attributes {stable_mosaic.version = 14 : i64} {
  func.func @_prep_body(%arg0: i32, %arg1: memref<512x128xf32, #tpu.memory_space<vmem>>, %arg2: memref<6x512xf32, #tpu.memory_space<vmem>>, %arg3: memref<3x128x128xf32, #tpu.memory_space<vmem>>, %arg4: memref<3x512x128xf32, #tpu.memory_space<vmem>>) attributes {dimension_semantics = [#tpu.dimension_semantics<arbitrary>], iteration_bounds = array<i64: 100>, scalar_prefetch = 0 : i64, scratch_operands = 0 : i64, tpu.core_type = #tpu.core_type<tc>, window_params = [{transform_indices = @transform_0, window_bounds = array<i64: 512, 128>}, {transform_indices = @transform_1, window_bounds = array<i64: 6, 512>}, {pipeline_mode = #tpu.pipeline_mode<synchronous>, transform_indices = @transform_2, window_bounds = array<i64: 3, 128, 128>}, {transform_indices = @transform_3, window_bounds = array<i64: 3, 512, 128>}]} {
    %get3A = arith.constant 0 : index
    %get3A_0 = arith.constant 0 : index
    %get3A_1 = vector.load %arg2[%get3A, %get3A_0] : memref<6x512xf32, #tpu.memory_space<vmem>>, vector<1x512xf32>
    %get3A_2 = vector.shape_cast %get3A_1 : vector<1x512xf32> to vector<512xf32>
    %gt3A = arith.constant 0.000000e+00 : f32
    %gt3A_3 = vector.broadcast %gt3A : f32 to vector<512xf32>
    %gt3A_4 = arith.cmpf ogt, %get3A_2, %gt3A_3 : vector<512xf32>
    %max3A = arith.constant 9.99999996E-13 : f32
    %max3A_5 = vector.broadcast %max3A : f32 to vector<512xf32>
    %max3A_6 = arith.maximumf %get3A_2, %max3A_5 : vector<512xf32>
    %rsqrt3A = math.rsqrt %max3A_6 : vector<512xf32>
    %jit3A = arith.constant 0.000000e+00 : f32
    %broadcast_in_dim3A = vector.broadcast %jit3A : f32 to vector<512xf32>
    %select_n3A = arith.select %gt3A_4, %rsqrt3A, %broadcast_in_dim3A : vector<512xi1>, vector<512xf32>
    %get3A_7 = arith.constant 0 : index
    %get3A_8 = arith.constant 0 : index
    %get3A_9 = vector.load %arg1[%get3A_7, %get3A_8] : memref<512x128xf32, #tpu.memory_space<vmem>>, vector<512x128xf32>
    %broadcast_in_dim3A_10 = vector.shape_cast %select_n3A : vector<512xf32> to vector<512x1xf32>
    %mul3A = vector.broadcast %broadcast_in_dim3A_10 : vector<512x1xf32> to vector<512x128xf32>
    %mul3A_11 = arith.mulf %get3A_9, %mul3A : vector<512x128xf32>
    %get3A_12 = arith.constant 0 : index
    %get3A_13 = arith.constant 0 : index
    %get3A_14 = arith.constant 0 : index
    %get3A_15 = vector.load %arg3[%get3A_12, %get3A_13, %get3A_14] : memref<3x128x128xf32, #tpu.memory_space<vmem>>, vector<1x128x128xf32>
    %get3A_16 = vector.shape_cast %get3A_15 : vector<1x128x128xf32> to vector<128x128xf32>
    %dot_general3A = arith.constant dense<0.000000e+00> : vector<512x128xf32>
    %dot_general3A_17 = tpu.matmul %mul3A_11, %get3A_16, %dot_general3A {dimension_numbers = #tpu.dot_dimension_numbers<[1], [0], [0], [1], [0, 0, 1, 1], [], []>, transpose_lhs_hint = false} : vector<512x128xf32>, vector<128x128xf32>, vector<512x128xf32> -> vector<512x128xf32>
    %swap3A = arith.constant 0 : index
    %swap3A_18 = arith.constant 0 : index
    %swap3A_19 = arith.constant 0 : index
    %swap3A_20 = vector.load %arg4[%swap3A, %swap3A_18, %swap3A_19] : memref<3x512x128xf32, #tpu.memory_space<vmem>>, vector<1x512x128xf32>
    %swap3A_21 = vector.shape_cast %swap3A_20 : vector<1x512x128xf32> to vector<512x128xf32>
    %swap3A_22 = vector.shape_cast %dot_general3A_17 : vector<512x128xf32> to vector<1x512x128xf32>
    tpu.vector_store %arg4[%swap3A, %swap3A_18, %swap3A_19], %swap3A_22 {strides = array<i32>} : memref<3x512x128xf32, #tpu.memory_space<vmem>>, vector<1x512x128xf32>,
    %get3A_23 = arith.constant 2 : index
    %get3A_24 = arith.constant 0 : index
    %get3A_25 = vector.load %arg2[%get3A_23, %get3A_24] : memref<6x512xf32, #tpu.memory_space<vmem>>, vector<1x512xf32>
    %get3A_26 = vector.shape_cast %get3A_25 : vector<1x512xf32> to vector<512xf32>
    %gt3A_27 = arith.constant 0.000000e+00 : f32
    %gt3A_28 = vector.broadcast %gt3A_27 : f32 to vector<512xf32>
    %gt3A_29 = arith.cmpf ogt, %get3A_26, %gt3A_28 : vector<512xf32>
    %max3A_30 = arith.constant 9.99999996E-13 : f32
    %max3A_31 = vector.broadcast %max3A_30 : f32 to vector<512xf32>
    %max3A_32 = arith.maximumf %get3A_26, %max3A_31 : vector<512xf32>
    %rsqrt3A_33 = math.rsqrt %max3A_32 : vector<512xf32>
    %jit3A_34 = arith.constant 0.000000e+00 : f32
    %broadcast_in_dim3A_35 = vector.broadcast %jit3A_34 : f32 to vector<512xf32>
    %select_n3A_36 = arith.select %gt3A_29, %rsqrt3A_33, %broadcast_in_dim3A_35 : vector<512xi1>, vector<512xf32>
    %get3A_37 = arith.constant 0 : index
    %get3A_38 = arith.constant 0 : index
    %get3A_39 = vector.load %arg1[%get3A_37, %get3A_38] : memref<512x128xf32, #tpu.memory_space<vmem>>, vector<512x128xf32>
    %broadcast_in_dim3A_40 = vector.shape_cast %select_n3A_36 : vector<512xf32> to vector<512x1xf32>
    %mul3A_41 = vector.broadcast %broadcast_in_dim3A_40 : vector<512x1xf32> to vector<512x128xf32>
    %mul3A_42 = arith.mulf %get3A_39, %mul3A_41 : vector<512x128xf32>
    %get3A_43 = arith.constant 1 : index
    %get3A_44 = arith.constant 0 : index
    %get3A_45 = arith.constant 0 : index
    %get3A_46 = vector.load %arg3[%get3A_43, %get3A_44, %get3A_45] : memref<3x128x128xf32, #tpu.memory_space<vmem>>, vector<1x128x128xf32>
    %get3A_47 = vector.shape_cast %get3A_46 : vector<1x128x128xf32> to vector<128x128xf32>
    %dot_general3A_48 = arith.constant dense<0.000000e+00> : vector<512x128xf32>
    %dot_general3A_49 = tpu.matmul %mul3A_42, %get3A_47, %dot_general3A_48 {dimension_numbers = #tpu.dot_dimension_numbers<[1], [0], [0], [1], [0, 0, 1, 1], [], []>, transpose_lhs_hint = false} : vector<512x128xf32>, vector<128x128xf32>, vector<512x128xf32> -> vector<512x128xf32>
    %swap3A_50 = arith.constant 1 : index
    %swap3A_51 = arith.constant 0 : index
    %swap3A_52 = arith.constant 0 : index
    %swap3A_53 = vector.load %arg4[%swap3A_50, %swap3A_51, %swap3A_52] : memref<3x512x128xf32, #tpu.memory_space<vmem>>, vector<1x512x128xf32>
    %swap3A_54 = vector.shape_cast %swap3A_53 : vector<1x512x128xf32> to vector<512x128xf32>
    %swap3A_55 = vector.shape_cast %dot_general3A_49 : vector<512x128xf32> to vector<1x512x128xf32>
    tpu.vector_store %arg4[%swap3A_50, %swap3A_51, %swap3A_52], %swap3A_55 {strides = array<i32>} : memref<3x512x128xf32, #tpu.memory_space<vmem>>, vector<1x512x128xf32>,
    %get3A_56 = arith.constant 4 : index
    %get3A_57 = arith.constant 0 : index
    %get3A_58 = vector.load %arg2[%get3A_56, %get3A_57] : memref<6x512xf32, #tpu.memory_space<vmem>>, vector<1x512xf32>
    %get3A_59 = vector.shape_cast %get3A_58 : vector<1x512xf32> to vector<512xf32>
    %gt3A_60 = arith.constant 0.000000e+00 : f32
    %gt3A_61 = vector.broadcast %gt3A_60 : f32 to vector<512xf32>
    %gt3A_62 = arith.cmpf ogt, %get3A_59, %gt3A_61 : vector<512xf32>
    %max3A_63 = arith.constant 9.99999996E-13 : f32
    %max3A_64 = vector.broadcast %max3A_63 : f32 to vector<512xf32>
    %max3A_65 = arith.maximumf %get3A_59, %max3A_64 : vector<512xf32>
    %rsqrt3A_66 = math.rsqrt %max3A_65 : vector<512xf32>
    %jit3A_67 = arith.constant 0.000000e+00 : f32
    %broadcast_in_dim3A_68 = vector.broadcast %jit3A_67 : f32 to vector<512xf32>
    %select_n3A_69 = arith.select %gt3A_62, %rsqrt3A_66, %broadcast_in_dim3A_68 : vector<512xi1>, vector<512xf32>
    %get3A_70 = arith.constant 0 : index
    %get3A_71 = arith.constant 0 : index
    %get3A_72 = vector.load %arg1[%get3A_70, %get3A_71] : memref<512x128xf32, #tpu.memory_space<vmem>>, vector<512x128xf32>
    %broadcast_in_dim3A_73 = vector.shape_cast %select_n3A_69 : vector<512xf32> to vector<512x1xf32>
    %mul3A_74 = vector.broadcast %broadcast_in_dim3A_73 : vector<512x1xf32> to vector<512x128xf32>
    %mul3A_75 = arith.mulf %get3A_72, %mul3A_74 : vector<512x128xf32>
    %get3A_76 = arith.constant 2 : index
    %get3A_77 = arith.constant 0 : index
    %get3A_78 = arith.constant 0 : index
    %get3A_79 = vector.load %arg3[%get3A_76, %get3A_77, %get3A_78] : memref<3x128x128xf32, #tpu.memory_space<vmem>>, vector<1x128x128xf32>
    %get3A_80 = vector.shape_cast %get3A_79 : vector<1x128x128xf32> to vector<128x128xf32>
    %dot_general3A_81 = arith.constant dense<0.000000e+00> : vector<512x128xf32>
    %dot_general3A_82 = tpu.matmul %mul3A_75, %get3A_80, %dot_general3A_81 {dimension_numbers = #tpu.dot_dimension_numbers<[1], [0], [0], [1], [0, 0, 1, 1], [], []>, transpose_lhs_hint = false} : vector<512x128xf32>, vector<128x128xf32>, vector<512x128xf32> -> vector<512x128xf32>
    %swap3A_83 = arith.constant 2 : index
    %swap3A_84 = arith.constant 0 : index
    %swap3A_85 = arith.constant 0 : index
    %swap3A_86 = vector.load %arg4[%swap3A_83, %swap3A_84, %swap3A_85] : memref<3x512x128xf32, #tpu.memory_space<vmem>>, vector<1x512x128xf32>
    %swap3A_87 = vector.shape_cast %swap3A_86 : vector<1x512x128xf32> to vector<512x128xf32>
    %swap3A_88 = vector.shape_cast %dot_general3A_82 : vector<512x128xf32> to vector<1x512x128xf32>
    tpu.vector_store %arg4[%swap3A_83, %swap3A_84, %swap3A_85], %swap3A_88 {strides = array<i32>} : memref<3x512x128xf32, #tpu.memory_space<vmem>>, vector<1x512x128xf32>,
    return
  }
  func.func @transform_0(%arg0: i32) -> (i32, i32) {
    %c0_i32 = arith.constant 0 : i32
    %c0_i32_0 = arith.constant 0 : i32
    return %arg0, %c0_i32 : i32, i32
  }
  func.func @transform_1(%arg0: i32) -> (i32, i32) {
    %c0_i32 = arith.constant 0 : i32
    %c0_i32_0 = arith.constant 0 : i32
    return %c0_i32, %arg0 : i32, i32
  }
  func.func @transform_2(%arg0: i32) -> (i32, i32, i32) {
    %c0_i32 = arith.constant 0 : i32
    %c0_i32_0 = arith.constant 0 : i32
    %c0_i32_1 = arith.constant 0 : i32
    %c0_i32_2 = arith.constant 0 : i32
    return %c0_i32, %c0_i32_0, %c0_i32_1 : i32, i32, i32
  }
  func.func @transform_3(%arg0: i32) -> (i32, i32, i32) {
    %c0_i32 = arith.constant 0 : i32
    %c0_i32_0 = arith.constant 0 : i32
    %c0_i32_1 = arith.constant 0 : i32
    return %c0_i32, %arg0, %c0_i32_0 : i32, i32, i32
  }
}

module attributes {stable_mosaic.version = 14 : i64} {
  func.func @_combprep_body(%arg0: i32, %arg1: memref<3x512x128xf32, #tpu.memory_space<vmem>>, %arg2: memref<6x512xf32, #tpu.memory_space<vmem>>, %arg3: memref<1x128xf32, #tpu.memory_space<vmem>>, %arg4: memref<3x128x128xf32, #tpu.memory_space<vmem>>, %arg5: memref<3x512x128xf32, #tpu.memory_space<vmem>>) attributes {dimension_semantics = [#tpu.dimension_semantics<arbitrary>], iteration_bounds = array<i64: 100>, scalar_prefetch = 0 : i64, scratch_operands = 0 : i64, tpu.core_type = #tpu.core_type<tc>, window_params = [{transform_indices = @transform_0, window_bounds = array<i64: 3, 512, 128>}, {transform_indices = @transform_1, window_bounds = array<i64: 6, 512>}, {pipeline_mode = #tpu.pipeline_mode<synchronous>, transform_indices = @transform_2, window_bounds = array<i64: 1, 128>}, {pipeline_mode = #tpu.pipeline_mode<synchronous>, transform_indices = @transform_3, window_bounds = array<i64: 3, 128, 128>}, {transform_indices = @transform_4, window_bounds = array<i64: 3, 512, 128>}]} {
    %get3A = arith.constant 0 : index
    %get3A_0 = arith.constant 0 : index
    %get3A_1 = vector.load %arg3[%get3A, %get3A_0] : memref<1x128xf32, #tpu.memory_space<vmem>>, vector<1x128xf32>
    %get3A_2 = vector.shape_cast %get3A_1 : vector<1x128xf32> to vector<128xf32>
    %broadcast_in_dim3A = vector.shape_cast %get3A_2 : vector<128xf32> to vector<1x128xf32>
    %broadcast_in_dim3A_3 = arith.constant 1.000000e+00 : f32
    %broadcast_in_dim3A_4 = vector.broadcast %broadcast_in_dim3A_3 : f32 to vector<512x1xf32>
    %mul3A = vector.broadcast %broadcast_in_dim3A : vector<1x128xf32> to vector<512x128xf32>
    %mul3A_5 = vector.broadcast %broadcast_in_dim3A_4 : vector<512x1xf32> to vector<512x128xf32>
    %mul3A_6 = arith.mulf %mul3A, %mul3A_5 : vector<512x128xf32>
    %get3A_7 = arith.constant 1 : index
    %get3A_8 = arith.constant 0 : index
    %get3A_9 = vector.load %arg2[%get3A_7, %get3A_8] : memref<6x512xf32, #tpu.memory_space<vmem>>, vector<1x512xf32>
    %get3A_10 = vector.shape_cast %get3A_9 : vector<1x512xf32> to vector<512xf32>
    %gt3A = arith.constant 0.000000e+00 : f32
    %gt3A_11 = vector.broadcast %gt3A : f32 to vector<512xf32>
    %gt3A_12 = arith.cmpf ogt, %get3A_10, %gt3A_11 : vector<512xf32>
    %max3A = arith.constant 9.99999996E-13 : f32
    %max3A_13 = vector.broadcast %max3A : f32 to vector<512xf32>
    %max3A_14 = arith.maximumf %get3A_10, %max3A_13 : vector<512xf32>
    %rsqrt3A = math.rsqrt %max3A_14 : vector<512xf32>
    %jit3A = arith.constant 0.000000e+00 : f32
    %broadcast_in_dim3A_15 = vector.broadcast %jit3A : f32 to vector<512xf32>
    %select_n3A = arith.select %gt3A_12, %rsqrt3A, %broadcast_in_dim3A_15 : vector<512xi1>, vector<512xf32>
    %get3A_16 = arith.constant 0 : index
    %get3A_17 = arith.constant 0 : index
    %get3A_18 = arith.constant 0 : index
    %get3A_19 = vector.load %arg1[%get3A_16, %get3A_17, %get3A_18] : memref<3x512x128xf32, #tpu.memory_space<vmem>>, vector<1x512x128xf32>
    %get3A_20 = vector.shape_cast %get3A_19 : vector<1x512x128xf32> to vector<512x128xf32>
    %broadcast_in_dim3A_21 = vector.shape_cast %select_n3A : vector<512xf32> to vector<512x1xf32>
    %mul3A_22 = vector.broadcast %broadcast_in_dim3A_21 : vector<512x1xf32> to vector<512x128xf32>
    %mul3A_23 = arith.mulf %get3A_20, %mul3A_22 : vector<512x128xf32>
    %add3A = arith.addf %mul3A_6, %mul3A_23 : vector<512x128xf32>
    %get3A_24 = arith.constant 3 : index
    %get3A_25 = arith.constant 0 : index
    %get3A_26 = vector.load %arg2[%get3A_24, %get3A_25] : memref<6x512xf32, #tpu.memory_space<vmem>>, vector<1x512xf32>
    %get3A_27 = vector.shape_cast %get3A_26 : vector<1x512xf32> to vector<512xf32>
    %gt3A_28 = arith.constant 0.000000e+00 : f32
    %gt3A_29 = vector.broadcast %gt3A_28 : f32 to vector<512xf32>
    %gt3A_30 = arith.cmpf ogt, %get3A_27, %gt3A_29 : vector<512xf32>
    %max3A_31 = arith.constant 9.99999996E-13 : f32
    %max3A_32 = vector.broadcast %max3A_31 : f32 to vector<512xf32>
    %max3A_33 = arith.maximumf %get3A_27, %max3A_32 : vector<512xf32>
    %rsqrt3A_34 = math.rsqrt %max3A_33 : vector<512xf32>
    %jit3A_35 = arith.constant 0.000000e+00 : f32
    %broadcast_in_dim3A_36 = vector.broadcast %jit3A_35 : f32 to vector<512xf32>
    %select_n3A_37 = arith.select %gt3A_30, %rsqrt3A_34, %broadcast_in_dim3A_36 : vector<512xi1>, vector<512xf32>
    %get3A_38 = arith.constant 1 : index
    %get3A_39 = arith.constant 0 : index
    %get3A_40 = arith.constant 0 : index
    %get3A_41 = vector.load %arg1[%get3A_38, %get3A_39, %get3A_40] : memref<3x512x128xf32, #tpu.memory_space<vmem>>, vector<1x512x128xf32>
    %get3A_42 = vector.shape_cast %get3A_41 : vector<1x512x128xf32> to vector<512x128xf32>
    %broadcast_in_dim3A_43 = vector.shape_cast %select_n3A_37 : vector<512xf32> to vector<512x1xf32>
    %mul3A_44 = vector.broadcast %broadcast_in_dim3A_43 : vector<512x1xf32> to vector<512x128xf32>
    %mul3A_45 = arith.mulf %get3A_42, %mul3A_44 : vector<512x128xf32>
    %add3A_46 = arith.addf %add3A, %mul3A_45 : vector<512x128xf32>
    %get3A_47 = arith.constant 5 : index
    %get3A_48 = arith.constant 0 : index
    %get3A_49 = vector.load %arg2[%get3A_47, %get3A_48] : memref<6x512xf32, #tpu.memory_space<vmem>>, vector<1x512xf32>
    %get3A_50 = vector.shape_cast %get3A_49 : vector<1x512xf32> to vector<512xf32>
    %gt3A_51 = arith.constant 0.000000e+00 : f32
    %gt3A_52 = vector.broadcast %gt3A_51 : f32 to vector<512xf32>
    %gt3A_53 = arith.cmpf ogt, %get3A_50, %gt3A_52 : vector<512xf32>
    %max3A_54 = arith.constant 9.99999996E-13 : f32
    %max3A_55 = vector.broadcast %max3A_54 : f32 to vector<512xf32>
    %max3A_56 = arith.maximumf %get3A_50, %max3A_55 : vector<512xf32>
    %rsqrt3A_57 = math.rsqrt %max3A_56 : vector<512xf32>
    %jit3A_58 = arith.constant 0.000000e+00 : f32
    %broadcast_in_dim3A_59 = vector.broadcast %jit3A_58 : f32 to vector<512xf32>
    %select_n3A_60 = arith.select %gt3A_53, %rsqrt3A_57, %broadcast_in_dim3A_59 : vector<512xi1>, vector<512xf32>
    %get3A_61 = arith.constant 2 : index
    %get3A_62 = arith.constant 0 : index
    %get3A_63 = arith.constant 0 : index
    %get3A_64 = vector.load %arg1[%get3A_61, %get3A_62, %get3A_63] : memref<3x512x128xf32, #tpu.memory_space<vmem>>, vector<1x512x128xf32>
    %get3A_65 = vector.shape_cast %get3A_64 : vector<1x512x128xf32> to vector<512x128xf32>
    %broadcast_in_dim3A_66 = vector.shape_cast %select_n3A_60 : vector<512xf32> to vector<512x1xf32>
    %mul3A_67 = vector.broadcast %broadcast_in_dim3A_66 : vector<512x1xf32> to vector<512x128xf32>
    %mul3A_68 = arith.mulf %get3A_65, %mul3A_67 : vector<512x128xf32>
    %add3A_69 = arith.addf %add3A_46, %mul3A_68 : vector<512x128xf32>
    %max3A_70 = arith.constant 0.000000e+00 : f32
    %max3A_71 = vector.broadcast %max3A_70 : f32 to vector<512x128xf32>
    %max3A_72 = arith.maximumf %add3A_69, %max3A_71 : vector<512x128xf32>
    %get3A_73 = arith.constant 0 : index
    %get3A_74 = arith.constant 0 : index
    %get3A_75 = vector.load %arg2[%get3A_73, %get3A_74] : memref<6x512xf32, #tpu.memory_space<vmem>>, vector<1x512xf32>
    %get3A_76 = vector.shape_cast %get3A_75 : vector<1x512xf32> to vector<512xf32>
    %gt3A_77 = arith.constant 0.000000e+00 : f32
    %gt3A_78 = vector.broadcast %gt3A_77 : f32 to vector<512xf32>
    %gt3A_79 = arith.cmpf ogt, %get3A_76, %gt3A_78 : vector<512xf32>
    %max3A_80 = arith.constant 9.99999996E-13 : f32
    %max3A_81 = vector.broadcast %max3A_80 : f32 to vector<512xf32>
    %max3A_82 = arith.maximumf %get3A_76, %max3A_81 : vector<512xf32>
    %rsqrt3A_83 = math.rsqrt %max3A_82 : vector<512xf32>
    %jit3A_84 = arith.constant 0.000000e+00 : f32
    %broadcast_in_dim3A_85 = vector.broadcast %jit3A_84 : f32 to vector<512xf32>
    %select_n3A_86 = arith.select %gt3A_79, %rsqrt3A_83, %broadcast_in_dim3A_85 : vector<512xi1>, vector<512xf32>
    %broadcast_in_dim3A_87 = vector.shape_cast %select_n3A_86 : vector<512xf32> to vector<512x1xf32>
    %mul3A_88 = vector.broadcast %broadcast_in_dim3A_87 : vector<512x1xf32> to vector<512x128xf32>
    %mul3A_89 = arith.mulf %max3A_72, %mul3A_88 : vector<512x128xf32>
    %get3A_90 = arith.constant 0 : index
    %get3A_91 = arith.constant 0 : index
    %get3A_92 = arith.constant 0 : index
    %get3A_93 = vector.load %arg4[%get3A_90, %get3A_91, %get3A_92] : memref<3x128x128xf32, #tpu.memory_space<vmem>>, vector<1x128x128xf32>
    %get3A_94 = vector.shape_cast %get3A_93 : vector<1x128x128xf32> to vector<128x128xf32>
    %dot_general3A = arith.constant dense<0.000000e+00> : vector<512x128xf32>
    %dot_general3A_95 = tpu.matmul %mul3A_89, %get3A_94, %dot_general3A {dimension_numbers = #tpu.dot_dimension_numbers<[1], [0], [0], [1], [0, 0, 1, 1], [], []>, transpose_lhs_hint = false} : vector<512x128xf32>, vector<128x128xf32>, vector<512x128xf32> -> vector<512x128xf32>
    %swap3A = arith.constant 0 : index
    %swap3A_96 = arith.constant 0 : index
    %swap3A_97 = arith.constant 0 : index
    %swap3A_98 = vector.load %arg5[%swap3A, %swap3A_96, %swap3A_97] : memref<3x512x128xf32, #tpu.memory_space<vmem>>, vector<1x512x128xf32>
    %swap3A_99 = vector.shape_cast %swap3A_98 : vector<1x512x128xf32> to vector<512x128xf32>
    %swap3A_100 = vector.shape_cast %dot_general3A_95 : vector<512x128xf32> to vector<1x512x128xf32>
    tpu.vector_store %arg5[%swap3A, %swap3A_96, %swap3A_97], %swap3A_100 {strides = array<i32>} : memref<3x512x128xf32, #tpu.memory_space<vmem>>, vector<1x512x128xf32>,
    %get3A_101 = arith.constant 2 : index
    %get3A_102 = arith.constant 0 : index
    %get3A_103 = vector.load %arg2[%get3A_101, %get3A_102] : memref<6x512xf32, #tpu.memory_space<vmem>>, vector<1x512xf32>
    %get3A_104 = vector.shape_cast %get3A_103 : vector<1x512xf32> to vector<512xf32>
    %gt3A_105 = arith.constant 0.000000e+00 : f32
    %gt3A_106 = vector.broadcast %gt3A_105 : f32 to vector<512xf32>
    %gt3A_107 = arith.cmpf ogt, %get3A_104, %gt3A_106 : vector<512xf32>
    %max3A_108 = arith.constant 9.99999996E-13 : f32
    %max3A_109 = vector.broadcast %max3A_108 : f32 to vector<512xf32>
    %max3A_110 = arith.maximumf %get3A_104, %max3A_109 : vector<512xf32>
    %rsqrt3A_111 = math.rsqrt %max3A_110 : vector<512xf32>
    %jit3A_112 = arith.constant 0.000000e+00 : f32
    %broadcast_in_dim3A_113 = vector.broadcast %jit3A_112 : f32 to vector<512xf32>
    %select_n3A_114 = arith.select %gt3A_107, %rsqrt3A_111, %broadcast_in_dim3A_113 : vector<512xi1>, vector<512xf32>
    %broadcast_in_dim3A_115 = vector.shape_cast %select_n3A_114 : vector<512xf32> to vector<512x1xf32>
    %mul3A_116 = vector.broadcast %broadcast_in_dim3A_115 : vector<512x1xf32> to vector<512x128xf32>
    %mul3A_117 = arith.mulf %max3A_72, %mul3A_116 : vector<512x128xf32>
    %get3A_118 = arith.constant 1 : index
    %get3A_119 = arith.constant 0 : index
    %get3A_120 = arith.constant 0 : index
    %get3A_121 = vector.load %arg4[%get3A_118, %get3A_119, %get3A_120] : memref<3x128x128xf32, #tpu.memory_space<vmem>>, vector<1x128x128xf32>
    %get3A_122 = vector.shape_cast %get3A_121 : vector<1x128x128xf32> to vector<128x128xf32>
    %dot_general3A_123 = arith.constant dense<0.000000e+00> : vector<512x128xf32>
    %dot_general3A_124 = tpu.matmul %mul3A_117, %get3A_122, %dot_general3A_123 {dimension_numbers = #tpu.dot_dimension_numbers<[1], [0], [0], [1], [0, 0, 1, 1], [], []>, transpose_lhs_hint = false} : vector<512x128xf32>, vector<128x128xf32>, vector<512x128xf32> -> vector<512x128xf32>
    %swap3A_125 = arith.constant 1 : index
    %swap3A_126 = arith.constant 0 : index
    %swap3A_127 = arith.constant 0 : index
    %swap3A_128 = vector.load %arg5[%swap3A_125, %swap3A_126, %swap3A_127] : memref<3x512x128xf32, #tpu.memory_space<vmem>>, vector<1x512x128xf32>
    %swap3A_129 = vector.shape_cast %swap3A_128 : vector<1x512x128xf32> to vector<512x128xf32>
    %swap3A_130 = vector.shape_cast %dot_general3A_124 : vector<512x128xf32> to vector<1x512x128xf32>
    tpu.vector_store %arg5[%swap3A_125, %swap3A_126, %swap3A_127], %swap3A_130 {strides = array<i32>} : memref<3x512x128xf32, #tpu.memory_space<vmem>>, vector<1x512x128xf32>,
    %get3A_131 = arith.constant 4 : index
    %get3A_132 = arith.constant 0 : index
    %get3A_133 = vector.load %arg2[%get3A_131, %get3A_132] : memref<6x512xf32, #tpu.memory_space<vmem>>, vector<1x512xf32>
    %get3A_134 = vector.shape_cast %get3A_133 : vector<1x512xf32> to vector<512xf32>
    %gt3A_135 = arith.constant 0.000000e+00 : f32
    %gt3A_136 = vector.broadcast %gt3A_135 : f32 to vector<512xf32>
    %gt3A_137 = arith.cmpf ogt, %get3A_134, %gt3A_136 : vector<512xf32>
    %max3A_138 = arith.constant 9.99999996E-13 : f32
    %max3A_139 = vector.broadcast %max3A_138 : f32 to vector<512xf32>
    %max3A_140 = arith.maximumf %get3A_134, %max3A_139 : vector<512xf32>
    %rsqrt3A_141 = math.rsqrt %max3A_140 : vector<512xf32>
    %jit3A_142 = arith.constant 0.000000e+00 : f32
    %broadcast_in_dim3A_143 = vector.broadcast %jit3A_142 : f32 to vector<512xf32>
    %select_n3A_144 = arith.select %gt3A_137, %rsqrt3A_141, %broadcast_in_dim3A_143 : vector<512xi1>, vector<512xf32>
    %broadcast_in_dim3A_145 = vector.shape_cast %select_n3A_144 : vector<512xf32> to vector<512x1xf32>
    %mul3A_146 = vector.broadcast %broadcast_in_dim3A_145 : vector<512x1xf32> to vector<512x128xf32>
    %mul3A_147 = arith.mulf %max3A_72, %mul3A_146 : vector<512x128xf32>
    %get3A_148 = arith.constant 2 : index
    %get3A_149 = arith.constant 0 : index
    %get3A_150 = arith.constant 0 : index
    %get3A_151 = vector.load %arg4[%get3A_148, %get3A_149, %get3A_150] : memref<3x128x128xf32, #tpu.memory_space<vmem>>, vector<1x128x128xf32>
    %get3A_152 = vector.shape_cast %get3A_151 : vector<1x128x128xf32> to vector<128x128xf32>
    %dot_general3A_153 = arith.constant dense<0.000000e+00> : vector<512x128xf32>
    %dot_general3A_154 = tpu.matmul %mul3A_147, %get3A_152, %dot_general3A_153 {dimension_numbers = #tpu.dot_dimension_numbers<[1], [0], [0], [1], [0, 0, 1, 1], [], []>, transpose_lhs_hint = false} : vector<512x128xf32>, vector<128x128xf32>, vector<512x128xf32> -> vector<512x128xf32>
    %swap3A_155 = arith.constant 2 : index
    %swap3A_156 = arith.constant 0 : index
    %swap3A_157 = arith.constant 0 : index
    %swap3A_158 = vector.load %arg5[%swap3A_155, %swap3A_156, %swap3A_157] : memref<3x512x128xf32, #tpu.memory_space<vmem>>, vector<1x512x128xf32>
    %swap3A_159 = vector.shape_cast %swap3A_158 : vector<1x512x128xf32> to vector<512x128xf32>
    %swap3A_160 = vector.shape_cast %dot_general3A_154 : vector<512x128xf32> to vector<1x512x128xf32>
    tpu.vector_store %arg5[%swap3A_155, %swap3A_156, %swap3A_157], %swap3A_160 {strides = array<i32>} : memref<3x512x128xf32, #tpu.memory_space<vmem>>, vector<1x512x128xf32>,
    return
  }
  func.func @transform_0(%arg0: i32) -> (i32, i32, i32) {
    %c0_i32 = arith.constant 0 : i32
    %c0_i32_0 = arith.constant 0 : i32
    %c0_i32_1 = arith.constant 0 : i32
    return %c0_i32, %arg0, %c0_i32_0 : i32, i32, i32
  }
  func.func @transform_1(%arg0: i32) -> (i32, i32) {
    %c0_i32 = arith.constant 0 : i32
    %c0_i32_0 = arith.constant 0 : i32
    return %c0_i32, %arg0 : i32, i32
  }
  func.func @transform_2(%arg0: i32) -> (i32, i32) {
    %c0_i32 = arith.constant 0 : i32
    %c0_i32_0 = arith.constant 0 : i32
    %c0_i32_1 = arith.constant 0 : i32
    return %c0_i32, %c0_i32_0 : i32, i32
  }
  func.func @transform_3(%arg0: i32) -> (i32, i32, i32) {
    %c0_i32 = arith.constant 0 : i32
    %c0_i32_0 = arith.constant 0 : i32
    %c0_i32_1 = arith.constant 0 : i32
    %c0_i32_2 = arith.constant 0 : i32
    return %c0_i32, %c0_i32_0, %c0_i32_1 : i32, i32, i32
  }
  func.func @transform_4(%arg0: i32) -> (i32, i32, i32) {
    %c0_i32 = arith.constant 0 : i32
    %c0_i32_0 = arith.constant 0 : i32
    %c0_i32_1 = arith.constant 0 : i32
    return %c0_i32, %arg0, %c0_i32_0 : i32, i32, i32
  }
}

module attributes {stable_mosaic.version = 14 : i64} {
  func.func @_combine_body(%arg0: i32, %arg1: memref<3x512x128xf32, #tpu.memory_space<vmem>>, %arg2: memref<6x512xf32, #tpu.memory_space<vmem>>, %arg3: memref<1x128xf32, #tpu.memory_space<vmem>>, %arg4: memref<512x128xf32, #tpu.memory_space<vmem>>) attributes {dimension_semantics = [#tpu.dimension_semantics<arbitrary>], iteration_bounds = array<i64: 100>, scalar_prefetch = 0 : i64, scratch_operands = 0 : i64, tpu.core_type = #tpu.core_type<tc>, window_params = [{transform_indices = @transform_0, window_bounds = array<i64: 3, 512, 128>}, {transform_indices = @transform_1, window_bounds = array<i64: 6, 512>}, {pipeline_mode = #tpu.pipeline_mode<synchronous>, transform_indices = @transform_2, window_bounds = array<i64: 1, 128>}, {transform_indices = @transform_3, window_bounds = array<i64: 512, 128>}]} {
    %get3A = arith.constant 0 : index
    %get3A_0 = arith.constant 0 : index
    %get3A_1 = vector.load %arg3[%get3A, %get3A_0] : memref<1x128xf32, #tpu.memory_space<vmem>>, vector<1x128xf32>
    %get3A_2 = vector.shape_cast %get3A_1 : vector<1x128xf32> to vector<128xf32>
    %broadcast_in_dim3A = vector.shape_cast %get3A_2 : vector<128xf32> to vector<1x128xf32>
    %broadcast_in_dim3A_3 = arith.constant 1.000000e+00 : f32
    %broadcast_in_dim3A_4 = vector.broadcast %broadcast_in_dim3A_3 : f32 to vector<512x1xf32>
    %mul3A = vector.broadcast %broadcast_in_dim3A : vector<1x128xf32> to vector<512x128xf32>
    %mul3A_5 = vector.broadcast %broadcast_in_dim3A_4 : vector<512x1xf32> to vector<512x128xf32>
    %mul3A_6 = arith.mulf %mul3A, %mul3A_5 : vector<512x128xf32>
    %get3A_7 = arith.constant 1 : index
    %get3A_8 = arith.constant 0 : index
    %get3A_9 = vector.load %arg2[%get3A_7, %get3A_8] : memref<6x512xf32, #tpu.memory_space<vmem>>, vector<1x512xf32>
    %get3A_10 = vector.shape_cast %get3A_9 : vector<1x512xf32> to vector<512xf32>
    %gt3A = arith.constant 0.000000e+00 : f32
    %gt3A_11 = vector.broadcast %gt3A : f32 to vector<512xf32>
    %gt3A_12 = arith.cmpf ogt, %get3A_10, %gt3A_11 : vector<512xf32>
    %max3A = arith.constant 9.99999996E-13 : f32
    %max3A_13 = vector.broadcast %max3A : f32 to vector<512xf32>
    %max3A_14 = arith.maximumf %get3A_10, %max3A_13 : vector<512xf32>
    %rsqrt3A = math.rsqrt %max3A_14 : vector<512xf32>
    %jit3A = arith.constant 0.000000e+00 : f32
    %broadcast_in_dim3A_15 = vector.broadcast %jit3A : f32 to vector<512xf32>
    %select_n3A = arith.select %gt3A_12, %rsqrt3A, %broadcast_in_dim3A_15 : vector<512xi1>, vector<512xf32>
    %get3A_16 = arith.constant 0 : index
    %get3A_17 = arith.constant 0 : index
    %get3A_18 = arith.constant 0 : index
    %get3A_19 = vector.load %arg1[%get3A_16, %get3A_17, %get3A_18] : memref<3x512x128xf32, #tpu.memory_space<vmem>>, vector<1x512x128xf32>
    %get3A_20 = vector.shape_cast %get3A_19 : vector<1x512x128xf32> to vector<512x128xf32>
    %broadcast_in_dim3A_21 = vector.shape_cast %select_n3A : vector<512xf32> to vector<512x1xf32>
    %mul3A_22 = vector.broadcast %broadcast_in_dim3A_21 : vector<512x1xf32> to vector<512x128xf32>
    %mul3A_23 = arith.mulf %get3A_20, %mul3A_22 : vector<512x128xf32>
    %add3A = arith.addf %mul3A_6, %mul3A_23 : vector<512x128xf32>
    %get3A_24 = arith.constant 3 : index
    %get3A_25 = arith.constant 0 : index
    %get3A_26 = vector.load %arg2[%get3A_24, %get3A_25] : memref<6x512xf32, #tpu.memory_space<vmem>>, vector<1x512xf32>
    %get3A_27 = vector.shape_cast %get3A_26 : vector<1x512xf32> to vector<512xf32>
    %gt3A_28 = arith.constant 0.000000e+00 : f32
    %gt3A_29 = vector.broadcast %gt3A_28 : f32 to vector<512xf32>
    %gt3A_30 = arith.cmpf ogt, %get3A_27, %gt3A_29 : vector<512xf32>
    %max3A_31 = arith.constant 9.99999996E-13 : f32
    %max3A_32 = vector.broadcast %max3A_31 : f32 to vector<512xf32>
    %max3A_33 = arith.maximumf %get3A_27, %max3A_32 : vector<512xf32>
    %rsqrt3A_34 = math.rsqrt %max3A_33 : vector<512xf32>
    %jit3A_35 = arith.constant 0.000000e+00 : f32
    %broadcast_in_dim3A_36 = vector.broadcast %jit3A_35 : f32 to vector<512xf32>
    %select_n3A_37 = arith.select %gt3A_30, %rsqrt3A_34, %broadcast_in_dim3A_36 : vector<512xi1>, vector<512xf32>
    %get3A_38 = arith.constant 1 : index
    %get3A_39 = arith.constant 0 : index
    %get3A_40 = arith.constant 0 : index
    %get3A_41 = vector.load %arg1[%get3A_38, %get3A_39, %get3A_40] : memref<3x512x128xf32, #tpu.memory_space<vmem>>, vector<1x512x128xf32>
    %get3A_42 = vector.shape_cast %get3A_41 : vector<1x512x128xf32> to vector<512x128xf32>
    %broadcast_in_dim3A_43 = vector.shape_cast %select_n3A_37 : vector<512xf32> to vector<512x1xf32>
    %mul3A_44 = vector.broadcast %broadcast_in_dim3A_43 : vector<512x1xf32> to vector<512x128xf32>
    %mul3A_45 = arith.mulf %get3A_42, %mul3A_44 : vector<512x128xf32>
    %add3A_46 = arith.addf %add3A, %mul3A_45 : vector<512x128xf32>
    %get3A_47 = arith.constant 5 : index
    %get3A_48 = arith.constant 0 : index
    %get3A_49 = vector.load %arg2[%get3A_47, %get3A_48] : memref<6x512xf32, #tpu.memory_space<vmem>>, vector<1x512xf32>
    %get3A_50 = vector.shape_cast %get3A_49 : vector<1x512xf32> to vector<512xf32>
    %gt3A_51 = arith.constant 0.000000e+00 : f32
    %gt3A_52 = vector.broadcast %gt3A_51 : f32 to vector<512xf32>
    %gt3A_53 = arith.cmpf ogt, %get3A_50, %gt3A_52 : vector<512xf32>
    %max3A_54 = arith.constant 9.99999996E-13 : f32
    %max3A_55 = vector.broadcast %max3A_54 : f32 to vector<512xf32>
    %max3A_56 = arith.maximumf %get3A_50, %max3A_55 : vector<512xf32>
    %rsqrt3A_57 = math.rsqrt %max3A_56 : vector<512xf32>
    %jit3A_58 = arith.constant 0.000000e+00 : f32
    %broadcast_in_dim3A_59 = vector.broadcast %jit3A_58 : f32 to vector<512xf32>
    %select_n3A_60 = arith.select %gt3A_53, %rsqrt3A_57, %broadcast_in_dim3A_59 : vector<512xi1>, vector<512xf32>
    %get3A_61 = arith.constant 2 : index
    %get3A_62 = arith.constant 0 : index
    %get3A_63 = arith.constant 0 : index
    %get3A_64 = vector.load %arg1[%get3A_61, %get3A_62, %get3A_63] : memref<3x512x128xf32, #tpu.memory_space<vmem>>, vector<1x512x128xf32>
    %get3A_65 = vector.shape_cast %get3A_64 : vector<1x512x128xf32> to vector<512x128xf32>
    %broadcast_in_dim3A_66 = vector.shape_cast %select_n3A_60 : vector<512xf32> to vector<512x1xf32>
    %mul3A_67 = vector.broadcast %broadcast_in_dim3A_66 : vector<512x1xf32> to vector<512x128xf32>
    %mul3A_68 = arith.mulf %get3A_65, %mul3A_67 : vector<512x128xf32>
    %add3A_69 = arith.addf %add3A_46, %mul3A_68 : vector<512x128xf32>
    %swap3A = arith.constant 0 : index
    %swap3A_70 = arith.constant 0 : index
    %swap3A_71 = vector.load %arg4[%swap3A, %swap3A_70] : memref<512x128xf32, #tpu.memory_space<vmem>>, vector<512x128xf32>
    tpu.vector_store %arg4[%swap3A, %swap3A_70], %add3A_69 {strides = array<i32>} : memref<512x128xf32, #tpu.memory_space<vmem>>, vector<512x128xf32>,
    return
  }
  func.func @transform_0(%arg0: i32) -> (i32, i32, i32) {
    %c0_i32 = arith.constant 0 : i32
    %c0_i32_0 = arith.constant 0 : i32
    %c0_i32_1 = arith.constant 0 : i32
    return %c0_i32, %arg0, %c0_i32_0 : i32, i32, i32
  }
  func.func @transform_1(%arg0: i32) -> (i32, i32) {
    %c0_i32 = arith.constant 0 : i32
    %c0_i32_0 = arith.constant 0 : i32
    return %c0_i32, %arg0 : i32, i32
  }
  func.func @transform_2(%arg0: i32) -> (i32, i32) {
    %c0_i32 = arith.constant 0 : i32
    %c0_i32_0 = arith.constant 0 : i32
    %c0_i32_1 = arith.constant 0 : i32
    return %c0_i32, %c0_i32_0 : i32, i32
  }
  func.func @transform_3(%arg0: i32) -> (i32, i32) {
    %c0_i32 = arith.constant 0 : i32
    %c0_i32_0 = arith.constant 0 : i32
    return %arg0, %c0_i32 : i32, i32
  }
}

</mosaic_0001>

<sc_bundles>
// kernel: kernel.12.cloned.1.call-start
scs
__scs_entry_jumppad:
0x0: {  	(pc) =	sbr.rel $0x88, $3  }
0x1: {  	(tag) =	ssettag $0x0;
	lr =	simm.s32 $0x1  }
0x2: {  	[smem:$0x3F91] =	sst lr;
	_ =	strace $0xD0000000  }
0x3: {  	_ = 	snop  }
0x4: {  	_ = 	snop  }
0x5: {  	_ = 	snop  }
0x6: {  	_ = 	snop  }
0x7: {  	_ = 	snop  }
__scs_overlays_trampoline_lowered:
0x8: {  	[smem:$0x3FA0] =	sst s0  }
0x9: {  	[smem:$0x3FA1] =	sst s1  }
0xa: {  	[smem:$0x3FA2] =	sst s2  }
0xb: {  	[smem:$0x3FA3] =	sst s3  }
0xc: {  	[smem:$0x3FA4] =	sst s4  }
0xd: {  	[smem:$0x3FA5] =	sst s5  }
0xe: {  	[smem:$0x3FA6] =	sst s6  }
0xf: {  	[smem:$0x3FA7] =	sst s7  }
0x10: {  	[smem:$0x3FA8] =	sst s8  }
0x11: {  	[smem:$0x3FA9] =	sst s9;
	s0 =	simm.s32 @!p0 $0x0  }
0x12: {  	s1 =	sld [smem:$0x3F8F];
	s0 =	simm.s32 @p0 $0x1  }
0x13: {  	[smem:$0x3FAA] =	sst s0;
	s0 =	simm.s32 @!p1 $0x0  }
0x14: {  	s2 =	sld [smem:$0x3F8E];
	s0 =	simm.s32 @p1 $0x1  }
0x15: {  	[smem:$0x3FAB] =	sst s0;
	s0 =	simm.s32 @!p2 $0x0  }
0x16: {  	s3 =	sld [smem:$0x3FDB];
	s0 =	simm.s32 @p2 $0x1  }
0x17: {  	s4 =	simm.s32 $0x1BF5;
	[smem:$0x3FAD] =	sst s0  }
0x18: {  	s0 =	sld [smem:$0x3F90];
	_ =	swait.ge [sflag:s4], $0x0  }
0x19: {  	s7 =	sld [smem:$0x3F91]  }
0x1a: {  	s8 =	sadd.s32 $0xFFFFE003, lr  }
0x1b: {  	s9 =	sadd.s32 $0xFFFFFEF7, lr;
	s5 =	simm.s32 $0xFFFFFFFF;
	p2 =	slt.u32 s8, $0xFFFFF086  }
0x1c: {  	p1 =	slt.u32 s9, $0xF7A;
	s5 =	simm.s32 @!p2 $0x0  }
0x1d: {  	s5 =	simm.s32 @p1 $0x1;
	p0 =	seq.s32 s7, s2  }
0x1e: {  	s7 =	smul.u32 @!p0 $0xF7A, s2;
	p2 =	seq.s32 @!p0 s5, $0x0  }
0x1f: {  	s9 =	smul.u32 $0xF7A, s1;
	s8 =	simm.s32 @!p0 $0x1BF5;
	p2 =	por !p2, p0  }
0x20: {  	[sflag:s8] =	ssyncset.s32 @!p0 $0xFFFFF086;
	s6 =	sadd.s32 @!p0 s3, s7;
	s7 =	simm.s32 @!p0 $0x108  }
0x21: {  	s3 =	sadd.s32 s3, s9;
	s6 =	sadd.s32 @!p0 $0x88, s6;
	s7 =	simm.s32 @p2 $0x1082  }
0x22: {  	[simem:s7], [sflag:s8] =	dma.local @!p0 [hbm:s6], $0xF7A  }
0x23: {  	s9 =	sor.u32 $0xD0000000, s2;
	s6 =	simm.s32 $0x108;
	_ =	swait.ge @!p0 [sflag:s8], $0x0  }
0x24: {  	s3 =	sadd.s32 $0x88, s3;
	s6 =	simm.s32 @!p1 $0x1082;
	[sflag:s4] =	ssyncset.s32 $0xFFFFF086  }
0x25: {  	[simem:s6], [sflag:s4] =	dma.local [hbm:s3], $0xF7A  }
0x26: {  	[smem:$0x3F91] =	sst s1;
	(tag) =	ssettag s2;
	_ =	strace s9  }
0x27: {  	s1 =	sld [smem:$0x3FA1]  }
0x28: {  	s2 =	sld [smem:$0x3FA2]  }
0x29: {  	s4 =	sld [smem:$0x3FA4]  }
0x2a: {  	p0 =	seq.s32 s5, $0x0;
	s5 =	sld [smem:$0x3FA5]  }
0x2b: {  	s6 =	sld [smem:$0x3FA6]  }
0x2c: {  	s7 =	sld [smem:$0x3FA7]  }
0x2d: {  	s3 =	simm.s32 $0x108;
	s8 =	sld [smem:$0x3FA8]  }
0x2e: {  	s3 =	simm.s32 @!p0 $0x1082;
	s9 =	sld [smem:$0x3FA9]  }
0x2f: {  	lr =	sadd.s32 s0, s3;
	s0 =	sld [smem:$0x3FA0]  }
0x30: {  	s3 =	sld [smem:$0x3FA3]  }
0x31: {  	[smem:$0x3FAC] =	sst s10  }
0x32: {  	s10 =	sld [smem:$0x3FAA];
	_ =	sdelay $0x3  }
0x33: {  	p0 =	seq.s32 s10, $0x1;
	s10 =	sld [smem:$0x3FAC];
	_ =	sdelay $0x3  }
0x34: {  	[smem:$0x3FAC] =	sst s10  }
0x35: {  	s10 =	sld [smem:$0x3FAB];
	_ =	sdelay $0x3  }
0x36: {  	p1 =	seq.s32 s10, $0x1;
	s10 =	sld [smem:$0x3FAC];
	_ =	sdelay $0x3  }
0x37: {  	[smem:$0x3FAC] =	sst s10  }
0x38: {  	s10 =	sld [smem:$0x3FAD]  }
0x39: {  	_ = 	snop;
	(pc) =	sbr.ind lr, $3  }
0x3a: {  	_ = 	snop  }
0x3b: {  	_ = 	snop  }
0x3c: {  	p2 =	seq.s32 s10, $0x1;
	s10 =	sld [smem:$0x3FAC]  }
0x3d: {  	_ =	shalt  }
0x3e: {  	_ =	shalt  }
0x3f: {  	_ =	shalt  }
0x40: {  	_ =	shalt  }
0x41: {  	_ =	shalt  }
0x42: {  	_ =	shalt  }
0x43: {  	_ =	shalt  }
0x44: {  	_ =	shalt  }
0x45: {  	_ =	shalt  }
0x46: {  	_ =	shalt  }
0x47: {  	_ =	shalt  }
0x48: {  	_ =	shalt  }
0x49: {  	_ =	shalt  }
0x4a: {  	_ =	shalt  }
0x4b: {  	_ =	shalt  }
0x4c: {  	_ =	shalt  }
0x4d: {  	_ =	shalt  }
0x4e: {  	_ =	shalt  }
0x4f: {  	_ =	shalt  }
0x50: {  	_ =	shalt  }
0x51: {  	_ =	shalt  }
0x52: {  	_ =	shalt  }
0x53: {  	_ =	shalt  }
0x54: {  	_ =	shalt  }
0x55: {  	_ =	shalt  }
0x56: {  	_ =	shalt  }
0x57: {  	_ =	shalt  }
0x58: {  	_ =	shalt  }
0x59: {  	_ =	shalt  }
0x5a: {  	_ =	shalt  }
0x5b: {  	_ =	shalt  }
0x5c: {  	_ =	shalt  }
0x5d: {  	_ =	shalt  }
0x5e: {  	_ =	shalt  }
0x5f: {  	_ =	shalt  }
0x60: {  	_ =	shalt  }
0x61: {  	_ =	shalt  }
0x62: {  	_ =	shalt  }
0x63: {  	_ =	shalt  }
0x64: {  	_ =	shalt  }
0x65: {  	_ =	shalt  }
0x66: {  	_ =	shalt  }
0x67: {  	_ =	shalt  }
0x68: {  	_ =	shalt  }
0x69: {  	_ =	shalt  }
0x6a: {  	_ =	shalt  }
0x6b: {  	_ =	shalt  }
0x6c: {  	_ =	shalt  }
0x6d: {  	_ =	shalt  }
0x6e: {  	_ =	shalt  }
0x6f: {  	_ =	shalt  }
0x70: {  	_ =	shalt  }
0x71: {  	_ =	shalt  }
0x72: {  	_ =	shalt  }
0x73: {  	_ =	shalt  }
0x74: {  	_ =	shalt  }
0x75: {  	_ =	shalt  }
0x76: {  	_ =	shalt  }
0x77: {  	_ =	shalt  }
0x78: {  	_ =	shalt  }
0x79: {  	_ =	shalt  }
0x7a: {  	_ =	shalt  }
0x7b: {  	_ =	shalt  }
0x7c: {  	_ =	shalt  }
0x7d: {  	_ =	shalt  }
0x7e: {  	_ =	shalt  }
0x7f: {  	_ =	shalt  }
0x80: {  	_ =	shalt  }
0x81: {  	_ =	shalt  }
0x82: {  	_ =	shalt  }
0x83: {  	_ =	shalt  }
0x84: {  	_ =	shalt  }
0x85: {  	_ =	shalt  }
0x86: {  	_ =	shalt  }
0x87: {  	_ =	shalt  }
.Lfunc_end0:
.L_simem_size_0:
called_computation.1_lowered:
.L_overlay_start_0:
0x88: {  	s2 =	sld [smem:$0x3FD9]  }
0x89: {  	s3 =	sld [smem:$0x3FFE];
	_ =	sdelay $0x1  }
0x8a: {  	s1 =	srdreg.scid  }
0x8b: {  	s0 =	sand.u32 $0x1, s1  }
0x8c: {  	s17 =	sshll.u32 s0, $0xA;
	s2 =	sadd.s32 s3, s2  }
0x8d: {  	s2 =	sadd.s32 s2, s17  }
0x8e: {  	[smem:$0x3FB8] =	sst s2  }
0x8f: {  	_ = 	snop  }
0x90: {  	s2 =	sld [smem:$0x3FD0];
	(tm) =	ssettm $0x1  }
0x91: {  	s18 =	sld [smem:$0x3FFB];
	_ =	sdelay $0x3  }
0x92: {  	_ =	strace s18  }
0x93: {  	s3 =	sld [smem:$0x3FFC];
	_ =	sdelay $0x3  }
0x94: {  	_ =	strace s3  }
0x95: {  	s3 =	sld [smem:$0x3FFD];
	_ =	sdelay $0x3  }
0x96: {  	_ =	strace s3  }
0x97: {  	_ =	strace $0x8FFFFFFF  }
0x98: {  	s19 =	sld [smem:$0x3FDB];
	_ =	sdelay $0x1  }
0x99: {  	s4 =	simm.s32 $_scs_section_size  }
0x9a: {  	s5 =	simm.s32 $_size__tile_overlayer_lowered;
	s6 =	simm.s32 $_tile_overlayer_lowered  }
0x9b: {  	s22 =	simm.s32 $0x1BFF;
	s21 =	sshll.u32 s6, $0x1;
	s3 =	sadd.s32 s4, s19  }
0x9c: {  	s7 =	simm.s32 $0x0;
	s20 =	sshll.u32 s5, $0x1;
	s5 =	sadd.s32 s21, s3  }
0x9d: {  	[timem:s7], [sflag:s22] =	dma.local [hbm:s5], s20  }
0x9e: {  	_ =	swait.ge [sflag:s22], s20  }
0x9f: {  	s4 =	ssub.s32 $0x0, s20;
	[sflag:s22] =	ssyncset.done $0x0  }
0xa0: {  	[sflag:s22] =	ssyncadd.s32 s4;
	_ =	sdelay $0x1  }
0xa1: {  	s23 =	simm.s32 $0x1B8B  }
0xa2: {  	_ =	swait.ge [sflag:s23], $0x1  }
0xa3: {  	[sflag:s23] =	ssyncset.done $0x0  }
0xa4: {  	s25 =	simm.s32 $0x1B8E;
	s24 =	sld [smem:$0x3FFE];
	[sflag:s23] =	ssyncadd.s32 $0xFFFFFFFF  }
0xa5: {  	s26 =	simm.s32 $execute0_lowered;
	[smem:$0x3FD2] =	sst s25  }
0xa6: {  	s5 =	sshll.u32 s26, $0x1;
	_ =	strace $0x80000046;
	[dreg:$0x1] =	wrdreg $0xFFFFFFFF  }
0xa7: {  	s28 =	simm.s32 $_size_execute0_lowered;
	s3 =	sadd.s32 s3, s5;
	[dreg:$0x0] =	wrdreg $0x0  }
0xa8: {  	s5 =	sshll.u32 s28, $0x1;
	[dreg:$0x2] =	wrdreg s3  }
0xa9: {  	[dreg:$0x3] =	wrdreg s5  }
0xaa: {  	[dreg:$0x4] =	wrdreg $0xC0  }
0xab: {  	_ =	task [dreg:s7], $0x5FFFF  }
0xac: {  	[dreg:$0x1] =	wrdreg $0xFFFFFFFF  }
0xad: {  	[dreg:$0x0] =	wrdreg $0x60  }
0xae: {  	[dreg:$0x2] =	wrdreg s2  }
0xaf: {  	[dreg:$0x3] =	wrdreg s24  }
0xb0: {  	[dreg:$0x4] =	wrdreg $0x0  }
0xb1: {  	[dreg:$0x5] =	wrdreg $0x64080  }
0xb2: {  	[dreg:$0x6] =	wrdreg $0xA  }
0xb3: {  	_ =	task.clear_ibuf [dreg:s7], $0x7FFFF;
	_ =	strace $0x90000046  }
0xb4: {  	s29 =	simm.s32 $0xA;
	_ =	strace $0x80000048  }
0xb5: {  	_ =	swait.ge [sflag:s29], $0x1  }
0xb6: {  	[sflag:s29] =	ssyncadd.s32 $0xFFFFFFFF  }
0xb7: {  	_ =	strace $0x90000048  }
0xb8: {  	_ =	sfence  }
0xb9: {  	s30 =	sld [smem:$0x0];
	_ =	sdelay $0x2  }
0xba: {  	s31 =	sshll.u32 s1, $0xD;
	s1 =	sshrl.u32 s1, $0x2  }
0xbb: {  	s3 =	sand.u32 $0x4000, s31;
	s1 =	sadd.s32 s1, s30  }
0xbc: {  	s0 =	sor.u32 s3, s0;
	s1 =	sshll.u32 s1, $0x11  }
0xbd: {  	s0 =	sor.u32 s1, s0  }
0xbe: {  	s0 =	sadd.s32 $0x8F2B, s0  }
0xbf: {  	[sflag:s0] =	ssyncadd.remote.s32 $0x1  }
0xc0: {  	_ =	sfence.sel $0xFFFF  }
0xc1: {  	[dreg:$0x0] =	wrdreg $0xFFFFFFFF;
	(pc) =	sbr.abs _section_cstart, $3  }
0xc2: {  	[dreg:$0x1] =	wrdreg $0xFFFFFFFF  }
0xc3: {  	_ =	task.clear_ibuf [dreg:s7], $0x2FFFF;
	_ =	strace $0x9FFFFFFF  }
0xc4: {  	(tm) =	ssettm $0x7FFFFFFF  }
0xc5: {  	_ =	shalt  }
tec
execute0_lowered:
.L_overlay_start_1:
0x0: {  	(tag) =	ssettag $0x1  }
0x1: {  	s1 =	rddreg [dreg:$0x0]  }
0x2: {  	s0 =	rddreg [dreg:$0x1]  }
0x3: {  	s2 =	rddreg [dreg:$0x2]  }
0x4: {  	s3 =	rddreg [dreg:$0x3];
	s4 =	simm.s32 $0x0;
	s7 =	srdreg.scid  }
0x5: {  	s16 =	stileid.u32;
	s22 =	simm.s32 $0xC810;
	s23 =	simm.s32 $0xFC10  }
0x6: {  	s24 =	simm.s32 $0x13010;
	s25 =	simm.s32 $0x80;
	s26 =	simm.s32 $0x1  }
0x7: {  	s28 =	simm.s32 $0x10;
	[smem:$0x7FF] =	sst s4;
	s5 =	sadd.s32 $0x3AC00, s0  }
0x8: {  	s6 =	sadd.s32 $0xC800, s0;
	s11 =	sand.u32 $0x1, s7;
	s7 =	sadd.s32 $0x2B800, s0  }
0x9: {  	s9 =	sadd.s32 $0x4E400, s0;
	s14 =	smul.u32 $0x6400, s16;
	s10 =	sadd.s32 $0x73C00, s0  }
0xa: {  	s13 =	sshll.u32 s16, $0x6;
	s15 =	sshrl.u32 s16, $0x3;
	s31 =	sshll.u32 s16, $0x7  }
0xb: {  	s20 =	sadd.s32 $0x64000, s2;
	s21 =	sadd.s32 $0x64000, s3;
	p0 =	sne.s32 s16, $0x0  }
0xc: {  	_ =	strace $0x80000047;
	s8 =	ssub.s32 $0x2, s11;
	s11 =	sshll.u32 s11, $0x1  }
0xd: {  	s13 =	sor.u32 $0x1C02, s13;
	s15 =	smul.u32 $0x32000, s15;
	s18 =	sand.u32 $0x380, s31  }
0xe: {  	s20 =	sshrl.u32 @!p0 s20, $0x3;
	s21 =	sshrl.u32 @!p0 s21, $0x3;
	s12 =	sshrl.u32 s8, $0x1  }
0xf: {  	s17 =	sadd.s32 s14, s2;
	s30 =	sshrl.u32 s14, $0x3;
	s19 =	sadd.s32 s14, s3  }
0x10: {  	s14 =	smul.u32 $0x3400, s16;
	s29 =	ssub.s32 s8, s12;
	s12 =	sadd.s32 s7, s30  }
0x11: {  	s15 =	sor.u32 s18, s15;
	s17 =	sshrl.u32 s17, $0x3;
	s0 =	smax.u32 s29, $0x1  }
0x12: {  	s18 =	simm.s32 $0x2;
	s19 =	sshrl.u32 s19, $0x3;
	[dreg:$0x6] =	wrdreg s0  }
.LBB2_1:
0x13: {  	[dreg:$0x5] =	wrdreg s4;
	s29 =	simm.s32 $0x0  }
.LBB2_2:
0x14: {  	[spmem:s17], [sflag:s13] =	dma.local [hbm:s12], $0xC80  }
0x15: {  	_ =	swait.ge [sflag:s18], $0xC80  }
0x16: {  	[sflag:s18] =	ssyncset.done $0x0  }
0x17: {  	[sflag:s18] =	ssyncadd.s32 $0xFFFFF380  }
0x18: {  	[spmem:s19], [sflag:s13] =	dma.local [hbm:s12], $0xC80  }
0x19: {  	_ =	swait.ge [sflag:s18], $0xC80  }
0x1a: {  	[sflag:s18] =	ssyncset.done $0x0  }
0x1b: {  	s0 =	simm.s32 @!p0 $0x2;
	[sflag:s18] =	ssyncadd.s32 $0xFFFFF380  }
0x1c: {  	[spmem:s20], [sflag:s13] =	dma.local @!p0 [hbm:s7], $0x10  }
0x1d: {  	_ =	swait.ge @!p0 [sflag:s0], $0x10  }
0x1e: {  	s30 =	sadd.s32 s11, s29;
	[sflag:s0] =	ssyncset.done @!p0 $0x0  }
0x1f: {  	s16 =	smul.u32 $0x34000, s30;
	[sflag:s0] =	ssyncadd.s32 @!p0 $0xFFFFFFF0  }
0x20: {  	[spmem:s21], [sflag:s13] =	dma.local @!p0 [hbm:s7], $0x10  }
0x21: {  	_ =	swait.ge @!p0 [sflag:s0], $0x10  }
0x22: {  	s16 =	sadd.s32 s14, s16;
	[sflag:s0] =	ssyncset.done @!p0 $0x0  }
0x23: {  	[sflag:s0] =	ssyncadd.s32 @!p0 $0xFFFFFFF0;
	s0 =	sshrl.u32 s16, $0x3  }
0x24: {  	s31 =	simm.s32 $0x0;
	[bflag:$0x0] =	sbarrier.arrive $0xFFFF;
	s16 =	sadd.s32 s1, s0  }
0x25: {  	[tilespmem:s22], [sflag:$0x2] =	stream.linear.gather [hbm4b:s16+s31], $0x3200, $0x38;
	[tilespmem:$0x16410] =	vst v63  }
0x26: {  	_ =	swait.ge [sflag:s18], $0x3200  }
0x27: {  	[sflag:s18] =	ssyncset.done $0x0  }
0x28: {  	s4 =	sadd.s32 s5, s0;
	[sflag:s18] =	ssyncadd.s32 $0xFFFFCE00  }
0x29: {  	[tilespmem:s23], [sflag:$0x2] =	stream.linear.gather [hbm4b:s4+s31], $0x3200, $0x38;
	[tilespmem:$0x16410] =	vst v63  }
0x2a: {  	_ =	swait.ge [sflag:s18], $0x3200  }
0x2b: {  	[sflag:s18] =	ssyncset.done $0x0  }
0x2c: {  	s0 =	sadd.s32 s6, s0;
	[sflag:s18] =	ssyncadd.s32 $0xFFFFCE00  }
0x2d: {  	[tilespmem:s24], [sflag:$0x2] =	stream.linear.gather [hbm4b:s0+s31], $0x3200, $0x38;
	[tilespmem:$0x16410] =	vst v63  }
0x2e: {  	_ =	swait.ge [sflag:s18], $0x3200  }
0x2f: {  	s16 =	simm.s32 $0x13010;
	s4 =	simm.s32 $0xFC10;
	[sflag:s18] =	ssyncset.done $0x0  }
0x30: {  	s0 =	simm.s32 $0xC810;
	s31 =	simm.s32 $0x200;
	[sflag:s18] =	ssyncadd.s32 $0xFFFFCE00  }
0x31: {  	[spmem:s2] =	stream.indirect.scatter [tilespmem:s4], [sflag:$0x1], $0x1, s0, s25, $0xb8;
	[tilespmem:$0x16410] =	vst v63  }
.LBB2_3:
0x32: {  	[spmem:s3] =	stream.indirect.scatter [tilespmem:s16], [sflag:$0x1], $0x1, s0, s25, $0xb8;
	[tilespmem:$0x16410] =	vst v63  }
0x33: {  	s0 =	smov.u32 s31;
	p1 =	sne.s32 s31, $0xC600  }
.Ltmp0:
0x34: {  	s31 =	sadd.s32 $0x200, s31;
	(pc) =	sbr.rel @p1 .LBB2_3-.Ltmp0, $4  }
0x35: {  	s16 =	sshra.s32 s0, $0x2  }
0x36: {  	s4 =	sadd.s32 $0xFC10, s16;
	s0 =	sadd.s32 $0xC810, s16  }
0x37: {  	[spmem:s2] =	stream.indirect.scatter [tilespmem:s4], [sflag:$0x1], $0x1, s0, s25, $0xb8;
	[tilespmem:$0x16410] =	vst v63  }
0x38: {  	s16 =	sadd.s32 $0x13010, s16  }
0x39: {  	[spmem:s3] =	stream.indirect.scatter [tilespmem:s16], [sflag:$0x1], $0x1, s0, s25, $0xb8;
	[tilespmem:$0x16410] =	vst v63  }
0x3a: {  	_ =	swait.ge [sflag:s26], $0x80  }
0x3b: {  	[sflag:s26] =	ssyncset.done $0x0  }
0x3c: {  	[sflag:s26] =	ssyncadd.s32 $0xFFFFFF80  }
0x3d: {  	_ =	swait.ge [sflag:s26], $0x80  }
0x3e: {  	s31 =	simm.s32 $0x63;
	[sflag:s26] =	ssyncset.done $0x0  }
.LBB2_5:
0x3f: {  	p1 =	sne.s32 s31, $0x1;
	s31 =	sadd.s32 $0xFFFFFFFF, s31;
	[sflag:s26] =	ssyncadd.s32 $0xFFFFFF80  }
.Ltmp1:
0x40: {  	_ =	swait.ge [sflag:s26], $0x80;
	(pc) =	sbr.rel @p1 .LBB2_5-.Ltmp1, $4  }
0x41: {  	[sflag:s26] =	ssyncset.done $0x0  }
0x42: {  	[sflag:s26] =	ssyncadd.s32 $0xFFFFFF80  }
0x43: {  	_ =	swait.ge [sflag:s26], $0x80  }
0x44: {  	[sflag:s26] =	ssyncset.done $0x0  }
0x45: {  	s0 =	smul.u32 $0x64000, s30;
	_ =	sdelay $0x1  }
0x46: {  	s0 =	sadd.s32 s15, s0  }
0x47: {  	[sflag:s26] =	ssyncadd.s32 $0xFFFFFF80;
	s0 =	sshrl.u32 s0, $0x3  }
0x48: {  	[bflag:$0x0] =	sbarrier.arrive $0xFFFF;
	s4 =	sadd.s32 s9, s0  }
0x49: {  	[hbm:s4@s25], [sflag:s13] =	dma.strided [spmem:s17@s28], $0xC80, s26, $0x10   }
0x4a: {  	s29 =	sadd.s32 $0x1, s29;
	_ =	swait.ge [sflag:s18], $0xC80  }
0x4b: {  	p1 =	sne.s32 s29, s8;
	[sflag:s18] =	ssyncset.done $0x0  }
.Ltmp2:
0x4c: {  	s0 =	sadd.s32 s10, s0;
	[sflag:s18] =	ssyncadd.s32 $0xFFFFF380;
	(pc) =	sbr.rel @p1 .LBB2_2-.Ltmp2, $4  }
0x4d: {  	[hbm:s0@s25], [sflag:s13] =	dma.strided [spmem:s19@s28], $0xC80, s26, $0x10   }
0x4e: {  	_ =	swait.ge [sflag:s18], $0xC80  }
0x4f: {  	[sflag:s18] =	ssyncset.done $0x0  }
0x50: {  	[sflag:s18] =	ssyncadd.s32 $0xFFFFF380  }
0x51: {  	s4 =	rddreg [dreg:$0x5]  }
0x52: {  	s0 =	rddreg [dreg:$0x6];
	s4 =	sadd.s32 $0x1, s4  }
0x53: {  	p1 =	sne.s32 s4, s0  }
.Ltmp3:
0x54: {  	_ = 	snop;
	(pc) =	sbr.rel @p1 .LBB2_1-.Ltmp3, $1  }
0x55: {  	_ =	sdelay $0x3  }
0x56: {  	_ =	sfence.sel $0x180000  }
0x57: {  	[bflag:$0x0] =	sbarrier.arrive $0xFFFF  }
0x58: {  	_ =	strace $0x90000047  }
0x59: {  	[bflag:$0x2] =	sbarrier.arrive $0xFFFF  }
0x5a: {  	s0 =	rddreg [dreg:$0x4]  }
0x5b: {  	s0 =	sadd.s32 @!p0 $0x100000, s0  }
0x5c: {  	[sflag:s0] =	ssyncadd.tile.s32 @!p0 $0x1;
	_ =	shalt  }
.Lfunc_end2:
_tile_overlayer_lowered:
.L_overlay_start_2:
0x5d: {  	(tag) =	ssettag $0x2  }
0x5e: {  	s0 =	rddreg [dreg:$0x0];
	s2 =	stileid.u32  }
0x5f: {  	s1 =	rddreg [dreg:$0x1];
	p0 =	sne.s32 s2, $0x0  }
0x60: {  	s3 =	rddreg [dreg:$0x2];
	[bflag:$0x3] =	sbarrier.arrive $0xFFFF;
	s2 =	simm.s32 @!p0 $0x1C02  }
0x61: {  	[timem:s3], [sflag:s2] =	dma.local @!p0 [hbm:s0], s1  }
0x62: {  	s0 =	simm.s32 @!p0 $0x2  }
0x63: {  	_ =	swait.ge @!p0 [sflag:s0], s1  }
0x64: {  	s1 =	ssub.s32 @!p0 $0x0, s1;
	[sflag:s0] =	ssyncset.done @!p0 $0x0  }
0x65: {  	[sflag:s0] =	ssyncadd.s32 @!p0 s1  }
0x66: {  	[bflag:$0x3] =	sbarrier.arrive $0xFFFF  }
0x67: {  	_ =	shalt  }

// kernel: kernel.15.cloned.1.call-start
scs
__scs_entry_jumppad:
0x0: {  	(pc) =	sbr.rel $0x88, $3  }
0x1: {  	(tag) =	ssettag $0x0;
	lr =	simm.s32 $0x1  }
0x2: {  	[smem:$0x3F91] =	sst lr;
	_ =	strace $0xD0000000  }
0x3: {  	_ = 	snop  }
0x4: {  	_ = 	snop  }
0x5: {  	_ = 	snop  }
0x6: {  	_ = 	snop  }
0x7: {  	_ = 	snop  }
__scs_overlays_trampoline_lowered:
0x8: {  	[smem:$0x3FA0] =	sst s0  }
0x9: {  	[smem:$0x3FA1] =	sst s1  }
0xa: {  	[smem:$0x3FA2] =	sst s2  }
0xb: {  	[smem:$0x3FA3] =	sst s3  }
0xc: {  	[smem:$0x3FA4] =	sst s4  }
0xd: {  	[smem:$0x3FA5] =	sst s5  }
0xe: {  	[smem:$0x3FA6] =	sst s6  }
0xf: {  	[smem:$0x3FA7] =	sst s7  }
0x10: {  	[smem:$0x3FA8] =	sst s8  }
0x11: {  	[smem:$0x3FA9] =	sst s9;
	s0 =	simm.s32 @!p0 $0x0  }
0x12: {  	s1 =	sld [smem:$0x3F8F];
	s0 =	simm.s32 @p0 $0x1  }
0x13: {  	[smem:$0x3FAA] =	sst s0;
	s0 =	simm.s32 @!p1 $0x0  }
0x14: {  	s2 =	sld [smem:$0x3F8E];
	s0 =	simm.s32 @p1 $0x1  }
0x15: {  	[smem:$0x3FAB] =	sst s0;
	s0 =	simm.s32 @!p2 $0x0  }
0x16: {  	s3 =	sld [smem:$0x3FDB];
	s0 =	simm.s32 @p2 $0x1  }
0x17: {  	s4 =	simm.s32 $0x1BF5;
	[smem:$0x3FAD] =	sst s0  }
0x18: {  	s0 =	sld [smem:$0x3F90];
	_ =	swait.ge [sflag:s4], $0x0  }
0x19: {  	s7 =	sld [smem:$0x3F91]  }
0x1a: {  	s8 =	sadd.s32 $0xFFFFE003, lr  }
0x1b: {  	s9 =	sadd.s32 $0xFFFFFEF7, lr;
	s5 =	simm.s32 $0xFFFFFFFF;
	p2 =	slt.u32 s8, $0xFFFFF086  }
0x1c: {  	p1 =	slt.u32 s9, $0xF7A;
	s5 =	simm.s32 @!p2 $0x0  }
0x1d: {  	s5 =	simm.s32 @p1 $0x1;
	p0 =	seq.s32 s7, s2  }
0x1e: {  	s7 =	smul.u32 @!p0 $0xF7A, s2;
	p2 =	seq.s32 @!p0 s5, $0x0  }
0x1f: {  	s9 =	smul.u32 $0xF7A, s1;
	s8 =	simm.s32 @!p0 $0x1BF5;
	p2 =	por !p2, p0  }
0x20: {  	[sflag:s8] =	ssyncset.s32 @!p0 $0xFFFFF086;
	s6 =	sadd.s32 @!p0 s3, s7;
	s7 =	simm.s32 @!p0 $0x108  }
0x21: {  	s3 =	sadd.s32 s3, s9;
	s6 =	sadd.s32 @!p0 $0x88, s6;
	s7 =	simm.s32 @p2 $0x1082  }
0x22: {  	[simem:s7], [sflag:s8] =	dma.local @!p0 [hbm:s6], $0xF7A  }
0x23: {  	s9 =	sor.u32 $0xD0000000, s2;
	s6 =	simm.s32 $0x108;
	_ =	swait.ge @!p0 [sflag:s8], $0x0  }
0x24: {  	s3 =	sadd.s32 $0x88, s3;
	s6 =	simm.s32 @!p1 $0x1082;
	[sflag:s4] =	ssyncset.s32 $0xFFFFF086  }
0x25: {  	[simem:s6], [sflag:s4] =	dma.local [hbm:s3], $0xF7A  }
0x26: {  	[smem:$0x3F91] =	sst s1;
	(tag) =	ssettag s2;
	_ =	strace s9  }
0x27: {  	s1 =	sld [smem:$0x3FA1]  }
0x28: {  	s2 =	sld [smem:$0x3FA2]  }
0x29: {  	s4 =	sld [smem:$0x3FA4]  }
0x2a: {  	p0 =	seq.s32 s5, $0x0;
	s5 =	sld [smem:$0x3FA5]  }
0x2b: {  	s6 =	sld [smem:$0x3FA6]  }
0x2c: {  	s7 =	sld [smem:$0x3FA7]  }
0x2d: {  	s3 =	simm.s32 $0x108;
	s8 =	sld [smem:$0x3FA8]  }
0x2e: {  	s3 =	simm.s32 @!p0 $0x1082;
	s9 =	sld [smem:$0x3FA9]  }
0x2f: {  	lr =	sadd.s32 s0, s3;
	s0 =	sld [smem:$0x3FA0]  }
0x30: {  	s3 =	sld [smem:$0x3FA3]  }
0x31: {  	[smem:$0x3FAC] =	sst s10  }
0x32: {  	s10 =	sld [smem:$0x3FAA];
	_ =	sdelay $0x3  }
0x33: {  	p0 =	seq.s32 s10, $0x1;
	s10 =	sld [smem:$0x3FAC];
	_ =	sdelay $0x3  }
0x34: {  	[smem:$0x3FAC] =	sst s10  }
0x35: {  	s10 =	sld [smem:$0x3FAB];
	_ =	sdelay $0x3  }
0x36: {  	p1 =	seq.s32 s10, $0x1;
	s10 =	sld [smem:$0x3FAC];
	_ =	sdelay $0x3  }
0x37: {  	[smem:$0x3FAC] =	sst s10  }
0x38: {  	s10 =	sld [smem:$0x3FAD]  }
0x39: {  	_ = 	snop;
	(pc) =	sbr.ind lr, $3  }
0x3a: {  	_ = 	snop  }
0x3b: {  	_ = 	snop  }
0x3c: {  	p2 =	seq.s32 s10, $0x1;
	s10 =	sld [smem:$0x3FAC]  }
0x3d: {  	_ =	shalt  }
0x3e: {  	_ =	shalt  }
0x3f: {  	_ =	shalt  }
0x40: {  	_ =	shalt  }
0x41: {  	_ =	shalt  }
0x42: {  	_ =	shalt  }
0x43: {  	_ =	shalt  }
0x44: {  	_ =	shalt  }
0x45: {  	_ =	shalt  }
0x46: {  	_ =	shalt  }
0x47: {  	_ =	shalt  }
0x48: {  	_ =	shalt  }
0x49: {  	_ =	shalt  }
0x4a: {  	_ =	shalt  }
0x4b: {  	_ =	shalt  }
0x4c: {  	_ =	shalt  }
0x4d: {  	_ =	shalt  }
0x4e: {  	_ =	shalt  }
0x4f: {  	_ =	shalt  }
0x50: {  	_ =	shalt  }
0x51: {  	_ =	shalt  }
0x52: {  	_ =	shalt  }
0x53: {  	_ =	shalt  }
0x54: {  	_ =	shalt  }
0x55: {  	_ =	shalt  }
0x56: {  	_ =	shalt  }
0x57: {  	_ =	shalt  }
0x58: {  	_ =	shalt  }
0x59: {  	_ =	shalt  }
0x5a: {  	_ =	shalt  }
0x5b: {  	_ =	shalt  }
0x5c: {  	_ =	shalt  }
0x5d: {  	_ =	shalt  }
0x5e: {  	_ =	shalt  }
0x5f: {  	_ =	shalt  }
0x60: {  	_ =	shalt  }
0x61: {  	_ =	shalt  }
0x62: {  	_ =	shalt  }
0x63: {  	_ =	shalt  }
0x64: {  	_ =	shalt  }
0x65: {  	_ =	shalt  }
0x66: {  	_ =	shalt  }
0x67: {  	_ =	shalt  }
0x68: {  	_ =	shalt  }
0x69: {  	_ =	shalt  }
0x6a: {  	_ =	shalt  }
0x6b: {  	_ =	shalt  }
0x6c: {  	_ =	shalt  }
0x6d: {  	_ =	shalt  }
0x6e: {  	_ =	shalt  }
0x6f: {  	_ =	shalt  }
0x70: {  	_ =	shalt  }
0x71: {  	_ =	shalt  }
0x72: {  	_ =	shalt  }
0x73: {  	_ =	shalt  }
0x74: {  	_ =	shalt  }
0x75: {  	_ =	shalt  }
0x76: {  	_ =	shalt  }
0x77: {  	_ =	shalt  }
0x78: {  	_ =	shalt  }
0x79: {  	_ =	shalt  }
0x7a: {  	_ =	shalt  }
0x7b: {  	_ =	shalt  }
0x7c: {  	_ =	shalt  }
0x7d: {  	_ =	shalt  }
0x7e: {  	_ =	shalt  }
0x7f: {  	_ =	shalt  }
0x80: {  	_ =	shalt  }
0x81: {  	_ =	shalt  }
0x82: {  	_ =	shalt  }
0x83: {  	_ =	shalt  }
0x84: {  	_ =	shalt  }
0x85: {  	_ =	shalt  }
0x86: {  	_ =	shalt  }
0x87: {  	_ =	shalt  }
.Lfunc_end0:
.L_simem_size_0:
called_computation.2_lowered:
.L_overlay_start_0:
0x88: {  	s2 =	sld [smem:$0x3FD9]  }
0x89: {  	s3 =	sld [smem:$0x3FFE];
	_ =	sdelay $0x1  }
0x8a: {  	s1 =	srdreg.scid  }
0x8b: {  	s0 =	sand.u32 $0x1, s1  }
0x8c: {  	s17 =	sshll.u32 s0, $0xA;
	s2 =	sadd.s32 s3, s2  }
0x8d: {  	s2 =	sadd.s32 s2, s17  }
0x8e: {  	[smem:$0x3FB8] =	sst s2  }
0x8f: {  	_ = 	snop  }
0x90: {  	s2 =	sld [smem:$0x3FD0];
	(tm) =	ssettm $0x1  }
0x91: {  	s18 =	sld [smem:$0x3FFB];
	_ =	sdelay $0x3  }
0x92: {  	_ =	strace s18  }
0x93: {  	s3 =	sld [smem:$0x3FFC];
	_ =	sdelay $0x3  }
0x94: {  	_ =	strace s3  }
0x95: {  	s3 =	sld [smem:$0x3FFD];
	_ =	sdelay $0x3  }
0x96: {  	_ =	strace s3  }
0x97: {  	_ =	strace $0x8FFFFFFF  }
0x98: {  	s19 =	sld [smem:$0x3FDB];
	_ =	sdelay $0x1  }
0x99: {  	s4 =	simm.s32 $_scs_section_size  }
0x9a: {  	s5 =	simm.s32 $_size__tile_overlayer_lowered;
	s6 =	simm.s32 $_tile_overlayer_lowered  }
0x9b: {  	s22 =	simm.s32 $0x1BFF;
	s21 =	sshll.u32 s6, $0x1;
	s3 =	sadd.s32 s4, s19  }
0x9c: {  	s7 =	simm.s32 $0x0;
	s20 =	sshll.u32 s5, $0x1;
	s5 =	sadd.s32 s21, s3  }
0x9d: {  	[timem:s7], [sflag:s22] =	dma.local [hbm:s5], s20  }
0x9e: {  	_ =	swait.ge [sflag:s22], s20  }
0x9f: {  	s4 =	ssub.s32 $0x0, s20;
	[sflag:s22] =	ssyncset.done $0x0  }
0xa0: {  	[sflag:s22] =	ssyncadd.s32 s4;
	_ =	sdelay $0x1  }
0xa1: {  	s23 =	simm.s32 $0x1B8B  }
0xa2: {  	_ =	swait.ge [sflag:s23], $0x1  }
0xa3: {  	[sflag:s23] =	ssyncset.done $0x0  }
0xa4: {  	s25 =	simm.s32 $0x1B8E;
	s24 =	sld [smem:$0x3FFE];
	[sflag:s23] =	ssyncadd.s32 $0xFFFFFFFF  }
0xa5: {  	s26 =	simm.s32 $execute0_lowered;
	[smem:$0x3FD2] =	sst s25  }
0xa6: {  	s5 =	sshll.u32 s26, $0x1;
	_ =	strace $0x8000004C;
	[dreg:$0x1] =	wrdreg $0xFFFFFFFF  }
0xa7: {  	s28 =	simm.s32 $_size_execute0_lowered;
	s3 =	sadd.s32 s3, s5;
	[dreg:$0x0] =	wrdreg $0x0  }
0xa8: {  	s5 =	sshll.u32 s28, $0x1;
	[dreg:$0x2] =	wrdreg s3  }
0xa9: {  	[dreg:$0x3] =	wrdreg s5  }
0xaa: {  	[dreg:$0x4] =	wrdreg $0xC0  }
0xab: {  	_ =	task [dreg:s7], $0x5FFFF  }
0xac: {  	[dreg:$0x1] =	wrdreg $0xFFFFFFFF  }
0xad: {  	[dreg:$0x0] =	wrdreg $0x60  }
0xae: {  	[dreg:$0x2] =	wrdreg s2  }
0xaf: {  	[dreg:$0x3] =	wrdreg s24  }
0xb0: {  	[dreg:$0x4] =	wrdreg $0x0  }
0xb1: {  	[dreg:$0x5] =	wrdreg $0x9  }
0xb2: {  	_ =	task.clear_ibuf [dreg:s7], $0x6FFFF;
	_ =	strace $0x9000004C  }
0xb3: {  	s29 =	simm.s32 $0x9;
	_ =	strace $0x8000004E  }
0xb4: {  	_ =	swait.ge [sflag:s29], $0x1  }
0xb5: {  	[sflag:s29] =	ssyncadd.s32 $0xFFFFFFFF  }
0xb6: {  	_ =	strace $0x9000004E  }
0xb7: {  	_ =	sfence  }
0xb8: {  	s30 =	sld [smem:$0x0];
	_ =	sdelay $0x2  }
0xb9: {  	s31 =	sshll.u32 s1, $0xD;
	s1 =	sshrl.u32 s1, $0x2  }
0xba: {  	s3 =	sand.u32 $0x4000, s31;
	s1 =	sadd.s32 s1, s30  }
0xbb: {  	s0 =	sor.u32 s3, s0;
	s1 =	sshll.u32 s1, $0x11  }
0xbc: {  	s0 =	sor.u32 s1, s0  }
0xbd: {  	s0 =	sadd.s32 $0x8F2B, s0  }
0xbe: {  	[sflag:s0] =	ssyncadd.remote.s32 $0x1  }
0xbf: {  	_ =	sfence.sel $0xFFFF  }
0xc0: {  	[dreg:$0x0] =	wrdreg $0xFFFFFFFF;
	(pc) =	sbr.abs _section_cstart, $3  }
0xc1: {  	[dreg:$0x1] =	wrdreg $0xFFFFFFFF  }
0xc2: {  	_ =	task.clear_ibuf [dreg:s7], $0x2FFFF;
	_ =	strace $0x9FFFFFFF  }
0xc3: {  	(tm) =	ssettm $0x7FFFFFFF  }
tec
execute0_lowered:
.L_overlay_start_1:
0x0: {  	(tag) =	ssettag $0x1  }
0x1: {  	s1 =	rddreg [dreg:$0x0]  }
0x2: {  	s0 =	rddreg [dreg:$0x1]  }
0x3: {  	s2 =	rddreg [dreg:$0x2];
	s3 =	simm.s32 $0x0;
	s14 =	srdreg.scid  }
0x4: {  	s4 =	stileid.u32;
	s28 =	simm.s32 $0xE400;
	s29 =	simm.s32 $0xCC80  }
0x5: {  	s30 =	simm.s32 $0x10C00;
	[smem:$0x7FF] =	sst s3;
	s5 =	sadd.s32 $0x29800, s0  }
0x6: {  	s6 =	sadd.s32 $0x188400, s0;
	s3 =	sand.u32 $0x1, s14;
	s7 =	sadd.s32 $0xC800, s0  }
0x7: {  	s15 =	sadd.s32 $0x29600, s0;
	_ =	strace $0x8000004D;
	[dreg:$0x4] =	wrdreg s7  }
0x8: {  	s8 =	smul.u32 $0x33000, s4;
	s0 =	sadd.s32 $0x3E0400, s0;
	[dreg:$0x5] =	wrdreg s15  }
0x9: {  	s18 =	sxor.u32 $0xFFFFFFFF, s4;
	s20 =	smul.u32 $0x190, s4;
	[dreg:$0x6] =	wrdreg s0  }
0xa: {  	s9 =	ssub.s32 $0x2, s3;
	s3 =	sshll.u32 s3, $0x2;
	[dreg:$0x8] =	wrdreg s18  }
0xb: {  	s21 =	smul.u32 $0xFFFFFFEC, s4;
	s22 =	sshll.u32 s4, $0x6;
	[dreg:$0x7] =	wrdreg s3  }
0xc: {  	s17 =	smul.u32 $0x32000, s4;
	s13 =	sor.u32 $0x1C07, s22;
	[dreg:$0x9] =	wrdreg s20  }
0xd: {  	s16 =	sshrl.u32 s9, $0x1;
	s8 =	sshrl.u32 s8, $0x2;
	[dreg:$0xa] =	wrdreg s21  }
0xe: {  	[dreg:$0xc] =	wrdreg s13;
	s0 =	ssub.s32 s9, s16;
	s8 =	sadd.s32 s8, s2  }
0xf: {  	s9 =	sshrl.u32 s17, $0x2;
	s19 =	sadd.s32 $0x3400, s8;
	s0 =	smax.u32 s0, $0x1  }
0x10: {  	s10 =	sadd.s32 $0x6800, s8;
	s23 =	sshrl.u32 s8, $0x3;
	[dreg:$0xb] =	wrdreg s0  }
0x11: {  	s11 =	sadd.s32 $0x9C00, s8;
	[dreg:$0xd] =	wrdreg s23;
	s24 =	sshrl.u32 s19, $0x3  }
.Ltmp0:
0x12: {  	s25 =	sshrl.u32 s10, $0x3;
	[dreg:$0xe] =	wrdreg s24;
	(pc) =	sbr.rel .LBB2_1-.Ltmp0, $4  }
0x13: {  	s9 =	sadd.s32 s9, s2;
	s26 =	sshrl.u32 s11, $0x3;
	[dreg:$0xf] =	wrdreg s25  }
0x14: {  	s18 =	simm.s32 $0x1;
	s31 =	sshrl.u32 s9, $0x3;
	[dreg:$0x10] =	wrdreg s26  }
0x15: {  	s3 =	simm.s32 $0x0;
	s16 =	simm.s32 $0x7;
	[dreg:$0x11] =	wrdreg s31  }
0x16: {  	s24 =	simm.s32 $0xCC00;
	s25 =	simm.s32 $0xD800;
	s26 =	simm.s32 $0x50  }
.LBB2_14:
0x17: {  	s3 =	rddreg [dreg:$0x12]  }
0x18: {  	s0 =	rddreg [dreg:$0xb];
	s3 =	sadd.s32 $0x1, s3  }
0x19: {  	p0 =	sne.s32 s3, s0  }
.Ltmp1:
0x1a: {  	_ = 	snop;
	(pc) =	sbr.rel @!p0 .LBB2_15-.Ltmp1, $1  }
0x1b: {  	_ =	sdelay $0x3  }
.LBB2_1:
0x1c: {  	[dreg:$0x12] =	wrdreg s3;
	s0 =	simm.s32 $0x0  }
.Ltmp2:
0x1d: {  	s31 =	rddreg [dreg:$0x5];
	s7 =	simm.s32 $0x18400;
	(pc) =	sbr.rel .LBB2_2-.Ltmp2, $4  }
0x1e: {  	[tilespmem:s7], [sflag:$0x7] =	stream.linear.gather [hbm4b:s31+s0], $0x80, $0x38;
	[tilespmem:$0x18480] =	vst v63  }
0x1f: {  	_ =	swait.ge [sflag:s16], $0x80  }
0x20: {  	[sflag:s16] =	ssyncset.done $0x0  }
0x21: {  	s0 =	simm.s32 $0x0;
	[sflag:s16] =	ssyncadd.s32 $0xFFFFFF80  }
.LBB2_13:
0x22: {  	s3 =	rddreg [dreg:$0x14]  }
0x23: {  	s3 =	smul.u32 $0xC800, s3  }
0x24: {  	s7 =	rddreg [dreg:$0x9]  }
0x25: {  	s22 =	rddreg [dreg:$0x13];
	[bflag:$0x0] =	sbarrier.arrive $0xFFFF;
	s3 =	sadd.s32 s7, s3  }
0x26: {  	s0 =	sadd.s32 $0x1, s0;
	s23 =	rddreg [dreg:$0x6];
	s3 =	sadd.s32 s22, s3  }
0x27: {  	s13 =	rddreg [dreg:$0xc];
	p0 =	sne.s32 s0, $0xC;
	s3 =	sshll.u32 s3, $0x4  }
.Ltmp3:
0x28: {  	s31 =	rddreg [dreg:$0x11];
	s3 =	sadd.s32 s23, s3;
	(pc) =	sbr.rel @!p0 .LBB2_14-.Ltmp3, $4  }
0x29: {  	[hbm:s3], [sflag:s13] =	dma.local [spmem:s31], $0x1900  }
0x2a: {  	_ =	swait.ge [sflag:s16], $0x1900  }
0x2b: {  	[sflag:s16] =	ssyncset.done $0x0  }
0x2c: {  	[sflag:s16] =	ssyncadd.s32 $0xFFFFE700  }
.LBB2_2:
0x2d: {  	s3 =	sand.u32 $0x3, s0;
	s8 =	sshll.u32 s0, $0x1;
	s7 =	rddreg [dreg:$0x7]  }
0x2e: {  	s9 =	sor.u32 s7, s3;
	s31 =	sand.u32 $0x3FFFFFF8, s8  }
0x2f: {  	s3 =	sor.u32 s9, s31  }
0x30: {  	v0 =	vld [tilespmem:s3+$0x18400];
	_ =	sdelay $0x4  }
0x31: {  	(v2sf) =	vpush v0, $0x0;
	_ =	sdelay $0xe  }
0x32: {  	s14 =	rddreg [dreg:$0x4];
	s3 =	spop (v2sf)  }
0x33: {  	s15 =	rddreg [dreg:$0xd];
	s7 =	sadd.s32 $0x13, s3  }
0x34: {  	[spmem:s15], [sflag:s13] =	dma.local [hbm:s14], $0x680  }
0x35: {  	s10 =	smulhi.u32 $0x66666667, s7;
	s11 =	sshra.s32 s7, $0x1F  }
0x36: {  	_ =	swait.ge [sflag:s16], $0x680;
	s11 =	smul.u32 $0x66666667, s11  }
0x37: {  	[sflag:s16] =	ssyncset.done $0x0;
	s17 =	rddreg [dreg:$0x8]  }
0x38: {  	s19 =	rddreg [dreg:$0xe];
	[sflag:s16] =	ssyncadd.s32 $0xFFFFF980;
	s10 =	sadd.s32 s11, s10  }
0x39: {  	[spmem:s19], [sflag:s13] =	dma.local [hbm:s14], $0x680  }
0x3a: {  	s11 =	sshrl.u32 s10, $0x1F;
	s10 =	sshra.s32 s10, $0x3;
	_ =	swait.ge [sflag:s16], $0x680  }
0x3b: {  	s12 =	ssub.s32 $0xFFFFFFED, s3;
	s10 =	sadd.s32 s11, s10;
	[sflag:s16] =	ssyncset.done $0x0  }
0x3c: {  	s21 =	rddreg [dreg:$0xf];
	s11 =	smul.u32 $0xFFFFFFEC, s10;
	[sflag:s16] =	ssyncadd.s32 $0xFFFFF980  }
0x3d: {  	[spmem:s21], [sflag:s13] =	dma.local [hbm:s14], $0x680  }
0x3e: {  	p0 =	slt.s32 s7, $0x1;
	p1 =	sne.s32 s11, s12  }
0x3f: {  	s8 =	simm.s32 $0x1;
	_ =	swait.ge [sflag:s16], $0x680;
	p0 =	por !p0, !p1  }
0x40: {  	s10 =	sadd.s32 s17, s10;
	[sflag:s16] =	ssyncset.done $0x0;
	p0 =	por !p0, !p0  }
0x41: {  	s22 =	rddreg [dreg:$0x10];
	[sflag:s16] =	ssyncadd.s32 $0xFFFFF980;
	s8 =	simm.s32 @!p0 $0x0  }
0x42: {  	[spmem:s22], [sflag:s13] =	dma.local [hbm:s14], $0x600  }
0x43: {  	s8 =	ssub.s32 s10, s8  }
0x44: {  	s20 =	sand.u32 $0xF, s8  }
0x45: {  	s10 =	sshra.s32 s8, $0x1F;
	p5 =	slt.s32 s8, $0x1;
	p6 =	sne.s32 s20, $0x0  }
0x46: {  	s10 =	sshrl.u32 s10, $0x1C;
	p0 =	por !p5, !p6  }
0x47: {  	s11 =	simm.s32 $0x1;
	s8 =	sadd.s32 s10, s8;
	p0 =	por !p0, !p0  }
0x48: {  	s10 =	sshra.s32 s8, $0x4;
	s11 =	simm.s32 @!p0 $0x0  }
0x49: {  	s8 =	ssub.s32 s10, s11  }
0x4a: {  	s31 =	smul.u32 $0x1900, s9;
	p1 =	slt.s32 s8, $0x0  }
.Ltmp4:
0x4b: {  	s23 =	sshrl.u32 s0, $0x2;
	_ =	swait.ge [sflag:s16], $0x600;
	(pc) =	sbr.rel @p1 .LBB2_13-.Ltmp4, $3  }
0x4c: {  	[dreg:$0x14] =	wrdreg s23;
	[sflag:s16] =	ssyncset.done $0x0  }
0x4d: {  	[dreg:$0x13] =	wrdreg s31;
	[sflag:s16] =	ssyncadd.s32 $0xFFFFFA00  }
0x4e: {  	[bflag:$0x0] =	sbarrier.arrive $0xFFFF;
	_ =	sdelay $0x1  }
.Ltmp5:
0x4f: {  	s7 =	rddreg [dreg:$0x14];
	(pc) =	sbr.rel .LBB2_4-.Ltmp5, $4  }
0x50: {  	s11 =	simm.s32 $0xFFFFFFFF;
	s21 =	rddreg [dreg:$0xa]  }
0x51: {  	s31 =	sshll.u32 s9, $0x5;
	s23 =	rddreg [dreg:$0x13];
	s11 =	simm.s32 @!p0 $0x0  }
0x52: {  	s14 =	smul.u32 $0xC0000, s7;
	s13 =	sadd.s32 s3, s21;
	s22 =	sadd.s32 s11, s10  }
0x53: {  	v0 =	vmov s23;
	s10 =	simm.s32 $0x0;
	s11 =	simm.s32 $0x0;
	s9 =	sadd.s32 $0x1, s22  }
.LBB2_12:
0x54: {  	s11 =	sadd.s32 $0x1, s11  }
0x55: {  	s7 =	sxor.u32 $0xFFFFFFFF, s19;
	p0 =	sne.s32 s11, s9  }
.Ltmp6:
0x56: {  	s7 =	sand.u32 $0x1, s7;
	(pc) =	sbr.rel @!p0 .LBB2_13-.Ltmp6, $4  }
0x57: {  	s7 =	sadd.s32 $0x5, s7  }
0x58: {  	_ =	swait.ge [sflag:s7], $0x2800  }
0x59: {  	[sflag:s7] =	ssyncset.done $0x0  }
0x5a: {  	s13 =	sadd.s32 $0xFFFFFEC0, s13;
	[sflag:s7] =	ssyncadd.s32 $0xFFFFD800  }
.LBB2_4:
0x5b: {  	s12 =	sshll.u32 s11, $0x4  }
0x5c: {  	s19 =	sor.u32 s4, s12  }
0x5d: {  	s12 =	sadd.s32 s31, s19  }
0x5e: {  	s12 =	smul.u32 $0xC00, s12;
	_ =	sdelay $0x1  }
0x5f: {  	s12 =	sadd.s32 s14, s12  }
0x60: {  	s12 =	sshrl.u32 s12, $0x3  }
0x61: {  	s20 =	sadd.s32 s1, s12  }
0x62: {  	[tilespmem:s24], [sflag:$0x7] =	stream.linear.gather [hbm4b:s20+s10], $0xA00, $0x38;
	[tilespmem:$0x18480] =	vst v63  }
0x63: {  	s15 =	smul.u32 $0xCD, s10;
	_ =	swait.ge [sflag:s16], $0xA00  }
0x64: {  	[sflag:s16] =	ssyncset.done $0x0  }
0x65: {  	s17 =	sshrl.u32 s15, $0xA;
	s12 =	sadd.s32 s5, s12;
	[sflag:s16] =	ssyncadd.s32 $0xFFFFF600  }
0x66: {  	[tilespmem:s25], [sflag:$0x7] =	stream.linear.gather [hbm4b:s12+s10], $0xA00, $0x38;
	[tilespmem:$0x18480] =	vst v63  }
0x67: {  	p0 =	sgt.s32 s13, $0x1;
	s21 =	smov.u32 s13;
	s12 =	sand.u32 $0x3F, s17  }
0x68: {  	s21 =	simm.s32 @!p0 $0x1;
	s22 =	smul.u32 $0x5, s12  }
0x69: {  	s21 =	smin.u32 s21, $0x14;
	s20 =	sshrl.u32 s15, $0x3  }
0x6a: {  	s20 =	sand.u32 $0x1F80, s20;
	_ =	swait.ge [sflag:s16], $0xA00;
	s23 =	ssub.s32 $0x0, s22  }
0x6b: {  	s12 =	sadd.s32 $0xFFFFFFFF, s21;
	[sflag:s16] =	ssyncset.done $0x0;
	s22 =	sand.u32 $0xFF, s23  }
0x6c: {  	s21 =	simm.s32 $0x1;
	[sflag:s16] =	ssyncadd.s32 $0xFFFFF600;
	s15 =	sshll.u32 s22, $0x4  }
0x6d: {  	s23 =	simm.s32 $0x2;
	s22 =	smul.u32 $0xCD, s21;
	s20 =	sor.u32 s15, s20  }
.LBB2_5:
0x6e: {  	p0 =	sne.s32 s23, $0x63;
	v1 =	vld [tilespmem:s20+$0xD800]  }
0x6f: {  	s15 =	sshrl.u32 s22, $0xA  }
0x70: {  	s15 =	sand.u32 $0x3F, s15  }
0x71: {  	s15 =	smul.u32 $0x5, s15  }
.Ltmp7:
0x72: {  	(pc) =	sbr.rel @p0 .LBB2_5-.Ltmp7, $4  }
0x73: {  	s15 =	ssub.s32 s21, s15;
	v2 =	vsub.s32 v1, v0;
	v1 =	vand.u32 $0x7F, v1;
	s21 =	smov.u32 s23  }
0x74: {  	s22 =	sshrl.u32 s22, $0x3;
	s15 =	sand.u32 $0xFF, s15;
	vm0 =	vlt.u32 v2, $0x1900;
	v1 =	vor.u32 $0x1900, v1  }
0x75: {  	s8 =	sand.u32 $0x1F80, s22;
	s15 =	sshll.u32 s15, $0x4;
	v1 =	vsel vm0, v2, v1  }
0x76: {  	s23 =	sadd.s32 $0x1, s23;
	s22 =	smul.u32 $0xCD, s21;
	[tilespmem:s20+$0xD800] =	vst v1;
	s20 =	sor.u32 s15, s8  }
0x77: {  	v1 =	vld [tilespmem:s20+$0xD800]  }
0x78: {  	s8 =	sshrl.u32 s22, $0xA  }
0x79: {  	s8 =	sand.u32 $0x3F, s8  }
0x7a: {  	s8 =	smul.u32 $0x5, s8;
	_ =	sdelay $0x1  }
0x7b: {  	s8 =	ssub.s32 s21, s8;
	v2 =	vsub.s32 v1, v0;
	v1 =	vand.u32 $0x7F, v1  }
0x7c: {  	s15 =	sshrl.u32 s22, $0x3;
	s8 =	sand.u32 $0xFF, s8;
	vm0 =	vlt.u32 v2, $0x1900;
	v1 =	vor.u32 $0x1900, v1  }
0x7d: {  	s15 =	sand.u32 $0x1F80, s15;
	s8 =	sshll.u32 s8, $0x4;
	v1 =	vsel vm0, v2, v1  }
0x7e: {  	s8 =	sor.u32 s8, s15;
	[tilespmem:s20+$0xD800] =	vst v1  }
0x7f: {  	v1 =	vld [tilespmem:s8+$0xD800]  }
0x80: {  	s23 =	smul.u32 $0xFFFFFFEC, s19;
	_ =	sdelay $0x1  }
0x81: {  	s20 =	sadd.s32 s3, s23  }
0x82: {  	p1 =	slt.s32 s20, $0x2  }
.Ltmp8:
0x83: {  	v2 =	vsub.s32 v1, v0;
	v1 =	vand.u32 $0x7F, v1;
	(pc) =	sbr.rel @p1 .LBB2_8-.Ltmp8, $4  }
0x84: {  	vm15 =	vlt.u32 v2, $0x1900;
	v1 =	vor.u32 $0x1900, v1  }
0x85: {  	p0 =	slt.s32 s20, $0x14;
	s19 =	smov.u32 s20;
	v1 =	vsel vm15, v2, v1  }
0x86: {  	s19 =	simm.s32 @!p0 $0x14;
	[tilespmem:s8+$0xD800] =	vst v1  }
0x87: {  	[tilespmem:s28], [sflag:$0x1] =	stream.indirect.gather [hbm4b:s6+s26], $0x80, s24, s26, $0xb8;
	[tilespmem:$0x18480] =	vst v63  }
.Ltmp9:
0x88: {  	(pc) =	sbr.rel .LBB2_9-.Ltmp9, $4  }
0x89: {  	[tilespmem:s30], [sflag:$0x2] =	stream.indirect.gather [hbm4b:s6+s26], $0x80, s29, s26, $0xb8;
	[tilespmem:$0x18480] =	vst v63  }
0x8a: {  	p0 =	seq.s32 s20, $0x2  }
0x8b: {  	s8 =	simm.s32 @!p0 $0x50;
	s15 =	simm.s32 @!p0 $0xCD00;
	s21 =	simm.s32 @!p0 $0x13400  }
0x8c: {  	[tilespmem:s21], [sflag:$0x3] =	stream.indirect.gather @!p0 [hbm4b:s6+s8], $0x80, s15, s8, $0xb8;
	[tilespmem:$0x18480] =	vst v63  }
.LBB2_8:
0x8d: {  	p0 =	sne.s32 s20, $0x1  }
.Ltmp10:
0x8e: {  	_ = 	snop;
	(pc) =	sbr.rel @p0 .LBB2_12-.Ltmp10, $1  }
0x8f: {  	_ =	sdelay $0x3  }
.LBB2_9:
0x90: {  	_ =	swait.ge [sflag:s18], $0x2800  }
0x91: {  	[sflag:s18] =	ssyncset.done $0x0  }
0x92: {  	p0 =	slt.u32 s20, $0x4;
	[sflag:s18] =	ssyncadd.s32 $0xFFFFD800  }
0x93: {  	[spmem:s2] =	stream.indirect.scatter.add.f32 [tilespmem:s28], [sflag:$0x5], $0x80, s25, s26, $0xb8;
	[tilespmem:$0x18480] =	vst v63  }
0x94: {  	s8 =	simm.s32 @!p0 $0x50;
	s15 =	simm.s32 @!p0 $0xCD80;
	s20 =	simm.s32 @!p0 $0x15C00  }
0x95: {  	[tilespmem:s20], [sflag:$0x4] =	stream.indirect.gather @!p0 [hbm4b:s6+s8], $0x80, s15, s8, $0xb8;
	[tilespmem:$0x18480] =	vst v63  }
0x96: {  	p0 =	slt.s32 s13, $0x2  }
.Ltmp11:
0x97: {  	_ = 	snop;
	(pc) =	sbr.rel @p0 .LBB2_12-.Ltmp11, $1  }
0x98: {  	_ =	sdelay $0x3  }
0x99: {  	s20 =	simm.s32 $0x1  }
0x9a: {  	s21 =	simm.s32 $0xD880;
	s7 =	simm.s32 $0x4;
	s8 =	sand.u32 $0x3, s20  }
0x9b: {  	p0 =	sle.s32 s19, $0x4;
	s22 =	smul.u32 $0xA000, s8;
	s8 =	sadd.s32 $0x1, s8  }
0x9c: {  	s15 =	sand.u32 $0x1, s20;
	s7 =	sand.u32 @!p0 $0x3, s7;
	_ =	swait.ge [sflag:s8], $0x2800  }
0x9d: {  	s23 =	sxor.u32 $0x1, s15;
	s22 =	sshrl.u32 s22, $0x2;
	[sflag:s8] =	ssyncset.done $0x0  }
0x9e: {  	s15 =	sadd.s32 $0x5, s15;
	s22 =	sadd.s32 $0xE400, s22;
	[sflag:s8] =	ssyncadd.s32 $0xFFFFD800  }
0x9f: {  	[spmem:s2] =	stream.indirect.scatter.add.f32 [tilespmem:s22], [sflag:s15], $0x80, s21, s26, $0xb8;
	[tilespmem:$0x18480] =	vst v63  }
0xa0: {  	s23 =	sadd.s32 $0x5, s23;
	s15 =	smul.u32 @!p0 $0xA000, s7  }
0xa1: {  	s22 =	simm.s32 $0xCE00;
	_ =	swait.ge [sflag:s23], $0x2800  }
0xa2: {  	s7 =	sadd.s32 @!p0 $0x1, s7;
	[sflag:s23] =	ssyncset.done $0x0;
	s15 =	sshrl.u32 @!p0 s15, $0x2  }
0xa3: {  	[sflag:s23] =	ssyncadd.s32 $0xFFFFD800;
	s8 =	sadd.s32 @!p0 $0xE400, s15;
	s15 =	simm.s32 @!p0 $0x50  }
0xa4: {  	[tilespmem:s8], [sflag:s7] =	stream.indirect.gather @!p0 [hbm4b:s6+s15], $0x80, s22, s15, $0xb8;
	[tilespmem:$0x18480] =	vst v63  }
0xa5: {  	p0 =	sne.s32 s12, $0x1  }
.Ltmp12:
0xa6: {  	_ = 	snop;
	(pc) =	sbr.rel @!p0 .LBB2_12-.Ltmp12, $1  }
0xa7: {  	_ =	sdelay $0x3  }
.LBB2_11:
0xa8: {  	s22 =	sadd.s32 $0x80, s22  }
0xa9: {  	s21 =	sadd.s32 $0x80, s21;
	s7 =	smov.u32 s20;
	s20 =	sadd.s32 $0x1, s20  }
0xaa: {  	s8 =	sand.u32 $0x3, s20;
	s15 =	sand.u32 $0x1, s20;
	p0 =	sne.s32 s12, s20  }
0xab: {  	s23 =	smul.u32 $0xA000, s8;
	s8 =	sadd.s32 $0x1, s8;
	s17 =	sxor.u32 $0x1, s15  }
0xac: {  	s7 =	sadd.s32 $0x4, s7;
	s15 =	sadd.s32 $0x5, s15;
	_ =	swait.ge [sflag:s8], $0x2800  }
0xad: {  	p1 =	sge.s32 s7, s19;
	s23 =	sshrl.u32 s23, $0x2;
	[sflag:s8] =	ssyncset.done $0x0  }
0xae: {  	s7 =	sand.u32 @!p1 $0x3, s7;
	s23 =	sadd.s32 $0xE400, s23;
	[sflag:s8] =	ssyncadd.s32 $0xFFFFD800  }
0xaf: {  	[spmem:s2] =	stream.indirect.scatter.add.f32 [tilespmem:s23], [sflag:s15], $0x80, s21, s26, $0xb8;
	[tilespmem:$0x18480] =	vst v63  }
0xb0: {  	s15 =	smul.u32 @!p1 $0xA000, s7  }
.Ltmp13:
0xb1: {  	s8 =	sadd.s32 $0x5, s17;
	s7 =	sadd.s32 @!p1 $0x1, s7;
	(pc) =	sbr.rel @p0 .LBB2_11-.Ltmp13, $4  }
0xb2: {  	_ =	swait.ge [sflag:s8], $0x2800  }
0xb3: {  	s15 =	sshrl.u32 @!p1 s15, $0x2;
	[sflag:s8] =	ssyncset.done $0x0  }
0xb4: {  	[sflag:s8] =	ssyncadd.s32 $0xFFFFD800;
	s8 =	sadd.s32 @!p1 $0xE400, s15;
	s15 =	simm.s32 @!p1 $0x50  }
0xb5: {  	[tilespmem:s8], [sflag:s7] =	stream.indirect.gather @!p1 [hbm4b:s6+s15], $0x80, s22, s15, $0xb8;
	[tilespmem:$0x18480] =	vst v63  }
.Ltmp14:
0xb6: {  	_ = 	snop;
	(pc) =	sbr.rel .LBB2_12-.Ltmp14, $1  }
0xb7: {  	_ =	sdelay $0x3  }
.LBB2_15:
0xb8: {  	_ =	sfence.sel $0x180000  }
0xb9: {  	[bflag:$0x0] =	sbarrier.arrive $0xFFFF  }
0xba: {  	_ =	strace $0x9000004D  }
0xbb: {  	[bflag:$0x2] =	sbarrier.arrive $0xFFFF  }
0xbc: {  	p0 =	sne.s32 s4, $0x0;
	s0 =	rddreg [dreg:$0x3]  }
0xbd: {  	s0 =	sadd.s32 @!p0 $0x100000, s0  }
0xbe: {  	[sflag:s0] =	ssyncadd.tile.s32 @!p0 $0x1;
	_ =	shalt  }
.Lfunc_end2:
_tile_overlayer_lowered:
.L_overlay_start_2:
0xbf: {  	(tag) =	ssettag $0x2  }
0xc0: {  	s0 =	rddreg [dreg:$0x0];
	s2 =	stileid.u32  }
0xc1: {  	s1 =	rddreg [dreg:$0x1];
	p0 =	sne.s32 s2, $0x0  }
0xc2: {  	s3 =	rddreg [dreg:$0x2];
	[bflag:$0x3] =	sbarrier.arrive $0xFFFF;
	s2 =	simm.s32 @!p0 $0x1C07  }
0xc3: {  	[timem:s3], [sflag:s2] =	dma.local @!p0 [hbm:s0], s1  }
0xc4: {  	s0 =	simm.s32 @!p0 $0x7  }
0xc5: {  	_ =	swait.ge @!p0 [sflag:s0], s1  }
0xc6: {  	s1 =	ssub.s32 @!p0 $0x0, s1;
	[sflag:s0] =	ssyncset.done @!p0 $0x0  }
0xc7: {  	[sflag:s0] =	ssyncadd.s32 @!p0 s1  }
0xc8: {  	[bflag:$0x3] =	sbarrier.arrive $0xFFFF  }
0xc9: {  	_ =	shalt  }

// kernel: kernel.18.cloned.1.call-start
scs
__scs_entry_jumppad:
0x0: {  	(pc) =	sbr.rel $0x88, $3  }
0x1: {  	(tag) =	ssettag $0x0;
	lr =	simm.s32 $0x1  }
0x2: {  	[smem:$0x3F91] =	sst lr;
	_ =	strace $0xD0000000  }
0x3: {  	_ = 	snop  }
0x4: {  	_ = 	snop  }
0x5: {  	_ = 	snop  }
0x6: {  	_ = 	snop  }
0x7: {  	_ = 	snop  }
__scs_overlays_trampoline_lowered:
0x8: {  	[smem:$0x3FA0] =	sst s0  }
0x9: {  	[smem:$0x3FA1] =	sst s1  }
0xa: {  	[smem:$0x3FA2] =	sst s2  }
0xb: {  	[smem:$0x3FA3] =	sst s3  }
0xc: {  	[smem:$0x3FA4] =	sst s4  }
0xd: {  	[smem:$0x3FA5] =	sst s5  }
0xe: {  	[smem:$0x3FA6] =	sst s6  }
0xf: {  	[smem:$0x3FA7] =	sst s7  }
0x10: {  	[smem:$0x3FA8] =	sst s8  }
0x11: {  	[smem:$0x3FA9] =	sst s9;
	s0 =	simm.s32 @!p0 $0x0  }
0x12: {  	s1 =	sld [smem:$0x3F8F];
	s0 =	simm.s32 @p0 $0x1  }
0x13: {  	[smem:$0x3FAA] =	sst s0;
	s0 =	simm.s32 @!p1 $0x0  }
0x14: {  	s2 =	sld [smem:$0x3F8E];
	s0 =	simm.s32 @p1 $0x1  }
0x15: {  	[smem:$0x3FAB] =	sst s0;
	s0 =	simm.s32 @!p2 $0x0  }
0x16: {  	s3 =	sld [smem:$0x3FDB];
	s0 =	simm.s32 @p2 $0x1  }
0x17: {  	s4 =	simm.s32 $0x1BF5;
	[smem:$0x3FAD] =	sst s0  }
0x18: {  	s0 =	sld [smem:$0x3F90];
	_ =	swait.ge [sflag:s4], $0x0  }
0x19: {  	s7 =	sld [smem:$0x3F91]  }
0x1a: {  	s8 =	sadd.s32 $0xFFFFE003, lr  }
0x1b: {  	s9 =	sadd.s32 $0xFFFFFEF7, lr;
	s5 =	simm.s32 $0xFFFFFFFF;
	p2 =	slt.u32 s8, $0xFFFFF086  }
0x1c: {  	p1 =	slt.u32 s9, $0xF7A;
	s5 =	simm.s32 @!p2 $0x0  }
0x1d: {  	s5 =	simm.s32 @p1 $0x1;
	p0 =	seq.s32 s7, s2  }
0x1e: {  	s7 =	smul.u32 @!p0 $0xF7A, s2;
	p2 =	seq.s32 @!p0 s5, $0x0  }
0x1f: {  	s9 =	smul.u32 $0xF7A, s1;
	s8 =	simm.s32 @!p0 $0x1BF5;
	p2 =	por !p2, p0  }
0x20: {  	[sflag:s8] =	ssyncset.s32 @!p0 $0xFFFFF086;
	s6 =	sadd.s32 @!p0 s3, s7;
	s7 =	simm.s32 @!p0 $0x108  }
0x21: {  	s3 =	sadd.s32 s3, s9;
	s6 =	sadd.s32 @!p0 $0x88, s6;
	s7 =	simm.s32 @p2 $0x1082  }
0x22: {  	[simem:s7], [sflag:s8] =	dma.local @!p0 [hbm:s6], $0xF7A  }
0x23: {  	s9 =	sor.u32 $0xD0000000, s2;
	s6 =	simm.s32 $0x108;
	_ =	swait.ge @!p0 [sflag:s8], $0x0  }
0x24: {  	s3 =	sadd.s32 $0x88, s3;
	s6 =	simm.s32 @!p1 $0x1082;
	[sflag:s4] =	ssyncset.s32 $0xFFFFF086  }
0x25: {  	[simem:s6], [sflag:s4] =	dma.local [hbm:s3], $0xF7A  }
0x26: {  	[smem:$0x3F91] =	sst s1;
	(tag) =	ssettag s2;
	_ =	strace s9  }
0x27: {  	s1 =	sld [smem:$0x3FA1]  }
0x28: {  	s2 =	sld [smem:$0x3FA2]  }
0x29: {  	s4 =	sld [smem:$0x3FA4]  }
0x2a: {  	p0 =	seq.s32 s5, $0x0;
	s5 =	sld [smem:$0x3FA5]  }
0x2b: {  	s6 =	sld [smem:$0x3FA6]  }
0x2c: {  	s7 =	sld [smem:$0x3FA7]  }
0x2d: {  	s3 =	simm.s32 $0x108;
	s8 =	sld [smem:$0x3FA8]  }
0x2e: {  	s3 =	simm.s32 @!p0 $0x1082;
	s9 =	sld [smem:$0x3FA9]  }
0x2f: {  	lr =	sadd.s32 s0, s3;
	s0 =	sld [smem:$0x3FA0]  }
0x30: {  	s3 =	sld [smem:$0x3FA3]  }
0x31: {  	[smem:$0x3FAC] =	sst s10  }
0x32: {  	s10 =	sld [smem:$0x3FAA];
	_ =	sdelay $0x3  }
0x33: {  	p0 =	seq.s32 s10, $0x1;
	s10 =	sld [smem:$0x3FAC];
	_ =	sdelay $0x3  }
0x34: {  	[smem:$0x3FAC] =	sst s10  }
0x35: {  	s10 =	sld [smem:$0x3FAB];
	_ =	sdelay $0x3  }
0x36: {  	p1 =	seq.s32 s10, $0x1;
	s10 =	sld [smem:$0x3FAC];
	_ =	sdelay $0x3  }
0x37: {  	[smem:$0x3FAC] =	sst s10  }
0x38: {  	s10 =	sld [smem:$0x3FAD]  }
0x39: {  	_ = 	snop;
	(pc) =	sbr.ind lr, $3  }
0x3a: {  	_ = 	snop  }
0x3b: {  	_ = 	snop  }
0x3c: {  	p2 =	seq.s32 s10, $0x1;
	s10 =	sld [smem:$0x3FAC]  }
0x3d: {  	_ =	shalt  }
0x3e: {  	_ =	shalt  }
0x3f: {  	_ =	shalt  }
0x40: {  	_ =	shalt  }
0x41: {  	_ =	shalt  }
0x42: {  	_ =	shalt  }
0x43: {  	_ =	shalt  }
0x44: {  	_ =	shalt  }
0x45: {  	_ =	shalt  }
0x46: {  	_ =	shalt  }
0x47: {  	_ =	shalt  }
0x48: {  	_ =	shalt  }
0x49: {  	_ =	shalt  }
0x4a: {  	_ =	shalt  }
0x4b: {  	_ =	shalt  }
0x4c: {  	_ =	shalt  }
0x4d: {  	_ =	shalt  }
0x4e: {  	_ =	shalt  }
0x4f: {  	_ =	shalt  }
0x50: {  	_ =	shalt  }
0x51: {  	_ =	shalt  }
0x52: {  	_ =	shalt  }
0x53: {  	_ =	shalt  }
0x54: {  	_ =	shalt  }
0x55: {  	_ =	shalt  }
0x56: {  	_ =	shalt  }
0x57: {  	_ =	shalt  }
0x58: {  	_ =	shalt  }
0x59: {  	_ =	shalt  }
0x5a: {  	_ =	shalt  }
0x5b: {  	_ =	shalt  }
0x5c: {  	_ =	shalt  }
0x5d: {  	_ =	shalt  }
0x5e: {  	_ =	shalt  }
0x5f: {  	_ =	shalt  }
0x60: {  	_ =	shalt  }
0x61: {  	_ =	shalt  }
0x62: {  	_ =	shalt  }
0x63: {  	_ =	shalt  }
0x64: {  	_ =	shalt  }
0x65: {  	_ =	shalt  }
0x66: {  	_ =	shalt  }
0x67: {  	_ =	shalt  }
0x68: {  	_ =	shalt  }
0x69: {  	_ =	shalt  }
0x6a: {  	_ =	shalt  }
0x6b: {  	_ =	shalt  }
0x6c: {  	_ =	shalt  }
0x6d: {  	_ =	shalt  }
0x6e: {  	_ =	shalt  }
0x6f: {  	_ =	shalt  }
0x70: {  	_ =	shalt  }
0x71: {  	_ =	shalt  }
0x72: {  	_ =	shalt  }
0x73: {  	_ =	shalt  }
0x74: {  	_ =	shalt  }
0x75: {  	_ =	shalt  }
0x76: {  	_ =	shalt  }
0x77: {  	_ =	shalt  }
0x78: {  	_ =	shalt  }
0x79: {  	_ =	shalt  }
0x7a: {  	_ =	shalt  }
0x7b: {  	_ =	shalt  }
0x7c: {  	_ =	shalt  }
0x7d: {  	_ =	shalt  }
0x7e: {  	_ =	shalt  }
0x7f: {  	_ =	shalt  }
0x80: {  	_ =	shalt  }
0x81: {  	_ =	shalt  }
0x82: {  	_ =	shalt  }
0x83: {  	_ =	shalt  }
0x84: {  	_ =	shalt  }
0x85: {  	_ =	shalt  }
0x86: {  	_ =	shalt  }
0x87: {  	_ =	shalt  }
.Lfunc_end0:
.L_simem_size_0:
called_computation.3_lowered:
.L_overlay_start_0:
0x88: {  	s2 =	sld [smem:$0x3FD9]  }
0x89: {  	s3 =	sld [smem:$0x3FFE];
	_ =	sdelay $0x1  }
0x8a: {  	s1 =	srdreg.scid  }
0x8b: {  	s0 =	sand.u32 $0x1, s1  }
0x8c: {  	s17 =	sshll.u32 s0, $0xA;
	s2 =	sadd.s32 s3, s2  }
0x8d: {  	s2 =	sadd.s32 s2, s17  }
0x8e: {  	[smem:$0x3FB8] =	sst s2  }
0x8f: {  	_ = 	snop  }
0x90: {  	s2 =	sld [smem:$0x3FD0];
	(tm) =	ssettm $0x1  }
0x91: {  	s18 =	sld [smem:$0x3FFB];
	_ =	sdelay $0x3  }
0x92: {  	_ =	strace s18  }
0x93: {  	s3 =	sld [smem:$0x3FFC];
	_ =	sdelay $0x3  }
0x94: {  	_ =	strace s3  }
0x95: {  	s3 =	sld [smem:$0x3FFD];
	_ =	sdelay $0x3  }
0x96: {  	_ =	strace s3  }
0x97: {  	_ =	strace $0x8FFFFFFF  }
0x98: {  	s19 =	sld [smem:$0x3FDB];
	_ =	sdelay $0x1  }
0x99: {  	s4 =	simm.s32 $_scs_section_size  }
0x9a: {  	s5 =	simm.s32 $_size__tile_overlayer_lowered;
	s6 =	simm.s32 $_tile_overlayer_lowered  }
0x9b: {  	s22 =	simm.s32 $0x1BFF;
	s21 =	sshll.u32 s6, $0x1;
	s3 =	sadd.s32 s4, s19  }
0x9c: {  	s7 =	simm.s32 $0x0;
	s20 =	sshll.u32 s5, $0x1;
	s5 =	sadd.s32 s21, s3  }
0x9d: {  	[timem:s7], [sflag:s22] =	dma.local [hbm:s5], s20  }
0x9e: {  	_ =	swait.ge [sflag:s22], s20  }
0x9f: {  	s4 =	ssub.s32 $0x0, s20;
	[sflag:s22] =	ssyncset.done $0x0  }
0xa0: {  	[sflag:s22] =	ssyncadd.s32 s4;
	_ =	sdelay $0x1  }
0xa1: {  	s23 =	simm.s32 $0x1B8B  }
0xa2: {  	_ =	swait.ge [sflag:s23], $0x1  }
0xa3: {  	[sflag:s23] =	ssyncset.done $0x0  }
0xa4: {  	s25 =	simm.s32 $0x1B8E;
	s24 =	sld [smem:$0x3FFE];
	[sflag:s23] =	ssyncadd.s32 $0xFFFFFFFF  }
0xa5: {  	s26 =	simm.s32 $execute0_lowered;
	[smem:$0x3FD2] =	sst s25  }
0xa6: {  	s5 =	sshll.u32 s26, $0x1;
	_ =	strace $0x8000004F;
	[dreg:$0x1] =	wrdreg $0xFFFFFFFF  }
0xa7: {  	s28 =	simm.s32 $_size_execute0_lowered;
	s3 =	sadd.s32 s3, s5;
	[dreg:$0x0] =	wrdreg $0x0  }
0xa8: {  	s5 =	sshll.u32 s28, $0x1;
	[dreg:$0x2] =	wrdreg s3  }
0xa9: {  	[dreg:$0x3] =	wrdreg s5  }
0xaa: {  	[dreg:$0x4] =	wrdreg $0xC0  }
0xab: {  	_ =	task [dreg:s7], $0x5FFFF  }
0xac: {  	[dreg:$0x1] =	wrdreg $0xFFFFFFFF  }
0xad: {  	[dreg:$0x0] =	wrdreg $0x60  }
0xae: {  	[dreg:$0x2] =	wrdreg s2  }
0xaf: {  	[dreg:$0x3] =	wrdreg s24  }
0xb0: {  	[dreg:$0x4] =	wrdreg $0x0  }
0xb1: {  	[dreg:$0x5] =	wrdreg $0x9  }
0xb2: {  	_ =	task.clear_ibuf [dreg:s7], $0x6FFFF;
	_ =	strace $0x9000004F  }
0xb3: {  	s29 =	simm.s32 $0x9;
	_ =	strace $0x80000051  }
0xb4: {  	_ =	swait.ge [sflag:s29], $0x1  }
0xb5: {  	[sflag:s29] =	ssyncadd.s32 $0xFFFFFFFF  }
0xb6: {  	_ =	strace $0x90000051  }
0xb7: {  	_ =	sfence  }
0xb8: {  	s30 =	sld [smem:$0x0];
	_ =	sdelay $0x2  }
0xb9: {  	s31 =	sshll.u32 s1, $0xD;
	s1 =	sshrl.u32 s1, $0x2  }
0xba: {  	s3 =	sand.u32 $0x4000, s31;
	s1 =	sadd.s32 s1, s30  }
0xbb: {  	s0 =	sor.u32 s3, s0;
	s1 =	sshll.u32 s1, $0x11  }
0xbc: {  	s0 =	sor.u32 s1, s0  }
0xbd: {  	s0 =	sadd.s32 $0x8F2B, s0  }
0xbe: {  	[sflag:s0] =	ssyncadd.remote.s32 $0x1  }
0xbf: {  	_ =	sfence.sel $0xFFFF  }
0xc0: {  	[dreg:$0x0] =	wrdreg $0xFFFFFFFF;
	(pc) =	sbr.abs _section_cstart, $3  }
0xc1: {  	[dreg:$0x1] =	wrdreg $0xFFFFFFFF  }
0xc2: {  	_ =	task.clear_ibuf [dreg:s7], $0x2FFFF;
	_ =	strace $0x9FFFFFFF  }
0xc3: {  	(tm) =	ssettm $0x7FFFFFFF  }
tec
execute0_lowered:
.L_overlay_start_1:
0x0: {  	(tag) =	ssettag $0x1  }
0x1: {  	s1 =	rddreg [dreg:$0x0]  }
0x2: {  	s0 =	rddreg [dreg:$0x1]  }
0x3: {  	s2 =	rddreg [dreg:$0x2];
	s3 =	simm.s32 $0x0;
	s14 =	srdreg.scid  }
0x4: {  	s4 =	stileid.u32;
	s28 =	simm.s32 $0xE400;
	s29 =	simm.s32 $0xCC80  }
0x5: {  	s30 =	simm.s32 $0x10C00;
	[smem:$0x7FF] =	sst s3;
	s5 =	sadd.s32 $0x29800, s0  }
0x6: {  	s6 =	sadd.s32 $0x71800, s0;
	s3 =	sand.u32 $0x1, s14;
	s7 =	sadd.s32 $0xC800, s0  }
0x7: {  	s15 =	sadd.s32 $0x29600, s0;
	_ =	strace $0x80000050;
	[dreg:$0x4] =	wrdreg s7  }
0x8: {  	s8 =	smul.u32 $0x33000, s4;
	s0 =	sadd.s32 $0x2C9800, s0;
	[dreg:$0x5] =	wrdreg s15  }
0x9: {  	s18 =	sxor.u32 $0xFFFFFFFF, s4;
	s20 =	smul.u32 $0x190, s4;
	[dreg:$0x6] =	wrdreg s0  }
0xa: {  	s9 =	ssub.s32 $0x2, s3;
	s3 =	sshll.u32 s3, $0x2;
	[dreg:$0x8] =	wrdreg s18  }
0xb: {  	s21 =	smul.u32 $0xFFFFFFEC, s4;
	s22 =	sshll.u32 s4, $0x6;
	[dreg:$0x7] =	wrdreg s3  }
0xc: {  	s17 =	smul.u32 $0x32000, s4;
	s13 =	sor.u32 $0x1C07, s22;
	[dreg:$0x9] =	wrdreg s20  }
0xd: {  	s16 =	sshrl.u32 s9, $0x1;
	s8 =	sshrl.u32 s8, $0x2;
	[dreg:$0xa] =	wrdreg s21  }
0xe: {  	[dreg:$0xc] =	wrdreg s13;
	s0 =	ssub.s32 s9, s16;
	s8 =	sadd.s32 s8, s2  }
0xf: {  	s9 =	sshrl.u32 s17, $0x2;
	s19 =	sadd.s32 $0x3400, s8;
	s0 =	smax.u32 s0, $0x1  }
0x10: {  	s10 =	sadd.s32 $0x6800, s8;
	s23 =	sshrl.u32 s8, $0x3;
	[dreg:$0xb] =	wrdreg s0  }
0x11: {  	s11 =	sadd.s32 $0x9C00, s8;
	[dreg:$0xd] =	wrdreg s23;
	s24 =	sshrl.u32 s19, $0x3  }
.Ltmp0:
0x12: {  	s25 =	sshrl.u32 s10, $0x3;
	[dreg:$0xe] =	wrdreg s24;
	(pc) =	sbr.rel .LBB2_1-.Ltmp0, $4  }
0x13: {  	s9 =	sadd.s32 s9, s2;
	s26 =	sshrl.u32 s11, $0x3;
	[dreg:$0xf] =	wrdreg s25  }
0x14: {  	s18 =	simm.s32 $0x1;
	s31 =	sshrl.u32 s9, $0x3;
	[dreg:$0x10] =	wrdreg s26  }
0x15: {  	s3 =	simm.s32 $0x0;
	s16 =	simm.s32 $0x7;
	[dreg:$0x11] =	wrdreg s31  }
0x16: {  	s24 =	simm.s32 $0xCC00;
	s25 =	simm.s32 $0xD800;
	s26 =	simm.s32 $0x50  }
.LBB2_14:
0x17: {  	s3 =	rddreg [dreg:$0x12]  }
0x18: {  	s0 =	rddreg [dreg:$0xb];
	s3 =	sadd.s32 $0x1, s3  }
0x19: {  	p0 =	sne.s32 s3, s0  }
.Ltmp1:
0x1a: {  	_ = 	snop;
	(pc) =	sbr.rel @!p0 .LBB2_15-.Ltmp1, $1  }
0x1b: {  	_ =	sdelay $0x3  }
.LBB2_1:
0x1c: {  	[dreg:$0x12] =	wrdreg s3;
	s0 =	simm.s32 $0x0  }
.Ltmp2:
0x1d: {  	s31 =	rddreg [dreg:$0x5];
	s7 =	simm.s32 $0x18400;
	(pc) =	sbr.rel .LBB2_2-.Ltmp2, $4  }
0x1e: {  	[tilespmem:s7], [sflag:$0x7] =	stream.linear.gather [hbm4b:s31+s0], $0x80, $0x38;
	[tilespmem:$0x18480] =	vst v63  }
0x1f: {  	_ =	swait.ge [sflag:s16], $0x80  }
0x20: {  	[sflag:s16] =	ssyncset.done $0x0  }
0x21: {  	s0 =	simm.s32 $0x0;
	[sflag:s16] =	ssyncadd.s32 $0xFFFFFF80  }
.LBB2_13:
0x22: {  	s3 =	rddreg [dreg:$0x14]  }
0x23: {  	s3 =	smul.u32 $0xC800, s3  }
0x24: {  	s7 =	rddreg [dreg:$0x9]  }
0x25: {  	s22 =	rddreg [dreg:$0x13];
	[bflag:$0x0] =	sbarrier.arrive $0xFFFF;
	s3 =	sadd.s32 s7, s3  }
0x26: {  	s0 =	sadd.s32 $0x1, s0;
	s23 =	rddreg [dreg:$0x6];
	s3 =	sadd.s32 s22, s3  }
0x27: {  	s13 =	rddreg [dreg:$0xc];
	p0 =	sne.s32 s0, $0xC;
	s3 =	sshll.u32 s3, $0x4  }
.Ltmp3:
0x28: {  	s31 =	rddreg [dreg:$0x11];
	s3 =	sadd.s32 s23, s3;
	(pc) =	sbr.rel @!p0 .LBB2_14-.Ltmp3, $4  }
0x29: {  	[hbm:s3], [sflag:s13] =	dma.local [spmem:s31], $0x1900  }
0x2a: {  	_ =	swait.ge [sflag:s16], $0x1900  }
0x2b: {  	[sflag:s16] =	ssyncset.done $0x0  }
0x2c: {  	[sflag:s16] =	ssyncadd.s32 $0xFFFFE700  }
.LBB2_2:
0x2d: {  	s3 =	sand.u32 $0x3, s0;
	s8 =	sshll.u32 s0, $0x1;
	s7 =	rddreg [dreg:$0x7]  }
0x2e: {  	s9 =	sor.u32 s7, s3;
	s31 =	sand.u32 $0x3FFFFFF8, s8  }
0x2f: {  	s3 =	sor.u32 s9, s31  }
0x30: {  	v0 =	vld [tilespmem:s3+$0x18400];
	_ =	sdelay $0x4  }
0x31: {  	(v2sf) =	vpush v0, $0x0;
	_ =	sdelay $0xe  }
0x32: {  	s14 =	rddreg [dreg:$0x4];
	s3 =	spop (v2sf)  }
0x33: {  	s15 =	rddreg [dreg:$0xd];
	s7 =	sadd.s32 $0x13, s3  }
0x34: {  	[spmem:s15], [sflag:s13] =	dma.local [hbm:s14], $0x680  }
0x35: {  	s10 =	smulhi.u32 $0x66666667, s7;
	s11 =	sshra.s32 s7, $0x1F  }
0x36: {  	_ =	swait.ge [sflag:s16], $0x680;
	s11 =	smul.u32 $0x66666667, s11  }
0x37: {  	[sflag:s16] =	ssyncset.done $0x0;
	s17 =	rddreg [dreg:$0x8]  }
0x38: {  	s19 =	rddreg [dreg:$0xe];
	[sflag:s16] =	ssyncadd.s32 $0xFFFFF980;
	s10 =	sadd.s32 s11, s10  }
0x39: {  	[spmem:s19], [sflag:s13] =	dma.local [hbm:s14], $0x680  }
0x3a: {  	s11 =	sshrl.u32 s10, $0x1F;
	s10 =	sshra.s32 s10, $0x3;
	_ =	swait.ge [sflag:s16], $0x680  }
0x3b: {  	s12 =	ssub.s32 $0xFFFFFFED, s3;
	s10 =	sadd.s32 s11, s10;
	[sflag:s16] =	ssyncset.done $0x0  }
0x3c: {  	s21 =	rddreg [dreg:$0xf];
	s11 =	smul.u32 $0xFFFFFFEC, s10;
	[sflag:s16] =	ssyncadd.s32 $0xFFFFF980  }
0x3d: {  	[spmem:s21], [sflag:s13] =	dma.local [hbm:s14], $0x680  }
0x3e: {  	p0 =	slt.s32 s7, $0x1;
	p1 =	sne.s32 s11, s12  }
0x3f: {  	s8 =	simm.s32 $0x1;
	_ =	swait.ge [sflag:s16], $0x680;
	p0 =	por !p0, !p1  }
0x40: {  	s10 =	sadd.s32 s17, s10;
	[sflag:s16] =	ssyncset.done $0x0;
	p0 =	por !p0, !p0  }
0x41: {  	s22 =	rddreg [dreg:$0x10];
	[sflag:s16] =	ssyncadd.s32 $0xFFFFF980;
	s8 =	simm.s32 @!p0 $0x0  }
0x42: {  	[spmem:s22], [sflag:s13] =	dma.local [hbm:s14], $0x600  }
0x43: {  	s8 =	ssub.s32 s10, s8  }
0x44: {  	s20 =	sand.u32 $0xF, s8  }
0x45: {  	s10 =	sshra.s32 s8, $0x1F;
	p5 =	slt.s32 s8, $0x1;
	p6 =	sne.s32 s20, $0x0  }
0x46: {  	s10 =	sshrl.u32 s10, $0x1C;
	p0 =	por !p5, !p6  }
0x47: {  	s11 =	simm.s32 $0x1;
	s8 =	sadd.s32 s10, s8;
	p0 =	por !p0, !p0  }
0x48: {  	s10 =	sshra.s32 s8, $0x4;
	s11 =	simm.s32 @!p0 $0x0  }
0x49: {  	s8 =	ssub.s32 s10, s11  }
0x4a: {  	s31 =	smul.u32 $0x1900, s9;
	p1 =	slt.s32 s8, $0x0  }
.Ltmp4:
0x4b: {  	s23 =	sshrl.u32 s0, $0x2;
	_ =	swait.ge [sflag:s16], $0x600;
	(pc) =	sbr.rel @p1 .LBB2_13-.Ltmp4, $3  }
0x4c: {  	[dreg:$0x14] =	wrdreg s23;
	[sflag:s16] =	ssyncset.done $0x0  }
0x4d: {  	[dreg:$0x13] =	wrdreg s31;
	[sflag:s16] =	ssyncadd.s32 $0xFFFFFA00  }
0x4e: {  	[bflag:$0x0] =	sbarrier.arrive $0xFFFF;
	_ =	sdelay $0x1  }
.Ltmp5:
0x4f: {  	s7 =	rddreg [dreg:$0x14];
	(pc) =	sbr.rel .LBB2_4-.Ltmp5, $4  }
0x50: {  	s11 =	simm.s32 $0xFFFFFFFF;
	s21 =	rddreg [dreg:$0xa]  }
0x51: {  	s31 =	sshll.u32 s9, $0x5;
	s23 =	rddreg [dreg:$0x13];
	s11 =	simm.s32 @!p0 $0x0  }
0x52: {  	s14 =	smul.u32 $0xC0000, s7;
	s13 =	sadd.s32 s3, s21;
	s22 =	sadd.s32 s11, s10  }
0x53: {  	v0 =	vmov s23;
	s10 =	simm.s32 $0x0;
	s11 =	simm.s32 $0x0;
	s9 =	sadd.s32 $0x1, s22  }
.LBB2_12:
0x54: {  	s11 =	sadd.s32 $0x1, s11  }
0x55: {  	s7 =	sxor.u32 $0xFFFFFFFF, s19;
	p0 =	sne.s32 s11, s9  }
.Ltmp6:
0x56: {  	s7 =	sand.u32 $0x1, s7;
	(pc) =	sbr.rel @!p0 .LBB2_13-.Ltmp6, $4  }
0x57: {  	s7 =	sadd.s32 $0x5, s7  }
0x58: {  	_ =	swait.ge [sflag:s7], $0x2800  }
0x59: {  	[sflag:s7] =	ssyncset.done $0x0  }
0x5a: {  	s13 =	sadd.s32 $0xFFFFFEC0, s13;
	[sflag:s7] =	ssyncadd.s32 $0xFFFFD800  }
.LBB2_4:
0x5b: {  	s12 =	sshll.u32 s11, $0x4  }
0x5c: {  	s19 =	sor.u32 s4, s12  }
0x5d: {  	s12 =	sadd.s32 s31, s19  }
0x5e: {  	s12 =	smul.u32 $0xC00, s12;
	_ =	sdelay $0x1  }
0x5f: {  	s12 =	sadd.s32 s14, s12  }
0x60: {  	s12 =	sshrl.u32 s12, $0x3  }
0x61: {  	s20 =	sadd.s32 s1, s12  }
0x62: {  	[tilespmem:s24], [sflag:$0x7] =	stream.linear.gather [hbm4b:s20+s10], $0xA00, $0x38;
	[tilespmem:$0x18480] =	vst v63  }
0x63: {  	s15 =	smul.u32 $0xCD, s10;
	_ =	swait.ge [sflag:s16], $0xA00  }
0x64: {  	[sflag:s16] =	ssyncset.done $0x0  }
0x65: {  	s17 =	sshrl.u32 s15, $0xA;
	s12 =	sadd.s32 s5, s12;
	[sflag:s16] =	ssyncadd.s32 $0xFFFFF600  }
0x66: {  	[tilespmem:s25], [sflag:$0x7] =	stream.linear.gather [hbm4b:s12+s10], $0xA00, $0x38;
	[tilespmem:$0x18480] =	vst v63  }
0x67: {  	p0 =	sgt.s32 s13, $0x1;
	s21 =	smov.u32 s13;
	s12 =	sand.u32 $0x3F, s17  }
0x68: {  	s21 =	simm.s32 @!p0 $0x1;
	s22 =	smul.u32 $0x5, s12  }
0x69: {  	s21 =	smin.u32 s21, $0x14;
	s20 =	sshrl.u32 s15, $0x3  }
0x6a: {  	s20 =	sand.u32 $0x1F80, s20;
	_ =	swait.ge [sflag:s16], $0xA00;
	s23 =	ssub.s32 $0x0, s22  }
0x6b: {  	s12 =	sadd.s32 $0xFFFFFFFF, s21;
	[sflag:s16] =	ssyncset.done $0x0;
	s22 =	sand.u32 $0xFF, s23  }
0x6c: {  	s21 =	simm.s32 $0x1;
	[sflag:s16] =	ssyncadd.s32 $0xFFFFF600;
	s15 =	sshll.u32 s22, $0x4  }
0x6d: {  	s23 =	simm.s32 $0x2;
	s22 =	smul.u32 $0xCD, s21;
	s20 =	sor.u32 s15, s20  }
.LBB2_5:
0x6e: {  	p0 =	sne.s32 s23, $0x63;
	v1 =	vld [tilespmem:s20+$0xD800]  }
0x6f: {  	s15 =	sshrl.u32 s22, $0xA  }
0x70: {  	s15 =	sand.u32 $0x3F, s15  }
0x71: {  	s15 =	smul.u32 $0x5, s15  }
.Ltmp7:
0x72: {  	(pc) =	sbr.rel @p0 .LBB2_5-.Ltmp7, $4  }
0x73: {  	s15 =	ssub.s32 s21, s15;
	v2 =	vsub.s32 v1, v0;
	v1 =	vand.u32 $0x7F, v1;
	s21 =	smov.u32 s23  }
0x74: {  	s22 =	sshrl.u32 s22, $0x3;
	s15 =	sand.u32 $0xFF, s15;
	vm0 =	vlt.u32 v2, $0x1900;
	v1 =	vor.u32 $0x1900, v1  }
0x75: {  	s8 =	sand.u32 $0x1F80, s22;
	s15 =	sshll.u32 s15, $0x4;
	v1 =	vsel vm0, v2, v1  }
0x76: {  	s23 =	sadd.s32 $0x1, s23;
	s22 =	smul.u32 $0xCD, s21;
	[tilespmem:s20+$0xD800] =	vst v1;
	s20 =	sor.u32 s15, s8  }
0x77: {  	v1 =	vld [tilespmem:s20+$0xD800]  }
0x78: {  	s8 =	sshrl.u32 s22, $0xA  }
0x79: {  	s8 =	sand.u32 $0x3F, s8  }
0x7a: {  	s8 =	smul.u32 $0x5, s8;
	_ =	sdelay $0x1  }
0x7b: {  	s8 =	ssub.s32 s21, s8;
	v2 =	vsub.s32 v1, v0;
	v1 =	vand.u32 $0x7F, v1  }
0x7c: {  	s15 =	sshrl.u32 s22, $0x3;
	s8 =	sand.u32 $0xFF, s8;
	vm0 =	vlt.u32 v2, $0x1900;
	v1 =	vor.u32 $0x1900, v1  }
0x7d: {  	s15 =	sand.u32 $0x1F80, s15;
	s8 =	sshll.u32 s8, $0x4;
	v1 =	vsel vm0, v2, v1  }
0x7e: {  	s8 =	sor.u32 s8, s15;
	[tilespmem:s20+$0xD800] =	vst v1  }
0x7f: {  	v1 =	vld [tilespmem:s8+$0xD800]  }
0x80: {  	s23 =	smul.u32 $0xFFFFFFEC, s19;
	_ =	sdelay $0x1  }
0x81: {  	s20 =	sadd.s32 s3, s23  }
0x82: {  	p1 =	slt.s32 s20, $0x2  }
.Ltmp8:
0x83: {  	v2 =	vsub.s32 v1, v0;
	v1 =	vand.u32 $0x7F, v1;
	(pc) =	sbr.rel @p1 .LBB2_8-.Ltmp8, $4  }
0x84: {  	vm15 =	vlt.u32 v2, $0x1900;
	v1 =	vor.u32 $0x1900, v1  }
0x85: {  	p0 =	slt.s32 s20, $0x14;
	s19 =	smov.u32 s20;
	v1 =	vsel vm15, v2, v1  }
0x86: {  	s19 =	simm.s32 @!p0 $0x14;
	[tilespmem:s8+$0xD800] =	vst v1  }
0x87: {  	[tilespmem:s28], [sflag:$0x1] =	stream.indirect.gather [hbm4b:s6+s26], $0x80, s24, s26, $0xb8;
	[tilespmem:$0x18480] =	vst v63  }
.Ltmp9:
0x88: {  	(pc) =	sbr.rel .LBB2_9-.Ltmp9, $4  }
0x89: {  	[tilespmem:s30], [sflag:$0x2] =	stream.indirect.gather [hbm4b:s6+s26], $0x80, s29, s26, $0xb8;
	[tilespmem:$0x18480] =	vst v63  }
0x8a: {  	p0 =	seq.s32 s20, $0x2  }
0x8b: {  	s8 =	simm.s32 @!p0 $0x50;
	s15 =	simm.s32 @!p0 $0xCD00;
	s21 =	simm.s32 @!p0 $0x13400  }
0x8c: {  	[tilespmem:s21], [sflag:$0x3] =	stream.indirect.gather @!p0 [hbm4b:s6+s8], $0x80, s15, s8, $0xb8;
	[tilespmem:$0x18480] =	vst v63  }
.LBB2_8:
0x8d: {  	p0 =	sne.s32 s20, $0x1  }
.Ltmp10:
0x8e: {  	_ = 	snop;
	(pc) =	sbr.rel @p0 .LBB2_12-.Ltmp10, $1  }
0x8f: {  	_ =	sdelay $0x3  }
.LBB2_9:
0x90: {  	_ =	swait.ge [sflag:s18], $0x2800  }
0x91: {  	[sflag:s18] =	ssyncset.done $0x0  }
0x92: {  	p0 =	slt.u32 s20, $0x4;
	[sflag:s18] =	ssyncadd.s32 $0xFFFFD800  }
0x93: {  	[spmem:s2] =	stream.indirect.scatter.add.f32 [tilespmem:s28], [sflag:$0x5], $0x80, s25, s26, $0xb8;
	[tilespmem:$0x18480] =	vst v63  }
0x94: {  	s8 =	simm.s32 @!p0 $0x50;
	s15 =	simm.s32 @!p0 $0xCD80;
	s20 =	simm.s32 @!p0 $0x15C00  }
0x95: {  	[tilespmem:s20], [sflag:$0x4] =	stream.indirect.gather @!p0 [hbm4b:s6+s8], $0x80, s15, s8, $0xb8;
	[tilespmem:$0x18480] =	vst v63  }
0x96: {  	p0 =	slt.s32 s13, $0x2  }
.Ltmp11:
0x97: {  	_ = 	snop;
	(pc) =	sbr.rel @p0 .LBB2_12-.Ltmp11, $1  }
0x98: {  	_ =	sdelay $0x3  }
0x99: {  	s20 =	simm.s32 $0x1  }
0x9a: {  	s21 =	simm.s32 $0xD880;
	s7 =	simm.s32 $0x4;
	s8 =	sand.u32 $0x3, s20  }
0x9b: {  	p0 =	sle.s32 s19, $0x4;
	s22 =	smul.u32 $0xA000, s8;
	s8 =	sadd.s32 $0x1, s8  }
0x9c: {  	s15 =	sand.u32 $0x1, s20;
	s7 =	sand.u32 @!p0 $0x3, s7;
	_ =	swait.ge [sflag:s8], $0x2800  }
0x9d: {  	s23 =	sxor.u32 $0x1, s15;
	s22 =	sshrl.u32 s22, $0x2;
	[sflag:s8] =	ssyncset.done $0x0  }
0x9e: {  	s15 =	sadd.s32 $0x5, s15;
	s22 =	sadd.s32 $0xE400, s22;
	[sflag:s8] =	ssyncadd.s32 $0xFFFFD800  }
0x9f: {  	[spmem:s2] =	stream.indirect.scatter.add.f32 [tilespmem:s22], [sflag:s15], $0x80, s21, s26, $0xb8;
	[tilespmem:$0x18480] =	vst v63  }
0xa0: {  	s23 =	sadd.s32 $0x5, s23;
	s15 =	smul.u32 @!p0 $0xA000, s7  }
0xa1: {  	s22 =	simm.s32 $0xCE00;
	_ =	swait.ge [sflag:s23], $0x2800  }
0xa2: {  	s7 =	sadd.s32 @!p0 $0x1, s7;
	[sflag:s23] =	ssyncset.done $0x0;
	s15 =	sshrl.u32 @!p0 s15, $0x2  }
0xa3: {  	[sflag:s23] =	ssyncadd.s32 $0xFFFFD800;
	s8 =	sadd.s32 @!p0 $0xE400, s15;
	s15 =	simm.s32 @!p0 $0x50  }
0xa4: {  	[tilespmem:s8], [sflag:s7] =	stream.indirect.gather @!p0 [hbm4b:s6+s15], $0x80, s22, s15, $0xb8;
	[tilespmem:$0x18480] =	vst v63  }
0xa5: {  	p0 =	sne.s32 s12, $0x1  }
.Ltmp12:
0xa6: {  	_ = 	snop;
	(pc) =	sbr.rel @!p0 .LBB2_12-.Ltmp12, $1  }
0xa7: {  	_ =	sdelay $0x3  }
.LBB2_11:
0xa8: {  	s22 =	sadd.s32 $0x80, s22  }
0xa9: {  	s21 =	sadd.s32 $0x80, s21;
	s7 =	smov.u32 s20;
	s20 =	sadd.s32 $0x1, s20  }
0xaa: {  	s8 =	sand.u32 $0x3, s20;
	s15 =	sand.u32 $0x1, s20;
	p0 =	sne.s32 s12, s20  }
0xab: {  	s23 =	smul.u32 $0xA000, s8;
	s8 =	sadd.s32 $0x1, s8;
	s17 =	sxor.u32 $0x1, s15  }
0xac: {  	s7 =	sadd.s32 $0x4, s7;
	s15 =	sadd.s32 $0x5, s15;
	_ =	swait.ge [sflag:s8], $0x2800  }
0xad: {  	p1 =	sge.s32 s7, s19;
	s23 =	sshrl.u32 s23, $0x2;
	[sflag:s8] =	ssyncset.done $0x0  }
0xae: {  	s7 =	sand.u32 @!p1 $0x3, s7;
	s23 =	sadd.s32 $0xE400, s23;
	[sflag:s8] =	ssyncadd.s32 $0xFFFFD800  }
0xaf: {  	[spmem:s2] =	stream.indirect.scatter.add.f32 [tilespmem:s23], [sflag:s15], $0x80, s21, s26, $0xb8;
	[tilespmem:$0x18480] =	vst v63  }
0xb0: {  	s15 =	smul.u32 @!p1 $0xA000, s7  }
.Ltmp13:
0xb1: {  	s8 =	sadd.s32 $0x5, s17;
	s7 =	sadd.s32 @!p1 $0x1, s7;
	(pc) =	sbr.rel @p0 .LBB2_11-.Ltmp13, $4  }
0xb2: {  	_ =	swait.ge [sflag:s8], $0x2800  }
0xb3: {  	s15 =	sshrl.u32 @!p1 s15, $0x2;
	[sflag:s8] =	ssyncset.done $0x0  }
0xb4: {  	[sflag:s8] =	ssyncadd.s32 $0xFFFFD800;
	s8 =	sadd.s32 @!p1 $0xE400, s15;
	s15 =	simm.s32 @!p1 $0x50  }
0xb5: {  	[tilespmem:s8], [sflag:s7] =	stream.indirect.gather @!p1 [hbm4b:s6+s15], $0x80, s22, s15, $0xb8;
	[tilespmem:$0x18480] =	vst v63  }
.Ltmp14:
0xb6: {  	_ = 	snop;
	(pc) =	sbr.rel .LBB2_12-.Ltmp14, $1  }
0xb7: {  	_ =	sdelay $0x3  }
.LBB2_15:
0xb8: {  	_ =	sfence.sel $0x180000  }
0xb9: {  	[bflag:$0x0] =	sbarrier.arrive $0xFFFF  }
0xba: {  	_ =	strace $0x90000050  }
0xbb: {  	[bflag:$0x2] =	sbarrier.arrive $0xFFFF  }
0xbc: {  	p0 =	sne.s32 s4, $0x0;
	s0 =	rddreg [dreg:$0x3]  }
0xbd: {  	s0 =	sadd.s32 @!p0 $0x100000, s0  }
0xbe: {  	[sflag:s0] =	ssyncadd.tile.s32 @!p0 $0x1;
	_ =	shalt  }
.Lfunc_end2:
_tile_overlayer_lowered:
.L_overlay_start_2:
0xbf: {  	(tag) =	ssettag $0x2  }
0xc0: {  	s0 =	rddreg [dreg:$0x0];
	s2 =	stileid.u32  }
0xc1: {  	s1 =	rddreg [dreg:$0x1];
	p0 =	sne.s32 s2, $0x0  }
0xc2: {  	s3 =	rddreg [dreg:$0x2];
	[bflag:$0x3] =	sbarrier.arrive $0xFFFF;
	s2 =	simm.s32 @!p0 $0x1C07  }
0xc3: {  	[timem:s3], [sflag:s2] =	dma.local @!p0 [hbm:s0], s1  }
0xc4: {  	s0 =	simm.s32 @!p0 $0x7  }
0xc5: {  	_ =	swait.ge @!p0 [sflag:s0], s1  }
0xc6: {  	s1 =	ssub.s32 @!p0 $0x0, s1;
	[sflag:s0] =	ssyncset.done @!p0 $0x0  }
0xc7: {  	[sflag:s0] =	ssyncadd.s32 @!p0 s1  }
0xc8: {  	[bflag:$0x3] =	sbarrier.arrive $0xFFFF  }
0xc9: {  	_ =	shalt  }

// kernel: kernel.9.cloned.1.call-start
scs
__scs_entry_jumppad:
0x0: {  	(pc) =	sbr.rel $0x88, $3  }
0x1: {  	(tag) =	ssettag $0x0;
	lr =	simm.s32 $0x1  }
0x2: {  	[smem:$0x3F91] =	sst lr;
	_ =	strace $0xD0000000  }
0x3: {  	_ = 	snop  }
0x4: {  	_ = 	snop  }
0x5: {  	_ = 	snop  }
0x6: {  	_ = 	snop  }
0x7: {  	_ = 	snop  }
__scs_overlays_trampoline_lowered:
0x8: {  	[smem:$0x3FA0] =	sst s0  }
0x9: {  	[smem:$0x3FA1] =	sst s1  }
0xa: {  	[smem:$0x3FA2] =	sst s2  }
0xb: {  	[smem:$0x3FA3] =	sst s3  }
0xc: {  	[smem:$0x3FA4] =	sst s4  }
0xd: {  	[smem:$0x3FA5] =	sst s5  }
0xe: {  	[smem:$0x3FA6] =	sst s6  }
0xf: {  	[smem:$0x3FA7] =	sst s7  }
0x10: {  	[smem:$0x3FA8] =	sst s8  }
0x11: {  	[smem:$0x3FA9] =	sst s9;
	s0 =	simm.s32 @!p0 $0x0  }
0x12: {  	s1 =	sld [smem:$0x3F8F];
	s0 =	simm.s32 @p0 $0x1  }
0x13: {  	[smem:$0x3FAA] =	sst s0;
	s0 =	simm.s32 @!p1 $0x0  }
0x14: {  	s2 =	sld [smem:$0x3F8E];
	s0 =	simm.s32 @p1 $0x1  }
0x15: {  	[smem:$0x3FAB] =	sst s0;
	s0 =	simm.s32 @!p2 $0x0  }
0x16: {  	s3 =	sld [smem:$0x3FDB];
	s0 =	simm.s32 @p2 $0x1  }
0x17: {  	s4 =	simm.s32 $0x1BF5;
	[smem:$0x3FAD] =	sst s0  }
0x18: {  	s0 =	sld [smem:$0x3F90];
	_ =	swait.ge [sflag:s4], $0x0  }
0x19: {  	s7 =	sld [smem:$0x3F91]  }
0x1a: {  	s8 =	sadd.s32 $0xFFFFE003, lr  }
0x1b: {  	s9 =	sadd.s32 $0xFFFFFEF7, lr;
	s5 =	simm.s32 $0xFFFFFFFF;
	p2 =	slt.u32 s8, $0xFFFFF086  }
0x1c: {  	p1 =	slt.u32 s9, $0xF7A;
	s5 =	simm.s32 @!p2 $0x0  }
0x1d: {  	s5 =	simm.s32 @p1 $0x1;
	p0 =	seq.s32 s7, s2  }
0x1e: {  	s7 =	smul.u32 @!p0 $0xF7A, s2;
	p2 =	seq.s32 @!p0 s5, $0x0  }
0x1f: {  	s9 =	smul.u32 $0xF7A, s1;
	s8 =	simm.s32 @!p0 $0x1BF5;
	p2 =	por !p2, p0  }
0x20: {  	[sflag:s8] =	ssyncset.s32 @!p0 $0xFFFFF086;
	s6 =	sadd.s32 @!p0 s3, s7;
	s7 =	simm.s32 @!p0 $0x108  }
0x21: {  	s3 =	sadd.s32 s3, s9;
	s6 =	sadd.s32 @!p0 $0x88, s6;
	s7 =	simm.s32 @p2 $0x1082  }
0x22: {  	[simem:s7], [sflag:s8] =	dma.local @!p0 [hbm:s6], $0xF7A  }
0x23: {  	s9 =	sor.u32 $0xD0000000, s2;
	s6 =	simm.s32 $0x108;
	_ =	swait.ge @!p0 [sflag:s8], $0x0  }
0x24: {  	s3 =	sadd.s32 $0x88, s3;
	s6 =	simm.s32 @!p1 $0x1082;
	[sflag:s4] =	ssyncset.s32 $0xFFFFF086  }
0x25: {  	[simem:s6], [sflag:s4] =	dma.local [hbm:s3], $0xF7A  }
0x26: {  	[smem:$0x3F91] =	sst s1;
	(tag) =	ssettag s2;
	_ =	strace s9  }
0x27: {  	s1 =	sld [smem:$0x3FA1]  }
0x28: {  	s2 =	sld [smem:$0x3FA2]  }
0x29: {  	s4 =	sld [smem:$0x3FA4]  }
0x2a: {  	p0 =	seq.s32 s5, $0x0;
	s5 =	sld [smem:$0x3FA5]  }
0x2b: {  	s6 =	sld [smem:$0x3FA6]  }
0x2c: {  	s7 =	sld [smem:$0x3FA7]  }
0x2d: {  	s3 =	simm.s32 $0x108;
	s8 =	sld [smem:$0x3FA8]  }
0x2e: {  	s3 =	simm.s32 @!p0 $0x1082;
	s9 =	sld [smem:$0x3FA9]  }
0x2f: {  	lr =	sadd.s32 s0, s3;
	s0 =	sld [smem:$0x3FA0]  }
0x30: {  	s3 =	sld [smem:$0x3FA3]  }
0x31: {  	[smem:$0x3FAC] =	sst s10  }
0x32: {  	s10 =	sld [smem:$0x3FAA];
	_ =	sdelay $0x3  }
0x33: {  	p0 =	seq.s32 s10, $0x1;
	s10 =	sld [smem:$0x3FAC];
	_ =	sdelay $0x3  }
0x34: {  	[smem:$0x3FAC] =	sst s10  }
0x35: {  	s10 =	sld [smem:$0x3FAB];
	_ =	sdelay $0x3  }
0x36: {  	p1 =	seq.s32 s10, $0x1;
	s10 =	sld [smem:$0x3FAC];
	_ =	sdelay $0x3  }
0x37: {  	[smem:$0x3FAC] =	sst s10  }
0x38: {  	s10 =	sld [smem:$0x3FAD]  }
0x39: {  	_ = 	snop;
	(pc) =	sbr.ind lr, $3  }
0x3a: {  	_ = 	snop  }
0x3b: {  	_ = 	snop  }
0x3c: {  	p2 =	seq.s32 s10, $0x1;
	s10 =	sld [smem:$0x3FAC]  }
0x3d: {  	_ =	shalt  }
0x3e: {  	_ =	shalt  }
0x3f: {  	_ =	shalt  }
0x40: {  	_ =	shalt  }
0x41: {  	_ =	shalt  }
0x42: {  	_ =	shalt  }
0x43: {  	_ =	shalt  }
0x44: {  	_ =	shalt  }
0x45: {  	_ =	shalt  }
0x46: {  	_ =	shalt  }
0x47: {  	_ =	shalt  }
0x48: {  	_ =	shalt  }
0x49: {  	_ =	shalt  }
0x4a: {  	_ =	shalt  }
0x4b: {  	_ =	shalt  }
0x4c: {  	_ =	shalt  }
0x4d: {  	_ =	shalt  }
0x4e: {  	_ =	shalt  }
0x4f: {  	_ =	shalt  }
0x50: {  	_ =	shalt  }
0x51: {  	_ =	shalt  }
0x52: {  	_ =	shalt  }
0x53: {  	_ =	shalt  }
0x54: {  	_ =	shalt  }
0x55: {  	_ =	shalt  }
0x56: {  	_ =	shalt  }
0x57: {  	_ =	shalt  }
0x58: {  	_ =	shalt  }
0x59: {  	_ =	shalt  }
0x5a: {  	_ =	shalt  }
0x5b: {  	_ =	shalt  }
0x5c: {  	_ =	shalt  }
0x5d: {  	_ =	shalt  }
0x5e: {  	_ =	shalt  }
0x5f: {  	_ =	shalt  }
0x60: {  	_ =	shalt  }
0x61: {  	_ =	shalt  }
0x62: {  	_ =	shalt  }
0x63: {  	_ =	shalt  }
0x64: {  	_ =	shalt  }
0x65: {  	_ =	shalt  }
0x66: {  	_ =	shalt  }
0x67: {  	_ =	shalt  }
0x68: {  	_ =	shalt  }
0x69: {  	_ =	shalt  }
0x6a: {  	_ =	shalt  }
0x6b: {  	_ =	shalt  }
0x6c: {  	_ =	shalt  }
0x6d: {  	_ =	shalt  }
0x6e: {  	_ =	shalt  }
0x6f: {  	_ =	shalt  }
0x70: {  	_ =	shalt  }
0x71: {  	_ =	shalt  }
0x72: {  	_ =	shalt  }
0x73: {  	_ =	shalt  }
0x74: {  	_ =	shalt  }
0x75: {  	_ =	shalt  }
0x76: {  	_ =	shalt  }
0x77: {  	_ =	shalt  }
0x78: {  	_ =	shalt  }
0x79: {  	_ =	shalt  }
0x7a: {  	_ =	shalt  }
0x7b: {  	_ =	shalt  }
0x7c: {  	_ =	shalt  }
0x7d: {  	_ =	shalt  }
0x7e: {  	_ =	shalt  }
0x7f: {  	_ =	shalt  }
0x80: {  	_ =	shalt  }
0x81: {  	_ =	shalt  }
0x82: {  	_ =	shalt  }
0x83: {  	_ =	shalt  }
0x84: {  	_ =	shalt  }
0x85: {  	_ =	shalt  }
0x86: {  	_ =	shalt  }
0x87: {  	_ =	shalt  }
.Lfunc_end0:
.L_simem_size_0:
called_computation_lowered:
.L_overlay_start_0:
0x88: {  	s2 =	sld [smem:$0x3FD9]  }
0x89: {  	s3 =	sld [smem:$0x3FFE];
	_ =	sdelay $0x1  }
0x8a: {  	s1 =	srdreg.scid  }
0x8b: {  	s0 =	sand.u32 $0x1, s1  }
0x8c: {  	s17 =	sshll.u32 s0, $0xA;
	s2 =	sadd.s32 s3, s2  }
0x8d: {  	s2 =	sadd.s32 s2, s17  }
0x8e: {  	[smem:$0x3FB8] =	sst s2  }
0x8f: {  	_ = 	snop  }
0x90: {  	(tm) =	ssettm $0x1  }
0x91: {  	s18 =	sld [smem:$0x3FFB];
	_ =	sdelay $0x3  }
0x92: {  	_ =	strace s18  }
0x93: {  	s2 =	sld [smem:$0x3FFC];
	_ =	sdelay $0x3  }
0x94: {  	_ =	strace s2  }
0x95: {  	s2 =	sld [smem:$0x3FFD];
	_ =	sdelay $0x3  }
0x96: {  	_ =	strace s2  }
0x97: {  	_ =	strace $0x8FFFFFFF  }
0x98: {  	s19 =	sld [smem:$0x3FDB];
	_ =	sdelay $0x1  }
0x99: {  	s20 =	simm.s32 $_scs_section_size  }
0x9a: {  	s4 =	simm.s32 $_size__tile_overlayer_lowered;
	s5 =	simm.s32 $_tile_overlayer_lowered  }
0x9b: {  	s6 =	simm.s32 $0x1BFF;
	s21 =	sshll.u32 s5, $0x1;
	s3 =	sadd.s32 s20, s19  }
0x9c: {  	s22 =	simm.s32 $0x0;
	s4 =	sshll.u32 s4, $0x1;
	s5 =	sadd.s32 s21, s3  }
0x9d: {  	[timem:s22], [sflag:s6] =	dma.local [hbm:s5], s4  }
0x9e: {  	_ =	swait.ge [sflag:s6], s4  }
0x9f: {  	s4 =	ssub.s32 $0x0, s4;
	[sflag:s6] =	ssyncset.done $0x0  }
0xa0: {  	[sflag:s6] =	ssyncadd.s32 s4;
	_ =	sdelay $0x1  }
0xa1: {  	s23 =	simm.s32 $0x1B8B  }
0xa2: {  	_ =	swait.ge [sflag:s23], $0x1  }
0xa3: {  	[sflag:s23] =	ssyncset.done $0x0  }
0xa4: {  	[sflag:s23] =	ssyncadd.s32 $0xFFFFFFFF  }
0xa5: {  	s4 =	sld [smem:$0x0]  }
0xa6: {  	s5 =	sand.u32 $0xFFFFFFFE, s1  }
0xa7: {  	p0 =	sne.s32 s1, s5  }
0xa8: {  	s5 =	sshll.u32 @p0 s5, $0xE  }
0xa9: {  	s5 =	sadd.s32 @p0 $0x11B8D, s5;
	s6 =	sshll.u32 @p0 s4, $0x11  }
0xaa: {  	s5 =	sor.u32 @p0 s6, s5  }
0xab: {  	[sflag:s5] =	ssyncadd.remote.s32 @p0 $0x1;
	_ =	sdelay $0x1  }
0xac: {  	s5 =	simm.s32 @p0 $0x1B8D  }
0xad: {  	_ =	swait.eq @p0 [sflag:s5], $0x1  }
0xae: {  	[sflag:s5] =	ssyncadd.s32 @p0 $0xFFFFFFFF  }
0xaf: {  	s6 =	sshll.u32 @!p0 s1, $0xE  }
0xb0: {  	s6 =	sor.u32 @!p0 $0x4000, s6;
	s5 =	simm.s32 @!p0 $0x1B8D  }
0xb1: {  	s4 =	sshll.u32 @!p0 s4, $0x11;
	s6 =	sadd.s32 @!p0 $0x11B8D, s6;
	_ =	swait.eq @!p0 [sflag:s5], $0x1  }
0xb2: {  	s4 =	sor.u32 @!p0 s4, s6;
	[sflag:s5] =	ssyncadd.s32 @!p0 $0xFFFFFFFF  }
0xb3: {  	s25 =	simm.s32 $0x1B8E;
	s24 =	sld [smem:$0x3FFE];
	[sflag:s4] =	ssyncadd.remote.s32 @!p0 $0x1  }
0xb4: {  	s26 =	simm.s32 $execute0_lowered;
	[smem:$0x3FD2] =	sst s25  }
0xb5: {  	s5 =	sshll.u32 s26, $0x1;
	_ =	strace $0x80000049;
	[dreg:$0x1] =	wrdreg $0xFFFFFFFF  }
0xb6: {  	s28 =	simm.s32 $_size_execute0_lowered;
	s3 =	sadd.s32 s3, s5;
	[dreg:$0x0] =	wrdreg $0x0  }
0xb7: {  	s5 =	sshll.u32 s28, $0x1;
	[dreg:$0x2] =	wrdreg s3  }
0xb8: {  	[dreg:$0x3] =	wrdreg s5  }
0xb9: {  	[dreg:$0x4] =	wrdreg $0xC0  }
0xba: {  	_ =	task [dreg:s22], $0x5FFFF  }
0xbb: {  	[dreg:$0x1] =	wrdreg $0xFFFFFFFF  }
0xbc: {  	[dreg:$0x0] =	wrdreg $0x60  }
0xbd: {  	[dreg:$0x2] =	wrdreg s24  }
0xbe: {  	[dreg:$0x3] =	wrdreg $0x0  }
0xbf: {  	[dreg:$0x4] =	wrdreg $0x9  }
0xc0: {  	_ =	task.clear_ibuf [dreg:s22], $0x5FFFF;
	_ =	strace $0x90000049  }
0xc1: {  	s29 =	simm.s32 $0x9;
	_ =	strace $0x8000004B  }
0xc2: {  	_ =	swait.ge [sflag:s29], $0x1  }
0xc3: {  	[sflag:s29] =	ssyncadd.s32 $0xFFFFFFFF  }
0xc4: {  	_ =	strace $0x9000004B  }
0xc5: {  	_ =	sfence  }
0xc6: {  	s30 =	sld [smem:$0x0];
	_ =	sdelay $0x2  }
0xc7: {  	s31 =	sshll.u32 s1, $0xD;
	s1 =	sshrl.u32 s1, $0x2  }
0xc8: {  	s4 =	sand.u32 $0x4000, s31;
	s1 =	sadd.s32 s1, s30  }
0xc9: {  	s0 =	sor.u32 s4, s0;
	s1 =	sshll.u32 s1, $0x11  }
0xca: {  	s0 =	sor.u32 s1, s0  }
0xcb: {  	s0 =	sadd.s32 $0x8F2B, s0  }
0xcc: {  	[sflag:s0] =	ssyncadd.remote.s32 $0x1  }
0xcd: {  	_ =	sfence.sel $0xFFFF  }
0xce: {  	[dreg:$0x0] =	wrdreg $0xFFFFFFFF;
	(pc) =	sbr.abs _section_cstart, $3  }
0xcf: {  	[dreg:$0x1] =	wrdreg $0xFFFFFFFF  }
0xd0: {  	_ =	task.clear_ibuf [dreg:s22], $0x2FFFF;
	_ =	strace $0x9FFFFFFF  }
0xd1: {  	(tm) =	ssettm $0x7FFFFFFF  }
tec
execute0_lowered:
.L_overlay_start_1:
0x0: {  	(tag) =	ssettag $0x1  }
0x1: {  	s4 =	rddreg [dreg:$0x0]  }
0x2: {  	s1 =	rddreg [dreg:$0x1]  }
0x3: {  	s0 =	rddreg [dreg:$0x2]  }
0x4: {  	s2 =	simm.s32 $0x0;
	s5 =	srdreg.scid;
	s3 =	stileid.u32  }
0x5: {  	s19 =	simm.s32 $0x1;
	s20 =	simm.s32 $0x10;
	s22 =	smul.u32 $0x3200, s3  }
0x6: {  	[smem:$0x7FF] =	sst s2;
	s21 =	sand.u32 $0x1, s5;
	s12 =	smul.u32 $0x3400, s3  }
0x7: {  	s11 =	sadd.s32 $0x99400, s4;
	s8 =	sshrl.u32 s3, $0x3;
	s7 =	smul.u32 $0x3, s21  }
0x8: {  	s13 =	sadd.s32 $0x20000, s4;
	s10 =	sshll.u32 s3, $0x7;
	s8 =	smul.u32 $0x6400, s8  }
0x9: {  	_ =	strace $0x8000004A;
	s6 =	ssub.s32 $0x2, s21;
	s24 =	smul.u32 $0x25800, s21  }
0xa: {  	s23 =	sand.u32 $0x380, s10;
	s25 =	smul.u32 $0x9C000, s21;
	s9 =	sshrl.u32 s6, $0x1  }
0xb: {  	s5 =	sshrl.u32 s22, $0x2;
	s9 =	ssub.s32 s6, s9;
	s14 =	sor.u32 s23, s8  }
0xc: {  	s16 =	sadd.s32 $0x1, s7;
	s4 =	sadd.s32 s5, s1;
	s18 =	sadd.s32 s12, s25  }
0xd: {  	s15 =	sadd.s32 s14, s24;
	s17 =	smul.u32 $0x34000, s16;
	s5 =	sadd.s32 $0xC800, s4  }
0xe: {  	s6 =	sadd.s32 $0x19000, s4;
	s8 =	smax.u32 s9, $0x1;
	s10 =	sshrl.u32 s18, $0x3  }
0xf: {  	s16 =	smul.u32 $0xC800, s16;
	s29 =	sadd.s32 $0x68000, s18;
	s18 =	simm.s32 $0x5980  }
0x10: {  	s26 =	sshrl.u32 s15, $0x3;
	s9 =	sadd.s32 s11, s10;
	s15 =	sadd.s32 $0x19000, s15  }
0x11: {  	s7 =	sadd.s32 s13, s26;
	s28 =	sadd.s32 s12, s17;
	s14 =	sadd.s32 s14, s16  }
0x12: {  	s31 =	sshrl.u32 s15, $0x3;
	s15 =	simm.s32 $0x2;
	s16 =	simm.s32 $0x2580  }
0x13: {  	s17 =	simm.s32 $0x80;
	s12 =	sshrl.u32 s28, $0x3;
	s30 =	sshrl.u32 s14, $0x3  }
0x14: {  	s14 =	simm.s32 $0x5A00;
	s10 =	sadd.s32 s11, s12;
	s12 =	sshrl.u32 s29, $0x3  }
0x15: {  	v0 =	vimm.f32 $0.0e+00;
	v1 =	vimm.f32 $1.000000000e+00;
	s11 =	sadd.s32 s11, s12;
	s12 =	sadd.s32 s13, s30;
	s13 =	sadd.s32 s13, s31  }
.LBB2_1:
0x16: {  	s21 =	simm.s32 $0x40;
	s22 =	simm.s32 $0x0  }
.LBB2_2:
0x17: {  	p0 =	sne.s32 s21, $0x31C0;
	[tilespmem:s22+$0x5A00] =	vst v0;
	s22 =	smov.u32 s21;
	s21 =	sadd.s32 $0x40, s21  }
.Ltmp0:
0x18: {  	(pc) =	sbr.rel @p0 .LBB2_2-.Ltmp0, $2  }
0x19: {  	_ =	sdelay $0x2  }
0x1a: {  	s22 =	sshra.s32 s22, $0x2  }
0x1b: {  	[tilespmem:s22+$0x5A00] =	vst v0  }
0x1c: {  	[tilespmem:$0x5980] =	vst v1  }
0x1d: {  	[tilespmem:$0x5990] =	vst v1  }
0x1e: {  	[tilespmem:$0x59A0] =	vst v1  }
0x1f: {  	[tilespmem:$0x59B0] =	vst v1  }
0x20: {  	[tilespmem:$0x59C0] =	vst v1  }
0x21: {  	[tilespmem:$0x59D0] =	vst v1  }
0x22: {  	[tilespmem:$0x59E0] =	vst v1  }
0x23: {  	[tilespmem:$0x59F0] =	vst v1  }
0x24: {  	[spmem:s4] =	stream.linear.scatter [tilespmem:s14], [sflag:$0x2], $0xC80, $0x38;
	[tilespmem:$0x6680] =	vst v63  }
0x25: {  	_ =	swait.ge [sflag:s15], $0xC80  }
0x26: {  	[sflag:s15] =	ssyncset.done $0x0  }
0x27: {  	[sflag:s15] =	ssyncadd.s32 $0xFFFFF380  }
0x28: {  	[spmem:s5] =	stream.linear.scatter [tilespmem:s14], [sflag:$0x2], $0xC80, $0x38;
	[tilespmem:$0x6680] =	vst v63  }
0x29: {  	_ =	swait.ge [sflag:s15], $0xC80  }
0x2a: {  	[sflag:s15] =	ssyncset.done $0x0  }
0x2b: {  	[sflag:s15] =	ssyncadd.s32 $0xFFFFF380  }
0x2c: {  	[spmem:s6] =	stream.linear.scatter [tilespmem:s14], [sflag:$0x2], $0xC80, $0x38;
	[tilespmem:$0x6680] =	vst v63  }
0x2d: {  	_ =	swait.ge [sflag:s15], $0xC80  }
0x2e: {  	[sflag:s15] =	ssyncset.done $0x0  }
0x2f: {  	[sflag:s15] =	ssyncadd.s32 $0xFFFFF380  }
0x30: {  	s21 =	simm.s32 $0x0;
	[bflag:$0x0] =	sbarrier.arrive $0xFFFF  }
0x31: {  	[tilespmem:s16], [sflag:$0x2] =	stream.linear.gather [hbm4b:s9+s21], $0x3200, $0x38;
	[tilespmem:$0x6680] =	vst v63  }
0x32: {  	_ =	swait.ge [sflag:s15], $0x3200  }
0x33: {  	[sflag:s15] =	ssyncset.done $0x0  }
0x34: {  	[sflag:s15] =	ssyncadd.s32 $0xFFFFCE00  }
.LBB2_4:
0x35: {  	p0 =	sne.s32 s21, $0xC600  }
.Ltmp1:
0x36: {  	_ = 	snop;
	(pc) =	sbr.rel @p0 .LBB2_4-.Ltmp1, $4  }
0x37: {  	_ = 	snop  }
0x38: {  	s22 =	sshra.s32 s21, $0x2  }
0x39: {  	s21 =	sadd.s32 $0x200, s21;
	s22 =	sadd.s32 $0x2580, s22  }
0x3a: {  	[spmem:s1] =	stream.indirect.scatter.add.f32 [tilespmem:s18], [sflag:$0x1], $0x1, s22, s17, $0xb8;
	[tilespmem:$0x6680] =	vst v63  }
0x3b: {  	_ =	swait.ge [sflag:s19], $0x80  }
0x3c: {  	s21 =	simm.s32 $0x63;
	[sflag:s19] =	ssyncset.done $0x0  }
.LBB2_6:
0x3d: {  	p0 =	sne.s32 s21, $0x1;
	s21 =	sadd.s32 $0xFFFFFFFF, s21;
	[sflag:s19] =	ssyncadd.s32 $0xFFFFFF80  }
.Ltmp2:
0x3e: {  	(pc) =	sbr.rel @p0 .LBB2_6-.Ltmp2, $3  }
0x3f: {  	_ =	sdelay $0x1  }
0x40: {  	_ =	swait.ge [sflag:s19], $0x80  }
0x41: {  	[sflag:s19] =	ssyncset.done $0x0  }
0x42: {  	[sflag:s19] =	ssyncadd.s32 $0xFFFFFF80;
	s21 =	simm.s32 $0x0  }
0x43: {  	[tilespmem:s16], [sflag:$0x2] =	stream.linear.gather [hbm4b:s10+s21], $0x3200, $0x38;
	[tilespmem:$0x6680] =	vst v63  }
0x44: {  	_ =	swait.ge [sflag:s15], $0x3200  }
0x45: {  	[sflag:s15] =	ssyncset.done $0x0  }
0x46: {  	[sflag:s15] =	ssyncadd.s32 $0xFFFFCE00  }
.LBB2_8:
0x47: {  	p0 =	sne.s32 s21, $0xC600  }
.Ltmp3:
0x48: {  	_ = 	snop;
	(pc) =	sbr.rel @p0 .LBB2_8-.Ltmp3, $4  }
0x49: {  	_ = 	snop  }
0x4a: {  	s22 =	sshra.s32 s21, $0x2  }
0x4b: {  	s21 =	sadd.s32 $0x200, s21;
	s22 =	sadd.s32 $0x2580, s22  }
0x4c: {  	[spmem:s1] =	stream.indirect.scatter.add.f32 [tilespmem:s18], [sflag:$0x1], $0x1, s22, s17, $0xb8;
	[tilespmem:$0x6680] =	vst v63  }
0x4d: {  	_ =	swait.ge [sflag:s19], $0x80  }
0x4e: {  	s21 =	simm.s32 $0x63;
	[sflag:s19] =	ssyncset.done $0x0  }
.LBB2_10:
0x4f: {  	p0 =	sne.s32 s21, $0x1;
	s21 =	sadd.s32 $0xFFFFFFFF, s21;
	[sflag:s19] =	ssyncadd.s32 $0xFFFFFF80  }
.Ltmp4:
0x50: {  	(pc) =	sbr.rel @p0 .LBB2_10-.Ltmp4, $3  }
0x51: {  	_ =	sdelay $0x1  }
0x52: {  	_ =	swait.ge [sflag:s19], $0x80  }
0x53: {  	[sflag:s19] =	ssyncset.done $0x0  }
0x54: {  	[sflag:s19] =	ssyncadd.s32 $0xFFFFFF80;
	s21 =	simm.s32 $0x0  }
0x55: {  	[tilespmem:s16], [sflag:$0x2] =	stream.linear.gather [hbm4b:s11+s21], $0x3200, $0x38;
	[tilespmem:$0x6680] =	vst v63  }
0x56: {  	_ =	swait.ge [sflag:s15], $0x3200  }
0x57: {  	[sflag:s15] =	ssyncset.done $0x0  }
0x58: {  	[sflag:s15] =	ssyncadd.s32 $0xFFFFCE00  }
.LBB2_12:
0x59: {  	p0 =	sne.s32 s21, $0xC600  }
.Ltmp5:
0x5a: {  	_ = 	snop;
	(pc) =	sbr.rel @p0 .LBB2_12-.Ltmp5, $4  }
0x5b: {  	_ = 	snop  }
0x5c: {  	s22 =	sshra.s32 s21, $0x2  }
0x5d: {  	s21 =	sadd.s32 $0x200, s21;
	s22 =	sadd.s32 $0x2580, s22  }
0x5e: {  	[spmem:s1] =	stream.indirect.scatter.add.f32 [tilespmem:s18], [sflag:$0x1], $0x1, s22, s17, $0xb8;
	[tilespmem:$0x6680] =	vst v63  }
0x5f: {  	_ =	swait.ge [sflag:s19], $0x80  }
0x60: {  	s21 =	simm.s32 $0x63;
	[sflag:s19] =	ssyncset.done $0x0  }
.LBB2_14:
0x61: {  	p0 =	sne.s32 s21, $0x1;
	s21 =	sadd.s32 $0xFFFFFFFF, s21;
	[sflag:s19] =	ssyncadd.s32 $0xFFFFFF80  }
.Ltmp6:
0x62: {  	(pc) =	sbr.rel @p0 .LBB2_14-.Ltmp6, $3  }
0x63: {  	_ =	sdelay $0x1  }
0x64: {  	_ =	swait.ge [sflag:s19], $0x80  }
0x65: {  	[sflag:s19] =	ssyncset.done $0x0  }
0x66: {  	[sflag:s19] =	ssyncadd.s32 $0xFFFFFF80;
	s21 =	sshll.u32 s3, $0x6  }
0x67: {  	s22 =	sshrl.u32 s4, $0x3;
	[bflag:$0x0] =	sbarrier.arrive $0xFFFF;
	s21 =	sor.u32 $0x1C02, s21  }
0x68: {  	[hbm:s7@s17], [sflag:s21] =	dma.strided [spmem:s22@s20], $0x190, s19, $0x10   }
0x69: {  	_ =	swait.ge [sflag:s15], $0x190  }
0x6a: {  	[sflag:s15] =	ssyncset.done $0x0  }
0x6b: {  	s30 =	sshrl.u32 s5, $0x3;
	[sflag:s15] =	ssyncadd.s32 $0xFFFFFE70  }
0x6c: {  	[hbm:s12@s17], [sflag:s21] =	dma.strided [spmem:s30@s20], $0x190, s19, $0x10   }
0x6d: {  	s2 =	sadd.s32 $0x1, s2;
	_ =	swait.ge [sflag:s15], $0x190  }
0x6e: {  	p0 =	sne.s32 s2, s8;
	[sflag:s15] =	ssyncset.done $0x0  }
.Ltmp7:
0x6f: {  	s31 =	sshrl.u32 s6, $0x3;
	[sflag:s15] =	ssyncadd.s32 $0xFFFFFE70;
	(pc) =	sbr.rel @p0 .LBB2_1-.Ltmp7, $4  }
0x70: {  	[hbm:s13@s17], [sflag:s21] =	dma.strided [spmem:s31@s20], $0x190, s19, $0x10   }
0x71: {  	_ =	swait.ge [sflag:s15], $0x190  }
0x72: {  	[sflag:s15] =	ssyncset.done $0x0  }
0x73: {  	[sflag:s15] =	ssyncadd.s32 $0xFFFFFE70  }
0x74: {  	_ =	sfence.sel $0x180000  }
0x75: {  	[bflag:$0x0] =	sbarrier.arrive $0xFFFF  }
0x76: {  	p0 =	sne.s32 s3, $0x0;
	_ =	strace $0x9000004A  }
0x77: {  	s0 =	sadd.s32 @!p0 $0x100000, s0;
	[bflag:$0x2] =	sbarrier.arrive $0xFFFF  }
0x78: {  	[sflag:s0] =	ssyncadd.tile.s32 @!p0 $0x1;
	_ =	shalt  }
.Lfunc_end2:
_tile_overlayer_lowered:
.L_overlay_start_2:
0x79: {  	(tag) =	ssettag $0x2  }
0x7a: {  	s0 =	rddreg [dreg:$0x0];
	s2 =	stileid.u32  }
0x7b: {  	s1 =	rddreg [dreg:$0x1];
	p0 =	sne.s32 s2, $0x0  }
0x7c: {  	s3 =	rddreg [dreg:$0x2];
	[bflag:$0x3] =	sbarrier.arrive $0xFFFF;
	s2 =	simm.s32 @!p0 $0x1C02  }
0x7d: {  	[timem:s3], [sflag:s2] =	dma.local @!p0 [hbm:s0], s1  }
0x7e: {  	s0 =	simm.s32 @!p0 $0x2  }
0x7f: {  	_ =	swait.ge @!p0 [sflag:s0], s1  }
0x80: {  	s1 =	ssub.s32 @!p0 $0x0, s1;
	[sflag:s0] =	ssyncset.done @!p0 $0x0  }
0x81: {  	[sflag:s0] =	ssyncadd.s32 @!p0 s1  }
0x82: {  	[bflag:$0x3] =	sbarrier.arrive $0xFFFF  }
0x83: {  	_ =	shalt  }

</sc_bundles>
